<compile_context>
chip_gen: v7x
topology: tpu7x:2x2x1
jax: 0.10.2.dev20260603
libtpu: 0.0.44.dev20260713+nightly
codegen_flags: <defaults>
</compile_context>

<pallas_src>
import functools

import jax
import jax.numpy as jnp
from jax import lax
from jax.experimental import pallas as pl
from jax.experimental.pallas import tpu as pltpu
from jax.experimental.pallas import tpu_sc as plsc

V = 10000
D = 128
HD = D // 2
NDOC = 10000
ALPHA = 0.7
VP = 10240

NC = 2
NS = 16
B = 128
CB = 16


def _make_sc_spmm(nb):
    rows_per_tile = VP // NS
    mesh = plsc.VectorSubcoreMesh(core_axis_name="c", subcore_axis_name="s")

    @functools.partial(
        pl.kernel,
        out_type=jax.ShapeDtypeStruct((NC, VP, HD), jnp.float32),
        mesh=mesh,
        compiler_params=pltpu.CompilerParams(use_tc_tiling_on_sc=False),
        scratch_types=[
            pltpu.VMEM((CB, B), jnp.int32),
            pltpu.VMEM((CB, B), jnp.int32),
            pltpu.VMEM((CB, B), jnp.float32),
            pltpu.VMEM((B, HD), jnp.float32),
            pltpu.VMEM((B, HD), jnp.float32),
            pltpu.VMEM((B, HD), jnp.float32),
            pltpu.VMEM((B, HD), jnp.float32),
            pltpu.VMEM_SHARED((VP, HD), jnp.float32),
            pltpu.VMEM_SHARED((VP, HD), jnp.float32),
        ] + [pltpu.SemaphoreType.DMA] * 8,
    )
    def spmm(rows_hbm, cols_hbm, vals_hbm, table_hbm, zeros_hbm, out_hbm,
             cols_v, rows_v, vals_v, gbuf0, gbuf1, gbuf2, gbuf3, stab, acc,
             sem0, sem1, sem2, sem3, ssem0, ssem1, ssem2, ssem3):
        c = lax.axis_index("c")
        s = lax.axis_index("s")
        r0 = s * rows_per_tile
        pltpu.sync_copy(zeros_hbm.at[pl.ds(r0, rows_per_tile)],
                        acc.at[pl.ds(r0, rows_per_tile)])
        pltpu.sync_copy(table_hbm.at[pl.ds(c * VP + r0, rows_per_tile)],
                        stab.at[pl.ds(r0, rows_per_tile)])
        plsc.subcore_barrier()
        e0 = s * nb
        gbufs = (gbuf0, gbuf1, gbuf2, gbuf3)
        sems = (sem0, sem1, sem2, sem3)
        ssems = (ssem0, ssem1, ssem2, ssem3)
        nchunks = nb // CB

        def wait_gather(cur):
            pltpu.make_async_copy(stab.at[pl.ds(0, B)], gbufs[cur],
                                  sems[cur]).wait()

        def wait_scatter(cur):
            pltpu.make_async_copy(gbufs[cur], acc.at[rows_v.at[0]],
                                  ssems[cur]).wait()

        pltpu.sync_copy(cols_hbm.at[pl.ds(e0, CB)], cols_v)
        pltpu.sync_copy(rows_hbm.at[pl.ds(e0, CB)], rows_v)
        pltpu.sync_copy(vals_hbm.at[pl.ds(e0, CB)], vals_v)
        pltpu.async_copy(stab.at[cols_v.at[0]], gbufs[0], sems[0])

        def chunk_body(ci, carry):
            for b in range(CB):
                cur = b % 4
                wait_gather(cur)
                if b + 1 < CB:
                    nxt = (b + 1) % 4
                    if b >= 3:
                        wait_scatter(nxt)
                    pltpu.async_copy(stab.at[cols_v.at[b + 1]],
                                     gbufs[nxt], sems[nxt])

                def scale16(k, carry3, _b=b, _cur=cur):
                    gb = gbufs[_cur]
                    vv = vals_v[_b, pl.ds(k * 16, 16)]
                    for t in range(16):
                        i = k * 16 + t
                        v = vv[t]
                        for j in range(HD // 16):
                            sl = pl.ds(j * 16, 16)
                            gb[i, sl] = gb[i, sl] * v
                    return carry3

                pass
                pltpu.async_copy(gbufs[cur], acc.at[rows_v.at[b]],
                                 ssems[cur], add=True)

            wait_scatter(0)
            wait_scatter(1)
            wait_scatter(2)
            wait_scatter(3)

            @pl.when(ci + 1 < nchunks)
            def _():
                base = e0 + (ci + 1) * CB
                pltpu.sync_copy(cols_hbm.at[pl.ds(base, CB)], cols_v)
                pltpu.sync_copy(rows_hbm.at[pl.ds(base, CB)], rows_v)
                pltpu.sync_copy(vals_hbm.at[pl.ds(base, CB)], vals_v)
                pltpu.async_copy(stab.at[cols_v.at[0]], gbufs[0], sems[0])

            return carry

        lax.fori_loop(0, nchunks, chunk_body, 0)

        plsc.subcore_barrier()
        pltpu.sync_copy(acc.at[pl.ds(r0, rows_per_tile)],
                        out_hbm.at[c, pl.ds(r0, rows_per_tile)])

    return spmm


def _pad_edges(idx, vals, nb):
    tot = NS * nb * B
    e = vals.shape[0]
    rows = jnp.concatenate([idx[0], jnp.zeros((tot - e,), idx.dtype)])
    cols = jnp.concatenate([idx[1], jnp.zeros((tot - e,), idx.dtype)])
    v = jnp.concatenate([vals, jnp.zeros((tot - e,), vals.dtype)])
    return (rows.reshape(-1, B).astype(jnp.int32),
            cols.reshape(-1, B).astype(jnp.int32),
            v.reshape(-1, B))


BV = 1024


def _mm_relu_body(p_ref, w_ref, o_ref):
    h = jnp.concatenate([p_ref[0], p_ref[1]], axis=-1)
    h = jnp.maximum(
        jnp.dot(h, w_ref[...], preferred_element_type=jnp.float32), 0.0)
    o_ref[0] = h[:, :HD]
    o_ref[1] = h[:, HD:]


def _stage2_body(p_ref, w_ref, e_ref, g_ref, b_ref, o_ref):
    h = jnp.concatenate([p_ref[0], p_ref[1]], axis=-1)
    h = jnp.maximum(
        jnp.dot(h, w_ref[...], preferred_element_type=jnp.float32), 0.0)
    e = e_ref[...]
    h = (1.0 - ALPHA) * e + ALPHA * h
    mu = jnp.mean(h, axis=1, keepdims=True)
    dlt = h - mu
    var = jnp.mean(dlt * dlt, axis=1, keepdims=True)
    y = dlt * lax.rsqrt(var + 1e-5) * g_ref[...] + b_ref[...] + e
    o_ref[0] = y[:, :HD]
    o_ref[1] = y[:, HD:]


def _stage3_body(q_ref, mw_ref, mb_ref, cw_ref, cb_ref, o_ref):
    h = jnp.concatenate([q_ref[0], q_ref[1]], axis=-1)
    t = jnp.maximum(
        jnp.dot(h, mw_ref[...],
                preferred_element_type=jnp.float32) + mb_ref[...], 0.0)
    o_ref[...] = jnp.dot(t, cw_ref[...],
                         preferred_element_type=jnp.float32) + cb_ref[...]


def kernel(A_indices, A_values, X_indices, X_values, emb, W1, W2, ln_g, ln_b,
           mlp_W, mlp_b, cls_W, cls_b):
    nb_a = (-(-A_values.shape[0] // (NS * B)) + CB - 1) // CB * CB
    nb_x = (-(-X_values.shape[0] // (NS * B)) + CB - 1) // CB * CB
    a_rows, a_cols, a_vals = _pad_edges(A_indices, A_values, nb_a)
    x_rows, x_cols, x_vals = _pad_edges(X_indices, X_values, nb_x)
    zeros = jnp.zeros((VP, HD), jnp.float32)
    emb_p = jnp.concatenate([emb, jnp.zeros((VP - V, D), jnp.float32)])
    emb_s = jnp.concatenate([emb_p[:, :HD], emb_p[:, HD:]])

    spmm_a = _make_sc_spmm(nb_a)
    spmm_x = _make_sc_spmm(nb_x)

    grid = VP // BV
    wspec = pl.BlockSpec((D, D), lambda i: (0, 0))
    rowspec = pl.BlockSpec((BV, D), lambda i: (i, 0))
    pspec = pl.BlockSpec((2, BV, HD), lambda i: (0, i, 0))
    vecspec = pl.BlockSpec((1, D), lambda i: (0, 0))

    p1 = spmm_a(a_rows, a_cols, a_vals, emb_s, zeros)
    h1 = pl.pallas_call(
        _mm_relu_body, grid=(grid,),
        in_specs=[pspec, wspec], out_specs=pspec,
        out_shape=jax.ShapeDtypeStruct((2, VP, HD), jnp.float32),
    )(p1, W1)

    p2 = spmm_a(a_rows, a_cols, a_vals, h1.reshape(2 * VP, HD), zeros)
    y = pl.pallas_call(
        _stage2_body, grid=(grid,),
        in_specs=[pspec, wspec, rowspec, vecspec, vecspec], out_specs=pspec,
        out_shape=jax.ShapeDtypeStruct((2, VP, HD), jnp.float32),
    )(p2, W2, emb_p, ln_g.reshape(1, D), ln_b.reshape(1, D))

    q = spmm_x(x_rows, x_cols, x_vals, y.reshape(2 * VP, HD), zeros)

    cls_W_pad = jnp.zeros((D, D), jnp.float32).at[:, :2].set(cls_W)
    cls_b_pad = jnp.zeros((1, D), jnp.float32).at[0, :2].set(cls_b)
    out = pl.pallas_call(
        _stage3_body, grid=(grid,),
        in_specs=[pspec, wspec, vecspec, wspec, vecspec], out_specs=rowspec,
        out_shape=jax.ShapeDtypeStruct((VP, D), jnp.float32),
    )(q, mlp_W, mlp_b.reshape(1, D), cls_W_pad, cls_b_pad)
    return out[:NDOC, :2]

# --- scband reference (transcript-rebuilt; emitter-appended) ---
"""Pipeline reference for scband-word-gcnpool-23235773072063 (READ-ONLY COPY).

The authoritative reference and input builder live on the scoring server;
editing this copy changes nothing except your own understanding.
"""

import jax, jax.numpy as jnp
import numpy as np

V = 10000
D = 128
E = 320000
NNZ = 500000
NDOC = 10000
ALPHA = 0.7


def _spmm(idx, vals, H, n_rows):
    # sparse COO (rows=idx[0], cols=idx[1]) @ dense H -> gather + scatter-add
    gathered = vals[:, None] * jnp.take(H, idx[1], axis=0)
    return jax.ops.segment_sum(gathered, idx[0], num_segments=n_rows)


def _layernorm(x, g, b, eps=1e-5):
    mu = jnp.mean(x, axis=-1, keepdims=True)
    var = jnp.var(x, axis=-1, keepdims=True)
    return (x - mu) / jnp.sqrt(var + eps) * g + b


def setup_inputs(seed: int = 0) -> dict:
    key = jax.random.key(seed)
    ks = jax.random.split(key, 12)
    A_indices = jax.random.randint(ks[0], (2, E), 0, V)
    A_values = jax.random.uniform(ks[1], (E,), dtype=jnp.float32)
    X_indices = jax.random.randint(ks[2], (2, NNZ), 0, V)  # rows<NDOC=V, cols<V
    X_values = jax.random.uniform(ks[3], (NNZ,), dtype=jnp.float32)
    xav = float(np.sqrt(6.0 / (V + D)))
    emb = jax.random.uniform(ks[4], (V, D), minval=-xav, maxval=xav, dtype=jnp.float32)
    s = 1.0 / np.sqrt(D)
    W1 = jax.random.normal(ks[5], (D, D), dtype=jnp.float32) * s
    W2 = jax.random.normal(ks[6], (D, D), dtype=jnp.float32) * s
    ln_g = jnp.ones((D,), dtype=jnp.float32)
    ln_b = jnp.zeros((D,), dtype=jnp.float32)
    mlp_W = jax.random.normal(ks[7], (D, D), dtype=jnp.float32) * s
    mlp_b = jnp.zeros((D,), dtype=jnp.float32)
    cls_W = jax.random.normal(ks[8], (D, 2), dtype=jnp.float32) * s
    cls_b = jnp.zeros((2,), dtype=jnp.float32)
    return {"A_indices": A_indices, "A_values": A_values, "X_indices": X_indices,
            "X_values": X_values, "emb": emb, "W1": W1, "W2": W2,
            "ln_g": ln_g, "ln_b": ln_b, "mlp_W": mlp_W, "mlp_b": mlp_b,
            "cls_W": cls_W, "cls_b": cls_b}


def reference(A_indices, A_values, X_indices, X_values, emb, W1, W2,
              ln_g, ln_b, mlp_W, mlp_b, cls_W, cls_b):
    # eval mode: dropout is identity
    H0 = emb
    H = _spmm(A_indices, A_values, H0, V)
    H = jax.nn.relu(H @ W1)
    H = _spmm(A_indices, A_values, H, V)
    H = jax.nn.relu(H @ W2)
    H = (1.0 - ALPHA) * H0 + ALPHA * H
    word_H = _layernorm(H, ln_g, ln_b)
    doc_H = _spmm(X_indices, X_values, word_H, NDOC)
    doc_H0 = _spmm(X_indices, X_values, emb, NDOC)
    doc_H = doc_H + doc_H0
    doc_H = jax.nn.relu(doc_H @ mlp_W + mlp_b)
    logits = doc_H @ cls_W + cls_b
    return logits

if __name__ == "__main__":
    import jax
    _d = setup_inputs()
    print(jax.jit(kernel)(*tuple(_d.values())))

</pallas_src>

<mosaic_0001>
#map = affine_map<(d0, d1) -> (0, 0)>
#map1 = affine_map<(d0, d1) -> (0, 0, 0)>
module attributes {stable_mosaic.version = 14 : i64} {
  func.func @spmm(%arg0: i32, %arg1: i32, %arg2: memref<2560x128xi32, #tpu.memory_space<hbm>>, %arg3: memref<2560x128xi32, #tpu.memory_space<hbm>>, %arg4: memref<2560x128xf32, #tpu.memory_space<hbm>>, %arg5: memref<20480x64xf32, #tpu.memory_space<hbm>>, %arg6: memref<10240x64xf32, #tpu.memory_space<hbm>>, %arg7: memref<2x10240x64xf32, #tpu.memory_space<hbm>>, %arg8: memref<16x128xi32, #tpu.memory_space<vmem>>, %arg9: memref<16x128xi32, #tpu.memory_space<vmem>>, %arg10: memref<16x128xf32, #tpu.memory_space<vmem>>, %arg11: memref<128x64xf32, #tpu.memory_space<vmem>>, %arg12: memref<128x64xf32, #tpu.memory_space<vmem>>, %arg13: memref<128x64xf32, #tpu.memory_space<vmem>>, %arg14: memref<128x64xf32, #tpu.memory_space<vmem>>, %arg15: memref<10240x64xf32, #tpu.memory_space<vmem_shared>>, %arg16: memref<10240x64xf32, #tpu.memory_space<vmem_shared>>, %arg17: memref<!tpu.dma_semaphore, #tpu.memory_space<semaphore_mem>>, %arg18: memref<!tpu.dma_semaphore, #tpu.memory_space<semaphore_mem>>, %arg19: memref<!tpu.dma_semaphore, #tpu.memory_space<semaphore_mem>>, %arg20: memref<!tpu.dma_semaphore, #tpu.memory_space<semaphore_mem>>, %arg21: memref<!tpu.dma_semaphore, #tpu.memory_space<semaphore_mem>>, %arg22: memref<!tpu.dma_semaphore, #tpu.memory_space<semaphore_mem>>, %arg23: memref<!tpu.dma_semaphore, #tpu.memory_space<semaphore_mem>>, %arg24: memref<!tpu.dma_semaphore, #tpu.memory_space<semaphore_mem>>) attributes {dimension_semantics = [#tpu.dimension_semantics<core_parallel>, #tpu.dimension_semantics<subcore_parallel>], iteration_bounds = array<i64: 2, 16>, scalar_prefetch = 0 : i64, scratch_operands = 17 : i64, tpu.core_type = #tpu.core_type<sc_vector_subcore>, window_params = [{transform_indices = #map}, {transform_indices = #map}, {transform_indices = #map}, {transform_indices = #map}, {transform_indices = #map}, {transform_indices = #map1}]} {
    %mul3A = arith.constant 640 : i32
    %mul3A_0 = arith.muli %arg1, %mul3A : i32
    "tpu.region"() ({
      %run_scoped3A = tpu.sem_alloc : memref<!tpu.dma_semaphore, #tpu.memory_space<semaphore_mem>>
      %dma_start3A_17 = arith.constant 0 : i32
      %dma_start3A_18 = tpu.memref_slice %arg16[%mul3A_0, %dma_start3A_17] : memref<10240x64xf32, #tpu.memory_space<vmem_shared>> -> memref<640x64xf32, #tpu.memory_space<vmem_shared>>
      %dma_start3A_19 = arith.constant 0 : i32
      %dma_start3A_20 = tpu.memref_slice %arg6[%mul3A_0, %dma_start3A_19] : memref<10240x64xf32, #tpu.memory_space<hbm>> -> memref<640x64xf32, #tpu.memory_space<hbm>>
      tpu.enqueue_dma source(%dma_start3A_20 : memref<640x64xf32, #tpu.memory_space<hbm>>) target(%dma_start3A_18 : memref<640x64xf32, #tpu.memory_space<vmem_shared>>) target_semaphore(%run_scoped3A : memref<!tpu.dma_semaphore, #tpu.memory_space<semaphore_mem>>)
      %dma_wait3A = arith.constant 0 : i32
      %dma_wait3A_21 = tpu.memref_slice %arg16[%mul3A_0, %dma_wait3A] : memref<10240x64xf32, #tpu.memory_space<vmem_shared>> -> memref<640x64xf32, #tpu.memory_space<vmem_shared>>
      %dma_wait3A_22 = arith.constant 0 : i32
      %dma_wait3A_23 = tpu.memref_slice %arg6[%mul3A_0, %dma_wait3A_22] : memref<10240x64xf32, #tpu.memory_space<hbm>> -> memref<640x64xf32, #tpu.memory_space<hbm>>
      tpu.wait_dma2 semaphore(%run_scoped3A : memref<!tpu.dma_semaphore, #tpu.memory_space<semaphore_mem>>) src(%dma_wait3A_23 : memref<640x64xf32, #tpu.memory_space<hbm>>) dst(%dma_wait3A_21 : memref<640x64xf32, #tpu.memory_space<vmem_shared>>)
      tpu.yield
    }) : () -> ()
    %mul3A_1 = arith.constant 10240 : i32
    %mul3A_2 = arith.muli %arg0, %mul3A_1 : i32
    %add3A = arith.addi %mul3A_2, %mul3A_0 : i32
    "tpu.region"() ({
      %run_scoped3A = tpu.sem_alloc : memref<!tpu.dma_semaphore, #tpu.memory_space<semaphore_mem>>
      %dma_start3A_17 = arith.constant 0 : i32
      %dma_start3A_18 = tpu.memref_slice %arg15[%mul3A_0, %dma_start3A_17] : memref<10240x64xf32, #tpu.memory_space<vmem_shared>> -> memref<640x64xf32, #tpu.memory_space<vmem_shared>>
      %dma_start3A_19 = arith.constant 0 : i32
      %dma_start3A_20 = tpu.memref_slice %arg5[%add3A, %dma_start3A_19] : memref<20480x64xf32, #tpu.memory_space<hbm>> -> memref<640x64xf32, #tpu.memory_space<hbm>>
      tpu.enqueue_dma source(%dma_start3A_20 : memref<640x64xf32, #tpu.memory_space<hbm>>) target(%dma_start3A_18 : memref<640x64xf32, #tpu.memory_space<vmem_shared>>) target_semaphore(%run_scoped3A : memref<!tpu.dma_semaphore, #tpu.memory_space<semaphore_mem>>)
      %dma_wait3A = arith.constant 0 : i32
      %dma_wait3A_21 = tpu.memref_slice %arg15[%mul3A_0, %dma_wait3A] : memref<10240x64xf32, #tpu.memory_space<vmem_shared>> -> memref<640x64xf32, #tpu.memory_space<vmem_shared>>
      %dma_wait3A_22 = arith.constant 0 : i32
      %dma_wait3A_23 = tpu.memref_slice %arg5[%add3A, %dma_wait3A_22] : memref<20480x64xf32, #tpu.memory_space<hbm>> -> memref<640x64xf32, #tpu.memory_space<hbm>>
      tpu.wait_dma2 semaphore(%run_scoped3A : memref<!tpu.dma_semaphore, #tpu.memory_space<semaphore_mem>>) src(%dma_wait3A_23 : memref<640x64xf32, #tpu.memory_space<hbm>>) dst(%dma_wait3A_21 : memref<640x64xf32, #tpu.memory_space<vmem_shared>>)
      tpu.yield
    }) : () -> ()
    %barrier3A = arith.constant 0 : index
    tpu.barrier barrier_id(%barrier3A)
    %mul3A_3 = arith.constant 160 : i32
    %mul3A_4 = arith.muli %arg1, %mul3A_3 : i32
    "tpu.region"() ({
      %run_scoped3A = tpu.sem_alloc : memref<!tpu.dma_semaphore, #tpu.memory_space<semaphore_mem>>
      %dma_start3A_17 = arith.constant 0 : i32
      %dma_start3A_18 = tpu.memref_slice %arg3[%mul3A_4, %dma_start3A_17] : memref<2560x128xi32, #tpu.memory_space<hbm>> -> memref<16x128xi32, #tpu.memory_space<hbm>>
      %dma_start3A_19 = arith.constant 0 : i32
      %dma_start3A_20 = tpu.memref_slice %arg3[%mul3A_4, %dma_start3A_19] : memref<2560x128xi32, #tpu.memory_space<hbm>> -> memref<16x128xi32, #tpu.memory_space<hbm>>
      tpu.enqueue_dma source(%dma_start3A_20 : memref<16x128xi32, #tpu.memory_space<hbm>>) target(%arg8 : memref<16x128xi32, #tpu.memory_space<vmem>>) target_semaphore(%run_scoped3A : memref<!tpu.dma_semaphore, #tpu.memory_space<semaphore_mem>>)
      %dma_wait3A = arith.constant 0 : i32
      %dma_wait3A_21 = tpu.memref_slice %arg3[%mul3A_4, %dma_wait3A] : memref<2560x128xi32, #tpu.memory_space<hbm>> -> memref<16x128xi32, #tpu.memory_space<hbm>>
      %dma_wait3A_22 = arith.constant 0 : i32
      %dma_wait3A_23 = tpu.memref_slice %arg3[%mul3A_4, %dma_wait3A_22] : memref<2560x128xi32, #tpu.memory_space<hbm>> -> memref<16x128xi32, #tpu.memory_space<hbm>>
      tpu.wait_dma2 semaphore(%run_scoped3A : memref<!tpu.dma_semaphore, #tpu.memory_space<semaphore_mem>>) src(%dma_wait3A_23 : memref<16x128xi32, #tpu.memory_space<hbm>>) dst(%arg8 : memref<16x128xi32, #tpu.memory_space<vmem>>)
      tpu.yield
    }) : () -> ()
    "tpu.region"() ({
      %run_scoped3A = tpu.sem_alloc : memref<!tpu.dma_semaphore, #tpu.memory_space<semaphore_mem>>
      %dma_start3A_17 = arith.constant 0 : i32
      %dma_start3A_18 = tpu.memref_slice %arg2[%mul3A_4, %dma_start3A_17] : memref<2560x128xi32, #tpu.memory_space<hbm>> -> memref<16x128xi32, #tpu.memory_space<hbm>>
      %dma_start3A_19 = arith.constant 0 : i32
      %dma_start3A_20 = tpu.memref_slice %arg2[%mul3A_4, %dma_start3A_19] : memref<2560x128xi32, #tpu.memory_space<hbm>> -> memref<16x128xi32, #tpu.memory_space<hbm>>
      tpu.enqueue_dma source(%dma_start3A_20 : memref<16x128xi32, #tpu.memory_space<hbm>>) target(%arg9 : memref<16x128xi32, #tpu.memory_space<vmem>>) target_semaphore(%run_scoped3A : memref<!tpu.dma_semaphore, #tpu.memory_space<semaphore_mem>>)
      %dma_wait3A = arith.constant 0 : i32
      %dma_wait3A_21 = tpu.memref_slice %arg2[%mul3A_4, %dma_wait3A] : memref<2560x128xi32, #tpu.memory_space<hbm>> -> memref<16x128xi32, #tpu.memory_space<hbm>>
      %dma_wait3A_22 = arith.constant 0 : i32
      %dma_wait3A_23 = tpu.memref_slice %arg2[%mul3A_4, %dma_wait3A_22] : memref<2560x128xi32, #tpu.memory_space<hbm>> -> memref<16x128xi32, #tpu.memory_space<hbm>>
      tpu.wait_dma2 semaphore(%run_scoped3A : memref<!tpu.dma_semaphore, #tpu.memory_space<semaphore_mem>>) src(%dma_wait3A_23 : memref<16x128xi32, #tpu.memory_space<hbm>>) dst(%arg9 : memref<16x128xi32, #tpu.memory_space<vmem>>)
      tpu.yield
    }) : () -> ()
    "tpu.region"() ({
      %run_scoped3A = tpu.sem_alloc : memref<!tpu.dma_semaphore, #tpu.memory_space<semaphore_mem>>
      %dma_start3A_17 = arith.constant 0 : i32
      %dma_start3A_18 = tpu.memref_slice %arg4[%mul3A_4, %dma_start3A_17] : memref<2560x128xf32, #tpu.memory_space<hbm>> -> memref<16x128xf32, #tpu.memory_space<hbm>>
      %dma_start3A_19 = arith.constant 0 : i32
      %dma_start3A_20 = tpu.memref_slice %arg4[%mul3A_4, %dma_start3A_19] : memref<2560x128xf32, #tpu.memory_space<hbm>> -> memref<16x128xf32, #tpu.memory_space<hbm>>
      tpu.enqueue_dma source(%dma_start3A_20 : memref<16x128xf32, #tpu.memory_space<hbm>>) target(%arg10 : memref<16x128xf32, #tpu.memory_space<vmem>>) target_semaphore(%run_scoped3A : memref<!tpu.dma_semaphore, #tpu.memory_space<semaphore_mem>>)
      %dma_wait3A = arith.constant 0 : i32
      %dma_wait3A_21 = tpu.memref_slice %arg4[%mul3A_4, %dma_wait3A] : memref<2560x128xf32, #tpu.memory_space<hbm>> -> memref<16x128xf32, #tpu.memory_space<hbm>>
      %dma_wait3A_22 = arith.constant 0 : i32
      %dma_wait3A_23 = tpu.memref_slice %arg4[%mul3A_4, %dma_wait3A_22] : memref<2560x128xf32, #tpu.memory_space<hbm>> -> memref<16x128xf32, #tpu.memory_space<hbm>>
      tpu.wait_dma2 semaphore(%run_scoped3A : memref<!tpu.dma_semaphore, #tpu.memory_space<semaphore_mem>>) src(%dma_wait3A_23 : memref<16x128xf32, #tpu.memory_space<hbm>>) dst(%arg10 : memref<16x128xf32, #tpu.memory_space<vmem>>)
      tpu.yield
    }) : () -> ()
    %dma_start3A = arith.constant 0 : i32
    %dma_start3A_5 = arith.constant 0 : i32
    %dma_start3A_6 = tpu.memref_slice %arg8[%dma_start3A, %dma_start3A_5] : memref<16x128xi32, #tpu.memory_space<vmem>> -> memref<1x128xi32, #tpu.memory_space<vmem>>
    %dma_start3A_7 = tpu.memref_squeeze %dma_start3A_6 : memref<1x128xi32, #tpu.memory_space<vmem>> -> memref<128xi32, #tpu.memory_space<vmem>>
    %dma_start3A_8 = arith.constant 0 : i32
    %dma_start3A_9 = arith.constant 0 : i32
    %dma_start3A_10 = tpu.memref_slice %arg15[%dma_start3A_8, %dma_start3A_9] : memref<10240x64xf32, #tpu.memory_space<vmem_shared>> -> memref<10240x64xf32, #tpu.memory_space<vmem_shared>>
    tpu.enqueue_indirect_dma source(%dma_start3A_10 : memref<10240x64xf32, #tpu.memory_space<vmem_shared>>) target(%arg11 : memref<128x64xf32, #tpu.memory_space<vmem>>) offsets(%dma_start3A_7 : memref<128xi32, #tpu.memory_space<vmem>>) semaphore(%arg17 : memref<!tpu.dma_semaphore, #tpu.memory_space<semaphore_mem>>)
    %scan3A = arith.constant 0 : i32
    %scan3A_11 = arith.constant 0 : i32
    %scan3A_12 = arith.constant 10 : i32
    %scan3A_13 = arith.addi %scan3A_11, %scan3A_12 : i32
    %scan3A_14 = arith.constant 1 : i32
    scf.for %scan3A_17 = %scan3A_11 to %scan3A_13 step %scan3A_14  : i32 {
      %dma_wait3A = arith.constant 0 : i32
      %dma_wait3A_18 = arith.constant 0 : i32
      %dma_wait3A_19 = tpu.memref_slice %arg15[%dma_wait3A, %dma_wait3A_18] : memref<10240x64xf32, #tpu.memory_space<vmem_shared>> -> memref<128x64xf32, #tpu.memory_space<vmem_shared>>
      %dma_wait3A_20 = arith.constant 0 : i32
      %dma_wait3A_21 = arith.constant 0 : i32
      %dma_wait3A_22 = tpu.memref_slice %arg15[%dma_wait3A_20, %dma_wait3A_21] : memref<10240x64xf32, #tpu.memory_space<vmem_shared>> -> memref<128x64xf32, #tpu.memory_space<vmem_shared>>
      tpu.wait_dma2 semaphore(%arg17 : memref<!tpu.dma_semaphore, #tpu.memory_space<semaphore_mem>>) src(%dma_wait3A_22 : memref<128x64xf32, #tpu.memory_space<vmem_shared>>) dst(%arg11 : memref<128x64xf32, #tpu.memory_space<vmem>>)
      %dma_start3A_23 = arith.constant 1 : i32
      %dma_start3A_24 = arith.constant 0 : i32
      %dma_start3A_25 = tpu.memref_slice %arg8[%dma_start3A_23, %dma_start3A_24] : memref<16x128xi32, #tpu.memory_space<vmem>> -> memref<1x128xi32, #tpu.memory_space<vmem>>
      %dma_start3A_26 = tpu.memref_squeeze %dma_start3A_25 : memref<1x128xi32, #tpu.memory_space<vmem>> -> memref<128xi32, #tpu.memory_space<vmem>>
      %dma_start3A_27 = arith.constant 0 : i32
      %dma_start3A_28 = arith.constant 0 : i32
      %dma_start3A_29 = tpu.memref_slice %arg15[%dma_start3A_27, %dma_start3A_28] : memref<10240x64xf32, #tpu.memory_space<vmem_shared>> -> memref<10240x64xf32, #tpu.memory_space<vmem_shared>>
      tpu.enqueue_indirect_dma source(%dma_start3A_29 : memref<10240x64xf32, #tpu.memory_space<vmem_shared>>) target(%arg12 : memref<128x64xf32, #tpu.memory_space<vmem>>) offsets(%dma_start3A_26 : memref<128xi32, #tpu.memory_space<vmem>>) semaphore(%arg18 : memref<!tpu.dma_semaphore, #tpu.memory_space<semaphore_mem>>)
      %dma_start3A_30 = arith.constant 0 : i32
      %dma_start3A_31 = arith.constant 0 : i32
      %dma_start3A_32 = tpu.memref_slice %arg9[%dma_start3A_30, %dma_start3A_31] : memref<16x128xi32, #tpu.memory_space<vmem>> -> memref<1x128xi32, #tpu.memory_space<vmem>>
      %dma_start3A_33 = tpu.memref_squeeze %dma_start3A_32 : memref<1x128xi32, #tpu.memory_space<vmem>> -> memref<128xi32, #tpu.memory_space<vmem>>
      %dma_start3A_34 = arith.constant 0 : i32
      %dma_start3A_35 = arith.constant 0 : i32
      %dma_start3A_36 = tpu.memref_slice %arg16[%dma_start3A_34, %dma_start3A_35] : memref<10240x64xf32, #tpu.memory_space<vmem_shared>> -> memref<10240x64xf32, #tpu.memory_space<vmem_shared>>
      tpu.enqueue_indirect_dma source(%arg11 : memref<128x64xf32, #tpu.memory_space<vmem>>) target(%dma_start3A_36 : memref<10240x64xf32, #tpu.memory_space<vmem_shared>>) offsets(%dma_start3A_33 : memref<128xi32, #tpu.memory_space<vmem>>) semaphore(%arg21 : memref<!tpu.dma_semaphore, #tpu.memory_space<semaphore_mem>>) {add = true}
      %dma_wait3A_37 = arith.constant 0 : i32
      %dma_wait3A_38 = arith.constant 0 : i32
      %dma_wait3A_39 = tpu.memref_slice %arg15[%dma_wait3A_37, %dma_wait3A_38] : memref<10240x64xf32, #tpu.memory_space<vmem_shared>> -> memref<128x64xf32, #tpu.memory_space<vmem_shared>>
      %dma_wait3A_40 = arith.constant 0 : i32
      %dma_wait3A_41 = arith.constant 0 : i32
      %dma_wait3A_42 = tpu.memref_slice %arg15[%dma_wait3A_40, %dma_wait3A_41] : memref<10240x64xf32, #tpu.memory_space<vmem_shared>> -> memref<128x64xf32, #tpu.memory_space<vmem_shared>>
      tpu.wait_dma2 semaphore(%arg18 : memref<!tpu.dma_semaphore, #tpu.memory_space<semaphore_mem>>) src(%dma_wait3A_42 : memref<128x64xf32, #tpu.memory_space<vmem_shared>>) dst(%arg12 : memref<128x64xf32, #tpu.memory_space<vmem>>)
      %dma_start3A_43 = arith.constant 2 : i32
      %dma_start3A_44 = arith.constant 0 : i32
      %dma_start3A_45 = tpu.memref_slice %arg8[%dma_start3A_43, %dma_start3A_44] : memref<16x128xi32, #tpu.memory_space<vmem>> -> memref<1x128xi32, #tpu.memory_space<vmem>>
      %dma_start3A_46 = tpu.memref_squeeze %dma_start3A_45 : memref<1x128xi32, #tpu.memory_space<vmem>> -> memref<128xi32, #tpu.memory_space<vmem>>
      %dma_start3A_47 = arith.constant 0 : i32
      %dma_start3A_48 = arith.constant 0 : i32
      %dma_start3A_49 = tpu.memref_slice %arg15[%dma_start3A_47, %dma_start3A_48] : memref<10240x64xf32, #tpu.memory_space<vmem_shared>> -> memref<10240x64xf32, #tpu.memory_space<vmem_shared>>
      tpu.enqueue_indirect_dma source(%dma_start3A_49 : memref<10240x64xf32, #tpu.memory_space<vmem_shared>>) target(%arg13 : memref<128x64xf32, #tpu.memory_space<vmem>>) offsets(%dma_start3A_46 : memref<128xi32, #tpu.memory_space<vmem>>) semaphore(%arg19 : memref<!tpu.dma_semaphore, #tpu.memory_space<semaphore_mem>>)
      %dma_start3A_50 = arith.constant 1 : i32
      %dma_start3A_51 = arith.constant 0 : i32
      %dma_start3A_52 = tpu.memref_slice %arg9[%dma_start3A_50, %dma_start3A_51] : memref<16x128xi32, #tpu.memory_space<vmem>> -> memref<1x128xi32, #tpu.memory_space<vmem>>
      %dma_start3A_53 = tpu.memref_squeeze %dma_start3A_52 : memref<1x128xi32, #tpu.memory_space<vmem>> -> memref<128xi32, #tpu.memory_space<vmem>>
      %dma_start3A_54 = arith.constant 0 : i32
      %dma_start3A_55 = arith.constant 0 : i32
      %dma_start3A_56 = tpu.memref_slice %arg16[%dma_start3A_54, %dma_start3A_55] : memref<10240x64xf32, #tpu.memory_space<vmem_shared>> -> memref<10240x64xf32, #tpu.memory_space<vmem_shared>>
      tpu.enqueue_indirect_dma source(%arg12 : memref<128x64xf32, #tpu.memory_space<vmem>>) target(%dma_start3A_56 : memref<10240x64xf32, #tpu.memory_space<vmem_shared>>) offsets(%dma_start3A_53 : memref<128xi32, #tpu.memory_space<vmem>>) semaphore(%arg22 : memref<!tpu.dma_semaphore, #tpu.memory_space<semaphore_mem>>) {add = true}
      %dma_wait3A_57 = arith.constant 0 : i32
      %dma_wait3A_58 = arith.constant 0 : i32
      %dma_wait3A_59 = tpu.memref_slice %arg15[%dma_wait3A_57, %dma_wait3A_58] : memref<10240x64xf32, #tpu.memory_space<vmem_shared>> -> memref<128x64xf32, #tpu.memory_space<vmem_shared>>
      %dma_wait3A_60 = arith.constant 0 : i32
      %dma_wait3A_61 = arith.constant 0 : i32
      %dma_wait3A_62 = tpu.memref_slice %arg15[%dma_wait3A_60, %dma_wait3A_61] : memref<10240x64xf32, #tpu.memory_space<vmem_shared>> -> memref<128x64xf32, #tpu.memory_space<vmem_shared>>
      tpu.wait_dma2 semaphore(%arg19 : memref<!tpu.dma_semaphore, #tpu.memory_space<semaphore_mem>>) src(%dma_wait3A_62 : memref<128x64xf32, #tpu.memory_space<vmem_shared>>) dst(%arg13 : memref<128x64xf32, #tpu.memory_space<vmem>>)
      %dma_start3A_63 = arith.constant 3 : i32
      %dma_start3A_64 = arith.constant 0 : i32
      %dma_start3A_65 = tpu.memref_slice %arg8[%dma_start3A_63, %dma_start3A_64] : memref<16x128xi32, #tpu.memory_space<vmem>> -> memref<1x128xi32, #tpu.memory_space<vmem>>
      %dma_start3A_66 = tpu.memref_squeeze %dma_start3A_65 : memref<1x128xi32, #tpu.memory_space<vmem>> -> memref<128xi32, #tpu.memory_space<vmem>>
      %dma_start3A_67 = arith.constant 0 : i32
      %dma_start3A_68 = arith.constant 0 : i32
      %dma_start3A_69 = tpu.memref_slice %arg15[%dma_start3A_67, %dma_start3A_68] : memref<10240x64xf32, #tpu.memory_space<vmem_shared>> -> memref<10240x64xf32, #tpu.memory_space<vmem_shared>>
      tpu.enqueue_indirect_dma source(%dma_start3A_69 : memref<10240x64xf32, #tpu.memory_space<vmem_shared>>) target(%arg14 : memref<128x64xf32, #tpu.memory_space<vmem>>) offsets(%dma_start3A_66 : memref<128xi32, #tpu.memory_space<vmem>>) semaphore(%arg20 : memref<!tpu.dma_semaphore, #tpu.memory_space<semaphore_mem>>)
      %dma_start3A_70 = arith.constant 2 : i32
      %dma_start3A_71 = arith.constant 0 : i32
      %dma_start3A_72 = tpu.memref_slice %arg9[%dma_start3A_70, %dma_start3A_71] : memref<16x128xi32, #tpu.memory_space<vmem>> -> memref<1x128xi32, #tpu.memory_space<vmem>>
      %dma_start3A_73 = tpu.memref_squeeze %dma_start3A_72 : memref<1x128xi32, #tpu.memory_space<vmem>> -> memref<128xi32, #tpu.memory_space<vmem>>
      %dma_start3A_74 = arith.constant 0 : i32
      %dma_start3A_75 = arith.constant 0 : i32
      %dma_start3A_76 = tpu.memref_slice %arg16[%dma_start3A_74, %dma_start3A_75] : memref<10240x64xf32, #tpu.memory_space<vmem_shared>> -> memref<10240x64xf32, #tpu.memory_space<vmem_shared>>
      tpu.enqueue_indirect_dma source(%arg13 : memref<128x64xf32, #tpu.memory_space<vmem>>) target(%dma_start3A_76 : memref<10240x64xf32, #tpu.memory_space<vmem_shared>>) offsets(%dma_start3A_73 : memref<128xi32, #tpu.memory_space<vmem>>) semaphore(%arg23 : memref<!tpu.dma_semaphore, #tpu.memory_space<semaphore_mem>>) {add = true}
      %dma_wait3A_77 = arith.constant 0 : i32
      %dma_wait3A_78 = arith.constant 0 : i32
      %dma_wait3A_79 = tpu.memref_slice %arg15[%dma_wait3A_77, %dma_wait3A_78] : memref<10240x64xf32, #tpu.memory_space<vmem_shared>> -> memref<128x64xf32, #tpu.memory_space<vmem_shared>>
      %dma_wait3A_80 = arith.constant 0 : i32
      %dma_wait3A_81 = arith.constant 0 : i32
      %dma_wait3A_82 = tpu.memref_slice %arg15[%dma_wait3A_80, %dma_wait3A_81] : memref<10240x64xf32, #tpu.memory_space<vmem_shared>> -> memref<128x64xf32, #tpu.memory_space<vmem_shared>>
      tpu.wait_dma2 semaphore(%arg20 : memref<!tpu.dma_semaphore, #tpu.memory_space<semaphore_mem>>) src(%dma_wait3A_82 : memref<128x64xf32, #tpu.memory_space<vmem_shared>>) dst(%arg14 : memref<128x64xf32, #tpu.memory_space<vmem>>)
      %dma_wait3A_83 = arith.constant 0 : i32
      %dma_wait3A_84 = arith.constant 0 : i32
      %dma_wait3A_85 = tpu.memref_slice %arg9[%dma_wait3A_83, %dma_wait3A_84] : memref<16x128xi32, #tpu.memory_space<vmem>> -> memref<1x128xi32, #tpu.memory_space<vmem>>
      %dma_wait3A_86 = tpu.memref_squeeze %dma_wait3A_85 : memref<1x128xi32, #tpu.memory_space<vmem>> -> memref<128xi32, #tpu.memory_space<vmem>>
      %dma_wait3A_87 = arith.constant 0 : i32
      %dma_wait3A_88 = arith.constant 0 : i32
      %dma_wait3A_89 = tpu.memref_slice %arg16[%dma_wait3A_87, %dma_wait3A_88] : memref<10240x64xf32, #tpu.memory_space<vmem_shared>> -> memref<10240x64xf32, #tpu.memory_space<vmem_shared>>
      tpu.wait_indirect_dma semaphore(%arg21 : memref<!tpu.dma_semaphore, #tpu.memory_space<semaphore_mem>>) src(%arg11 : memref<128x64xf32, #tpu.memory_space<vmem>>) dst(%dma_wait3A_89 : memref<10240x64xf32, #tpu.memory_space<vmem_shared>>)
      %dma_start3A_90 = arith.constant 4 : i32
      %dma_start3A_91 = arith.constant 0 : i32
      %dma_start3A_92 = tpu.memref_slice %arg8[%dma_start3A_90, %dma_start3A_91] : memref<16x128xi32, #tpu.memory_space<vmem>> -> memref<1x128xi32, #tpu.memory_space<vmem>>
      %dma_start3A_93 = tpu.memref_squeeze %dma_start3A_92 : memref<1x128xi32, #tpu.memory_space<vmem>> -> memref<128xi32, #tpu.memory_space<vmem>>
      %dma_start3A_94 = arith.constant 0 : i32
      %dma_start3A_95 = arith.constant 0 : i32
      %dma_start3A_96 = tpu.memref_slice %arg15[%dma_start3A_94, %dma_start3A_95] : memref<10240x64xf32, #tpu.memory_space<vmem_shared>> -> memref<10240x64xf32, #tpu.memory_space<vmem_shared>>
      tpu.enqueue_indirect_dma source(%dma_start3A_96 : memref<10240x64xf32, #tpu.memory_space<vmem_shared>>) target(%arg11 : memref<128x64xf32, #tpu.memory_space<vmem>>) offsets(%dma_start3A_93 : memref<128xi32, #tpu.memory_space<vmem>>) semaphore(%arg17 : memref<!tpu.dma_semaphore, #tpu.memory_space<semaphore_mem>>)
      %dma_start3A_97 = arith.constant 3 : i32
      %dma_start3A_98 = arith.constant 0 : i32
      %dma_start3A_99 = tpu.memref_slice %arg9[%dma_start3A_97, %dma_start3A_98] : memref<16x128xi32, #tpu.memory_space<vmem>> -> memref<1x128xi32, #tpu.memory_space<vmem>>
      %dma_start3A_100 = tpu.memref_squeeze %dma_start3A_99 : memref<1x128xi32, #tpu.memory_space<vmem>> -> memref<128xi32, #tpu.memory_space<vmem>>
      %dma_start3A_101 = arith.constant 0 : i32
      %dma_start3A_102 = arith.constant 0 : i32
      %dma_start3A_103 = tpu.memref_slice %arg16[%dma_start3A_101, %dma_start3A_102] : memref<10240x64xf32, #tpu.memory_space<vmem_shared>> -> memref<10240x64xf32, #tpu.memory_space<vmem_shared>>
      tpu.enqueue_indirect_dma source(%arg14 : memref<128x64xf32, #tpu.memory_space<vmem>>) target(%dma_start3A_103 : memref<10240x64xf32, #tpu.memory_space<vmem_shared>>) offsets(%dma_start3A_100 : memref<128xi32, #tpu.memory_space<vmem>>) semaphore(%arg24 : memref<!tpu.dma_semaphore, #tpu.memory_space<semaphore_mem>>) {add = true}
      %dma_wait3A_104 = arith.constant 0 : i32
      %dma_wait3A_105 = arith.constant 0 : i32
      %dma_wait3A_106 = tpu.memref_slice %arg15[%dma_wait3A_104, %dma_wait3A_105] : memref<10240x64xf32, #tpu.memory_space<vmem_shared>> -> memref<128x64xf32, #tpu.memory_space<vmem_shared>>
      %dma_wait3A_107 = arith.constant 0 : i32
      %dma_wait3A_108 = arith.constant 0 : i32
      %dma_wait3A_109 = tpu.memref_slice %arg15[%dma_wait3A_107, %dma_wait3A_108] : memref<10240x64xf32, #tpu.memory_space<vmem_shared>> -> memref<128x64xf32, #tpu.memory_space<vmem_shared>>
      tpu.wait_dma2 semaphore(%arg17 : memref<!tpu.dma_semaphore, #tpu.memory_space<semaphore_mem>>) src(%dma_wait3A_109 : memref<128x64xf32, #tpu.memory_space<vmem_shared>>) dst(%arg11 : memref<128x64xf32, #tpu.memory_space<vmem>>)
      %dma_wait3A_110 = arith.constant 0 : i32
      %dma_wait3A_111 = arith.constant 0 : i32
      %dma_wait3A_112 = tpu.memref_slice %arg9[%dma_wait3A_110, %dma_wait3A_111] : memref<16x128xi32, #tpu.memory_space<vmem>> -> memref<1x128xi32, #tpu.memory_space<vmem>>
      %dma_wait3A_113 = tpu.memref_squeeze %dma_wait3A_112 : memref<1x128xi32, #tpu.memory_space<vmem>> -> memref<128xi32, #tpu.memory_space<vmem>>
      %dma_wait3A_114 = arith.constant 0 : i32
      %dma_wait3A_115 = arith.constant 0 : i32
      %dma_wait3A_116 = tpu.memref_slice %arg16[%dma_wait3A_114, %dma_wait3A_115] : memref<10240x64xf32, #tpu.memory_space<vmem_shared>> -> memref<10240x64xf32, #tpu.memory_space<vmem_shared>>
      tpu.wait_indirect_dma semaphore(%arg22 : memref<!tpu.dma_semaphore, #tpu.memory_space<semaphore_mem>>) src(%arg12 : memref<128x64xf32, #tpu.memory_space<vmem>>) dst(%dma_wait3A_116 : memref<10240x64xf32, #tpu.memory_space<vmem_shared>>)
      %dma_start3A_117 = arith.constant 5 : i32
      %dma_start3A_118 = arith.constant 0 : i32
      %dma_start3A_119 = tpu.memref_slice %arg8[%dma_start3A_117, %dma_start3A_118] : memref<16x128xi32, #tpu.memory_space<vmem>> -> memref<1x128xi32, #tpu.memory_space<vmem>>
      %dma_start3A_120 = tpu.memref_squeeze %dma_start3A_119 : memref<1x128xi32, #tpu.memory_space<vmem>> -> memref<128xi32, #tpu.memory_space<vmem>>
      %dma_start3A_121 = arith.constant 0 : i32
      %dma_start3A_122 = arith.constant 0 : i32
      %dma_start3A_123 = tpu.memref_slice %arg15[%dma_start3A_121, %dma_start3A_122] : memref<10240x64xf32, #tpu.memory_space<vmem_shared>> -> memref<10240x64xf32, #tpu.memory_space<vmem_shared>>
      tpu.enqueue_indirect_dma source(%dma_start3A_123 : memref<10240x64xf32, #tpu.memory_space<vmem_shared>>) target(%arg12 : memref<128x64xf32, #tpu.memory_space<vmem>>) offsets(%dma_start3A_120 : memref<128xi32, #tpu.memory_space<vmem>>) semaphore(%arg18 : memref<!tpu.dma_semaphore, #tpu.memory_space<semaphore_mem>>)
      %dma_start3A_124 = arith.constant 4 : i32
      %dma_start3A_125 = arith.constant 0 : i32
      %dma_start3A_126 = tpu.memref_slice %arg9[%dma_start3A_124, %dma_start3A_125] : memref<16x128xi32, #tpu.memory_space<vmem>> -> memref<1x128xi32, #tpu.memory_space<vmem>>
      %dma_start3A_127 = tpu.memref_squeeze %dma_start3A_126 : memref<1x128xi32, #tpu.memory_space<vmem>> -> memref<128xi32, #tpu.memory_space<vmem>>
      %dma_start3A_128 = arith.constant 0 : i32
      %dma_start3A_129 = arith.constant 0 : i32
      %dma_start3A_130 = tpu.memref_slice %arg16[%dma_start3A_128, %dma_start3A_129] : memref<10240x64xf32, #tpu.memory_space<vmem_shared>> -> memref<10240x64xf32, #tpu.memory_space<vmem_shared>>
      tpu.enqueue_indirect_dma source(%arg11 : memref<128x64xf32, #tpu.memory_space<vmem>>) target(%dma_start3A_130 : memref<10240x64xf32, #tpu.memory_space<vmem_shared>>) offsets(%dma_start3A_127 : memref<128xi32, #tpu.memory_space<vmem>>) semaphore(%arg21 : memref<!tpu.dma_semaphore, #tpu.memory_space<semaphore_mem>>) {add = true}
      %dma_wait3A_131 = arith.constant 0 : i32
      %dma_wait3A_132 = arith.constant 0 : i32
      %dma_wait3A_133 = tpu.memref_slice %arg15[%dma_wait3A_131, %dma_wait3A_132] : memref<10240x64xf32, #tpu.memory_space<vmem_shared>> -> memref<128x64xf32, #tpu.memory_space<vmem_shared>>
      %dma_wait3A_134 = arith.constant 0 : i32
      %dma_wait3A_135 = arith.constant 0 : i32
      %dma_wait3A_136 = tpu.memref_slice %arg15[%dma_wait3A_134, %dma_wait3A_135] : memref<10240x64xf32, #tpu.memory_space<vmem_shared>> -> memref<128x64xf32, #tpu.memory_space<vmem_shared>>
      tpu.wait_dma2 semaphore(%arg18 : memref<!tpu.dma_semaphore, #tpu.memory_space<semaphore_mem>>) src(%dma_wait3A_136 : memref<128x64xf32, #tpu.memory_space<vmem_shared>>) dst(%arg12 : memref<128x64xf32, #tpu.memory_space<vmem>>)
      %dma_wait3A_137 = arith.constant 0 : i32
      %dma_wait3A_138 = arith.constant 0 : i32
      %dma_wait3A_139 = tpu.memref_slice %arg9[%dma_wait3A_137, %dma_wait3A_138] : memref<16x128xi32, #tpu.memory_space<vmem>> -> memref<1x128xi32, #tpu.memory_space<vmem>>
      %dma_wait3A_140 = tpu.memref_squeeze %dma_wait3A_139 : memref<1x128xi32, #tpu.memory_space<vmem>> -> memref<128xi32, #tpu.memory_space<vmem>>
      %dma_wait3A_141 = arith.constant 0 : i32
      %dma_wait3A_142 = arith.constant 0 : i32
      %dma_wait3A_143 = tpu.memref_slice %arg16[%dma_wait3A_141, %dma_wait3A_142] : memref<10240x64xf32, #tpu.memory_space<vmem_shared>> -> memref<10240x64xf32, #tpu.memory_space<vmem_shared>>
      tpu.wait_indirect_dma semaphore(%arg23 : memref<!tpu.dma_semaphore, #tpu.memory_space<semaphore_mem>>) src(%arg13 : memref<128x64xf32, #tpu.memory_space<vmem>>) dst(%dma_wait3A_143 : memref<10240x64xf32, #tpu.memory_space<vmem_shared>>)
      %dma_start3A_144 = arith.constant 6 : i32
      %dma_start3A_145 = arith.constant 0 : i32
      %dma_start3A_146 = tpu.memref_slice %arg8[%dma_start3A_144, %dma_start3A_145] : memref<16x128xi32, #tpu.memory_space<vmem>> -> memref<1x128xi32, #tpu.memory_space<vmem>>
      %dma_start3A_147 = tpu.memref_squeeze %dma_start3A_146 : memref<1x128xi32, #tpu.memory_space<vmem>> -> memref<128xi32, #tpu.memory_space<vmem>>
      %dma_start3A_148 = arith.constant 0 : i32
      %dma_start3A_149 = arith.constant 0 : i32
      %dma_start3A_150 = tpu.memref_slice %arg15[%dma_start3A_148, %dma_start3A_149] : memref<10240x64xf32, #tpu.memory_space<vmem_shared>> -> memref<10240x64xf32, #tpu.memory_space<vmem_shared>>
      tpu.enqueue_indirect_dma source(%dma_start3A_150 : memref<10240x64xf32, #tpu.memory_space<vmem_shared>>) target(%arg13 : memref<128x64xf32, #tpu.memory_space<vmem>>) offsets(%dma_start3A_147 : memref<128xi32, #tpu.memory_space<vmem>>) semaphore(%arg19 : memref<!tpu.dma_semaphore, #tpu.memory_space<semaphore_mem>>)
      %dma_start3A_151 = arith.constant 5 : i32
      %dma_start3A_152 = arith.constant 0 : i32
      %dma_start3A_153 = tpu.memref_slice %arg9[%dma_start3A_151, %dma_start3A_152] : memref<16x128xi32, #tpu.memory_space<vmem>> -> memref<1x128xi32, #tpu.memory_space<vmem>>
      %dma_start3A_154 = tpu.memref_squeeze %dma_start3A_153 : memref<1x128xi32, #tpu.memory_space<vmem>> -> memref<128xi32, #tpu.memory_space<vmem>>
      %dma_start3A_155 = arith.constant 0 : i32
      %dma_start3A_156 = arith.constant 0 : i32
      %dma_start3A_157 = tpu.memref_slice %arg16[%dma_start3A_155, %dma_start3A_156] : memref<10240x64xf32, #tpu.memory_space<vmem_shared>> -> memref<10240x64xf32, #tpu.memory_space<vmem_shared>>
      tpu.enqueue_indirect_dma source(%arg12 : memref<128x64xf32, #tpu.memory_space<vmem>>) target(%dma_start3A_157 : memref<10240x64xf32, #tpu.memory_space<vmem_shared>>) offsets(%dma_start3A_154 : memref<128xi32, #tpu.memory_space<vmem>>) semaphore(%arg22 : memref<!tpu.dma_semaphore, #tpu.memory_space<semaphore_mem>>) {add = true}
      %dma_wait3A_158 = arith.constant 0 : i32
      %dma_wait3A_159 = arith.constant 0 : i32
      %dma_wait3A_160 = tpu.memref_slice %arg15[%dma_wait3A_158, %dma_wait3A_159] : memref<10240x64xf32, #tpu.memory_space<vmem_shared>> -> memref<128x64xf32, #tpu.memory_space<vmem_shared>>
      %dma_wait3A_161 = arith.constant 0 : i32
      %dma_wait3A_162 = arith.constant 0 : i32
      %dma_wait3A_163 = tpu.memref_slice %arg15[%dma_wait3A_161, %dma_wait3A_162] : memref<10240x64xf32, #tpu.memory_space<vmem_shared>> -> memref<128x64xf32, #tpu.memory_space<vmem_shared>>
      tpu.wait_dma2 semaphore(%arg19 : memref<!tpu.dma_semaphore, #tpu.memory_space<semaphore_mem>>) src(%dma_wait3A_163 : memref<128x64xf32, #tpu.memory_space<vmem_shared>>) dst(%arg13 : memref<128x64xf32, #tpu.memory_space<vmem>>)
      %dma_wait3A_164 = arith.constant 0 : i32
      %dma_wait3A_165 = arith.constant 0 : i32
      %dma_wait3A_166 = tpu.memref_slice %arg9[%dma_wait3A_164, %dma_wait3A_165] : memref<16x128xi32, #tpu.memory_space<vmem>> -> memref<1x128xi32, #tpu.memory_space<vmem>>
      %dma_wait3A_167 = tpu.memref_squeeze %dma_wait3A_166 : memref<1x128xi32, #tpu.memory_space<vmem>> -> memref<128xi32, #tpu.memory_space<vmem>>
      %dma_wait3A_168 = arith.constant 0 : i32
      %dma_wait3A_169 = arith.constant 0 : i32
      %dma_wait3A_170 = tpu.memref_slice %arg16[%dma_wait3A_168, %dma_wait3A_169] : memref<10240x64xf32, #tpu.memory_space<vmem_shared>> -> memref<10240x64xf32, #tpu.memory_space<vmem_shared>>
      tpu.wait_indirect_dma semaphore(%arg24 : memref<!tpu.dma_semaphore, #tpu.memory_space<semaphore_mem>>) src(%arg14 : memref<128x64xf32, #tpu.memory_space<vmem>>) dst(%dma_wait3A_170 : memref<10240x64xf32, #tpu.memory_space<vmem_shared>>)
      %dma_start3A_171 = arith.constant 7 : i32
      %dma_start3A_172 = arith.constant 0 : i32
      %dma_start3A_173 = tpu.memref_slice %arg8[%dma_start3A_171, %dma_start3A_172] : memref<16x128xi32, #tpu.memory_space<vmem>> -> memref<1x128xi32, #tpu.memory_space<vmem>>
      %dma_start3A_174 = tpu.memref_squeeze %dma_start3A_173 : memref<1x128xi32, #tpu.memory_space<vmem>> -> memref<128xi32, #tpu.memory_space<vmem>>
      %dma_start3A_175 = arith.constant 0 : i32
      %dma_start3A_176 = arith.constant 0 : i32
      %dma_start3A_177 = tpu.memref_slice %arg15[%dma_start3A_175, %dma_start3A_176] : memref<10240x64xf32, #tpu.memory_space<vmem_shared>> -> memref<10240x64xf32, #tpu.memory_space<vmem_shared>>
      tpu.enqueue_indirect_dma source(%dma_start3A_177 : memref<10240x64xf32, #tpu.memory_space<vmem_shared>>) target(%arg14 : memref<128x64xf32, #tpu.memory_space<vmem>>) offsets(%dma_start3A_174 : memref<128xi32, #tpu.memory_space<vmem>>) semaphore(%arg20 : memref<!tpu.dma_semaphore, #tpu.memory_space<semaphore_mem>>)
      %dma_start3A_178 = arith.constant 6 : i32
      %dma_start3A_179 = arith.constant 0 : i32
      %dma_start3A_180 = tpu.memref_slice %arg9[%dma_start3A_178, %dma_start3A_179] : memref<16x128xi32, #tpu.memory_space<vmem>> -> memref<1x128xi32, #tpu.memory_space<vmem>>
      %dma_start3A_181 = tpu.memref_squeeze %dma_start3A_180 : memref<1x128xi32, #tpu.memory_space<vmem>> -> memref<128xi32, #tpu.memory_space<vmem>>
      %dma_start3A_182 = arith.constant 0 : i32
      %dma_start3A_183 = arith.constant 0 : i32
      %dma_start3A_184 = tpu.memref_slice %arg16[%dma_start3A_182, %dma_start3A_183] : memref<10240x64xf32, #tpu.memory_space<vmem_shared>> -> memref<10240x64xf32, #tpu.memory_space<vmem_shared>>
      tpu.enqueue_indirect_dma source(%arg13 : memref<128x64xf32, #tpu.memory_space<vmem>>) target(%dma_start3A_184 : memref<10240x64xf32, #tpu.memory_space<vmem_shared>>) offsets(%dma_start3A_181 : memref<128xi32, #tpu.memory_space<vmem>>) semaphore(%arg23 : memref<!tpu.dma_semaphore, #tpu.memory_space<semaphore_mem>>) {add = true}
      %dma_wait3A_185 = arith.constant 0 : i32
      %dma_wait3A_186 = arith.constant 0 : i32
      %dma_wait3A_187 = tpu.memref_slice %arg15[%dma_wait3A_185, %dma_wait3A_186] : memref<10240x64xf32, #tpu.memory_space<vmem_shared>> -> memref<128x64xf32, #tpu.memory_space<vmem_shared>>
      %dma_wait3A_188 = arith.constant 0 : i32
      %dma_wait3A_189 = arith.constant 0 : i32
      %dma_wait3A_190 = tpu.memref_slice %arg15[%dma_wait3A_188, %dma_wait3A_189] : memref<10240x64xf32, #tpu.memory_space<vmem_shared>> -> memref<128x64xf32, #tpu.memory_space<vmem_shared>>
      tpu.wait_dma2 semaphore(%arg20 : memref<!tpu.dma_semaphore, #tpu.memory_space<semaphore_mem>>) src(%dma_wait3A_190 : memref<128x64xf32, #tpu.memory_space<vmem_shared>>) dst(%arg14 : memref<128x64xf32, #tpu.memory_space<vmem>>)
      %dma_wait3A_191 = arith.constant 0 : i32
      %dma_wait3A_192 = arith.constant 0 : i32
      %dma_wait3A_193 = tpu.memref_slice %arg9[%dma_wait3A_191, %dma_wait3A_192] : memref<16x128xi32, #tpu.memory_space<vmem>> -> memref<1x128xi32, #tpu.memory_space<vmem>>
      %dma_wait3A_194 = tpu.memref_squeeze %dma_wait3A_193 : memref<1x128xi32, #tpu.memory_space<vmem>> -> memref<128xi32, #tpu.memory_space<vmem>>
      %dma_wait3A_195 = arith.constant 0 : i32
      %dma_wait3A_196 = arith.constant 0 : i32
      %dma_wait3A_197 = tpu.memref_slice %arg16[%dma_wait3A_195, %dma_wait3A_196] : memref<10240x64xf32, #tpu.memory_space<vmem_shared>> -> memref<10240x64xf32, #tpu.memory_space<vmem_shared>>
      tpu.wait_indirect_dma semaphore(%arg21 : memref<!tpu.dma_semaphore, #tpu.memory_space<semaphore_mem>>) src(%arg11 : memref<128x64xf32, #tpu.memory_space<vmem>>) dst(%dma_wait3A_197 : memref<10240x64xf32, #tpu.memory_space<vmem_shared>>)
      %dma_start3A_198 = arith.constant 8 : i32
      %dma_start3A_199 = arith.constant 0 : i32
      %dma_start3A_200 = tpu.memref_slice %arg8[%dma_start3A_198, %dma_start3A_199] : memref<16x128xi32, #tpu.memory_space<vmem>> -> memref<1x128xi32, #tpu.memory_space<vmem>>
      %dma_start3A_201 = tpu.memref_squeeze %dma_start3A_200 : memref<1x128xi32, #tpu.memory_space<vmem>> -> memref<128xi32, #tpu.memory_space<vmem>>
      %dma_start3A_202 = arith.constant 0 : i32
      %dma_start3A_203 = arith.constant 0 : i32
      %dma_start3A_204 = tpu.memref_slice %arg15[%dma_start3A_202, %dma_start3A_203] : memref<10240x64xf32, #tpu.memory_space<vmem_shared>> -> memref<10240x64xf32, #tpu.memory_space<vmem_shared>>
      tpu.enqueue_indirect_dma source(%dma_start3A_204 : memref<10240x64xf32, #tpu.memory_space<vmem_shared>>) target(%arg11 : memref<128x64xf32, #tpu.memory_space<vmem>>) offsets(%dma_start3A_201 : memref<128xi32, #tpu.memory_space<vmem>>) semaphore(%arg17 : memref<!tpu.dma_semaphore, #tpu.memory_space<semaphore_mem>>)
      %dma_start3A_205 = arith.constant 7 : i32
      %dma_start3A_206 = arith.constant 0 : i32
      %dma_start3A_207 = tpu.memref_slice %arg9[%dma_start3A_205, %dma_start3A_206] : memref<16x128xi32, #tpu.memory_space<vmem>> -> memref<1x128xi32, #tpu.memory_space<vmem>>
      %dma_start3A_208 = tpu.memref_squeeze %dma_start3A_207 : memref<1x128xi32, #tpu.memory_space<vmem>> -> memref<128xi32, #tpu.memory_space<vmem>>
      %dma_start3A_209 = arith.constant 0 : i32
      %dma_start3A_210 = arith.constant 0 : i32
      %dma_start3A_211 = tpu.memref_slice %arg16[%dma_start3A_209, %dma_start3A_210] : memref<10240x64xf32, #tpu.memory_space<vmem_shared>> -> memref<10240x64xf32, #tpu.memory_space<vmem_shared>>
      tpu.enqueue_indirect_dma source(%arg14 : memref<128x64xf32, #tpu.memory_space<vmem>>) target(%dma_start3A_211 : memref<10240x64xf32, #tpu.memory_space<vmem_shared>>) offsets(%dma_start3A_208 : memref<128xi32, #tpu.memory_space<vmem>>) semaphore(%arg24 : memref<!tpu.dma_semaphore, #tpu.memory_space<semaphore_mem>>) {add = true}
      %dma_wait3A_212 = arith.constant 0 : i32
      %dma_wait3A_213 = arith.constant 0 : i32
      %dma_wait3A_214 = tpu.memref_slice %arg15[%dma_wait3A_212, %dma_wait3A_213] : memref<10240x64xf32, #tpu.memory_space<vmem_shared>> -> memref<128x64xf32, #tpu.memory_space<vmem_shared>>
      %dma_wait3A_215 = arith.constant 0 : i32
      %dma_wait3A_216 = arith.constant 0 : i32
      %dma_wait3A_217 = tpu.memref_slice %arg15[%dma_wait3A_215, %dma_wait3A_216] : memref<10240x64xf32, #tpu.memory_space<vmem_shared>> -> memref<128x64xf32, #tpu.memory_space<vmem_shared>>
      tpu.wait_dma2 semaphore(%arg17 : memref<!tpu.dma_semaphore, #tpu.memory_space<semaphore_mem>>) src(%dma_wait3A_217 : memref<128x64xf32, #tpu.memory_space<vmem_shared>>) dst(%arg11 : memref<128x64xf32, #tpu.memory_space<vmem>>)
      %dma_wait3A_218 = arith.constant 0 : i32
      %dma_wait3A_219 = arith.constant 0 : i32
      %dma_wait3A_220 = tpu.memref_slice %arg9[%dma_wait3A_218, %dma_wait3A_219] : memref<16x128xi32, #tpu.memory_space<vmem>> -> memref<1x128xi32, #tpu.memory_space<vmem>>
      %dma_wait3A_221 = tpu.memref_squeeze %dma_wait3A_220 : memref<1x128xi32, #tpu.memory_space<vmem>> -> memref<128xi32, #tpu.memory_space<vmem>>
      %dma_wait3A_222 = arith.constant 0 : i32
      %dma_wait3A_223 = arith.constant 0 : i32
      %dma_wait3A_224 = tpu.memref_slice %arg16[%dma_wait3A_222, %dma_wait3A_223] : memref<10240x64xf32, #tpu.memory_space<vmem_shared>> -> memref<10240x64xf32, #tpu.memory_space<vmem_shared>>
      tpu.wait_indirect_dma semaphore(%arg22 : memref<!tpu.dma_semaphore, #tpu.memory_space<semaphore_mem>>) src(%arg12 : memref<128x64xf32, #tpu.memory_space<vmem>>) dst(%dma_wait3A_224 : memref<10240x64xf32, #tpu.memory_space<vmem_shared>>)
      %dma_start3A_225 = arith.constant 9 : i32
      %dma_start3A_226 = arith.constant 0 : i32
      %dma_start3A_227 = tpu.memref_slice %arg8[%dma_start3A_225, %dma_start3A_226] : memref<16x128xi32, #tpu.memory_space<vmem>> -> memref<1x128xi32, #tpu.memory_space<vmem>>
      %dma_start3A_228 = tpu.memref_squeeze %dma_start3A_227 : memref<1x128xi32, #tpu.memory_space<vmem>> -> memref<128xi32, #tpu.memory_space<vmem>>
      %dma_start3A_229 = arith.constant 0 : i32
      %dma_start3A_230 = arith.constant 0 : i32
      %dma_start3A_231 = tpu.memref_slice %arg15[%dma_start3A_229, %dma_start3A_230] : memref<10240x64xf32, #tpu.memory_space<vmem_shared>> -> memref<10240x64xf32, #tpu.memory_space<vmem_shared>>
      tpu.enqueue_indirect_dma source(%dma_start3A_231 : memref<10240x64xf32, #tpu.memory_space<vmem_shared>>) target(%arg12 : memref<128x64xf32, #tpu.memory_space<vmem>>) offsets(%dma_start3A_228 : memref<128xi32, #tpu.memory_space<vmem>>) semaphore(%arg18 : memref<!tpu.dma_semaphore, #tpu.memory_space<semaphore_mem>>)
      %dma_start3A_232 = arith.constant 8 : i32
      %dma_start3A_233 = arith.constant 0 : i32
      %dma_start3A_234 = tpu.memref_slice %arg9[%dma_start3A_232, %dma_start3A_233] : memref<16x128xi32, #tpu.memory_space<vmem>> -> memref<1x128xi32, #tpu.memory_space<vmem>>
      %dma_start3A_235 = tpu.memref_squeeze %dma_start3A_234 : memref<1x128xi32, #tpu.memory_space<vmem>> -> memref<128xi32, #tpu.memory_space<vmem>>
      %dma_start3A_236 = arith.constant 0 : i32
      %dma_start3A_237 = arith.constant 0 : i32
      %dma_start3A_238 = tpu.memref_slice %arg16[%dma_start3A_236, %dma_start3A_237] : memref<10240x64xf32, #tpu.memory_space<vmem_shared>> -> memref<10240x64xf32, #tpu.memory_space<vmem_shared>>
      tpu.enqueue_indirect_dma source(%arg11 : memref<128x64xf32, #tpu.memory_space<vmem>>) target(%dma_start3A_238 : memref<10240x64xf32, #tpu.memory_space<vmem_shared>>) offsets(%dma_start3A_235 : memref<128xi32, #tpu.memory_space<vmem>>) semaphore(%arg21 : memref<!tpu.dma_semaphore, #tpu.memory_space<semaphore_mem>>) {add = true}
      %dma_wait3A_239 = arith.constant 0 : i32
      %dma_wait3A_240 = arith.constant 0 : i32
      %dma_wait3A_241 = tpu.memref_slice %arg15[%dma_wait3A_239, %dma_wait3A_240] : memref<10240x64xf32, #tpu.memory_space<vmem_shared>> -> memref<128x64xf32, #tpu.memory_space<vmem_shared>>
      %dma_wait3A_242 = arith.constant 0 : i32
      %dma_wait3A_243 = arith.constant 0 : i32
      %dma_wait3A_244 = tpu.memref_slice %arg15[%dma_wait3A_242, %dma_wait3A_243] : memref<10240x64xf32, #tpu.memory_space<vmem_shared>> -> memref<128x64xf32, #tpu.memory_space<vmem_shared>>
      tpu.wait_dma2 semaphore(%arg18 : memref<!tpu.dma_semaphore, #tpu.memory_space<semaphore_mem>>) src(%dma_wait3A_244 : memref<128x64xf32, #tpu.memory_space<vmem_shared>>) dst(%arg12 : memref<128x64xf32, #tpu.memory_space<vmem>>)
      %dma_wait3A_245 = arith.constant 0 : i32
      %dma_wait3A_246 = arith.constant 0 : i32
      %dma_wait3A_247 = tpu.memref_slice %arg9[%dma_wait3A_245, %dma_wait3A_246] : memref<16x128xi32, #tpu.memory_space<vmem>> -> memref<1x128xi32, #tpu.memory_space<vmem>>
      %dma_wait3A_248 = tpu.memref_squeeze %dma_wait3A_247 : memref<1x128xi32, #tpu.memory_space<vmem>> -> memref<128xi32, #tpu.memory_space<vmem>>
      %dma_wait3A_249 = arith.constant 0 : i32
      %dma_wait3A_250 = arith.constant 0 : i32
      %dma_wait3A_251 = tpu.memref_slice %arg16[%dma_wait3A_249, %dma_wait3A_250] : memref<10240x64xf32, #tpu.memory_space<vmem_shared>> -> memref<10240x64xf32, #tpu.memory_space<vmem_shared>>
      tpu.wait_indirect_dma semaphore(%arg23 : memref<!tpu.dma_semaphore, #tpu.memory_space<semaphore_mem>>) src(%arg13 : memref<128x64xf32, #tpu.memory_space<vmem>>) dst(%dma_wait3A_251 : memref<10240x64xf32, #tpu.memory_space<vmem_shared>>)
      %dma_start3A_252 = arith.constant 10 : i32
      %dma_start3A_253 = arith.constant 0 : i32
      %dma_start3A_254 = tpu.memref_slice %arg8[%dma_start3A_252, %dma_start3A_253] : memref<16x128xi32, #tpu.memory_space<vmem>> -> memref<1x128xi32, #tpu.memory_space<vmem>>
      %dma_start3A_255 = tpu.memref_squeeze %dma_start3A_254 : memref<1x128xi32, #tpu.memory_space<vmem>> -> memref<128xi32, #tpu.memory_space<vmem>>
      %dma_start3A_256 = arith.constant 0 : i32
      %dma_start3A_257 = arith.constant 0 : i32
      %dma_start3A_258 = tpu.memref_slice %arg15[%dma_start3A_256, %dma_start3A_257] : memref<10240x64xf32, #tpu.memory_space<vmem_shared>> -> memref<10240x64xf32, #tpu.memory_space<vmem_shared>>
      tpu.enqueue_indirect_dma source(%dma_start3A_258 : memref<10240x64xf32, #tpu.memory_space<vmem_shared>>) target(%arg13 : memref<128x64xf32, #tpu.memory_space<vmem>>) offsets(%dma_start3A_255 : memref<128xi32, #tpu.memory_space<vmem>>) semaphore(%arg19 : memref<!tpu.dma_semaphore, #tpu.memory_space<semaphore_mem>>)
      %dma_start3A_259 = arith.constant 9 : i32
      %dma_start3A_260 = arith.constant 0 : i32
      %dma_start3A_261 = tpu.memref_slice %arg9[%dma_start3A_259, %dma_start3A_260] : memref<16x128xi32, #tpu.memory_space<vmem>> -> memref<1x128xi32, #tpu.memory_space<vmem>>
      %dma_start3A_262 = tpu.memref_squeeze %dma_start3A_261 : memref<1x128xi32, #tpu.memory_space<vmem>> -> memref<128xi32, #tpu.memory_space<vmem>>
      %dma_start3A_263 = arith.constant 0 : i32
      %dma_start3A_264 = arith.constant 0 : i32
      %dma_start3A_265 = tpu.memref_slice %arg16[%dma_start3A_263, %dma_start3A_264] : memref<10240x64xf32, #tpu.memory_space<vmem_shared>> -> memref<10240x64xf32, #tpu.memory_space<vmem_shared>>
      tpu.enqueue_indirect_dma source(%arg12 : memref<128x64xf32, #tpu.memory_space<vmem>>) target(%dma_start3A_265 : memref<10240x64xf32, #tpu.memory_space<vmem_shared>>) offsets(%dma_start3A_262 : memref<128xi32, #tpu.memory_space<vmem>>) semaphore(%arg22 : memref<!tpu.dma_semaphore, #tpu.memory_space<semaphore_mem>>) {add = true}
      %dma_wait3A_266 = arith.constant 0 : i32
      %dma_wait3A_267 = arith.constant 0 : i32
      %dma_wait3A_268 = tpu.memref_slice %arg15[%dma_wait3A_266, %dma_wait3A_267] : memref<10240x64xf32, #tpu.memory_space<vmem_shared>> -> memref<128x64xf32, #tpu.memory_space<vmem_shared>>
      %dma_wait3A_269 = arith.constant 0 : i32
      %dma_wait3A_270 = arith.constant 0 : i32
      %dma_wait3A_271 = tpu.memref_slice %arg15[%dma_wait3A_269, %dma_wait3A_270] : memref<10240x64xf32, #tpu.memory_space<vmem_shared>> -> memref<128x64xf32, #tpu.memory_space<vmem_shared>>
      tpu.wait_dma2 semaphore(%arg19 : memref<!tpu.dma_semaphore, #tpu.memory_space<semaphore_mem>>) src(%dma_wait3A_271 : memref<128x64xf32, #tpu.memory_space<vmem_shared>>) dst(%arg13 : memref<128x64xf32, #tpu.memory_space<vmem>>)
      %dma_wait3A_272 = arith.constant 0 : i32
      %dma_wait3A_273 = arith.constant 0 : i32
      %dma_wait3A_274 = tpu.memref_slice %arg9[%dma_wait3A_272, %dma_wait3A_273] : memref<16x128xi32, #tpu.memory_space<vmem>> -> memref<1x128xi32, #tpu.memory_space<vmem>>
      %dma_wait3A_275 = tpu.memref_squeeze %dma_wait3A_274 : memref<1x128xi32, #tpu.memory_space<vmem>> -> memref<128xi32, #tpu.memory_space<vmem>>
      %dma_wait3A_276 = arith.constant 0 : i32
      %dma_wait3A_277 = arith.constant 0 : i32
      %dma_wait3A_278 = tpu.memref_slice %arg16[%dma_wait3A_276, %dma_wait3A_277] : memref<10240x64xf32, #tpu.memory_space<vmem_shared>> -> memref<10240x64xf32, #tpu.memory_space<vmem_shared>>
      tpu.wait_indirect_dma semaphore(%arg24 : memref<!tpu.dma_semaphore, #tpu.memory_space<semaphore_mem>>) src(%arg14 : memref<128x64xf32, #tpu.memory_space<vmem>>) dst(%dma_wait3A_278 : memref<10240x64xf32, #tpu.memory_space<vmem_shared>>)
      %dma_start3A_279 = arith.constant 11 : i32
      %dma_start3A_280 = arith.constant 0 : i32
      %dma_start3A_281 = tpu.memref_slice %arg8[%dma_start3A_279, %dma_start3A_280] : memref<16x128xi32, #tpu.memory_space<vmem>> -> memref<1x128xi32, #tpu.memory_space<vmem>>
      %dma_start3A_282 = tpu.memref_squeeze %dma_start3A_281 : memref<1x128xi32, #tpu.memory_space<vmem>> -> memref<128xi32, #tpu.memory_space<vmem>>
      %dma_start3A_283 = arith.constant 0 : i32
      %dma_start3A_284 = arith.constant 0 : i32
      %dma_start3A_285 = tpu.memref_slice %arg15[%dma_start3A_283, %dma_start3A_284] : memref<10240x64xf32, #tpu.memory_space<vmem_shared>> -> memref<10240x64xf32, #tpu.memory_space<vmem_shared>>
      tpu.enqueue_indirect_dma source(%dma_start3A_285 : memref<10240x64xf32, #tpu.memory_space<vmem_shared>>) target(%arg14 : memref<128x64xf32, #tpu.memory_space<vmem>>) offsets(%dma_start3A_282 : memref<128xi32, #tpu.memory_space<vmem>>) semaphore(%arg20 : memref<!tpu.dma_semaphore, #tpu.memory_space<semaphore_mem>>)
      %dma_start3A_286 = arith.constant 10 : i32
      %dma_start3A_287 = arith.constant 0 : i32
      %dma_start3A_288 = tpu.memref_slice %arg9[%dma_start3A_286, %dma_start3A_287] : memref<16x128xi32, #tpu.memory_space<vmem>> -> memref<1x128xi32, #tpu.memory_space<vmem>>
      %dma_start3A_289 = tpu.memref_squeeze %dma_start3A_288 : memref<1x128xi32, #tpu.memory_space<vmem>> -> memref<128xi32, #tpu.memory_space<vmem>>
      %dma_start3A_290 = arith.constant 0 : i32
      %dma_start3A_291 = arith.constant 0 : i32
      %dma_start3A_292 = tpu.memref_slice %arg16[%dma_start3A_290, %dma_start3A_291] : memref<10240x64xf32, #tpu.memory_space<vmem_shared>> -> memref<10240x64xf32, #tpu.memory_space<vmem_shared>>
      tpu.enqueue_indirect_dma source(%arg13 : memref<128x64xf32, #tpu.memory_space<vmem>>) target(%dma_start3A_292 : memref<10240x64xf32, #tpu.memory_space<vmem_shared>>) offsets(%dma_start3A_289 : memref<128xi32, #tpu.memory_space<vmem>>) semaphore(%arg23 : memref<!tpu.dma_semaphore, #tpu.memory_space<semaphore_mem>>) {add = true}
      %dma_wait3A_293 = arith.constant 0 : i32
      %dma_wait3A_294 = arith.constant 0 : i32
      %dma_wait3A_295 = tpu.memref_slice %arg15[%dma_wait3A_293, %dma_wait3A_294] : memref<10240x64xf32, #tpu.memory_space<vmem_shared>> -> memref<128x64xf32, #tpu.memory_space<vmem_shared>>
      %dma_wait3A_296 = arith.constant 0 : i32
      %dma_wait3A_297 = arith.constant 0 : i32
      %dma_wait3A_298 = tpu.memref_slice %arg15[%dma_wait3A_296, %dma_wait3A_297] : memref<10240x64xf32, #tpu.memory_space<vmem_shared>> -> memref<128x64xf32, #tpu.memory_space<vmem_shared>>
      tpu.wait_dma2 semaphore(%arg20 : memref<!tpu.dma_semaphore, #tpu.memory_space<semaphore_mem>>) src(%dma_wait3A_298 : memref<128x64xf32, #tpu.memory_space<vmem_shared>>) dst(%arg14 : memref<128x64xf32, #tpu.memory_space<vmem>>)
      %dma_wait3A_299 = arith.constant 0 : i32
      %dma_wait3A_300 = arith.constant 0 : i32
      %dma_wait3A_301 = tpu.memref_slice %arg9[%dma_wait3A_299, %dma_wait3A_300] : memref<16x128xi32, #tpu.memory_space<vmem>> -> memref<1x128xi32, #tpu.memory_space<vmem>>
      %dma_wait3A_302 = tpu.memref_squeeze %dma_wait3A_301 : memref<1x128xi32, #tpu.memory_space<vmem>> -> memref<128xi32, #tpu.memory_space<vmem>>
      %dma_wait3A_303 = arith.constant 0 : i32
      %dma_wait3A_304 = arith.constant 0 : i32
      %dma_wait3A_305 = tpu.memref_slice %arg16[%dma_wait3A_303, %dma_wait3A_304] : memref<10240x64xf32, #tpu.memory_space<vmem_shared>> -> memref<10240x64xf32, #tpu.memory_space<vmem_shared>>
      tpu.wait_indirect_dma semaphore(%arg21 : memref<!tpu.dma_semaphore, #tpu.memory_space<semaphore_mem>>) src(%arg11 : memref<128x64xf32, #tpu.memory_space<vmem>>) dst(%dma_wait3A_305 : memref<10240x64xf32, #tpu.memory_space<vmem_shared>>)
      %dma_start3A_306 = arith.constant 12 : i32
      %dma_start3A_307 = arith.constant 0 : i32
      %dma_start3A_308 = tpu.memref_slice %arg8[%dma_start3A_306, %dma_start3A_307] : memref<16x128xi32, #tpu.memory_space<vmem>> -> memref<1x128xi32, #tpu.memory_space<vmem>>
      %dma_start3A_309 = tpu.memref_squeeze %dma_start3A_308 : memref<1x128xi32, #tpu.memory_space<vmem>> -> memref<128xi32, #tpu.memory_space<vmem>>
      %dma_start3A_310 = arith.constant 0 : i32
      %dma_start3A_311 = arith.constant 0 : i32
      %dma_start3A_312 = tpu.memref_slice %arg15[%dma_start3A_310, %dma_start3A_311] : memref<10240x64xf32, #tpu.memory_space<vmem_shared>> -> memref<10240x64xf32, #tpu.memory_space<vmem_shared>>
      tpu.enqueue_indirect_dma source(%dma_start3A_312 : memref<10240x64xf32, #tpu.memory_space<vmem_shared>>) target(%arg11 : memref<128x64xf32, #tpu.memory_space<vmem>>) offsets(%dma_start3A_309 : memref<128xi32, #tpu.memory_space<vmem>>) semaphore(%arg17 : memref<!tpu.dma_semaphore, #tpu.memory_space<semaphore_mem>>)
      %dma_start3A_313 = arith.constant 11 : i32
      %dma_start3A_314 = arith.constant 0 : i32
      %dma_start3A_315 = tpu.memref_slice %arg9[%dma_start3A_313, %dma_start3A_314] : memref<16x128xi32, #tpu.memory_space<vmem>> -> memref<1x128xi32, #tpu.memory_space<vmem>>
      %dma_start3A_316 = tpu.memref_squeeze %dma_start3A_315 : memref<1x128xi32, #tpu.memory_space<vmem>> -> memref<128xi32, #tpu.memory_space<vmem>>
      %dma_start3A_317 = arith.constant 0 : i32
      %dma_start3A_318 = arith.constant 0 : i32
      %dma_start3A_319 = tpu.memref_slice %arg16[%dma_start3A_317, %dma_start3A_318] : memref<10240x64xf32, #tpu.memory_space<vmem_shared>> -> memref<10240x64xf32, #tpu.memory_space<vmem_shared>>
      tpu.enqueue_indirect_dma source(%arg14 : memref<128x64xf32, #tpu.memory_space<vmem>>) target(%dma_start3A_319 : memref<10240x64xf32, #tpu.memory_space<vmem_shared>>) offsets(%dma_start3A_316 : memref<128xi32, #tpu.memory_space<vmem>>) semaphore(%arg24 : memref<!tpu.dma_semaphore, #tpu.memory_space<semaphore_mem>>) {add = true}
      %dma_wait3A_320 = arith.constant 0 : i32
      %dma_wait3A_321 = arith.constant 0 : i32
      %dma_wait3A_322 = tpu.memref_slice %arg15[%dma_wait3A_320, %dma_wait3A_321] : memref<10240x64xf32, #tpu.memory_space<vmem_shared>> -> memref<128x64xf32, #tpu.memory_space<vmem_shared>>
      %dma_wait3A_323 = arith.constant 0 : i32
      %dma_wait3A_324 = arith.constant 0 : i32
      %dma_wait3A_325 = tpu.memref_slice %arg15[%dma_wait3A_323, %dma_wait3A_324] : memref<10240x64xf32, #tpu.memory_space<vmem_shared>> -> memref<128x64xf32, #tpu.memory_space<vmem_shared>>
      tpu.wait_dma2 semaphore(%arg17 : memref<!tpu.dma_semaphore, #tpu.memory_space<semaphore_mem>>) src(%dma_wait3A_325 : memref<128x64xf32, #tpu.memory_space<vmem_shared>>) dst(%arg11 : memref<128x64xf32, #tpu.memory_space<vmem>>)
      %dma_wait3A_326 = arith.constant 0 : i32
      %dma_wait3A_327 = arith.constant 0 : i32
      %dma_wait3A_328 = tpu.memref_slice %arg9[%dma_wait3A_326, %dma_wait3A_327] : memref<16x128xi32, #tpu.memory_space<vmem>> -> memref<1x128xi32, #tpu.memory_space<vmem>>
      %dma_wait3A_329 = tpu.memref_squeeze %dma_wait3A_328 : memref<1x128xi32, #tpu.memory_space<vmem>> -> memref<128xi32, #tpu.memory_space<vmem>>
      %dma_wait3A_330 = arith.constant 0 : i32
      %dma_wait3A_331 = arith.constant 0 : i32
      %dma_wait3A_332 = tpu.memref_slice %arg16[%dma_wait3A_330, %dma_wait3A_331] : memref<10240x64xf32, #tpu.memory_space<vmem_shared>> -> memref<10240x64xf32, #tpu.memory_space<vmem_shared>>
      tpu.wait_indirect_dma semaphore(%arg22 : memref<!tpu.dma_semaphore, #tpu.memory_space<semaphore_mem>>) src(%arg12 : memref<128x64xf32, #tpu.memory_space<vmem>>) dst(%dma_wait3A_332 : memref<10240x64xf32, #tpu.memory_space<vmem_shared>>)
      %dma_start3A_333 = arith.constant 13 : i32
      %dma_start3A_334 = arith.constant 0 : i32
      %dma_start3A_335 = tpu.memref_slice %arg8[%dma_start3A_333, %dma_start3A_334] : memref<16x128xi32, #tpu.memory_space<vmem>> -> memref<1x128xi32, #tpu.memory_space<vmem>>
      %dma_start3A_336 = tpu.memref_squeeze %dma_start3A_335 : memref<1x128xi32, #tpu.memory_space<vmem>> -> memref<128xi32, #tpu.memory_space<vmem>>
      %dma_start3A_337 = arith.constant 0 : i32
      %dma_start3A_338 = arith.constant 0 : i32
      %dma_start3A_339 = tpu.memref_slice %arg15[%dma_start3A_337, %dma_start3A_338] : memref<10240x64xf32, #tpu.memory_space<vmem_shared>> -> memref<10240x64xf32, #tpu.memory_space<vmem_shared>>
      tpu.enqueue_indirect_dma source(%dma_start3A_339 : memref<10240x64xf32, #tpu.memory_space<vmem_shared>>) target(%arg12 : memref<128x64xf32, #tpu.memory_space<vmem>>) offsets(%dma_start3A_336 : memref<128xi32, #tpu.memory_space<vmem>>) semaphore(%arg18 : memref<!tpu.dma_semaphore, #tpu.memory_space<semaphore_mem>>)
      %dma_start3A_340 = arith.constant 12 : i32
      %dma_start3A_341 = arith.constant 0 : i32
      %dma_start3A_342 = tpu.memref_slice %arg9[%dma_start3A_340, %dma_start3A_341] : memref<16x128xi32, #tpu.memory_space<vmem>> -> memref<1x128xi32, #tpu.memory_space<vmem>>
      %dma_start3A_343 = tpu.memref_squeeze %dma_start3A_342 : memref<1x128xi32, #tpu.memory_space<vmem>> -> memref<128xi32, #tpu.memory_space<vmem>>
      %dma_start3A_344 = arith.constant 0 : i32
      %dma_start3A_345 = arith.constant 0 : i32
      %dma_start3A_346 = tpu.memref_slice %arg16[%dma_start3A_344, %dma_start3A_345] : memref<10240x64xf32, #tpu.memory_space<vmem_shared>> -> memref<10240x64xf32, #tpu.memory_space<vmem_shared>>
      tpu.enqueue_indirect_dma source(%arg11 : memref<128x64xf32, #tpu.memory_space<vmem>>) target(%dma_start3A_346 : memref<10240x64xf32, #tpu.memory_space<vmem_shared>>) offsets(%dma_start3A_343 : memref<128xi32, #tpu.memory_space<vmem>>) semaphore(%arg21 : memref<!tpu.dma_semaphore, #tpu.memory_space<semaphore_mem>>) {add = true}
      %dma_wait3A_347 = arith.constant 0 : i32
      %dma_wait3A_348 = arith.constant 0 : i32
      %dma_wait3A_349 = tpu.memref_slice %arg15[%dma_wait3A_347, %dma_wait3A_348] : memref<10240x64xf32, #tpu.memory_space<vmem_shared>> -> memref<128x64xf32, #tpu.memory_space<vmem_shared>>
      %dma_wait3A_350 = arith.constant 0 : i32
      %dma_wait3A_351 = arith.constant 0 : i32
      %dma_wait3A_352 = tpu.memref_slice %arg15[%dma_wait3A_350, %dma_wait3A_351] : memref<10240x64xf32, #tpu.memory_space<vmem_shared>> -> memref<128x64xf32, #tpu.memory_space<vmem_shared>>
      tpu.wait_dma2 semaphore(%arg18 : memref<!tpu.dma_semaphore, #tpu.memory_space<semaphore_mem>>) src(%dma_wait3A_352 : memref<128x64xf32, #tpu.memory_space<vmem_shared>>) dst(%arg12 : memref<128x64xf32, #tpu.memory_space<vmem>>)
      %dma_wait3A_353 = arith.constant 0 : i32
      %dma_wait3A_354 = arith.constant 0 : i32
      %dma_wait3A_355 = tpu.memref_slice %arg9[%dma_wait3A_353, %dma_wait3A_354] : memref<16x128xi32, #tpu.memory_space<vmem>> -> memref<1x128xi32, #tpu.memory_space<vmem>>
      %dma_wait3A_356 = tpu.memref_squeeze %dma_wait3A_355 : memref<1x128xi32, #tpu.memory_space<vmem>> -> memref<128xi32, #tpu.memory_space<vmem>>
      %dma_wait3A_357 = arith.constant 0 : i32
      %dma_wait3A_358 = arith.constant 0 : i32
      %dma_wait3A_359 = tpu.memref_slice %arg16[%dma_wait3A_357, %dma_wait3A_358] : memref<10240x64xf32, #tpu.memory_space<vmem_shared>> -> memref<10240x64xf32, #tpu.memory_space<vmem_shared>>
      tpu.wait_indirect_dma semaphore(%arg23 : memref<!tpu.dma_semaphore, #tpu.memory_space<semaphore_mem>>) src(%arg13 : memref<128x64xf32, #tpu.memory_space<vmem>>) dst(%dma_wait3A_359 : memref<10240x64xf32, #tpu.memory_space<vmem_shared>>)
      %dma_start3A_360 = arith.constant 14 : i32
      %dma_start3A_361 = arith.constant 0 : i32
      %dma_start3A_362 = tpu.memref_slice %arg8[%dma_start3A_360, %dma_start3A_361] : memref<16x128xi32, #tpu.memory_space<vmem>> -> memref<1x128xi32, #tpu.memory_space<vmem>>
      %dma_start3A_363 = tpu.memref_squeeze %dma_start3A_362 : memref<1x128xi32, #tpu.memory_space<vmem>> -> memref<128xi32, #tpu.memory_space<vmem>>
      %dma_start3A_364 = arith.constant 0 : i32
      %dma_start3A_365 = arith.constant 0 : i32
      %dma_start3A_366 = tpu.memref_slice %arg15[%dma_start3A_364, %dma_start3A_365] : memref<10240x64xf32, #tpu.memory_space<vmem_shared>> -> memref<10240x64xf32, #tpu.memory_space<vmem_shared>>
      tpu.enqueue_indirect_dma source(%dma_start3A_366 : memref<10240x64xf32, #tpu.memory_space<vmem_shared>>) target(%arg13 : memref<128x64xf32, #tpu.memory_space<vmem>>) offsets(%dma_start3A_363 : memref<128xi32, #tpu.memory_space<vmem>>) semaphore(%arg19 : memref<!tpu.dma_semaphore, #tpu.memory_space<semaphore_mem>>)
      %dma_start3A_367 = arith.constant 13 : i32
      %dma_start3A_368 = arith.constant 0 : i32
      %dma_start3A_369 = tpu.memref_slice %arg9[%dma_start3A_367, %dma_start3A_368] : memref<16x128xi32, #tpu.memory_space<vmem>> -> memref<1x128xi32, #tpu.memory_space<vmem>>
      %dma_start3A_370 = tpu.memref_squeeze %dma_start3A_369 : memref<1x128xi32, #tpu.memory_space<vmem>> -> memref<128xi32, #tpu.memory_space<vmem>>
      %dma_start3A_371 = arith.constant 0 : i32
      %dma_start3A_372 = arith.constant 0 : i32
      %dma_start3A_373 = tpu.memref_slice %arg16[%dma_start3A_371, %dma_start3A_372] : memref<10240x64xf32, #tpu.memory_space<vmem_shared>> -> memref<10240x64xf32, #tpu.memory_space<vmem_shared>>
      tpu.enqueue_indirect_dma source(%arg12 : memref<128x64xf32, #tpu.memory_space<vmem>>) target(%dma_start3A_373 : memref<10240x64xf32, #tpu.memory_space<vmem_shared>>) offsets(%dma_start3A_370 : memref<128xi32, #tpu.memory_space<vmem>>) semaphore(%arg22 : memref<!tpu.dma_semaphore, #tpu.memory_space<semaphore_mem>>) {add = true}
      %dma_wait3A_374 = arith.constant 0 : i32
      %dma_wait3A_375 = arith.constant 0 : i32
      %dma_wait3A_376 = tpu.memref_slice %arg15[%dma_wait3A_374, %dma_wait3A_375] : memref<10240x64xf32, #tpu.memory_space<vmem_shared>> -> memref<128x64xf32, #tpu.memory_space<vmem_shared>>
      %dma_wait3A_377 = arith.constant 0 : i32
      %dma_wait3A_378 = arith.constant 0 : i32
      %dma_wait3A_379 = tpu.memref_slice %arg15[%dma_wait3A_377, %dma_wait3A_378] : memref<10240x64xf32, #tpu.memory_space<vmem_shared>> -> memref<128x64xf32, #tpu.memory_space<vmem_shared>>
      tpu.wait_dma2 semaphore(%arg19 : memref<!tpu.dma_semaphore, #tpu.memory_space<semaphore_mem>>) src(%dma_wait3A_379 : memref<128x64xf32, #tpu.memory_space<vmem_shared>>) dst(%arg13 : memref<128x64xf32, #tpu.memory_space<vmem>>)
      %dma_wait3A_380 = arith.constant 0 : i32
      %dma_wait3A_381 = arith.constant 0 : i32
      %dma_wait3A_382 = tpu.memref_slice %arg9[%dma_wait3A_380, %dma_wait3A_381] : memref<16x128xi32, #tpu.memory_space<vmem>> -> memref<1x128xi32, #tpu.memory_space<vmem>>
      %dma_wait3A_383 = tpu.memref_squeeze %dma_wait3A_382 : memref<1x128xi32, #tpu.memory_space<vmem>> -> memref<128xi32, #tpu.memory_space<vmem>>
      %dma_wait3A_384 = arith.constant 0 : i32
      %dma_wait3A_385 = arith.constant 0 : i32
      %dma_wait3A_386 = tpu.memref_slice %arg16[%dma_wait3A_384, %dma_wait3A_385] : memref<10240x64xf32, #tpu.memory_space<vmem_shared>> -> memref<10240x64xf32, #tpu.memory_space<vmem_shared>>
      tpu.wait_indirect_dma semaphore(%arg24 : memref<!tpu.dma_semaphore, #tpu.memory_space<semaphore_mem>>) src(%arg14 : memref<128x64xf32, #tpu.memory_space<vmem>>) dst(%dma_wait3A_386 : memref<10240x64xf32, #tpu.memory_space<vmem_shared>>)
      %dma_start3A_387 = arith.constant 15 : i32
      %dma_start3A_388 = arith.constant 0 : i32
      %dma_start3A_389 = tpu.memref_slice %arg8[%dma_start3A_387, %dma_start3A_388] : memref<16x128xi32, #tpu.memory_space<vmem>> -> memref<1x128xi32, #tpu.memory_space<vmem>>
      %dma_start3A_390 = tpu.memref_squeeze %dma_start3A_389 : memref<1x128xi32, #tpu.memory_space<vmem>> -> memref<128xi32, #tpu.memory_space<vmem>>
      %dma_start3A_391 = arith.constant 0 : i32
      %dma_start3A_392 = arith.constant 0 : i32
      %dma_start3A_393 = tpu.memref_slice %arg15[%dma_start3A_391, %dma_start3A_392] : memref<10240x64xf32, #tpu.memory_space<vmem_shared>> -> memref<10240x64xf32, #tpu.memory_space<vmem_shared>>
      tpu.enqueue_indirect_dma source(%dma_start3A_393 : memref<10240x64xf32, #tpu.memory_space<vmem_shared>>) target(%arg14 : memref<128x64xf32, #tpu.memory_space<vmem>>) offsets(%dma_start3A_390 : memref<128xi32, #tpu.memory_space<vmem>>) semaphore(%arg20 : memref<!tpu.dma_semaphore, #tpu.memory_space<semaphore_mem>>)
      %dma_start3A_394 = arith.constant 14 : i32
      %dma_start3A_395 = arith.constant 0 : i32
      %dma_start3A_396 = tpu.memref_slice %arg9[%dma_start3A_394, %dma_start3A_395] : memref<16x128xi32, #tpu.memory_space<vmem>> -> memref<1x128xi32, #tpu.memory_space<vmem>>
      %dma_start3A_397 = tpu.memref_squeeze %dma_start3A_396 : memref<1x128xi32, #tpu.memory_space<vmem>> -> memref<128xi32, #tpu.memory_space<vmem>>
      %dma_start3A_398 = arith.constant 0 : i32
      %dma_start3A_399 = arith.constant 0 : i32
      %dma_start3A_400 = tpu.memref_slice %arg16[%dma_start3A_398, %dma_start3A_399] : memref<10240x64xf32, #tpu.memory_space<vmem_shared>> -> memref<10240x64xf32, #tpu.memory_space<vmem_shared>>
      tpu.enqueue_indirect_dma source(%arg13 : memref<128x64xf32, #tpu.memory_space<vmem>>) target(%dma_start3A_400 : memref<10240x64xf32, #tpu.memory_space<vmem_shared>>) offsets(%dma_start3A_397 : memref<128xi32, #tpu.memory_space<vmem>>) semaphore(%arg23 : memref<!tpu.dma_semaphore, #tpu.memory_space<semaphore_mem>>) {add = true}
      %dma_wait3A_401 = arith.constant 0 : i32
      %dma_wait3A_402 = arith.constant 0 : i32
      %dma_wait3A_403 = tpu.memref_slice %arg15[%dma_wait3A_401, %dma_wait3A_402] : memref<10240x64xf32, #tpu.memory_space<vmem_shared>> -> memref<128x64xf32, #tpu.memory_space<vmem_shared>>
      %dma_wait3A_404 = arith.constant 0 : i32
      %dma_wait3A_405 = arith.constant 0 : i32
      %dma_wait3A_406 = tpu.memref_slice %arg15[%dma_wait3A_404, %dma_wait3A_405] : memref<10240x64xf32, #tpu.memory_space<vmem_shared>> -> memref<128x64xf32, #tpu.memory_space<vmem_shared>>
      tpu.wait_dma2 semaphore(%arg20 : memref<!tpu.dma_semaphore, #tpu.memory_space<semaphore_mem>>) src(%dma_wait3A_406 : memref<128x64xf32, #tpu.memory_space<vmem_shared>>) dst(%arg14 : memref<128x64xf32, #tpu.memory_space<vmem>>)
      %dma_start3A_407 = arith.constant 15 : i32
      %dma_start3A_408 = arith.constant 0 : i32
      %dma_start3A_409 = tpu.memref_slice %arg9[%dma_start3A_407, %dma_start3A_408] : memref<16x128xi32, #tpu.memory_space<vmem>> -> memref<1x128xi32, #tpu.memory_space<vmem>>
      %dma_start3A_410 = tpu.memref_squeeze %dma_start3A_409 : memref<1x128xi32, #tpu.memory_space<vmem>> -> memref<128xi32, #tpu.memory_space<vmem>>
      %dma_start3A_411 = arith.constant 0 : i32
      %dma_start3A_412 = arith.constant 0 : i32
      %dma_start3A_413 = tpu.memref_slice %arg16[%dma_start3A_411, %dma_start3A_412] : memref<10240x64xf32, #tpu.memory_space<vmem_shared>> -> memref<10240x64xf32, #tpu.memory_space<vmem_shared>>
      tpu.enqueue_indirect_dma source(%arg14 : memref<128x64xf32, #tpu.memory_space<vmem>>) target(%dma_start3A_413 : memref<10240x64xf32, #tpu.memory_space<vmem_shared>>) offsets(%dma_start3A_410 : memref<128xi32, #tpu.memory_space<vmem>>) semaphore(%arg24 : memref<!tpu.dma_semaphore, #tpu.memory_space<semaphore_mem>>) {add = true}
      %dma_wait3A_414 = arith.constant 0 : i32
      %dma_wait3A_415 = arith.constant 0 : i32
      %dma_wait3A_416 = tpu.memref_slice %arg9[%dma_wait3A_414, %dma_wait3A_415] : memref<16x128xi32, #tpu.memory_space<vmem>> -> memref<1x128xi32, #tpu.memory_space<vmem>>
      %dma_wait3A_417 = tpu.memref_squeeze %dma_wait3A_416 : memref<1x128xi32, #tpu.memory_space<vmem>> -> memref<128xi32, #tpu.memory_space<vmem>>
      %dma_wait3A_418 = arith.constant 0 : i32
      %dma_wait3A_419 = arith.constant 0 : i32
      %dma_wait3A_420 = tpu.memref_slice %arg16[%dma_wait3A_418, %dma_wait3A_419] : memref<10240x64xf32, #tpu.memory_space<vmem_shared>> -> memref<10240x64xf32, #tpu.memory_space<vmem_shared>>
      tpu.wait_indirect_dma semaphore(%arg21 : memref<!tpu.dma_semaphore, #tpu.memory_space<semaphore_mem>>) src(%arg11 : memref<128x64xf32, #tpu.memory_space<vmem>>) dst(%dma_wait3A_420 : memref<10240x64xf32, #tpu.memory_space<vmem_shared>>)
      %dma_wait3A_421 = arith.constant 0 : i32
      %dma_wait3A_422 = arith.constant 0 : i32
      %dma_wait3A_423 = tpu.memref_slice %arg9[%dma_wait3A_421, %dma_wait3A_422] : memref<16x128xi32, #tpu.memory_space<vmem>> -> memref<1x128xi32, #tpu.memory_space<vmem>>
      %dma_wait3A_424 = tpu.memref_squeeze %dma_wait3A_423 : memref<1x128xi32, #tpu.memory_space<vmem>> -> memref<128xi32, #tpu.memory_space<vmem>>
      %dma_wait3A_425 = arith.constant 0 : i32
      %dma_wait3A_426 = arith.constant 0 : i32
      %dma_wait3A_427 = tpu.memref_slice %arg16[%dma_wait3A_425, %dma_wait3A_426] : memref<10240x64xf32, #tpu.memory_space<vmem_shared>> -> memref<10240x64xf32, #tpu.memory_space<vmem_shared>>
      tpu.wait_indirect_dma semaphore(%arg22 : memref<!tpu.dma_semaphore, #tpu.memory_space<semaphore_mem>>) src(%arg12 : memref<128x64xf32, #tpu.memory_space<vmem>>) dst(%dma_wait3A_427 : memref<10240x64xf32, #tpu.memory_space<vmem_shared>>)
      %dma_wait3A_428 = arith.constant 0 : i32
      %dma_wait3A_429 = arith.constant 0 : i32
      %dma_wait3A_430 = tpu.memref_slice %arg9[%dma_wait3A_428, %dma_wait3A_429] : memref<16x128xi32, #tpu.memory_space<vmem>> -> memref<1x128xi32, #tpu.memory_space<vmem>>
      %dma_wait3A_431 = tpu.memref_squeeze %dma_wait3A_430 : memref<1x128xi32, #tpu.memory_space<vmem>> -> memref<128xi32, #tpu.memory_space<vmem>>
      %dma_wait3A_432 = arith.constant 0 : i32
      %dma_wait3A_433 = arith.constant 0 : i32
      %dma_wait3A_434 = tpu.memref_slice %arg16[%dma_wait3A_432, %dma_wait3A_433] : memref<10240x64xf32, #tpu.memory_space<vmem_shared>> -> memref<10240x64xf32, #tpu.memory_space<vmem_shared>>
      tpu.wait_indirect_dma semaphore(%arg23 : memref<!tpu.dma_semaphore, #tpu.memory_space<semaphore_mem>>) src(%arg13 : memref<128x64xf32, #tpu.memory_space<vmem>>) dst(%dma_wait3A_434 : memref<10240x64xf32, #tpu.memory_space<vmem_shared>>)
      %dma_wait3A_435 = arith.constant 0 : i32
      %dma_wait3A_436 = arith.constant 0 : i32
      %dma_wait3A_437 = tpu.memref_slice %arg9[%dma_wait3A_435, %dma_wait3A_436] : memref<16x128xi32, #tpu.memory_space<vmem>> -> memref<1x128xi32, #tpu.memory_space<vmem>>
      %dma_wait3A_438 = tpu.memref_squeeze %dma_wait3A_437 : memref<1x128xi32, #tpu.memory_space<vmem>> -> memref<128xi32, #tpu.memory_space<vmem>>
      %dma_wait3A_439 = arith.constant 0 : i32
      %dma_wait3A_440 = arith.constant 0 : i32
      %dma_wait3A_441 = tpu.memref_slice %arg16[%dma_wait3A_439, %dma_wait3A_440] : memref<10240x64xf32, #tpu.memory_space<vmem_shared>> -> memref<10240x64xf32, #tpu.memory_space<vmem_shared>>
      tpu.wait_indirect_dma semaphore(%arg24 : memref<!tpu.dma_semaphore, #tpu.memory_space<semaphore_mem>>) src(%arg14 : memref<128x64xf32, #tpu.memory_space<vmem>>) dst(%dma_wait3A_441 : memref<10240x64xf32, #tpu.memory_space<vmem_shared>>)
      %add3A_442 = arith.constant 1 : i32
      %add3A_443 = arith.addi %scan3A_17, %add3A_442 : i32
      %lt3A = arith.constant 10 : i32
      %lt3A_444 = arith.cmpi slt, %add3A_443, %lt3A : i32
      %convert_element_type3A = arith.extui %lt3A_444 : i1 to i32
      %cond3A = arith.constant 0 : i32
      %cond3A_445 = arith.cmpi ne, %convert_element_type3A, %cond3A : i32
      scf.if %cond3A_445 {
        %add3A_446 = arith.constant 1 : i32
        %add3A_447 = arith.addi %scan3A_17, %add3A_446 : i32
        %mul3A_448 = arith.constant 16 : i32
        %mul3A_449 = arith.muli %add3A_447, %mul3A_448 : i32
        %add3A_450 = arith.addi %mul3A_4, %mul3A_449 : i32
        "tpu.region"() ({
          %run_scoped3A = tpu.sem_alloc : memref<!tpu.dma_semaphore, #tpu.memory_space<semaphore_mem>>
          %dma_start3A_458 = arith.constant 0 : i32
          %dma_start3A_459 = tpu.memref_slice %arg3[%add3A_450, %dma_start3A_458] : memref<2560x128xi32, #tpu.memory_space<hbm>> -> memref<16x128xi32, #tpu.memory_space<hbm>>
          %dma_start3A_460 = arith.constant 0 : i32
          %dma_start3A_461 = tpu.memref_slice %arg3[%add3A_450, %dma_start3A_460] : memref<2560x128xi32, #tpu.memory_space<hbm>> -> memref<16x128xi32, #tpu.memory_space<hbm>>
          tpu.enqueue_dma source(%dma_start3A_461 : memref<16x128xi32, #tpu.memory_space<hbm>>) target(%arg8 : memref<16x128xi32, #tpu.memory_space<vmem>>) target_semaphore(%run_scoped3A : memref<!tpu.dma_semaphore, #tpu.memory_space<semaphore_mem>>)
          %dma_wait3A_462 = arith.constant 0 : i32
          %dma_wait3A_463 = tpu.memref_slice %arg3[%add3A_450, %dma_wait3A_462] : memref<2560x128xi32, #tpu.memory_space<hbm>> -> memref<16x128xi32, #tpu.memory_space<hbm>>
          %dma_wait3A_464 = arith.constant 0 : i32
          %dma_wait3A_465 = tpu.memref_slice %arg3[%add3A_450, %dma_wait3A_464] : memref<2560x128xi32, #tpu.memory_space<hbm>> -> memref<16x128xi32, #tpu.memory_space<hbm>>
          tpu.wait_dma2 semaphore(%run_scoped3A : memref<!tpu.dma_semaphore, #tpu.memory_space<semaphore_mem>>) src(%dma_wait3A_465 : memref<16x128xi32, #tpu.memory_space<hbm>>) dst(%arg8 : memref<16x128xi32, #tpu.memory_space<vmem>>)
          tpu.yield
        }) : () -> ()
        "tpu.region"() ({
          %run_scoped3A = tpu.sem_alloc : memref<!tpu.dma_semaphore, #tpu.memory_space<semaphore_mem>>
          %dma_start3A_458 = arith.constant 0 : i32
          %dma_start3A_459 = tpu.memref_slice %arg2[%add3A_450, %dma_start3A_458] : memref<2560x128xi32, #tpu.memory_space<hbm>> -> memref<16x128xi32, #tpu.memory_space<hbm>>
          %dma_start3A_460 = arith.constant 0 : i32
          %dma_start3A_461 = tpu.memref_slice %arg2[%add3A_450, %dma_start3A_460] : memref<2560x128xi32, #tpu.memory_space<hbm>> -> memref<16x128xi32, #tpu.memory_space<hbm>>
          tpu.enqueue_dma source(%dma_start3A_461 : memref<16x128xi32, #tpu.memory_space<hbm>>) target(%arg9 : memref<16x128xi32, #tpu.memory_space<vmem>>) target_semaphore(%run_scoped3A : memref<!tpu.dma_semaphore, #tpu.memory_space<semaphore_mem>>)
          %dma_wait3A_462 = arith.constant 0 : i32
          %dma_wait3A_463 = tpu.memref_slice %arg2[%add3A_450, %dma_wait3A_462] : memref<2560x128xi32, #tpu.memory_space<hbm>> -> memref<16x128xi32, #tpu.memory_space<hbm>>
          %dma_wait3A_464 = arith.constant 0 : i32
          %dma_wait3A_465 = tpu.memref_slice %arg2[%add3A_450, %dma_wait3A_464] : memref<2560x128xi32, #tpu.memory_space<hbm>> -> memref<16x128xi32, #tpu.memory_space<hbm>>
          tpu.wait_dma2 semaphore(%run_scoped3A : memref<!tpu.dma_semaphore, #tpu.memory_space<semaphore_mem>>) src(%dma_wait3A_465 : memref<16x128xi32, #tpu.memory_space<hbm>>) dst(%arg9 : memref<16x128xi32, #tpu.memory_space<vmem>>)
          tpu.yield
        }) : () -> ()
        "tpu.region"() ({
          %run_scoped3A = tpu.sem_alloc : memref<!tpu.dma_semaphore, #tpu.memory_space<semaphore_mem>>
          %dma_start3A_458 = arith.constant 0 : i32
          %dma_start3A_459 = tpu.memref_slice %arg4[%add3A_450, %dma_start3A_458] : memref<2560x128xf32, #tpu.memory_space<hbm>> -> memref<16x128xf32, #tpu.memory_space<hbm>>
          %dma_start3A_460 = arith.constant 0 : i32
          %dma_start3A_461 = tpu.memref_slice %arg4[%add3A_450, %dma_start3A_460] : memref<2560x128xf32, #tpu.memory_space<hbm>> -> memref<16x128xf32, #tpu.memory_space<hbm>>
          tpu.enqueue_dma source(%dma_start3A_461 : memref<16x128xf32, #tpu.memory_space<hbm>>) target(%arg10 : memref<16x128xf32, #tpu.memory_space<vmem>>) target_semaphore(%run_scoped3A : memref<!tpu.dma_semaphore, #tpu.memory_space<semaphore_mem>>)
          %dma_wait3A_462 = arith.constant 0 : i32
          %dma_wait3A_463 = tpu.memref_slice %arg4[%add3A_450, %dma_wait3A_462] : memref<2560x128xf32, #tpu.memory_space<hbm>> -> memref<16x128xf32, #tpu.memory_space<hbm>>
          %dma_wait3A_464 = arith.constant 0 : i32
          %dma_wait3A_465 = tpu.memref_slice %arg4[%add3A_450, %dma_wait3A_464] : memref<2560x128xf32, #tpu.memory_space<hbm>> -> memref<16x128xf32, #tpu.memory_space<hbm>>
          tpu.wait_dma2 semaphore(%run_scoped3A : memref<!tpu.dma_semaphore, #tpu.memory_space<semaphore_mem>>) src(%dma_wait3A_465 : memref<16x128xf32, #tpu.memory_space<hbm>>) dst(%arg10 : memref<16x128xf32, #tpu.memory_space<vmem>>)
          tpu.yield
        }) : () -> ()
        %dma_start3A_451 = arith.constant 0 : i32
        %dma_start3A_452 = arith.constant 0 : i32
        %dma_start3A_453 = tpu.memref_slice %arg8[%dma_start3A_451, %dma_start3A_452] : memref<16x128xi32, #tpu.memory_space<vmem>> -> memref<1x128xi32, #tpu.memory_space<vmem>>
        %dma_start3A_454 = tpu.memref_squeeze %dma_start3A_453 : memref<1x128xi32, #tpu.memory_space<vmem>> -> memref<128xi32, #tpu.memory_space<vmem>>
        %dma_start3A_455 = arith.constant 0 : i32
        %dma_start3A_456 = arith.constant 0 : i32
        %dma_start3A_457 = tpu.memref_slice %arg15[%dma_start3A_455, %dma_start3A_456] : memref<10240x64xf32, #tpu.memory_space<vmem_shared>> -> memref<10240x64xf32, #tpu.memory_space<vmem_shared>>
        tpu.enqueue_indirect_dma source(%dma_start3A_457 : memref<10240x64xf32, #tpu.memory_space<vmem_shared>>) target(%arg11 : memref<128x64xf32, #tpu.memory_space<vmem>>) offsets(%dma_start3A_454 : memref<128xi32, #tpu.memory_space<vmem>>) semaphore(%arg17 : memref<!tpu.dma_semaphore, #tpu.memory_space<semaphore_mem>>)
      } else {
      }
    }
    %scan3A_15 = arith.constant 10 : i32
    %barrier3A_16 = arith.constant 0 : index
    tpu.barrier barrier_id(%barrier3A_16)
    "tpu.region"() ({
      %run_scoped3A = tpu.sem_alloc : memref<!tpu.dma_semaphore, #tpu.memory_space<semaphore_mem>>
      %dma_start3A_17 = arith.constant 0 : i32
      %dma_start3A_18 = tpu.memref_slice %arg7[%arg0, %mul3A_0, %dma_start3A_17] : memref<2x10240x64xf32, #tpu.memory_space<hbm>> -> memref<1x640x64xf32, #tpu.memory_space<hbm>>
      %dma_start3A_19 = tpu.memref_squeeze %dma_start3A_18 : memref<1x640x64xf32, #tpu.memory_space<hbm>> -> memref<640x64xf32, #tpu.memory_space<hbm>>
      %dma_start3A_20 = arith.constant 0 : i32
      %dma_start3A_21 = tpu.memref_slice %arg16[%mul3A_0, %dma_start3A_20] : memref<10240x64xf32, #tpu.memory_space<vmem_shared>> -> memref<640x64xf32, #tpu.memory_space<vmem_shared>>
      tpu.enqueue_dma source(%dma_start3A_21 : memref<640x64xf32, #tpu.memory_space<vmem_shared>>) target(%dma_start3A_19 : memref<640x64xf32, #tpu.memory_space<hbm>>) target_semaphore(%run_scoped3A : memref<!tpu.dma_semaphore, #tpu.memory_space<semaphore_mem>>)
      %dma_wait3A = arith.constant 0 : i32
      %dma_wait3A_22 = tpu.memref_slice %arg7[%arg0, %mul3A_0, %dma_wait3A] : memref<2x10240x64xf32, #tpu.memory_space<hbm>> -> memref<1x640x64xf32, #tpu.memory_space<hbm>>
      %dma_wait3A_23 = tpu.memref_squeeze %dma_wait3A_22 : memref<1x640x64xf32, #tpu.memory_space<hbm>> -> memref<640x64xf32, #tpu.memory_space<hbm>>
      %dma_wait3A_24 = arith.constant 0 : i32
      %dma_wait3A_25 = tpu.memref_slice %arg16[%mul3A_0, %dma_wait3A_24] : memref<10240x64xf32, #tpu.memory_space<vmem_shared>> -> memref<640x64xf32, #tpu.memory_space<vmem_shared>>
      tpu.wait_dma2 semaphore(%run_scoped3A : memref<!tpu.dma_semaphore, #tpu.memory_space<semaphore_mem>>) src(%dma_wait3A_25 : memref<640x64xf32, #tpu.memory_space<vmem_shared>>) dst(%dma_wait3A_23 : memref<640x64xf32, #tpu.memory_space<hbm>>)
      tpu.yield
    }) : () -> ()
    return
  }
}

#map = affine_map<(d0, d1) -> (0, 0)>
#map1 = affine_map<(d0, d1) -> (0, 0, 0)>
module attributes {stable_mosaic.version = 14 : i64} {
  func.func @spmm(%arg0: i32, %arg1: i32, %arg2: memref<4096x128xi32, #tpu.memory_space<hbm>>, %arg3: memref<4096x128xi32, #tpu.memory_space<hbm>>, %arg4: memref<4096x128xf32, #tpu.memory_space<hbm>>, %arg5: memref<20480x64xf32, #tpu.memory_space<hbm>>, %arg6: memref<10240x64xf32, #tpu.memory_space<hbm>>, %arg7: memref<2x10240x64xf32, #tpu.memory_space<hbm>>, %arg8: memref<16x128xi32, #tpu.memory_space<vmem>>, %arg9: memref<16x128xi32, #tpu.memory_space<vmem>>, %arg10: memref<16x128xf32, #tpu.memory_space<vmem>>, %arg11: memref<128x64xf32, #tpu.memory_space<vmem>>, %arg12: memref<128x64xf32, #tpu.memory_space<vmem>>, %arg13: memref<128x64xf32, #tpu.memory_space<vmem>>, %arg14: memref<128x64xf32, #tpu.memory_space<vmem>>, %arg15: memref<10240x64xf32, #tpu.memory_space<vmem_shared>>, %arg16: memref<10240x64xf32, #tpu.memory_space<vmem_shared>>, %arg17: memref<!tpu.dma_semaphore, #tpu.memory_space<semaphore_mem>>, %arg18: memref<!tpu.dma_semaphore, #tpu.memory_space<semaphore_mem>>, %arg19: memref<!tpu.dma_semaphore, #tpu.memory_space<semaphore_mem>>, %arg20: memref<!tpu.dma_semaphore, #tpu.memory_space<semaphore_mem>>, %arg21: memref<!tpu.dma_semaphore, #tpu.memory_space<semaphore_mem>>, %arg22: memref<!tpu.dma_semaphore, #tpu.memory_space<semaphore_mem>>, %arg23: memref<!tpu.dma_semaphore, #tpu.memory_space<semaphore_mem>>, %arg24: memref<!tpu.dma_semaphore, #tpu.memory_space<semaphore_mem>>) attributes {dimension_semantics = [#tpu.dimension_semantics<core_parallel>, #tpu.dimension_semantics<subcore_parallel>], iteration_bounds = array<i64: 2, 16>, scalar_prefetch = 0 : i64, scratch_operands = 17 : i64, tpu.core_type = #tpu.core_type<sc_vector_subcore>, window_params = [{transform_indices = #map}, {transform_indices = #map}, {transform_indices = #map}, {transform_indices = #map}, {transform_indices = #map}, {transform_indices = #map1}]} {
    %mul3A = arith.constant 640 : i32
    %mul3A_0 = arith.muli %arg1, %mul3A : i32
    "tpu.region"() ({
      %run_scoped3A = tpu.sem_alloc : memref<!tpu.dma_semaphore, #tpu.memory_space<semaphore_mem>>
      %dma_start3A_17 = arith.constant 0 : i32
      %dma_start3A_18 = tpu.memref_slice %arg16[%mul3A_0, %dma_start3A_17] : memref<10240x64xf32, #tpu.memory_space<vmem_shared>> -> memref<640x64xf32, #tpu.memory_space<vmem_shared>>
      %dma_start3A_19 = arith.constant 0 : i32
      %dma_start3A_20 = tpu.memref_slice %arg6[%mul3A_0, %dma_start3A_19] : memref<10240x64xf32, #tpu.memory_space<hbm>> -> memref<640x64xf32, #tpu.memory_space<hbm>>
      tpu.enqueue_dma source(%dma_start3A_20 : memref<640x64xf32, #tpu.memory_space<hbm>>) target(%dma_start3A_18 : memref<640x64xf32, #tpu.memory_space<vmem_shared>>) target_semaphore(%run_scoped3A : memref<!tpu.dma_semaphore, #tpu.memory_space<semaphore_mem>>)
      %dma_wait3A = arith.constant 0 : i32
      %dma_wait3A_21 = tpu.memref_slice %arg16[%mul3A_0, %dma_wait3A] : memref<10240x64xf32, #tpu.memory_space<vmem_shared>> -> memref<640x64xf32, #tpu.memory_space<vmem_shared>>
      %dma_wait3A_22 = arith.constant 0 : i32
      %dma_wait3A_23 = tpu.memref_slice %arg6[%mul3A_0, %dma_wait3A_22] : memref<10240x64xf32, #tpu.memory_space<hbm>> -> memref<640x64xf32, #tpu.memory_space<hbm>>
      tpu.wait_dma2 semaphore(%run_scoped3A : memref<!tpu.dma_semaphore, #tpu.memory_space<semaphore_mem>>) src(%dma_wait3A_23 : memref<640x64xf32, #tpu.memory_space<hbm>>) dst(%dma_wait3A_21 : memref<640x64xf32, #tpu.memory_space<vmem_shared>>)
      tpu.yield
    }) : () -> ()
    %mul3A_1 = arith.constant 10240 : i32
    %mul3A_2 = arith.muli %arg0, %mul3A_1 : i32
    %add3A = arith.addi %mul3A_2, %mul3A_0 : i32
    "tpu.region"() ({
      %run_scoped3A = tpu.sem_alloc : memref<!tpu.dma_semaphore, #tpu.memory_space<semaphore_mem>>
      %dma_start3A_17 = arith.constant 0 : i32
      %dma_start3A_18 = tpu.memref_slice %arg15[%mul3A_0, %dma_start3A_17] : memref<10240x64xf32, #tpu.memory_space<vmem_shared>> -> memref<640x64xf32, #tpu.memory_space<vmem_shared>>
      %dma_start3A_19 = arith.constant 0 : i32
      %dma_start3A_20 = tpu.memref_slice %arg5[%add3A, %dma_start3A_19] : memref<20480x64xf32, #tpu.memory_space<hbm>> -> memref<640x64xf32, #tpu.memory_space<hbm>>
      tpu.enqueue_dma source(%dma_start3A_20 : memref<640x64xf32, #tpu.memory_space<hbm>>) target(%dma_start3A_18 : memref<640x64xf32, #tpu.memory_space<vmem_shared>>) target_semaphore(%run_scoped3A : memref<!tpu.dma_semaphore, #tpu.memory_space<semaphore_mem>>)
      %dma_wait3A = arith.constant 0 : i32
      %dma_wait3A_21 = tpu.memref_slice %arg15[%mul3A_0, %dma_wait3A] : memref<10240x64xf32, #tpu.memory_space<vmem_shared>> -> memref<640x64xf32, #tpu.memory_space<vmem_shared>>
      %dma_wait3A_22 = arith.constant 0 : i32
      %dma_wait3A_23 = tpu.memref_slice %arg5[%add3A, %dma_wait3A_22] : memref<20480x64xf32, #tpu.memory_space<hbm>> -> memref<640x64xf32, #tpu.memory_space<hbm>>
      tpu.wait_dma2 semaphore(%run_scoped3A : memref<!tpu.dma_semaphore, #tpu.memory_space<semaphore_mem>>) src(%dma_wait3A_23 : memref<640x64xf32, #tpu.memory_space<hbm>>) dst(%dma_wait3A_21 : memref<640x64xf32, #tpu.memory_space<vmem_shared>>)
      tpu.yield
    }) : () -> ()
    %barrier3A = arith.constant 0 : index
    tpu.barrier barrier_id(%barrier3A)
    %mul3A_3 = arith.constant 256 : i32
    %mul3A_4 = arith.muli %arg1, %mul3A_3 : i32
    "tpu.region"() ({
      %run_scoped3A = tpu.sem_alloc : memref<!tpu.dma_semaphore, #tpu.memory_space<semaphore_mem>>
      %dma_start3A_17 = arith.constant 0 : i32
      %dma_start3A_18 = tpu.memref_slice %arg3[%mul3A_4, %dma_start3A_17] : memref<4096x128xi32, #tpu.memory_space<hbm>> -> memref<16x128xi32, #tpu.memory_space<hbm>>
      %dma_start3A_19 = arith.constant 0 : i32
      %dma_start3A_20 = tpu.memref_slice %arg3[%mul3A_4, %dma_start3A_19] : memref<4096x128xi32, #tpu.memory_space<hbm>> -> memref<16x128xi32, #tpu.memory_space<hbm>>
      tpu.enqueue_dma source(%dma_start3A_20 : memref<16x128xi32, #tpu.memory_space<hbm>>) target(%arg8 : memref<16x128xi32, #tpu.memory_space<vmem>>) target_semaphore(%run_scoped3A : memref<!tpu.dma_semaphore, #tpu.memory_space<semaphore_mem>>)
      %dma_wait3A = arith.constant 0 : i32
      %dma_wait3A_21 = tpu.memref_slice %arg3[%mul3A_4, %dma_wait3A] : memref<4096x128xi32, #tpu.memory_space<hbm>> -> memref<16x128xi32, #tpu.memory_space<hbm>>
      %dma_wait3A_22 = arith.constant 0 : i32
      %dma_wait3A_23 = tpu.memref_slice %arg3[%mul3A_4, %dma_wait3A_22] : memref<4096x128xi32, #tpu.memory_space<hbm>> -> memref<16x128xi32, #tpu.memory_space<hbm>>
      tpu.wait_dma2 semaphore(%run_scoped3A : memref<!tpu.dma_semaphore, #tpu.memory_space<semaphore_mem>>) src(%dma_wait3A_23 : memref<16x128xi32, #tpu.memory_space<hbm>>) dst(%arg8 : memref<16x128xi32, #tpu.memory_space<vmem>>)
      tpu.yield
    }) : () -> ()
    "tpu.region"() ({
      %run_scoped3A = tpu.sem_alloc : memref<!tpu.dma_semaphore, #tpu.memory_space<semaphore_mem>>
      %dma_start3A_17 = arith.constant 0 : i32
      %dma_start3A_18 = tpu.memref_slice %arg2[%mul3A_4, %dma_start3A_17] : memref<4096x128xi32, #tpu.memory_space<hbm>> -> memref<16x128xi32, #tpu.memory_space<hbm>>
      %dma_start3A_19 = arith.constant 0 : i32
      %dma_start3A_20 = tpu.memref_slice %arg2[%mul3A_4, %dma_start3A_19] : memref<4096x128xi32, #tpu.memory_space<hbm>> -> memref<16x128xi32, #tpu.memory_space<hbm>>
      tpu.enqueue_dma source(%dma_start3A_20 : memref<16x128xi32, #tpu.memory_space<hbm>>) target(%arg9 : memref<16x128xi32, #tpu.memory_space<vmem>>) target_semaphore(%run_scoped3A : memref<!tpu.dma_semaphore, #tpu.memory_space<semaphore_mem>>)
      %dma_wait3A = arith.constant 0 : i32
      %dma_wait3A_21 = tpu.memref_slice %arg2[%mul3A_4, %dma_wait3A] : memref<4096x128xi32, #tpu.memory_space<hbm>> -> memref<16x128xi32, #tpu.memory_space<hbm>>
      %dma_wait3A_22 = arith.constant 0 : i32
      %dma_wait3A_23 = tpu.memref_slice %arg2[%mul3A_4, %dma_wait3A_22] : memref<4096x128xi32, #tpu.memory_space<hbm>> -> memref<16x128xi32, #tpu.memory_space<hbm>>
      tpu.wait_dma2 semaphore(%run_scoped3A : memref<!tpu.dma_semaphore, #tpu.memory_space<semaphore_mem>>) src(%dma_wait3A_23 : memref<16x128xi32, #tpu.memory_space<hbm>>) dst(%arg9 : memref<16x128xi32, #tpu.memory_space<vmem>>)
      tpu.yield
    }) : () -> ()
    "tpu.region"() ({
      %run_scoped3A = tpu.sem_alloc : memref<!tpu.dma_semaphore, #tpu.memory_space<semaphore_mem>>
      %dma_start3A_17 = arith.constant 0 : i32
      %dma_start3A_18 = tpu.memref_slice %arg4[%mul3A_4, %dma_start3A_17] : memref<4096x128xf32, #tpu.memory_space<hbm>> -> memref<16x128xf32, #tpu.memory_space<hbm>>
      %dma_start3A_19 = arith.constant 0 : i32
      %dma_start3A_20 = tpu.memref_slice %arg4[%mul3A_4, %dma_start3A_19] : memref<4096x128xf32, #tpu.memory_space<hbm>> -> memref<16x128xf32, #tpu.memory_space<hbm>>
      tpu.enqueue_dma source(%dma_start3A_20 : memref<16x128xf32, #tpu.memory_space<hbm>>) target(%arg10 : memref<16x128xf32, #tpu.memory_space<vmem>>) target_semaphore(%run_scoped3A : memref<!tpu.dma_semaphore, #tpu.memory_space<semaphore_mem>>)
      %dma_wait3A = arith.constant 0 : i32
      %dma_wait3A_21 = tpu.memref_slice %arg4[%mul3A_4, %dma_wait3A] : memref<4096x128xf32, #tpu.memory_space<hbm>> -> memref<16x128xf32, #tpu.memory_space<hbm>>
      %dma_wait3A_22 = arith.constant 0 : i32
      %dma_wait3A_23 = tpu.memref_slice %arg4[%mul3A_4, %dma_wait3A_22] : memref<4096x128xf32, #tpu.memory_space<hbm>> -> memref<16x128xf32, #tpu.memory_space<hbm>>
      tpu.wait_dma2 semaphore(%run_scoped3A : memref<!tpu.dma_semaphore, #tpu.memory_space<semaphore_mem>>) src(%dma_wait3A_23 : memref<16x128xf32, #tpu.memory_space<hbm>>) dst(%arg10 : memref<16x128xf32, #tpu.memory_space<vmem>>)
      tpu.yield
    }) : () -> ()
    %dma_start3A = arith.constant 0 : i32
    %dma_start3A_5 = arith.constant 0 : i32
    %dma_start3A_6 = tpu.memref_slice %arg8[%dma_start3A, %dma_start3A_5] : memref<16x128xi32, #tpu.memory_space<vmem>> -> memref<1x128xi32, #tpu.memory_space<vmem>>
    %dma_start3A_7 = tpu.memref_squeeze %dma_start3A_6 : memref<1x128xi32, #tpu.memory_space<vmem>> -> memref<128xi32, #tpu.memory_space<vmem>>
    %dma_start3A_8 = arith.constant 0 : i32
    %dma_start3A_9 = arith.constant 0 : i32
    %dma_start3A_10 = tpu.memref_slice %arg15[%dma_start3A_8, %dma_start3A_9] : memref<10240x64xf32, #tpu.memory_space<vmem_shared>> -> memref<10240x64xf32, #tpu.memory_space<vmem_shared>>
    tpu.enqueue_indirect_dma source(%dma_start3A_10 : memref<10240x64xf32, #tpu.memory_space<vmem_shared>>) target(%arg11 : memref<128x64xf32, #tpu.memory_space<vmem>>) offsets(%dma_start3A_7 : memref<128xi32, #tpu.memory_space<vmem>>) semaphore(%arg17 : memref<!tpu.dma_semaphore, #tpu.memory_space<semaphore_mem>>)
    %scan3A = arith.constant 0 : i32
    %scan3A_11 = arith.constant 0 : i32
    %scan3A_12 = arith.constant 16 : i32
    %scan3A_13 = arith.addi %scan3A_11, %scan3A_12 : i32
    %scan3A_14 = arith.constant 1 : i32
    scf.for %scan3A_17 = %scan3A_11 to %scan3A_13 step %scan3A_14  : i32 {
      %dma_wait3A = arith.constant 0 : i32
      %dma_wait3A_18 = arith.constant 0 : i32
      %dma_wait3A_19 = tpu.memref_slice %arg15[%dma_wait3A, %dma_wait3A_18] : memref<10240x64xf32, #tpu.memory_space<vmem_shared>> -> memref<128x64xf32, #tpu.memory_space<vmem_shared>>
      %dma_wait3A_20 = arith.constant 0 : i32
      %dma_wait3A_21 = arith.constant 0 : i32
      %dma_wait3A_22 = tpu.memref_slice %arg15[%dma_wait3A_20, %dma_wait3A_21] : memref<10240x64xf32, #tpu.memory_space<vmem_shared>> -> memref<128x64xf32, #tpu.memory_space<vmem_shared>>
      tpu.wait_dma2 semaphore(%arg17 : memref<!tpu.dma_semaphore, #tpu.memory_space<semaphore_mem>>) src(%dma_wait3A_22 : memref<128x64xf32, #tpu.memory_space<vmem_shared>>) dst(%arg11 : memref<128x64xf32, #tpu.memory_space<vmem>>)
      %dma_start3A_23 = arith.constant 1 : i32
      %dma_start3A_24 = arith.constant 0 : i32
      %dma_start3A_25 = tpu.memref_slice %arg8[%dma_start3A_23, %dma_start3A_24] : memref<16x128xi32, #tpu.memory_space<vmem>> -> memref<1x128xi32, #tpu.memory_space<vmem>>
      %dma_start3A_26 = tpu.memref_squeeze %dma_start3A_25 : memref<1x128xi32, #tpu.memory_space<vmem>> -> memref<128xi32, #tpu.memory_space<vmem>>
      %dma_start3A_27 = arith.constant 0 : i32
      %dma_start3A_28 = arith.constant 0 : i32
      %dma_start3A_29 = tpu.memref_slice %arg15[%dma_start3A_27, %dma_start3A_28] : memref<10240x64xf32, #tpu.memory_space<vmem_shared>> -> memref<10240x64xf32, #tpu.memory_space<vmem_shared>>
      tpu.enqueue_indirect_dma source(%dma_start3A_29 : memref<10240x64xf32, #tpu.memory_space<vmem_shared>>) target(%arg12 : memref<128x64xf32, #tpu.memory_space<vmem>>) offsets(%dma_start3A_26 : memref<128xi32, #tpu.memory_space<vmem>>) semaphore(%arg18 : memref<!tpu.dma_semaphore, #tpu.memory_space<semaphore_mem>>)
      %dma_start3A_30 = arith.constant 0 : i32
      %dma_start3A_31 = arith.constant 0 : i32
      %dma_start3A_32 = tpu.memref_slice %arg9[%dma_start3A_30, %dma_start3A_31] : memref<16x128xi32, #tpu.memory_space<vmem>> -> memref<1x128xi32, #tpu.memory_space<vmem>>
      %dma_start3A_33 = tpu.memref_squeeze %dma_start3A_32 : memref<1x128xi32, #tpu.memory_space<vmem>> -> memref<128xi32, #tpu.memory_space<vmem>>
      %dma_start3A_34 = arith.constant 0 : i32
      %dma_start3A_35 = arith.constant 0 : i32
      %dma_start3A_36 = tpu.memref_slice %arg16[%dma_start3A_34, %dma_start3A_35] : memref<10240x64xf32, #tpu.memory_space<vmem_shared>> -> memref<10240x64xf32, #tpu.memory_space<vmem_shared>>
      tpu.enqueue_indirect_dma source(%arg11 : memref<128x64xf32, #tpu.memory_space<vmem>>) target(%dma_start3A_36 : memref<10240x64xf32, #tpu.memory_space<vmem_shared>>) offsets(%dma_start3A_33 : memref<128xi32, #tpu.memory_space<vmem>>) semaphore(%arg21 : memref<!tpu.dma_semaphore, #tpu.memory_space<semaphore_mem>>) {add = true}
      %dma_wait3A_37 = arith.constant 0 : i32
      %dma_wait3A_38 = arith.constant 0 : i32
      %dma_wait3A_39 = tpu.memref_slice %arg15[%dma_wait3A_37, %dma_wait3A_38] : memref<10240x64xf32, #tpu.memory_space<vmem_shared>> -> memref<128x64xf32, #tpu.memory_space<vmem_shared>>
      %dma_wait3A_40 = arith.constant 0 : i32
      %dma_wait3A_41 = arith.constant 0 : i32
      %dma_wait3A_42 = tpu.memref_slice %arg15[%dma_wait3A_40, %dma_wait3A_41] : memref<10240x64xf32, #tpu.memory_space<vmem_shared>> -> memref<128x64xf32, #tpu.memory_space<vmem_shared>>
      tpu.wait_dma2 semaphore(%arg18 : memref<!tpu.dma_semaphore, #tpu.memory_space<semaphore_mem>>) src(%dma_wait3A_42 : memref<128x64xf32, #tpu.memory_space<vmem_shared>>) dst(%arg12 : memref<128x64xf32, #tpu.memory_space<vmem>>)
      %dma_start3A_43 = arith.constant 2 : i32
      %dma_start3A_44 = arith.constant 0 : i32
      %dma_start3A_45 = tpu.memref_slice %arg8[%dma_start3A_43, %dma_start3A_44] : memref<16x128xi32, #tpu.memory_space<vmem>> -> memref<1x128xi32, #tpu.memory_space<vmem>>
      %dma_start3A_46 = tpu.memref_squeeze %dma_start3A_45 : memref<1x128xi32, #tpu.memory_space<vmem>> -> memref<128xi32, #tpu.memory_space<vmem>>
      %dma_start3A_47 = arith.constant 0 : i32
      %dma_start3A_48 = arith.constant 0 : i32
      %dma_start3A_49 = tpu.memref_slice %arg15[%dma_start3A_47, %dma_start3A_48] : memref<10240x64xf32, #tpu.memory_space<vmem_shared>> -> memref<10240x64xf32, #tpu.memory_space<vmem_shared>>
      tpu.enqueue_indirect_dma source(%dma_start3A_49 : memref<10240x64xf32, #tpu.memory_space<vmem_shared>>) target(%arg13 : memref<128x64xf32, #tpu.memory_space<vmem>>) offsets(%dma_start3A_46 : memref<128xi32, #tpu.memory_space<vmem>>) semaphore(%arg19 : memref<!tpu.dma_semaphore, #tpu.memory_space<semaphore_mem>>)
      %dma_start3A_50 = arith.constant 1 : i32
      %dma_start3A_51 = arith.constant 0 : i32
      %dma_start3A_52 = tpu.memref_slice %arg9[%dma_start3A_50, %dma_start3A_51] : memref<16x128xi32, #tpu.memory_space<vmem>> -> memref<1x128xi32, #tpu.memory_space<vmem>>
      %dma_start3A_53 = tpu.memref_squeeze %dma_start3A_52 : memref<1x128xi32, #tpu.memory_space<vmem>> -> memref<128xi32, #tpu.memory_space<vmem>>
      %dma_start3A_54 = arith.constant 0 : i32
      %dma_start3A_55 = arith.constant 0 : i32
      %dma_start3A_56 = tpu.memref_slice %arg16[%dma_start3A_54, %dma_start3A_55] : memref<10240x64xf32, #tpu.memory_space<vmem_shared>> -> memref<10240x64xf32, #tpu.memory_space<vmem_shared>>
      tpu.enqueue_indirect_dma source(%arg12 : memref<128x64xf32, #tpu.memory_space<vmem>>) target(%dma_start3A_56 : memref<10240x64xf32, #tpu.memory_space<vmem_shared>>) offsets(%dma_start3A_53 : memref<128xi32, #tpu.memory_space<vmem>>) semaphore(%arg22 : memref<!tpu.dma_semaphore, #tpu.memory_space<semaphore_mem>>) {add = true}
      %dma_wait3A_57 = arith.constant 0 : i32
      %dma_wait3A_58 = arith.constant 0 : i32
      %dma_wait3A_59 = tpu.memref_slice %arg15[%dma_wait3A_57, %dma_wait3A_58] : memref<10240x64xf32, #tpu.memory_space<vmem_shared>> -> memref<128x64xf32, #tpu.memory_space<vmem_shared>>
      %dma_wait3A_60 = arith.constant 0 : i32
      %dma_wait3A_61 = arith.constant 0 : i32
      %dma_wait3A_62 = tpu.memref_slice %arg15[%dma_wait3A_60, %dma_wait3A_61] : memref<10240x64xf32, #tpu.memory_space<vmem_shared>> -> memref<128x64xf32, #tpu.memory_space<vmem_shared>>
      tpu.wait_dma2 semaphore(%arg19 : memref<!tpu.dma_semaphore, #tpu.memory_space<semaphore_mem>>) src(%dma_wait3A_62 : memref<128x64xf32, #tpu.memory_space<vmem_shared>>) dst(%arg13 : memref<128x64xf32, #tpu.memory_space<vmem>>)
      %dma_start3A_63 = arith.constant 3 : i32
      %dma_start3A_64 = arith.constant 0 : i32
      %dma_start3A_65 = tpu.memref_slice %arg8[%dma_start3A_63, %dma_start3A_64] : memref<16x128xi32, #tpu.memory_space<vmem>> -> memref<1x128xi32, #tpu.memory_space<vmem>>
      %dma_start3A_66 = tpu.memref_squeeze %dma_start3A_65 : memref<1x128xi32, #tpu.memory_space<vmem>> -> memref<128xi32, #tpu.memory_space<vmem>>
      %dma_start3A_67 = arith.constant 0 : i32
      %dma_start3A_68 = arith.constant 0 : i32
      %dma_start3A_69 = tpu.memref_slice %arg15[%dma_start3A_67, %dma_start3A_68] : memref<10240x64xf32, #tpu.memory_space<vmem_shared>> -> memref<10240x64xf32, #tpu.memory_space<vmem_shared>>
      tpu.enqueue_indirect_dma source(%dma_start3A_69 : memref<10240x64xf32, #tpu.memory_space<vmem_shared>>) target(%arg14 : memref<128x64xf32, #tpu.memory_space<vmem>>) offsets(%dma_start3A_66 : memref<128xi32, #tpu.memory_space<vmem>>) semaphore(%arg20 : memref<!tpu.dma_semaphore, #tpu.memory_space<semaphore_mem>>)
      %dma_start3A_70 = arith.constant 2 : i32
      %dma_start3A_71 = arith.constant 0 : i32
      %dma_start3A_72 = tpu.memref_slice %arg9[%dma_start3A_70, %dma_start3A_71] : memref<16x128xi32, #tpu.memory_space<vmem>> -> memref<1x128xi32, #tpu.memory_space<vmem>>
      %dma_start3A_73 = tpu.memref_squeeze %dma_start3A_72 : memref<1x128xi32, #tpu.memory_space<vmem>> -> memref<128xi32, #tpu.memory_space<vmem>>
      %dma_start3A_74 = arith.constant 0 : i32
      %dma_start3A_75 = arith.constant 0 : i32
      %dma_start3A_76 = tpu.memref_slice %arg16[%dma_start3A_74, %dma_start3A_75] : memref<10240x64xf32, #tpu.memory_space<vmem_shared>> -> memref<10240x64xf32, #tpu.memory_space<vmem_shared>>
      tpu.enqueue_indirect_dma source(%arg13 : memref<128x64xf32, #tpu.memory_space<vmem>>) target(%dma_start3A_76 : memref<10240x64xf32, #tpu.memory_space<vmem_shared>>) offsets(%dma_start3A_73 : memref<128xi32, #tpu.memory_space<vmem>>) semaphore(%arg23 : memref<!tpu.dma_semaphore, #tpu.memory_space<semaphore_mem>>) {add = true}
      %dma_wait3A_77 = arith.constant 0 : i32
      %dma_wait3A_78 = arith.constant 0 : i32
      %dma_wait3A_79 = tpu.memref_slice %arg15[%dma_wait3A_77, %dma_wait3A_78] : memref<10240x64xf32, #tpu.memory_space<vmem_shared>> -> memref<128x64xf32, #tpu.memory_space<vmem_shared>>
      %dma_wait3A_80 = arith.constant 0 : i32
      %dma_wait3A_81 = arith.constant 0 : i32
      %dma_wait3A_82 = tpu.memref_slice %arg15[%dma_wait3A_80, %dma_wait3A_81] : memref<10240x64xf32, #tpu.memory_space<vmem_shared>> -> memref<128x64xf32, #tpu.memory_space<vmem_shared>>
      tpu.wait_dma2 semaphore(%arg20 : memref<!tpu.dma_semaphore, #tpu.memory_space<semaphore_mem>>) src(%dma_wait3A_82 : memref<128x64xf32, #tpu.memory_space<vmem_shared>>) dst(%arg14 : memref<128x64xf32, #tpu.memory_space<vmem>>)
      %dma_wait3A_83 = arith.constant 0 : i32
      %dma_wait3A_84 = arith.constant 0 : i32
      %dma_wait3A_85 = tpu.memref_slice %arg9[%dma_wait3A_83, %dma_wait3A_84] : memref<16x128xi32, #tpu.memory_space<vmem>> -> memref<1x128xi32, #tpu.memory_space<vmem>>
      %dma_wait3A_86 = tpu.memref_squeeze %dma_wait3A_85 : memref<1x128xi32, #tpu.memory_space<vmem>> -> memref<128xi32, #tpu.memory_space<vmem>>
      %dma_wait3A_87 = arith.constant 0 : i32
      %dma_wait3A_88 = arith.constant 0 : i32
      %dma_wait3A_89 = tpu.memref_slice %arg16[%dma_wait3A_87, %dma_wait3A_88] : memref<10240x64xf32, #tpu.memory_space<vmem_shared>> -> memref<10240x64xf32, #tpu.memory_space<vmem_shared>>
      tpu.wait_indirect_dma semaphore(%arg21 : memref<!tpu.dma_semaphore, #tpu.memory_space<semaphore_mem>>) src(%arg11 : memref<128x64xf32, #tpu.memory_space<vmem>>) dst(%dma_wait3A_89 : memref<10240x64xf32, #tpu.memory_space<vmem_shared>>)
      %dma_start3A_90 = arith.constant 4 : i32
      %dma_start3A_91 = arith.constant 0 : i32
      %dma_start3A_92 = tpu.memref_slice %arg8[%dma_start3A_90, %dma_start3A_91] : memref<16x128xi32, #tpu.memory_space<vmem>> -> memref<1x128xi32, #tpu.memory_space<vmem>>
      %dma_start3A_93 = tpu.memref_squeeze %dma_start3A_92 : memref<1x128xi32, #tpu.memory_space<vmem>> -> memref<128xi32, #tpu.memory_space<vmem>>
      %dma_start3A_94 = arith.constant 0 : i32
      %dma_start3A_95 = arith.constant 0 : i32
      %dma_start3A_96 = tpu.memref_slice %arg15[%dma_start3A_94, %dma_start3A_95] : memref<10240x64xf32, #tpu.memory_space<vmem_shared>> -> memref<10240x64xf32, #tpu.memory_space<vmem_shared>>
      tpu.enqueue_indirect_dma source(%dma_start3A_96 : memref<10240x64xf32, #tpu.memory_space<vmem_shared>>) target(%arg11 : memref<128x64xf32, #tpu.memory_space<vmem>>) offsets(%dma_start3A_93 : memref<128xi32, #tpu.memory_space<vmem>>) semaphore(%arg17 : memref<!tpu.dma_semaphore, #tpu.memory_space<semaphore_mem>>)
      %dma_start3A_97 = arith.constant 3 : i32
      %dma_start3A_98 = arith.constant 0 : i32
      %dma_start3A_99 = tpu.memref_slice %arg9[%dma_start3A_97, %dma_start3A_98] : memref<16x128xi32, #tpu.memory_space<vmem>> -> memref<1x128xi32, #tpu.memory_space<vmem>>
      %dma_start3A_100 = tpu.memref_squeeze %dma_start3A_99 : memref<1x128xi32, #tpu.memory_space<vmem>> -> memref<128xi32, #tpu.memory_space<vmem>>
      %dma_start3A_101 = arith.constant 0 : i32
      %dma_start3A_102 = arith.constant 0 : i32
      %dma_start3A_103 = tpu.memref_slice %arg16[%dma_start3A_101, %dma_start3A_102] : memref<10240x64xf32, #tpu.memory_space<vmem_shared>> -> memref<10240x64xf32, #tpu.memory_space<vmem_shared>>
      tpu.enqueue_indirect_dma source(%arg14 : memref<128x64xf32, #tpu.memory_space<vmem>>) target(%dma_start3A_103 : memref<10240x64xf32, #tpu.memory_space<vmem_shared>>) offsets(%dma_start3A_100 : memref<128xi32, #tpu.memory_space<vmem>>) semaphore(%arg24 : memref<!tpu.dma_semaphore, #tpu.memory_space<semaphore_mem>>) {add = true}
      %dma_wait3A_104 = arith.constant 0 : i32
      %dma_wait3A_105 = arith.constant 0 : i32
      %dma_wait3A_106 = tpu.memref_slice %arg15[%dma_wait3A_104, %dma_wait3A_105] : memref<10240x64xf32, #tpu.memory_space<vmem_shared>> -> memref<128x64xf32, #tpu.memory_space<vmem_shared>>
      %dma_wait3A_107 = arith.constant 0 : i32
      %dma_wait3A_108 = arith.constant 0 : i32
      %dma_wait3A_109 = tpu.memref_slice %arg15[%dma_wait3A_107, %dma_wait3A_108] : memref<10240x64xf32, #tpu.memory_space<vmem_shared>> -> memref<128x64xf32, #tpu.memory_space<vmem_shared>>
      tpu.wait_dma2 semaphore(%arg17 : memref<!tpu.dma_semaphore, #tpu.memory_space<semaphore_mem>>) src(%dma_wait3A_109 : memref<128x64xf32, #tpu.memory_space<vmem_shared>>) dst(%arg11 : memref<128x64xf32, #tpu.memory_space<vmem>>)
      %dma_wait3A_110 = arith.constant 0 : i32
      %dma_wait3A_111 = arith.constant 0 : i32
      %dma_wait3A_112 = tpu.memref_slice %arg9[%dma_wait3A_110, %dma_wait3A_111] : memref<16x128xi32, #tpu.memory_space<vmem>> -> memref<1x128xi32, #tpu.memory_space<vmem>>
      %dma_wait3A_113 = tpu.memref_squeeze %dma_wait3A_112 : memref<1x128xi32, #tpu.memory_space<vmem>> -> memref<128xi32, #tpu.memory_space<vmem>>
      %dma_wait3A_114 = arith.constant 0 : i32
      %dma_wait3A_115 = arith.constant 0 : i32
      %dma_wait3A_116 = tpu.memref_slice %arg16[%dma_wait3A_114, %dma_wait3A_115] : memref<10240x64xf32, #tpu.memory_space<vmem_shared>> -> memref<10240x64xf32, #tpu.memory_space<vmem_shared>>
      tpu.wait_indirect_dma semaphore(%arg22 : memref<!tpu.dma_semaphore, #tpu.memory_space<semaphore_mem>>) src(%arg12 : memref<128x64xf32, #tpu.memory_space<vmem>>) dst(%dma_wait3A_116 : memref<10240x64xf32, #tpu.memory_space<vmem_shared>>)
      %dma_start3A_117 = arith.constant 5 : i32
      %dma_start3A_118 = arith.constant 0 : i32
      %dma_start3A_119 = tpu.memref_slice %arg8[%dma_start3A_117, %dma_start3A_118] : memref<16x128xi32, #tpu.memory_space<vmem>> -> memref<1x128xi32, #tpu.memory_space<vmem>>
      %dma_start3A_120 = tpu.memref_squeeze %dma_start3A_119 : memref<1x128xi32, #tpu.memory_space<vmem>> -> memref<128xi32, #tpu.memory_space<vmem>>
      %dma_start3A_121 = arith.constant 0 : i32
      %dma_start3A_122 = arith.constant 0 : i32
      %dma_start3A_123 = tpu.memref_slice %arg15[%dma_start3A_121, %dma_start3A_122] : memref<10240x64xf32, #tpu.memory_space<vmem_shared>> -> memref<10240x64xf32, #tpu.memory_space<vmem_shared>>
      tpu.enqueue_indirect_dma source(%dma_start3A_123 : memref<10240x64xf32, #tpu.memory_space<vmem_shared>>) target(%arg12 : memref<128x64xf32, #tpu.memory_space<vmem>>) offsets(%dma_start3A_120 : memref<128xi32, #tpu.memory_space<vmem>>) semaphore(%arg18 : memref<!tpu.dma_semaphore, #tpu.memory_space<semaphore_mem>>)
      %dma_start3A_124 = arith.constant 4 : i32
      %dma_start3A_125 = arith.constant 0 : i32
      %dma_start3A_126 = tpu.memref_slice %arg9[%dma_start3A_124, %dma_start3A_125] : memref<16x128xi32, #tpu.memory_space<vmem>> -> memref<1x128xi32, #tpu.memory_space<vmem>>
      %dma_start3A_127 = tpu.memref_squeeze %dma_start3A_126 : memref<1x128xi32, #tpu.memory_space<vmem>> -> memref<128xi32, #tpu.memory_space<vmem>>
      %dma_start3A_128 = arith.constant 0 : i32
      %dma_start3A_129 = arith.constant 0 : i32
      %dma_start3A_130 = tpu.memref_slice %arg16[%dma_start3A_128, %dma_start3A_129] : memref<10240x64xf32, #tpu.memory_space<vmem_shared>> -> memref<10240x64xf32, #tpu.memory_space<vmem_shared>>
      tpu.enqueue_indirect_dma source(%arg11 : memref<128x64xf32, #tpu.memory_space<vmem>>) target(%dma_start3A_130 : memref<10240x64xf32, #tpu.memory_space<vmem_shared>>) offsets(%dma_start3A_127 : memref<128xi32, #tpu.memory_space<vmem>>) semaphore(%arg21 : memref<!tpu.dma_semaphore, #tpu.memory_space<semaphore_mem>>) {add = true}
      %dma_wait3A_131 = arith.constant 0 : i32
      %dma_wait3A_132 = arith.constant 0 : i32
      %dma_wait3A_133 = tpu.memref_slice %arg15[%dma_wait3A_131, %dma_wait3A_132] : memref<10240x64xf32, #tpu.memory_space<vmem_shared>> -> memref<128x64xf32, #tpu.memory_space<vmem_shared>>
      %dma_wait3A_134 = arith.constant 0 : i32
      %dma_wait3A_135 = arith.constant 0 : i32
      %dma_wait3A_136 = tpu.memref_slice %arg15[%dma_wait3A_134, %dma_wait3A_135] : memref<10240x64xf32, #tpu.memory_space<vmem_shared>> -> memref<128x64xf32, #tpu.memory_space<vmem_shared>>
      tpu.wait_dma2 semaphore(%arg18 : memref<!tpu.dma_semaphore, #tpu.memory_space<semaphore_mem>>) src(%dma_wait3A_136 : memref<128x64xf32, #tpu.memory_space<vmem_shared>>) dst(%arg12 : memref<128x64xf32, #tpu.memory_space<vmem>>)
      %dma_wait3A_137 = arith.constant 0 : i32
      %dma_wait3A_138 = arith.constant 0 : i32
      %dma_wait3A_139 = tpu.memref_slice %arg9[%dma_wait3A_137, %dma_wait3A_138] : memref<16x128xi32, #tpu.memory_space<vmem>> -> memref<1x128xi32, #tpu.memory_space<vmem>>
      %dma_wait3A_140 = tpu.memref_squeeze %dma_wait3A_139 : memref<1x128xi32, #tpu.memory_space<vmem>> -> memref<128xi32, #tpu.memory_space<vmem>>
      %dma_wait3A_141 = arith.constant 0 : i32
      %dma_wait3A_142 = arith.constant 0 : i32
      %dma_wait3A_143 = tpu.memref_slice %arg16[%dma_wait3A_141, %dma_wait3A_142] : memref<10240x64xf32, #tpu.memory_space<vmem_shared>> -> memref<10240x64xf32, #tpu.memory_space<vmem_shared>>
      tpu.wait_indirect_dma semaphore(%arg23 : memref<!tpu.dma_semaphore, #tpu.memory_space<semaphore_mem>>) src(%arg13 : memref<128x64xf32, #tpu.memory_space<vmem>>) dst(%dma_wait3A_143 : memref<10240x64xf32, #tpu.memory_space<vmem_shared>>)
      %dma_start3A_144 = arith.constant 6 : i32
      %dma_start3A_145 = arith.constant 0 : i32
      %dma_start3A_146 = tpu.memref_slice %arg8[%dma_start3A_144, %dma_start3A_145] : memref<16x128xi32, #tpu.memory_space<vmem>> -> memref<1x128xi32, #tpu.memory_space<vmem>>
      %dma_start3A_147 = tpu.memref_squeeze %dma_start3A_146 : memref<1x128xi32, #tpu.memory_space<vmem>> -> memref<128xi32, #tpu.memory_space<vmem>>
      %dma_start3A_148 = arith.constant 0 : i32
      %dma_start3A_149 = arith.constant 0 : i32
      %dma_start3A_150 = tpu.memref_slice %arg15[%dma_start3A_148, %dma_start3A_149] : memref<10240x64xf32, #tpu.memory_space<vmem_shared>> -> memref<10240x64xf32, #tpu.memory_space<vmem_shared>>
      tpu.enqueue_indirect_dma source(%dma_start3A_150 : memref<10240x64xf32, #tpu.memory_space<vmem_shared>>) target(%arg13 : memref<128x64xf32, #tpu.memory_space<vmem>>) offsets(%dma_start3A_147 : memref<128xi32, #tpu.memory_space<vmem>>) semaphore(%arg19 : memref<!tpu.dma_semaphore, #tpu.memory_space<semaphore_mem>>)
      %dma_start3A_151 = arith.constant 5 : i32
      %dma_start3A_152 = arith.constant 0 : i32
      %dma_start3A_153 = tpu.memref_slice %arg9[%dma_start3A_151, %dma_start3A_152] : memref<16x128xi32, #tpu.memory_space<vmem>> -> memref<1x128xi32, #tpu.memory_space<vmem>>
      %dma_start3A_154 = tpu.memref_squeeze %dma_start3A_153 : memref<1x128xi32, #tpu.memory_space<vmem>> -> memref<128xi32, #tpu.memory_space<vmem>>
      %dma_start3A_155 = arith.constant 0 : i32
      %dma_start3A_156 = arith.constant 0 : i32
      %dma_start3A_157 = tpu.memref_slice %arg16[%dma_start3A_155, %dma_start3A_156] : memref<10240x64xf32, #tpu.memory_space<vmem_shared>> -> memref<10240x64xf32, #tpu.memory_space<vmem_shared>>
      tpu.enqueue_indirect_dma source(%arg12 : memref<128x64xf32, #tpu.memory_space<vmem>>) target(%dma_start3A_157 : memref<10240x64xf32, #tpu.memory_space<vmem_shared>>) offsets(%dma_start3A_154 : memref<128xi32, #tpu.memory_space<vmem>>) semaphore(%arg22 : memref<!tpu.dma_semaphore, #tpu.memory_space<semaphore_mem>>) {add = true}
      %dma_wait3A_158 = arith.constant 0 : i32
      %dma_wait3A_159 = arith.constant 0 : i32
      %dma_wait3A_160 = tpu.memref_slice %arg15[%dma_wait3A_158, %dma_wait3A_159] : memref<10240x64xf32, #tpu.memory_space<vmem_shared>> -> memref<128x64xf32, #tpu.memory_space<vmem_shared>>
      %dma_wait3A_161 = arith.constant 0 : i32
      %dma_wait3A_162 = arith.constant 0 : i32
      %dma_wait3A_163 = tpu.memref_slice %arg15[%dma_wait3A_161, %dma_wait3A_162] : memref<10240x64xf32, #tpu.memory_space<vmem_shared>> -> memref<128x64xf32, #tpu.memory_space<vmem_shared>>
      tpu.wait_dma2 semaphore(%arg19 : memref<!tpu.dma_semaphore, #tpu.memory_space<semaphore_mem>>) src(%dma_wait3A_163 : memref<128x64xf32, #tpu.memory_space<vmem_shared>>) dst(%arg13 : memref<128x64xf32, #tpu.memory_space<vmem>>)
      %dma_wait3A_164 = arith.constant 0 : i32
      %dma_wait3A_165 = arith.constant 0 : i32
      %dma_wait3A_166 = tpu.memref_slice %arg9[%dma_wait3A_164, %dma_wait3A_165] : memref<16x128xi32, #tpu.memory_space<vmem>> -> memref<1x128xi32, #tpu.memory_space<vmem>>
      %dma_wait3A_167 = tpu.memref_squeeze %dma_wait3A_166 : memref<1x128xi32, #tpu.memory_space<vmem>> -> memref<128xi32, #tpu.memory_space<vmem>>
      %dma_wait3A_168 = arith.constant 0 : i32
      %dma_wait3A_169 = arith.constant 0 : i32
      %dma_wait3A_170 = tpu.memref_slice %arg16[%dma_wait3A_168, %dma_wait3A_169] : memref<10240x64xf32, #tpu.memory_space<vmem_shared>> -> memref<10240x64xf32, #tpu.memory_space<vmem_shared>>
      tpu.wait_indirect_dma semaphore(%arg24 : memref<!tpu.dma_semaphore, #tpu.memory_space<semaphore_mem>>) src(%arg14 : memref<128x64xf32, #tpu.memory_space<vmem>>) dst(%dma_wait3A_170 : memref<10240x64xf32, #tpu.memory_space<vmem_shared>>)
      %dma_start3A_171 = arith.constant 7 : i32
      %dma_start3A_172 = arith.constant 0 : i32
      %dma_start3A_173 = tpu.memref_slice %arg8[%dma_start3A_171, %dma_start3A_172] : memref<16x128xi32, #tpu.memory_space<vmem>> -> memref<1x128xi32, #tpu.memory_space<vmem>>
      %dma_start3A_174 = tpu.memref_squeeze %dma_start3A_173 : memref<1x128xi32, #tpu.memory_space<vmem>> -> memref<128xi32, #tpu.memory_space<vmem>>
      %dma_start3A_175 = arith.constant 0 : i32
      %dma_start3A_176 = arith.constant 0 : i32
      %dma_start3A_177 = tpu.memref_slice %arg15[%dma_start3A_175, %dma_start3A_176] : memref<10240x64xf32, #tpu.memory_space<vmem_shared>> -> memref<10240x64xf32, #tpu.memory_space<vmem_shared>>
      tpu.enqueue_indirect_dma source(%dma_start3A_177 : memref<10240x64xf32, #tpu.memory_space<vmem_shared>>) target(%arg14 : memref<128x64xf32, #tpu.memory_space<vmem>>) offsets(%dma_start3A_174 : memref<128xi32, #tpu.memory_space<vmem>>) semaphore(%arg20 : memref<!tpu.dma_semaphore, #tpu.memory_space<semaphore_mem>>)
      %dma_start3A_178 = arith.constant 6 : i32
      %dma_start3A_179 = arith.constant 0 : i32
      %dma_start3A_180 = tpu.memref_slice %arg9[%dma_start3A_178, %dma_start3A_179] : memref<16x128xi32, #tpu.memory_space<vmem>> -> memref<1x128xi32, #tpu.memory_space<vmem>>
      %dma_start3A_181 = tpu.memref_squeeze %dma_start3A_180 : memref<1x128xi32, #tpu.memory_space<vmem>> -> memref<128xi32, #tpu.memory_space<vmem>>
      %dma_start3A_182 = arith.constant 0 : i32
      %dma_start3A_183 = arith.constant 0 : i32
      %dma_start3A_184 = tpu.memref_slice %arg16[%dma_start3A_182, %dma_start3A_183] : memref<10240x64xf32, #tpu.memory_space<vmem_shared>> -> memref<10240x64xf32, #tpu.memory_space<vmem_shared>>
      tpu.enqueue_indirect_dma source(%arg13 : memref<128x64xf32, #tpu.memory_space<vmem>>) target(%dma_start3A_184 : memref<10240x64xf32, #tpu.memory_space<vmem_shared>>) offsets(%dma_start3A_181 : memref<128xi32, #tpu.memory_space<vmem>>) semaphore(%arg23 : memref<!tpu.dma_semaphore, #tpu.memory_space<semaphore_mem>>) {add = true}
      %dma_wait3A_185 = arith.constant 0 : i32
      %dma_wait3A_186 = arith.constant 0 : i32
      %dma_wait3A_187 = tpu.memref_slice %arg15[%dma_wait3A_185, %dma_wait3A_186] : memref<10240x64xf32, #tpu.memory_space<vmem_shared>> -> memref<128x64xf32, #tpu.memory_space<vmem_shared>>
      %dma_wait3A_188 = arith.constant 0 : i32
      %dma_wait3A_189 = arith.constant 0 : i32
      %dma_wait3A_190 = tpu.memref_slice %arg15[%dma_wait3A_188, %dma_wait3A_189] : memref<10240x64xf32, #tpu.memory_space<vmem_shared>> -> memref<128x64xf32, #tpu.memory_space<vmem_shared>>
      tpu.wait_dma2 semaphore(%arg20 : memref<!tpu.dma_semaphore, #tpu.memory_space<semaphore_mem>>) src(%dma_wait3A_190 : memref<128x64xf32, #tpu.memory_space<vmem_shared>>) dst(%arg14 : memref<128x64xf32, #tpu.memory_space<vmem>>)
      %dma_wait3A_191 = arith.constant 0 : i32
      %dma_wait3A_192 = arith.constant 0 : i32
      %dma_wait3A_193 = tpu.memref_slice %arg9[%dma_wait3A_191, %dma_wait3A_192] : memref<16x128xi32, #tpu.memory_space<vmem>> -> memref<1x128xi32, #tpu.memory_space<vmem>>
      %dma_wait3A_194 = tpu.memref_squeeze %dma_wait3A_193 : memref<1x128xi32, #tpu.memory_space<vmem>> -> memref<128xi32, #tpu.memory_space<vmem>>
      %dma_wait3A_195 = arith.constant 0 : i32
      %dma_wait3A_196 = arith.constant 0 : i32
      %dma_wait3A_197 = tpu.memref_slice %arg16[%dma_wait3A_195, %dma_wait3A_196] : memref<10240x64xf32, #tpu.memory_space<vmem_shared>> -> memref<10240x64xf32, #tpu.memory_space<vmem_shared>>
      tpu.wait_indirect_dma semaphore(%arg21 : memref<!tpu.dma_semaphore, #tpu.memory_space<semaphore_mem>>) src(%arg11 : memref<128x64xf32, #tpu.memory_space<vmem>>) dst(%dma_wait3A_197 : memref<10240x64xf32, #tpu.memory_space<vmem_shared>>)
      %dma_start3A_198 = arith.constant 8 : i32
      %dma_start3A_199 = arith.constant 0 : i32
      %dma_start3A_200 = tpu.memref_slice %arg8[%dma_start3A_198, %dma_start3A_199] : memref<16x128xi32, #tpu.memory_space<vmem>> -> memref<1x128xi32, #tpu.memory_space<vmem>>
      %dma_start3A_201 = tpu.memref_squeeze %dma_start3A_200 : memref<1x128xi32, #tpu.memory_space<vmem>> -> memref<128xi32, #tpu.memory_space<vmem>>
      %dma_start3A_202 = arith.constant 0 : i32
      %dma_start3A_203 = arith.constant 0 : i32
      %dma_start3A_204 = tpu.memref_slice %arg15[%dma_start3A_202, %dma_start3A_203] : memref<10240x64xf32, #tpu.memory_space<vmem_shared>> -> memref<10240x64xf32, #tpu.memory_space<vmem_shared>>
      tpu.enqueue_indirect_dma source(%dma_start3A_204 : memref<10240x64xf32, #tpu.memory_space<vmem_shared>>) target(%arg11 : memref<128x64xf32, #tpu.memory_space<vmem>>) offsets(%dma_start3A_201 : memref<128xi32, #tpu.memory_space<vmem>>) semaphore(%arg17 : memref<!tpu.dma_semaphore, #tpu.memory_space<semaphore_mem>>)
      %dma_start3A_205 = arith.constant 7 : i32
      %dma_start3A_206 = arith.constant 0 : i32
      %dma_start3A_207 = tpu.memref_slice %arg9[%dma_start3A_205, %dma_start3A_206] : memref<16x128xi32, #tpu.memory_space<vmem>> -> memref<1x128xi32, #tpu.memory_space<vmem>>
      %dma_start3A_208 = tpu.memref_squeeze %dma_start3A_207 : memref<1x128xi32, #tpu.memory_space<vmem>> -> memref<128xi32, #tpu.memory_space<vmem>>
      %dma_start3A_209 = arith.constant 0 : i32
      %dma_start3A_210 = arith.constant 0 : i32
      %dma_start3A_211 = tpu.memref_slice %arg16[%dma_start3A_209, %dma_start3A_210] : memref<10240x64xf32, #tpu.memory_space<vmem_shared>> -> memref<10240x64xf32, #tpu.memory_space<vmem_shared>>
      tpu.enqueue_indirect_dma source(%arg14 : memref<128x64xf32, #tpu.memory_space<vmem>>) target(%dma_start3A_211 : memref<10240x64xf32, #tpu.memory_space<vmem_shared>>) offsets(%dma_start3A_208 : memref<128xi32, #tpu.memory_space<vmem>>) semaphore(%arg24 : memref<!tpu.dma_semaphore, #tpu.memory_space<semaphore_mem>>) {add = true}
      %dma_wait3A_212 = arith.constant 0 : i32
      %dma_wait3A_213 = arith.constant 0 : i32
      %dma_wait3A_214 = tpu.memref_slice %arg15[%dma_wait3A_212, %dma_wait3A_213] : memref<10240x64xf32, #tpu.memory_space<vmem_shared>> -> memref<128x64xf32, #tpu.memory_space<vmem_shared>>
      %dma_wait3A_215 = arith.constant 0 : i32
      %dma_wait3A_216 = arith.constant 0 : i32
      %dma_wait3A_217 = tpu.memref_slice %arg15[%dma_wait3A_215, %dma_wait3A_216] : memref<10240x64xf32, #tpu.memory_space<vmem_shared>> -> memref<128x64xf32, #tpu.memory_space<vmem_shared>>
      tpu.wait_dma2 semaphore(%arg17 : memref<!tpu.dma_semaphore, #tpu.memory_space<semaphore_mem>>) src(%dma_wait3A_217 : memref<128x64xf32, #tpu.memory_space<vmem_shared>>) dst(%arg11 : memref<128x64xf32, #tpu.memory_space<vmem>>)
      %dma_wait3A_218 = arith.constant 0 : i32
      %dma_wait3A_219 = arith.constant 0 : i32
      %dma_wait3A_220 = tpu.memref_slice %arg9[%dma_wait3A_218, %dma_wait3A_219] : memref<16x128xi32, #tpu.memory_space<vmem>> -> memref<1x128xi32, #tpu.memory_space<vmem>>
      %dma_wait3A_221 = tpu.memref_squeeze %dma_wait3A_220 : memref<1x128xi32, #tpu.memory_space<vmem>> -> memref<128xi32, #tpu.memory_space<vmem>>
      %dma_wait3A_222 = arith.constant 0 : i32
      %dma_wait3A_223 = arith.constant 0 : i32
      %dma_wait3A_224 = tpu.memref_slice %arg16[%dma_wait3A_222, %dma_wait3A_223] : memref<10240x64xf32, #tpu.memory_space<vmem_shared>> -> memref<10240x64xf32, #tpu.memory_space<vmem_shared>>
      tpu.wait_indirect_dma semaphore(%arg22 : memref<!tpu.dma_semaphore, #tpu.memory_space<semaphore_mem>>) src(%arg12 : memref<128x64xf32, #tpu.memory_space<vmem>>) dst(%dma_wait3A_224 : memref<10240x64xf32, #tpu.memory_space<vmem_shared>>)
      %dma_start3A_225 = arith.constant 9 : i32
      %dma_start3A_226 = arith.constant 0 : i32
      %dma_start3A_227 = tpu.memref_slice %arg8[%dma_start3A_225, %dma_start3A_226] : memref<16x128xi32, #tpu.memory_space<vmem>> -> memref<1x128xi32, #tpu.memory_space<vmem>>
      %dma_start3A_228 = tpu.memref_squeeze %dma_start3A_227 : memref<1x128xi32, #tpu.memory_space<vmem>> -> memref<128xi32, #tpu.memory_space<vmem>>
      %dma_start3A_229 = arith.constant 0 : i32
      %dma_start3A_230 = arith.constant 0 : i32
      %dma_start3A_231 = tpu.memref_slice %arg15[%dma_start3A_229, %dma_start3A_230] : memref<10240x64xf32, #tpu.memory_space<vmem_shared>> -> memref<10240x64xf32, #tpu.memory_space<vmem_shared>>
      tpu.enqueue_indirect_dma source(%dma_start3A_231 : memref<10240x64xf32, #tpu.memory_space<vmem_shared>>) target(%arg12 : memref<128x64xf32, #tpu.memory_space<vmem>>) offsets(%dma_start3A_228 : memref<128xi32, #tpu.memory_space<vmem>>) semaphore(%arg18 : memref<!tpu.dma_semaphore, #tpu.memory_space<semaphore_mem>>)
      %dma_start3A_232 = arith.constant 8 : i32
      %dma_start3A_233 = arith.constant 0 : i32
      %dma_start3A_234 = tpu.memref_slice %arg9[%dma_start3A_232, %dma_start3A_233] : memref<16x128xi32, #tpu.memory_space<vmem>> -> memref<1x128xi32, #tpu.memory_space<vmem>>
      %dma_start3A_235 = tpu.memref_squeeze %dma_start3A_234 : memref<1x128xi32, #tpu.memory_space<vmem>> -> memref<128xi32, #tpu.memory_space<vmem>>
      %dma_start3A_236 = arith.constant 0 : i32
      %dma_start3A_237 = arith.constant 0 : i32
      %dma_start3A_238 = tpu.memref_slice %arg16[%dma_start3A_236, %dma_start3A_237] : memref<10240x64xf32, #tpu.memory_space<vmem_shared>> -> memref<10240x64xf32, #tpu.memory_space<vmem_shared>>
      tpu.enqueue_indirect_dma source(%arg11 : memref<128x64xf32, #tpu.memory_space<vmem>>) target(%dma_start3A_238 : memref<10240x64xf32, #tpu.memory_space<vmem_shared>>) offsets(%dma_start3A_235 : memref<128xi32, #tpu.memory_space<vmem>>) semaphore(%arg21 : memref<!tpu.dma_semaphore, #tpu.memory_space<semaphore_mem>>) {add = true}
      %dma_wait3A_239 = arith.constant 0 : i32
      %dma_wait3A_240 = arith.constant 0 : i32
      %dma_wait3A_241 = tpu.memref_slice %arg15[%dma_wait3A_239, %dma_wait3A_240] : memref<10240x64xf32, #tpu.memory_space<vmem_shared>> -> memref<128x64xf32, #tpu.memory_space<vmem_shared>>
      %dma_wait3A_242 = arith.constant 0 : i32
      %dma_wait3A_243 = arith.constant 0 : i32
      %dma_wait3A_244 = tpu.memref_slice %arg15[%dma_wait3A_242, %dma_wait3A_243] : memref<10240x64xf32, #tpu.memory_space<vmem_shared>> -> memref<128x64xf32, #tpu.memory_space<vmem_shared>>
      tpu.wait_dma2 semaphore(%arg18 : memref<!tpu.dma_semaphore, #tpu.memory_space<semaphore_mem>>) src(%dma_wait3A_244 : memref<128x64xf32, #tpu.memory_space<vmem_shared>>) dst(%arg12 : memref<128x64xf32, #tpu.memory_space<vmem>>)
      %dma_wait3A_245 = arith.constant 0 : i32
      %dma_wait3A_246 = arith.constant 0 : i32
      %dma_wait3A_247 = tpu.memref_slice %arg9[%dma_wait3A_245, %dma_wait3A_246] : memref<16x128xi32, #tpu.memory_space<vmem>> -> memref<1x128xi32, #tpu.memory_space<vmem>>
      %dma_wait3A_248 = tpu.memref_squeeze %dma_wait3A_247 : memref<1x128xi32, #tpu.memory_space<vmem>> -> memref<128xi32, #tpu.memory_space<vmem>>
      %dma_wait3A_249 = arith.constant 0 : i32
      %dma_wait3A_250 = arith.constant 0 : i32
      %dma_wait3A_251 = tpu.memref_slice %arg16[%dma_wait3A_249, %dma_wait3A_250] : memref<10240x64xf32, #tpu.memory_space<vmem_shared>> -> memref<10240x64xf32, #tpu.memory_space<vmem_shared>>
      tpu.wait_indirect_dma semaphore(%arg23 : memref<!tpu.dma_semaphore, #tpu.memory_space<semaphore_mem>>) src(%arg13 : memref<128x64xf32, #tpu.memory_space<vmem>>) dst(%dma_wait3A_251 : memref<10240x64xf32, #tpu.memory_space<vmem_shared>>)
      %dma_start3A_252 = arith.constant 10 : i32
      %dma_start3A_253 = arith.constant 0 : i32
      %dma_start3A_254 = tpu.memref_slice %arg8[%dma_start3A_252, %dma_start3A_253] : memref<16x128xi32, #tpu.memory_space<vmem>> -> memref<1x128xi32, #tpu.memory_space<vmem>>
      %dma_start3A_255 = tpu.memref_squeeze %dma_start3A_254 : memref<1x128xi32, #tpu.memory_space<vmem>> -> memref<128xi32, #tpu.memory_space<vmem>>
      %dma_start3A_256 = arith.constant 0 : i32
      %dma_start3A_257 = arith.constant 0 : i32
      %dma_start3A_258 = tpu.memref_slice %arg15[%dma_start3A_256, %dma_start3A_257] : memref<10240x64xf32, #tpu.memory_space<vmem_shared>> -> memref<10240x64xf32, #tpu.memory_space<vmem_shared>>
      tpu.enqueue_indirect_dma source(%dma_start3A_258 : memref<10240x64xf32, #tpu.memory_space<vmem_shared>>) target(%arg13 : memref<128x64xf32, #tpu.memory_space<vmem>>) offsets(%dma_start3A_255 : memref<128xi32, #tpu.memory_space<vmem>>) semaphore(%arg19 : memref<!tpu.dma_semaphore, #tpu.memory_space<semaphore_mem>>)
      %dma_start3A_259 = arith.constant 9 : i32
      %dma_start3A_260 = arith.constant 0 : i32
      %dma_start3A_261 = tpu.memref_slice %arg9[%dma_start3A_259, %dma_start3A_260] : memref<16x128xi32, #tpu.memory_space<vmem>> -> memref<1x128xi32, #tpu.memory_space<vmem>>
      %dma_start3A_262 = tpu.memref_squeeze %dma_start3A_261 : memref<1x128xi32, #tpu.memory_space<vmem>> -> memref<128xi32, #tpu.memory_space<vmem>>
      %dma_start3A_263 = arith.constant 0 : i32
      %dma_start3A_264 = arith.constant 0 : i32
      %dma_start3A_265 = tpu.memref_slice %arg16[%dma_start3A_263, %dma_start3A_264] : memref<10240x64xf32, #tpu.memory_space<vmem_shared>> -> memref<10240x64xf32, #tpu.memory_space<vmem_shared>>
      tpu.enqueue_indirect_dma source(%arg12 : memref<128x64xf32, #tpu.memory_space<vmem>>) target(%dma_start3A_265 : memref<10240x64xf32, #tpu.memory_space<vmem_shared>>) offsets(%dma_start3A_262 : memref<128xi32, #tpu.memory_space<vmem>>) semaphore(%arg22 : memref<!tpu.dma_semaphore, #tpu.memory_space<semaphore_mem>>) {add = true}
      %dma_wait3A_266 = arith.constant 0 : i32
      %dma_wait3A_267 = arith.constant 0 : i32
      %dma_wait3A_268 = tpu.memref_slice %arg15[%dma_wait3A_266, %dma_wait3A_267] : memref<10240x64xf32, #tpu.memory_space<vmem_shared>> -> memref<128x64xf32, #tpu.memory_space<vmem_shared>>
      %dma_wait3A_269 = arith.constant 0 : i32
      %dma_wait3A_270 = arith.constant 0 : i32
      %dma_wait3A_271 = tpu.memref_slice %arg15[%dma_wait3A_269, %dma_wait3A_270] : memref<10240x64xf32, #tpu.memory_space<vmem_shared>> -> memref<128x64xf32, #tpu.memory_space<vmem_shared>>
      tpu.wait_dma2 semaphore(%arg19 : memref<!tpu.dma_semaphore, #tpu.memory_space<semaphore_mem>>) src(%dma_wait3A_271 : memref<128x64xf32, #tpu.memory_space<vmem_shared>>) dst(%arg13 : memref<128x64xf32, #tpu.memory_space<vmem>>)
      %dma_wait3A_272 = arith.constant 0 : i32
      %dma_wait3A_273 = arith.constant 0 : i32
      %dma_wait3A_274 = tpu.memref_slice %arg9[%dma_wait3A_272, %dma_wait3A_273] : memref<16x128xi32, #tpu.memory_space<vmem>> -> memref<1x128xi32, #tpu.memory_space<vmem>>
      %dma_wait3A_275 = tpu.memref_squeeze %dma_wait3A_274 : memref<1x128xi32, #tpu.memory_space<vmem>> -> memref<128xi32, #tpu.memory_space<vmem>>
      %dma_wait3A_276 = arith.constant 0 : i32
      %dma_wait3A_277 = arith.constant 0 : i32
      %dma_wait3A_278 = tpu.memref_slice %arg16[%dma_wait3A_276, %dma_wait3A_277] : memref<10240x64xf32, #tpu.memory_space<vmem_shared>> -> memref<10240x64xf32, #tpu.memory_space<vmem_shared>>
      tpu.wait_indirect_dma semaphore(%arg24 : memref<!tpu.dma_semaphore, #tpu.memory_space<semaphore_mem>>) src(%arg14 : memref<128x64xf32, #tpu.memory_space<vmem>>) dst(%dma_wait3A_278 : memref<10240x64xf32, #tpu.memory_space<vmem_shared>>)
      %dma_start3A_279 = arith.constant 11 : i32
      %dma_start3A_280 = arith.constant 0 : i32
      %dma_start3A_281 = tpu.memref_slice %arg8[%dma_start3A_279, %dma_start3A_280] : memref<16x128xi32, #tpu.memory_space<vmem>> -> memref<1x128xi32, #tpu.memory_space<vmem>>
      %dma_start3A_282 = tpu.memref_squeeze %dma_start3A_281 : memref<1x128xi32, #tpu.memory_space<vmem>> -> memref<128xi32, #tpu.memory_space<vmem>>
      %dma_start3A_283 = arith.constant 0 : i32
      %dma_start3A_284 = arith.constant 0 : i32
      %dma_start3A_285 = tpu.memref_slice %arg15[%dma_start3A_283, %dma_start3A_284] : memref<10240x64xf32, #tpu.memory_space<vmem_shared>> -> memref<10240x64xf32, #tpu.memory_space<vmem_shared>>
      tpu.enqueue_indirect_dma source(%dma_start3A_285 : memref<10240x64xf32, #tpu.memory_space<vmem_shared>>) target(%arg14 : memref<128x64xf32, #tpu.memory_space<vmem>>) offsets(%dma_start3A_282 : memref<128xi32, #tpu.memory_space<vmem>>) semaphore(%arg20 : memref<!tpu.dma_semaphore, #tpu.memory_space<semaphore_mem>>)
      %dma_start3A_286 = arith.constant 10 : i32
      %dma_start3A_287 = arith.constant 0 : i32
      %dma_start3A_288 = tpu.memref_slice %arg9[%dma_start3A_286, %dma_start3A_287] : memref<16x128xi32, #tpu.memory_space<vmem>> -> memref<1x128xi32, #tpu.memory_space<vmem>>
      %dma_start3A_289 = tpu.memref_squeeze %dma_start3A_288 : memref<1x128xi32, #tpu.memory_space<vmem>> -> memref<128xi32, #tpu.memory_space<vmem>>
      %dma_start3A_290 = arith.constant 0 : i32
      %dma_start3A_291 = arith.constant 0 : i32
      %dma_start3A_292 = tpu.memref_slice %arg16[%dma_start3A_290, %dma_start3A_291] : memref<10240x64xf32, #tpu.memory_space<vmem_shared>> -> memref<10240x64xf32, #tpu.memory_space<vmem_shared>>
      tpu.enqueue_indirect_dma source(%arg13 : memref<128x64xf32, #tpu.memory_space<vmem>>) target(%dma_start3A_292 : memref<10240x64xf32, #tpu.memory_space<vmem_shared>>) offsets(%dma_start3A_289 : memref<128xi32, #tpu.memory_space<vmem>>) semaphore(%arg23 : memref<!tpu.dma_semaphore, #tpu.memory_space<semaphore_mem>>) {add = true}
      %dma_wait3A_293 = arith.constant 0 : i32
      %dma_wait3A_294 = arith.constant 0 : i32
      %dma_wait3A_295 = tpu.memref_slice %arg15[%dma_wait3A_293, %dma_wait3A_294] : memref<10240x64xf32, #tpu.memory_space<vmem_shared>> -> memref<128x64xf32, #tpu.memory_space<vmem_shared>>
      %dma_wait3A_296 = arith.constant 0 : i32
      %dma_wait3A_297 = arith.constant 0 : i32
      %dma_wait3A_298 = tpu.memref_slice %arg15[%dma_wait3A_296, %dma_wait3A_297] : memref<10240x64xf32, #tpu.memory_space<vmem_shared>> -> memref<128x64xf32, #tpu.memory_space<vmem_shared>>
      tpu.wait_dma2 semaphore(%arg20 : memref<!tpu.dma_semaphore, #tpu.memory_space<semaphore_mem>>) src(%dma_wait3A_298 : memref<128x64xf32, #tpu.memory_space<vmem_shared>>) dst(%arg14 : memref<128x64xf32, #tpu.memory_space<vmem>>)
      %dma_wait3A_299 = arith.constant 0 : i32
      %dma_wait3A_300 = arith.constant 0 : i32
      %dma_wait3A_301 = tpu.memref_slice %arg9[%dma_wait3A_299, %dma_wait3A_300] : memref<16x128xi32, #tpu.memory_space<vmem>> -> memref<1x128xi32, #tpu.memory_space<vmem>>
      %dma_wait3A_302 = tpu.memref_squeeze %dma_wait3A_301 : memref<1x128xi32, #tpu.memory_space<vmem>> -> memref<128xi32, #tpu.memory_space<vmem>>
      %dma_wait3A_303 = arith.constant 0 : i32
      %dma_wait3A_304 = arith.constant 0 : i32
      %dma_wait3A_305 = tpu.memref_slice %arg16[%dma_wait3A_303, %dma_wait3A_304] : memref<10240x64xf32, #tpu.memory_space<vmem_shared>> -> memref<10240x64xf32, #tpu.memory_space<vmem_shared>>
      tpu.wait_indirect_dma semaphore(%arg21 : memref<!tpu.dma_semaphore, #tpu.memory_space<semaphore_mem>>) src(%arg11 : memref<128x64xf32, #tpu.memory_space<vmem>>) dst(%dma_wait3A_305 : memref<10240x64xf32, #tpu.memory_space<vmem_shared>>)
      %dma_start3A_306 = arith.constant 12 : i32
      %dma_start3A_307 = arith.constant 0 : i32
      %dma_start3A_308 = tpu.memref_slice %arg8[%dma_start3A_306, %dma_start3A_307] : memref<16x128xi32, #tpu.memory_space<vmem>> -> memref<1x128xi32, #tpu.memory_space<vmem>>
      %dma_start3A_309 = tpu.memref_squeeze %dma_start3A_308 : memref<1x128xi32, #tpu.memory_space<vmem>> -> memref<128xi32, #tpu.memory_space<vmem>>
      %dma_start3A_310 = arith.constant 0 : i32
      %dma_start3A_311 = arith.constant 0 : i32
      %dma_start3A_312 = tpu.memref_slice %arg15[%dma_start3A_310, %dma_start3A_311] : memref<10240x64xf32, #tpu.memory_space<vmem_shared>> -> memref<10240x64xf32, #tpu.memory_space<vmem_shared>>
      tpu.enqueue_indirect_dma source(%dma_start3A_312 : memref<10240x64xf32, #tpu.memory_space<vmem_shared>>) target(%arg11 : memref<128x64xf32, #tpu.memory_space<vmem>>) offsets(%dma_start3A_309 : memref<128xi32, #tpu.memory_space<vmem>>) semaphore(%arg17 : memref<!tpu.dma_semaphore, #tpu.memory_space<semaphore_mem>>)
      %dma_start3A_313 = arith.constant 11 : i32
      %dma_start3A_314 = arith.constant 0 : i32
      %dma_start3A_315 = tpu.memref_slice %arg9[%dma_start3A_313, %dma_start3A_314] : memref<16x128xi32, #tpu.memory_space<vmem>> -> memref<1x128xi32, #tpu.memory_space<vmem>>
      %dma_start3A_316 = tpu.memref_squeeze %dma_start3A_315 : memref<1x128xi32, #tpu.memory_space<vmem>> -> memref<128xi32, #tpu.memory_space<vmem>>
      %dma_start3A_317 = arith.constant 0 : i32
      %dma_start3A_318 = arith.constant 0 : i32
      %dma_start3A_319 = tpu.memref_slice %arg16[%dma_start3A_317, %dma_start3A_318] : memref<10240x64xf32, #tpu.memory_space<vmem_shared>> -> memref<10240x64xf32, #tpu.memory_space<vmem_shared>>
      tpu.enqueue_indirect_dma source(%arg14 : memref<128x64xf32, #tpu.memory_space<vmem>>) target(%dma_start3A_319 : memref<10240x64xf32, #tpu.memory_space<vmem_shared>>) offsets(%dma_start3A_316 : memref<128xi32, #tpu.memory_space<vmem>>) semaphore(%arg24 : memref<!tpu.dma_semaphore, #tpu.memory_space<semaphore_mem>>) {add = true}
      %dma_wait3A_320 = arith.constant 0 : i32
      %dma_wait3A_321 = arith.constant 0 : i32
      %dma_wait3A_322 = tpu.memref_slice %arg15[%dma_wait3A_320, %dma_wait3A_321] : memref<10240x64xf32, #tpu.memory_space<vmem_shared>> -> memref<128x64xf32, #tpu.memory_space<vmem_shared>>
      %dma_wait3A_323 = arith.constant 0 : i32
      %dma_wait3A_324 = arith.constant 0 : i32
      %dma_wait3A_325 = tpu.memref_slice %arg15[%dma_wait3A_323, %dma_wait3A_324] : memref<10240x64xf32, #tpu.memory_space<vmem_shared>> -> memref<128x64xf32, #tpu.memory_space<vmem_shared>>
      tpu.wait_dma2 semaphore(%arg17 : memref<!tpu.dma_semaphore, #tpu.memory_space<semaphore_mem>>) src(%dma_wait3A_325 : memref<128x64xf32, #tpu.memory_space<vmem_shared>>) dst(%arg11 : memref<128x64xf32, #tpu.memory_space<vmem>>)
      %dma_wait3A_326 = arith.constant 0 : i32
      %dma_wait3A_327 = arith.constant 0 : i32
      %dma_wait3A_328 = tpu.memref_slice %arg9[%dma_wait3A_326, %dma_wait3A_327] : memref<16x128xi32, #tpu.memory_space<vmem>> -> memref<1x128xi32, #tpu.memory_space<vmem>>
      %dma_wait3A_329 = tpu.memref_squeeze %dma_wait3A_328 : memref<1x128xi32, #tpu.memory_space<vmem>> -> memref<128xi32, #tpu.memory_space<vmem>>
      %dma_wait3A_330 = arith.constant 0 : i32
      %dma_wait3A_331 = arith.constant 0 : i32
      %dma_wait3A_332 = tpu.memref_slice %arg16[%dma_wait3A_330, %dma_wait3A_331] : memref<10240x64xf32, #tpu.memory_space<vmem_shared>> -> memref<10240x64xf32, #tpu.memory_space<vmem_shared>>
      tpu.wait_indirect_dma semaphore(%arg22 : memref<!tpu.dma_semaphore, #tpu.memory_space<semaphore_mem>>) src(%arg12 : memref<128x64xf32, #tpu.memory_space<vmem>>) dst(%dma_wait3A_332 : memref<10240x64xf32, #tpu.memory_space<vmem_shared>>)
      %dma_start3A_333 = arith.constant 13 : i32
      %dma_start3A_334 = arith.constant 0 : i32
      %dma_start3A_335 = tpu.memref_slice %arg8[%dma_start3A_333, %dma_start3A_334] : memref<16x128xi32, #tpu.memory_space<vmem>> -> memref<1x128xi32, #tpu.memory_space<vmem>>
      %dma_start3A_336 = tpu.memref_squeeze %dma_start3A_335 : memref<1x128xi32, #tpu.memory_space<vmem>> -> memref<128xi32, #tpu.memory_space<vmem>>
      %dma_start3A_337 = arith.constant 0 : i32
      %dma_start3A_338 = arith.constant 0 : i32
      %dma_start3A_339 = tpu.memref_slice %arg15[%dma_start3A_337, %dma_start3A_338] : memref<10240x64xf32, #tpu.memory_space<vmem_shared>> -> memref<10240x64xf32, #tpu.memory_space<vmem_shared>>
      tpu.enqueue_indirect_dma source(%dma_start3A_339 : memref<10240x64xf32, #tpu.memory_space<vmem_shared>>) target(%arg12 : memref<128x64xf32, #tpu.memory_space<vmem>>) offsets(%dma_start3A_336 : memref<128xi32, #tpu.memory_space<vmem>>) semaphore(%arg18 : memref<!tpu.dma_semaphore, #tpu.memory_space<semaphore_mem>>)
      %dma_start3A_340 = arith.constant 12 : i32
      %dma_start3A_341 = arith.constant 0 : i32
      %dma_start3A_342 = tpu.memref_slice %arg9[%dma_start3A_340, %dma_start3A_341] : memref<16x128xi32, #tpu.memory_space<vmem>> -> memref<1x128xi32, #tpu.memory_space<vmem>>
      %dma_start3A_343 = tpu.memref_squeeze %dma_start3A_342 : memref<1x128xi32, #tpu.memory_space<vmem>> -> memref<128xi32, #tpu.memory_space<vmem>>
      %dma_start3A_344 = arith.constant 0 : i32
      %dma_start3A_345 = arith.constant 0 : i32
      %dma_start3A_346 = tpu.memref_slice %arg16[%dma_start3A_344, %dma_start3A_345] : memref<10240x64xf32, #tpu.memory_space<vmem_shared>> -> memref<10240x64xf32, #tpu.memory_space<vmem_shared>>
      tpu.enqueue_indirect_dma source(%arg11 : memref<128x64xf32, #tpu.memory_space<vmem>>) target(%dma_start3A_346 : memref<10240x64xf32, #tpu.memory_space<vmem_shared>>) offsets(%dma_start3A_343 : memref<128xi32, #tpu.memory_space<vmem>>) semaphore(%arg21 : memref<!tpu.dma_semaphore, #tpu.memory_space<semaphore_mem>>) {add = true}
      %dma_wait3A_347 = arith.constant 0 : i32
      %dma_wait3A_348 = arith.constant 0 : i32
      %dma_wait3A_349 = tpu.memref_slice %arg15[%dma_wait3A_347, %dma_wait3A_348] : memref<10240x64xf32, #tpu.memory_space<vmem_shared>> -> memref<128x64xf32, #tpu.memory_space<vmem_shared>>
      %dma_wait3A_350 = arith.constant 0 : i32
      %dma_wait3A_351 = arith.constant 0 : i32
      %dma_wait3A_352 = tpu.memref_slice %arg15[%dma_wait3A_350, %dma_wait3A_351] : memref<10240x64xf32, #tpu.memory_space<vmem_shared>> -> memref<128x64xf32, #tpu.memory_space<vmem_shared>>
      tpu.wait_dma2 semaphore(%arg18 : memref<!tpu.dma_semaphore, #tpu.memory_space<semaphore_mem>>) src(%dma_wait3A_352 : memref<128x64xf32, #tpu.memory_space<vmem_shared>>) dst(%arg12 : memref<128x64xf32, #tpu.memory_space<vmem>>)
      %dma_wait3A_353 = arith.constant 0 : i32
      %dma_wait3A_354 = arith.constant 0 : i32
      %dma_wait3A_355 = tpu.memref_slice %arg9[%dma_wait3A_353, %dma_wait3A_354] : memref<16x128xi32, #tpu.memory_space<vmem>> -> memref<1x128xi32, #tpu.memory_space<vmem>>
      %dma_wait3A_356 = tpu.memref_squeeze %dma_wait3A_355 : memref<1x128xi32, #tpu.memory_space<vmem>> -> memref<128xi32, #tpu.memory_space<vmem>>
      %dma_wait3A_357 = arith.constant 0 : i32
      %dma_wait3A_358 = arith.constant 0 : i32
      %dma_wait3A_359 = tpu.memref_slice %arg16[%dma_wait3A_357, %dma_wait3A_358] : memref<10240x64xf32, #tpu.memory_space<vmem_shared>> -> memref<10240x64xf32, #tpu.memory_space<vmem_shared>>
      tpu.wait_indirect_dma semaphore(%arg23 : memref<!tpu.dma_semaphore, #tpu.memory_space<semaphore_mem>>) src(%arg13 : memref<128x64xf32, #tpu.memory_space<vmem>>) dst(%dma_wait3A_359 : memref<10240x64xf32, #tpu.memory_space<vmem_shared>>)
      %dma_start3A_360 = arith.constant 14 : i32
      %dma_start3A_361 = arith.constant 0 : i32
      %dma_start3A_362 = tpu.memref_slice %arg8[%dma_start3A_360, %dma_start3A_361] : memref<16x128xi32, #tpu.memory_space<vmem>> -> memref<1x128xi32, #tpu.memory_space<vmem>>
      %dma_start3A_363 = tpu.memref_squeeze %dma_start3A_362 : memref<1x128xi32, #tpu.memory_space<vmem>> -> memref<128xi32, #tpu.memory_space<vmem>>
      %dma_start3A_364 = arith.constant 0 : i32
      %dma_start3A_365 = arith.constant 0 : i32
      %dma_start3A_366 = tpu.memref_slice %arg15[%dma_start3A_364, %dma_start3A_365] : memref<10240x64xf32, #tpu.memory_space<vmem_shared>> -> memref<10240x64xf32, #tpu.memory_space<vmem_shared>>
      tpu.enqueue_indirect_dma source(%dma_start3A_366 : memref<10240x64xf32, #tpu.memory_space<vmem_shared>>) target(%arg13 : memref<128x64xf32, #tpu.memory_space<vmem>>) offsets(%dma_start3A_363 : memref<128xi32, #tpu.memory_space<vmem>>) semaphore(%arg19 : memref<!tpu.dma_semaphore, #tpu.memory_space<semaphore_mem>>)
      %dma_start3A_367 = arith.constant 13 : i32
      %dma_start3A_368 = arith.constant 0 : i32
      %dma_start3A_369 = tpu.memref_slice %arg9[%dma_start3A_367, %dma_start3A_368] : memref<16x128xi32, #tpu.memory_space<vmem>> -> memref<1x128xi32, #tpu.memory_space<vmem>>
      %dma_start3A_370 = tpu.memref_squeeze %dma_start3A_369 : memref<1x128xi32, #tpu.memory_space<vmem>> -> memref<128xi32, #tpu.memory_space<vmem>>
      %dma_start3A_371 = arith.constant 0 : i32
      %dma_start3A_372 = arith.constant 0 : i32
      %dma_start3A_373 = tpu.memref_slice %arg16[%dma_start3A_371, %dma_start3A_372] : memref<10240x64xf32, #tpu.memory_space<vmem_shared>> -> memref<10240x64xf32, #tpu.memory_space<vmem_shared>>
      tpu.enqueue_indirect_dma source(%arg12 : memref<128x64xf32, #tpu.memory_space<vmem>>) target(%dma_start3A_373 : memref<10240x64xf32, #tpu.memory_space<vmem_shared>>) offsets(%dma_start3A_370 : memref<128xi32, #tpu.memory_space<vmem>>) semaphore(%arg22 : memref<!tpu.dma_semaphore, #tpu.memory_space<semaphore_mem>>) {add = true}
      %dma_wait3A_374 = arith.constant 0 : i32
      %dma_wait3A_375 = arith.constant 0 : i32
      %dma_wait3A_376 = tpu.memref_slice %arg15[%dma_wait3A_374, %dma_wait3A_375] : memref<10240x64xf32, #tpu.memory_space<vmem_shared>> -> memref<128x64xf32, #tpu.memory_space<vmem_shared>>
      %dma_wait3A_377 = arith.constant 0 : i32
      %dma_wait3A_378 = arith.constant 0 : i32
      %dma_wait3A_379 = tpu.memref_slice %arg15[%dma_wait3A_377, %dma_wait3A_378] : memref<10240x64xf32, #tpu.memory_space<vmem_shared>> -> memref<128x64xf32, #tpu.memory_space<vmem_shared>>
      tpu.wait_dma2 semaphore(%arg19 : memref<!tpu.dma_semaphore, #tpu.memory_space<semaphore_mem>>) src(%dma_wait3A_379 : memref<128x64xf32, #tpu.memory_space<vmem_shared>>) dst(%arg13 : memref<128x64xf32, #tpu.memory_space<vmem>>)
      %dma_wait3A_380 = arith.constant 0 : i32
      %dma_wait3A_381 = arith.constant 0 : i32
      %dma_wait3A_382 = tpu.memref_slice %arg9[%dma_wait3A_380, %dma_wait3A_381] : memref<16x128xi32, #tpu.memory_space<vmem>> -> memref<1x128xi32, #tpu.memory_space<vmem>>
      %dma_wait3A_383 = tpu.memref_squeeze %dma_wait3A_382 : memref<1x128xi32, #tpu.memory_space<vmem>> -> memref<128xi32, #tpu.memory_space<vmem>>
      %dma_wait3A_384 = arith.constant 0 : i32
      %dma_wait3A_385 = arith.constant 0 : i32
      %dma_wait3A_386 = tpu.memref_slice %arg16[%dma_wait3A_384, %dma_wait3A_385] : memref<10240x64xf32, #tpu.memory_space<vmem_shared>> -> memref<10240x64xf32, #tpu.memory_space<vmem_shared>>
      tpu.wait_indirect_dma semaphore(%arg24 : memref<!tpu.dma_semaphore, #tpu.memory_space<semaphore_mem>>) src(%arg14 : memref<128x64xf32, #tpu.memory_space<vmem>>) dst(%dma_wait3A_386 : memref<10240x64xf32, #tpu.memory_space<vmem_shared>>)
      %dma_start3A_387 = arith.constant 15 : i32
      %dma_start3A_388 = arith.constant 0 : i32
      %dma_start3A_389 = tpu.memref_slice %arg8[%dma_start3A_387, %dma_start3A_388] : memref<16x128xi32, #tpu.memory_space<vmem>> -> memref<1x128xi32, #tpu.memory_space<vmem>>
      %dma_start3A_390 = tpu.memref_squeeze %dma_start3A_389 : memref<1x128xi32, #tpu.memory_space<vmem>> -> memref<128xi32, #tpu.memory_space<vmem>>
      %dma_start3A_391 = arith.constant 0 : i32
      %dma_start3A_392 = arith.constant 0 : i32
      %dma_start3A_393 = tpu.memref_slice %arg15[%dma_start3A_391, %dma_start3A_392] : memref<10240x64xf32, #tpu.memory_space<vmem_shared>> -> memref<10240x64xf32, #tpu.memory_space<vmem_shared>>
      tpu.enqueue_indirect_dma source(%dma_start3A_393 : memref<10240x64xf32, #tpu.memory_space<vmem_shared>>) target(%arg14 : memref<128x64xf32, #tpu.memory_space<vmem>>) offsets(%dma_start3A_390 : memref<128xi32, #tpu.memory_space<vmem>>) semaphore(%arg20 : memref<!tpu.dma_semaphore, #tpu.memory_space<semaphore_mem>>)
      %dma_start3A_394 = arith.constant 14 : i32
      %dma_start3A_395 = arith.constant 0 : i32
      %dma_start3A_396 = tpu.memref_slice %arg9[%dma_start3A_394, %dma_start3A_395] : memref<16x128xi32, #tpu.memory_space<vmem>> -> memref<1x128xi32, #tpu.memory_space<vmem>>
      %dma_start3A_397 = tpu.memref_squeeze %dma_start3A_396 : memref<1x128xi32, #tpu.memory_space<vmem>> -> memref<128xi32, #tpu.memory_space<vmem>>
      %dma_start3A_398 = arith.constant 0 : i32
      %dma_start3A_399 = arith.constant 0 : i32
      %dma_start3A_400 = tpu.memref_slice %arg16[%dma_start3A_398, %dma_start3A_399] : memref<10240x64xf32, #tpu.memory_space<vmem_shared>> -> memref<10240x64xf32, #tpu.memory_space<vmem_shared>>
      tpu.enqueue_indirect_dma source(%arg13 : memref<128x64xf32, #tpu.memory_space<vmem>>) target(%dma_start3A_400 : memref<10240x64xf32, #tpu.memory_space<vmem_shared>>) offsets(%dma_start3A_397 : memref<128xi32, #tpu.memory_space<vmem>>) semaphore(%arg23 : memref<!tpu.dma_semaphore, #tpu.memory_space<semaphore_mem>>) {add = true}
      %dma_wait3A_401 = arith.constant 0 : i32
      %dma_wait3A_402 = arith.constant 0 : i32
      %dma_wait3A_403 = tpu.memref_slice %arg15[%dma_wait3A_401, %dma_wait3A_402] : memref<10240x64xf32, #tpu.memory_space<vmem_shared>> -> memref<128x64xf32, #tpu.memory_space<vmem_shared>>
      %dma_wait3A_404 = arith.constant 0 : i32
      %dma_wait3A_405 = arith.constant 0 : i32
      %dma_wait3A_406 = tpu.memref_slice %arg15[%dma_wait3A_404, %dma_wait3A_405] : memref<10240x64xf32, #tpu.memory_space<vmem_shared>> -> memref<128x64xf32, #tpu.memory_space<vmem_shared>>
      tpu.wait_dma2 semaphore(%arg20 : memref<!tpu.dma_semaphore, #tpu.memory_space<semaphore_mem>>) src(%dma_wait3A_406 : memref<128x64xf32, #tpu.memory_space<vmem_shared>>) dst(%arg14 : memref<128x64xf32, #tpu.memory_space<vmem>>)
      %dma_start3A_407 = arith.constant 15 : i32
      %dma_start3A_408 = arith.constant 0 : i32
      %dma_start3A_409 = tpu.memref_slice %arg9[%dma_start3A_407, %dma_start3A_408] : memref<16x128xi32, #tpu.memory_space<vmem>> -> memref<1x128xi32, #tpu.memory_space<vmem>>
      %dma_start3A_410 = tpu.memref_squeeze %dma_start3A_409 : memref<1x128xi32, #tpu.memory_space<vmem>> -> memref<128xi32, #tpu.memory_space<vmem>>
      %dma_start3A_411 = arith.constant 0 : i32
      %dma_start3A_412 = arith.constant 0 : i32
      %dma_start3A_413 = tpu.memref_slice %arg16[%dma_start3A_411, %dma_start3A_412] : memref<10240x64xf32, #tpu.memory_space<vmem_shared>> -> memref<10240x64xf32, #tpu.memory_space<vmem_shared>>
      tpu.enqueue_indirect_dma source(%arg14 : memref<128x64xf32, #tpu.memory_space<vmem>>) target(%dma_start3A_413 : memref<10240x64xf32, #tpu.memory_space<vmem_shared>>) offsets(%dma_start3A_410 : memref<128xi32, #tpu.memory_space<vmem>>) semaphore(%arg24 : memref<!tpu.dma_semaphore, #tpu.memory_space<semaphore_mem>>) {add = true}
      %dma_wait3A_414 = arith.constant 0 : i32
      %dma_wait3A_415 = arith.constant 0 : i32
      %dma_wait3A_416 = tpu.memref_slice %arg9[%dma_wait3A_414, %dma_wait3A_415] : memref<16x128xi32, #tpu.memory_space<vmem>> -> memref<1x128xi32, #tpu.memory_space<vmem>>
      %dma_wait3A_417 = tpu.memref_squeeze %dma_wait3A_416 : memref<1x128xi32, #tpu.memory_space<vmem>> -> memref<128xi32, #tpu.memory_space<vmem>>
      %dma_wait3A_418 = arith.constant 0 : i32
      %dma_wait3A_419 = arith.constant 0 : i32
      %dma_wait3A_420 = tpu.memref_slice %arg16[%dma_wait3A_418, %dma_wait3A_419] : memref<10240x64xf32, #tpu.memory_space<vmem_shared>> -> memref<10240x64xf32, #tpu.memory_space<vmem_shared>>
      tpu.wait_indirect_dma semaphore(%arg21 : memref<!tpu.dma_semaphore, #tpu.memory_space<semaphore_mem>>) src(%arg11 : memref<128x64xf32, #tpu.memory_space<vmem>>) dst(%dma_wait3A_420 : memref<10240x64xf32, #tpu.memory_space<vmem_shared>>)
      %dma_wait3A_421 = arith.constant 0 : i32
      %dma_wait3A_422 = arith.constant 0 : i32
      %dma_wait3A_423 = tpu.memref_slice %arg9[%dma_wait3A_421, %dma_wait3A_422] : memref<16x128xi32, #tpu.memory_space<vmem>> -> memref<1x128xi32, #tpu.memory_space<vmem>>
      %dma_wait3A_424 = tpu.memref_squeeze %dma_wait3A_423 : memref<1x128xi32, #tpu.memory_space<vmem>> -> memref<128xi32, #tpu.memory_space<vmem>>
      %dma_wait3A_425 = arith.constant 0 : i32
      %dma_wait3A_426 = arith.constant 0 : i32
      %dma_wait3A_427 = tpu.memref_slice %arg16[%dma_wait3A_425, %dma_wait3A_426] : memref<10240x64xf32, #tpu.memory_space<vmem_shared>> -> memref<10240x64xf32, #tpu.memory_space<vmem_shared>>
      tpu.wait_indirect_dma semaphore(%arg22 : memref<!tpu.dma_semaphore, #tpu.memory_space<semaphore_mem>>) src(%arg12 : memref<128x64xf32, #tpu.memory_space<vmem>>) dst(%dma_wait3A_427 : memref<10240x64xf32, #tpu.memory_space<vmem_shared>>)
      %dma_wait3A_428 = arith.constant 0 : i32
      %dma_wait3A_429 = arith.constant 0 : i32
      %dma_wait3A_430 = tpu.memref_slice %arg9[%dma_wait3A_428, %dma_wait3A_429] : memref<16x128xi32, #tpu.memory_space<vmem>> -> memref<1x128xi32, #tpu.memory_space<vmem>>
      %dma_wait3A_431 = tpu.memref_squeeze %dma_wait3A_430 : memref<1x128xi32, #tpu.memory_space<vmem>> -> memref<128xi32, #tpu.memory_space<vmem>>
      %dma_wait3A_432 = arith.constant 0 : i32
      %dma_wait3A_433 = arith.constant 0 : i32
      %dma_wait3A_434 = tpu.memref_slice %arg16[%dma_wait3A_432, %dma_wait3A_433] : memref<10240x64xf32, #tpu.memory_space<vmem_shared>> -> memref<10240x64xf32, #tpu.memory_space<vmem_shared>>
      tpu.wait_indirect_dma semaphore(%arg23 : memref<!tpu.dma_semaphore, #tpu.memory_space<semaphore_mem>>) src(%arg13 : memref<128x64xf32, #tpu.memory_space<vmem>>) dst(%dma_wait3A_434 : memref<10240x64xf32, #tpu.memory_space<vmem_shared>>)
      %dma_wait3A_435 = arith.constant 0 : i32
      %dma_wait3A_436 = arith.constant 0 : i32
      %dma_wait3A_437 = tpu.memref_slice %arg9[%dma_wait3A_435, %dma_wait3A_436] : memref<16x128xi32, #tpu.memory_space<vmem>> -> memref<1x128xi32, #tpu.memory_space<vmem>>
      %dma_wait3A_438 = tpu.memref_squeeze %dma_wait3A_437 : memref<1x128xi32, #tpu.memory_space<vmem>> -> memref<128xi32, #tpu.memory_space<vmem>>
      %dma_wait3A_439 = arith.constant 0 : i32
      %dma_wait3A_440 = arith.constant 0 : i32
      %dma_wait3A_441 = tpu.memref_slice %arg16[%dma_wait3A_439, %dma_wait3A_440] : memref<10240x64xf32, #tpu.memory_space<vmem_shared>> -> memref<10240x64xf32, #tpu.memory_space<vmem_shared>>
      tpu.wait_indirect_dma semaphore(%arg24 : memref<!tpu.dma_semaphore, #tpu.memory_space<semaphore_mem>>) src(%arg14 : memref<128x64xf32, #tpu.memory_space<vmem>>) dst(%dma_wait3A_441 : memref<10240x64xf32, #tpu.memory_space<vmem_shared>>)
      %add3A_442 = arith.constant 1 : i32
      %add3A_443 = arith.addi %scan3A_17, %add3A_442 : i32
      %lt3A = arith.constant 16 : i32
      %lt3A_444 = arith.cmpi slt, %add3A_443, %lt3A : i32
      %convert_element_type3A = arith.extui %lt3A_444 : i1 to i32
      %cond3A = arith.constant 0 : i32
      %cond3A_445 = arith.cmpi ne, %convert_element_type3A, %cond3A : i32
      scf.if %cond3A_445 {
        %add3A_446 = arith.constant 1 : i32
        %add3A_447 = arith.addi %scan3A_17, %add3A_446 : i32
        %mul3A_448 = arith.constant 16 : i32
        %mul3A_449 = arith.muli %add3A_447, %mul3A_448 : i32
        %add3A_450 = arith.addi %mul3A_4, %mul3A_449 : i32
        "tpu.region"() ({
          %run_scoped3A = tpu.sem_alloc : memref<!tpu.dma_semaphore, #tpu.memory_space<semaphore_mem>>
          %dma_start3A_458 = arith.constant 0 : i32
          %dma_start3A_459 = tpu.memref_slice %arg3[%add3A_450, %dma_start3A_458] : memref<4096x128xi32, #tpu.memory_space<hbm>> -> memref<16x128xi32, #tpu.memory_space<hbm>>
          %dma_start3A_460 = arith.constant 0 : i32
          %dma_start3A_461 = tpu.memref_slice %arg3[%add3A_450, %dma_start3A_460] : memref<4096x128xi32, #tpu.memory_space<hbm>> -> memref<16x128xi32, #tpu.memory_space<hbm>>
          tpu.enqueue_dma source(%dma_start3A_461 : memref<16x128xi32, #tpu.memory_space<hbm>>) target(%arg8 : memref<16x128xi32, #tpu.memory_space<vmem>>) target_semaphore(%run_scoped3A : memref<!tpu.dma_semaphore, #tpu.memory_space<semaphore_mem>>)
          %dma_wait3A_462 = arith.constant 0 : i32
          %dma_wait3A_463 = tpu.memref_slice %arg3[%add3A_450, %dma_wait3A_462] : memref<4096x128xi32, #tpu.memory_space<hbm>> -> memref<16x128xi32, #tpu.memory_space<hbm>>
          %dma_wait3A_464 = arith.constant 0 : i32
          %dma_wait3A_465 = tpu.memref_slice %arg3[%add3A_450, %dma_wait3A_464] : memref<4096x128xi32, #tpu.memory_space<hbm>> -> memref<16x128xi32, #tpu.memory_space<hbm>>
          tpu.wait_dma2 semaphore(%run_scoped3A : memref<!tpu.dma_semaphore, #tpu.memory_space<semaphore_mem>>) src(%dma_wait3A_465 : memref<16x128xi32, #tpu.memory_space<hbm>>) dst(%arg8 : memref<16x128xi32, #tpu.memory_space<vmem>>)
          tpu.yield
        }) : () -> ()
        "tpu.region"() ({
          %run_scoped3A = tpu.sem_alloc : memref<!tpu.dma_semaphore, #tpu.memory_space<semaphore_mem>>
          %dma_start3A_458 = arith.constant 0 : i32
          %dma_start3A_459 = tpu.memref_slice %arg2[%add3A_450, %dma_start3A_458] : memref<4096x128xi32, #tpu.memory_space<hbm>> -> memref<16x128xi32, #tpu.memory_space<hbm>>
          %dma_start3A_460 = arith.constant 0 : i32
          %dma_start3A_461 = tpu.memref_slice %arg2[%add3A_450, %dma_start3A_460] : memref<4096x128xi32, #tpu.memory_space<hbm>> -> memref<16x128xi32, #tpu.memory_space<hbm>>
          tpu.enqueue_dma source(%dma_start3A_461 : memref<16x128xi32, #tpu.memory_space<hbm>>) target(%arg9 : memref<16x128xi32, #tpu.memory_space<vmem>>) target_semaphore(%run_scoped3A : memref<!tpu.dma_semaphore, #tpu.memory_space<semaphore_mem>>)
          %dma_wait3A_462 = arith.constant 0 : i32
          %dma_wait3A_463 = tpu.memref_slice %arg2[%add3A_450, %dma_wait3A_462] : memref<4096x128xi32, #tpu.memory_space<hbm>> -> memref<16x128xi32, #tpu.memory_space<hbm>>
          %dma_wait3A_464 = arith.constant 0 : i32
          %dma_wait3A_465 = tpu.memref_slice %arg2[%add3A_450, %dma_wait3A_464] : memref<4096x128xi32, #tpu.memory_space<hbm>> -> memref<16x128xi32, #tpu.memory_space<hbm>>
          tpu.wait_dma2 semaphore(%run_scoped3A : memref<!tpu.dma_semaphore, #tpu.memory_space<semaphore_mem>>) src(%dma_wait3A_465 : memref<16x128xi32, #tpu.memory_space<hbm>>) dst(%arg9 : memref<16x128xi32, #tpu.memory_space<vmem>>)
          tpu.yield
        }) : () -> ()
        "tpu.region"() ({
          %run_scoped3A = tpu.sem_alloc : memref<!tpu.dma_semaphore, #tpu.memory_space<semaphore_mem>>
          %dma_start3A_458 = arith.constant 0 : i32
          %dma_start3A_459 = tpu.memref_slice %arg4[%add3A_450, %dma_start3A_458] : memref<4096x128xf32, #tpu.memory_space<hbm>> -> memref<16x128xf32, #tpu.memory_space<hbm>>
          %dma_start3A_460 = arith.constant 0 : i32
          %dma_start3A_461 = tpu.memref_slice %arg4[%add3A_450, %dma_start3A_460] : memref<4096x128xf32, #tpu.memory_space<hbm>> -> memref<16x128xf32, #tpu.memory_space<hbm>>
          tpu.enqueue_dma source(%dma_start3A_461 : memref<16x128xf32, #tpu.memory_space<hbm>>) target(%arg10 : memref<16x128xf32, #tpu.memory_space<vmem>>) target_semaphore(%run_scoped3A : memref<!tpu.dma_semaphore, #tpu.memory_space<semaphore_mem>>)
          %dma_wait3A_462 = arith.constant 0 : i32
          %dma_wait3A_463 = tpu.memref_slice %arg4[%add3A_450, %dma_wait3A_462] : memref<4096x128xf32, #tpu.memory_space<hbm>> -> memref<16x128xf32, #tpu.memory_space<hbm>>
          %dma_wait3A_464 = arith.constant 0 : i32
          %dma_wait3A_465 = tpu.memref_slice %arg4[%add3A_450, %dma_wait3A_464] : memref<4096x128xf32, #tpu.memory_space<hbm>> -> memref<16x128xf32, #tpu.memory_space<hbm>>
          tpu.wait_dma2 semaphore(%run_scoped3A : memref<!tpu.dma_semaphore, #tpu.memory_space<semaphore_mem>>) src(%dma_wait3A_465 : memref<16x128xf32, #tpu.memory_space<hbm>>) dst(%arg10 : memref<16x128xf32, #tpu.memory_space<vmem>>)
          tpu.yield
        }) : () -> ()
        %dma_start3A_451 = arith.constant 0 : i32
        %dma_start3A_452 = arith.constant 0 : i32
        %dma_start3A_453 = tpu.memref_slice %arg8[%dma_start3A_451, %dma_start3A_452] : memref<16x128xi32, #tpu.memory_space<vmem>> -> memref<1x128xi32, #tpu.memory_space<vmem>>
        %dma_start3A_454 = tpu.memref_squeeze %dma_start3A_453 : memref<1x128xi32, #tpu.memory_space<vmem>> -> memref<128xi32, #tpu.memory_space<vmem>>
        %dma_start3A_455 = arith.constant 0 : i32
        %dma_start3A_456 = arith.constant 0 : i32
        %dma_start3A_457 = tpu.memref_slice %arg15[%dma_start3A_455, %dma_start3A_456] : memref<10240x64xf32, #tpu.memory_space<vmem_shared>> -> memref<10240x64xf32, #tpu.memory_space<vmem_shared>>
        tpu.enqueue_indirect_dma source(%dma_start3A_457 : memref<10240x64xf32, #tpu.memory_space<vmem_shared>>) target(%arg11 : memref<128x64xf32, #tpu.memory_space<vmem>>) offsets(%dma_start3A_454 : memref<128xi32, #tpu.memory_space<vmem>>) semaphore(%arg17 : memref<!tpu.dma_semaphore, #tpu.memory_space<semaphore_mem>>)
      } else {
      }
    }
    %scan3A_15 = arith.constant 16 : i32
    %barrier3A_16 = arith.constant 0 : index
    tpu.barrier barrier_id(%barrier3A_16)
    "tpu.region"() ({
      %run_scoped3A = tpu.sem_alloc : memref<!tpu.dma_semaphore, #tpu.memory_space<semaphore_mem>>
      %dma_start3A_17 = arith.constant 0 : i32
      %dma_start3A_18 = tpu.memref_slice %arg7[%arg0, %mul3A_0, %dma_start3A_17] : memref<2x10240x64xf32, #tpu.memory_space<hbm>> -> memref<1x640x64xf32, #tpu.memory_space<hbm>>
      %dma_start3A_19 = tpu.memref_squeeze %dma_start3A_18 : memref<1x640x64xf32, #tpu.memory_space<hbm>> -> memref<640x64xf32, #tpu.memory_space<hbm>>
      %dma_start3A_20 = arith.constant 0 : i32
      %dma_start3A_21 = tpu.memref_slice %arg16[%mul3A_0, %dma_start3A_20] : memref<10240x64xf32, #tpu.memory_space<vmem_shared>> -> memref<640x64xf32, #tpu.memory_space<vmem_shared>>
      tpu.enqueue_dma source(%dma_start3A_21 : memref<640x64xf32, #tpu.memory_space<vmem_shared>>) target(%dma_start3A_19 : memref<640x64xf32, #tpu.memory_space<hbm>>) target_semaphore(%run_scoped3A : memref<!tpu.dma_semaphore, #tpu.memory_space<semaphore_mem>>)
      %dma_wait3A = arith.constant 0 : i32
      %dma_wait3A_22 = tpu.memref_slice %arg7[%arg0, %mul3A_0, %dma_wait3A] : memref<2x10240x64xf32, #tpu.memory_space<hbm>> -> memref<1x640x64xf32, #tpu.memory_space<hbm>>
      %dma_wait3A_23 = tpu.memref_squeeze %dma_wait3A_22 : memref<1x640x64xf32, #tpu.memory_space<hbm>> -> memref<640x64xf32, #tpu.memory_space<hbm>>
      %dma_wait3A_24 = arith.constant 0 : i32
      %dma_wait3A_25 = tpu.memref_slice %arg16[%mul3A_0, %dma_wait3A_24] : memref<10240x64xf32, #tpu.memory_space<vmem_shared>> -> memref<640x64xf32, #tpu.memory_space<vmem_shared>>
      tpu.wait_dma2 semaphore(%run_scoped3A : memref<!tpu.dma_semaphore, #tpu.memory_space<semaphore_mem>>) src(%dma_wait3A_25 : memref<640x64xf32, #tpu.memory_space<vmem_shared>>) dst(%dma_wait3A_23 : memref<640x64xf32, #tpu.memory_space<hbm>>)
      tpu.yield
    }) : () -> ()
    return
  }
}

#map = affine_map<(d0, d1) -> (0, 0)>
#map1 = affine_map<(d0, d1) -> (0, 0, 0)>
module attributes {stable_mosaic.version = 14 : i64} {
  func.func @spmm(%arg0: i32, %arg1: i32, %arg2: memref<2560x128xi32, #tpu.memory_space<hbm>>, %arg3: memref<2560x128xi32, #tpu.memory_space<hbm>>, %arg4: memref<2560x128xf32, #tpu.memory_space<hbm>>, %arg5: memref<20480x64xf32, #tpu.memory_space<hbm>>, %arg6: memref<10240x64xf32, #tpu.memory_space<hbm>>, %arg7: memref<2x10240x64xf32, #tpu.memory_space<hbm>>, %arg8: memref<16x128xi32, #tpu.memory_space<vmem>>, %arg9: memref<16x128xi32, #tpu.memory_space<vmem>>, %arg10: memref<16x128xf32, #tpu.memory_space<vmem>>, %arg11: memref<128x64xf32, #tpu.memory_space<vmem>>, %arg12: memref<128x64xf32, #tpu.memory_space<vmem>>, %arg13: memref<128x64xf32, #tpu.memory_space<vmem>>, %arg14: memref<128x64xf32, #tpu.memory_space<vmem>>, %arg15: memref<10240x64xf32, #tpu.memory_space<vmem_shared>>, %arg16: memref<10240x64xf32, #tpu.memory_space<vmem_shared>>, %arg17: memref<!tpu.dma_semaphore, #tpu.memory_space<semaphore_mem>>, %arg18: memref<!tpu.dma_semaphore, #tpu.memory_space<semaphore_mem>>, %arg19: memref<!tpu.dma_semaphore, #tpu.memory_space<semaphore_mem>>, %arg20: memref<!tpu.dma_semaphore, #tpu.memory_space<semaphore_mem>>, %arg21: memref<!tpu.dma_semaphore, #tpu.memory_space<semaphore_mem>>, %arg22: memref<!tpu.dma_semaphore, #tpu.memory_space<semaphore_mem>>, %arg23: memref<!tpu.dma_semaphore, #tpu.memory_space<semaphore_mem>>, %arg24: memref<!tpu.dma_semaphore, #tpu.memory_space<semaphore_mem>>) attributes {dimension_semantics = [#tpu.dimension_semantics<core_parallel>, #tpu.dimension_semantics<subcore_parallel>], iteration_bounds = array<i64: 2, 16>, scalar_prefetch = 0 : i64, scratch_operands = 17 : i64, tpu.core_type = #tpu.core_type<sc_vector_subcore>, window_params = [{transform_indices = #map}, {transform_indices = #map}, {transform_indices = #map}, {transform_indices = #map}, {transform_indices = #map}, {transform_indices = #map1}]} {
    %mul3A = arith.constant 640 : i32
    %mul3A_0 = arith.muli %arg1, %mul3A : i32
    "tpu.region"() ({
      %run_scoped3A = tpu.sem_alloc : memref<!tpu.dma_semaphore, #tpu.memory_space<semaphore_mem>>
      %dma_start3A_17 = arith.constant 0 : i32
      %dma_start3A_18 = tpu.memref_slice %arg16[%mul3A_0, %dma_start3A_17] : memref<10240x64xf32, #tpu.memory_space<vmem_shared>> -> memref<640x64xf32, #tpu.memory_space<vmem_shared>>
      %dma_start3A_19 = arith.constant 0 : i32
      %dma_start3A_20 = tpu.memref_slice %arg6[%mul3A_0, %dma_start3A_19] : memref<10240x64xf32, #tpu.memory_space<hbm>> -> memref<640x64xf32, #tpu.memory_space<hbm>>
      tpu.enqueue_dma source(%dma_start3A_20 : memref<640x64xf32, #tpu.memory_space<hbm>>) target(%dma_start3A_18 : memref<640x64xf32, #tpu.memory_space<vmem_shared>>) target_semaphore(%run_scoped3A : memref<!tpu.dma_semaphore, #tpu.memory_space<semaphore_mem>>)
      %dma_wait3A = arith.constant 0 : i32
      %dma_wait3A_21 = tpu.memref_slice %arg16[%mul3A_0, %dma_wait3A] : memref<10240x64xf32, #tpu.memory_space<vmem_shared>> -> memref<640x64xf32, #tpu.memory_space<vmem_shared>>
      %dma_wait3A_22 = arith.constant 0 : i32
      %dma_wait3A_23 = tpu.memref_slice %arg6[%mul3A_0, %dma_wait3A_22] : memref<10240x64xf32, #tpu.memory_space<hbm>> -> memref<640x64xf32, #tpu.memory_space<hbm>>
      tpu.wait_dma2 semaphore(%run_scoped3A : memref<!tpu.dma_semaphore, #tpu.memory_space<semaphore_mem>>) src(%dma_wait3A_23 : memref<640x64xf32, #tpu.memory_space<hbm>>) dst(%dma_wait3A_21 : memref<640x64xf32, #tpu.memory_space<vmem_shared>>)
      tpu.yield
    }) : () -> ()
    %mul3A_1 = arith.constant 10240 : i32
    %mul3A_2 = arith.muli %arg0, %mul3A_1 : i32
    %add3A = arith.addi %mul3A_2, %mul3A_0 : i32
    "tpu.region"() ({
      %run_scoped3A = tpu.sem_alloc : memref<!tpu.dma_semaphore, #tpu.memory_space<semaphore_mem>>
      %dma_start3A_17 = arith.constant 0 : i32
      %dma_start3A_18 = tpu.memref_slice %arg15[%mul3A_0, %dma_start3A_17] : memref<10240x64xf32, #tpu.memory_space<vmem_shared>> -> memref<640x64xf32, #tpu.memory_space<vmem_shared>>
      %dma_start3A_19 = arith.constant 0 : i32
      %dma_start3A_20 = tpu.memref_slice %arg5[%add3A, %dma_start3A_19] : memref<20480x64xf32, #tpu.memory_space<hbm>> -> memref<640x64xf32, #tpu.memory_space<hbm>>
      tpu.enqueue_dma source(%dma_start3A_20 : memref<640x64xf32, #tpu.memory_space<hbm>>) target(%dma_start3A_18 : memref<640x64xf32, #tpu.memory_space<vmem_shared>>) target_semaphore(%run_scoped3A : memref<!tpu.dma_semaphore, #tpu.memory_space<semaphore_mem>>)
      %dma_wait3A = arith.constant 0 : i32
      %dma_wait3A_21 = tpu.memref_slice %arg15[%mul3A_0, %dma_wait3A] : memref<10240x64xf32, #tpu.memory_space<vmem_shared>> -> memref<640x64xf32, #tpu.memory_space<vmem_shared>>
      %dma_wait3A_22 = arith.constant 0 : i32
      %dma_wait3A_23 = tpu.memref_slice %arg5[%add3A, %dma_wait3A_22] : memref<20480x64xf32, #tpu.memory_space<hbm>> -> memref<640x64xf32, #tpu.memory_space<hbm>>
      tpu.wait_dma2 semaphore(%run_scoped3A : memref<!tpu.dma_semaphore, #tpu.memory_space<semaphore_mem>>) src(%dma_wait3A_23 : memref<640x64xf32, #tpu.memory_space<hbm>>) dst(%dma_wait3A_21 : memref<640x64xf32, #tpu.memory_space<vmem_shared>>)
      tpu.yield
    }) : () -> ()
    %barrier3A = arith.constant 0 : index
    tpu.barrier barrier_id(%barrier3A)
    %mul3A_3 = arith.constant 160 : i32
    %mul3A_4 = arith.muli %arg1, %mul3A_3 : i32
    "tpu.region"() ({
      %run_scoped3A = tpu.sem_alloc : memref<!tpu.dma_semaphore, #tpu.memory_space<semaphore_mem>>
      %dma_start3A_17 = arith.constant 0 : i32
      %dma_start3A_18 = tpu.memref_slice %arg3[%mul3A_4, %dma_start3A_17] : memref<2560x128xi32, #tpu.memory_space<hbm>> -> memref<16x128xi32, #tpu.memory_space<hbm>>
      %dma_start3A_19 = arith.constant 0 : i32
      %dma_start3A_20 = tpu.memref_slice %arg3[%mul3A_4, %dma_start3A_19] : memref<2560x128xi32, #tpu.memory_space<hbm>> -> memref<16x128xi32, #tpu.memory_space<hbm>>
      tpu.enqueue_dma source(%dma_start3A_20 : memref<16x128xi32, #tpu.memory_space<hbm>>) target(%arg8 : memref<16x128xi32, #tpu.memory_space<vmem>>) target_semaphore(%run_scoped3A : memref<!tpu.dma_semaphore, #tpu.memory_space<semaphore_mem>>)
      %dma_wait3A = arith.constant 0 : i32
      %dma_wait3A_21 = tpu.memref_slice %arg3[%mul3A_4, %dma_wait3A] : memref<2560x128xi32, #tpu.memory_space<hbm>> -> memref<16x128xi32, #tpu.memory_space<hbm>>
      %dma_wait3A_22 = arith.constant 0 : i32
      %dma_wait3A_23 = tpu.memref_slice %arg3[%mul3A_4, %dma_wait3A_22] : memref<2560x128xi32, #tpu.memory_space<hbm>> -> memref<16x128xi32, #tpu.memory_space<hbm>>
      tpu.wait_dma2 semaphore(%run_scoped3A : memref<!tpu.dma_semaphore, #tpu.memory_space<semaphore_mem>>) src(%dma_wait3A_23 : memref<16x128xi32, #tpu.memory_space<hbm>>) dst(%arg8 : memref<16x128xi32, #tpu.memory_space<vmem>>)
      tpu.yield
    }) : () -> ()
    "tpu.region"() ({
      %run_scoped3A = tpu.sem_alloc : memref<!tpu.dma_semaphore, #tpu.memory_space<semaphore_mem>>
      %dma_start3A_17 = arith.constant 0 : i32
      %dma_start3A_18 = tpu.memref_slice %arg2[%mul3A_4, %dma_start3A_17] : memref<2560x128xi32, #tpu.memory_space<hbm>> -> memref<16x128xi32, #tpu.memory_space<hbm>>
      %dma_start3A_19 = arith.constant 0 : i32
      %dma_start3A_20 = tpu.memref_slice %arg2[%mul3A_4, %dma_start3A_19] : memref<2560x128xi32, #tpu.memory_space<hbm>> -> memref<16x128xi32, #tpu.memory_space<hbm>>
      tpu.enqueue_dma source(%dma_start3A_20 : memref<16x128xi32, #tpu.memory_space<hbm>>) target(%arg9 : memref<16x128xi32, #tpu.memory_space<vmem>>) target_semaphore(%run_scoped3A : memref<!tpu.dma_semaphore, #tpu.memory_space<semaphore_mem>>)
      %dma_wait3A = arith.constant 0 : i32
      %dma_wait3A_21 = tpu.memref_slice %arg2[%mul3A_4, %dma_wait3A] : memref<2560x128xi32, #tpu.memory_space<hbm>> -> memref<16x128xi32, #tpu.memory_space<hbm>>
      %dma_wait3A_22 = arith.constant 0 : i32
      %dma_wait3A_23 = tpu.memref_slice %arg2[%mul3A_4, %dma_wait3A_22] : memref<2560x128xi32, #tpu.memory_space<hbm>> -> memref<16x128xi32, #tpu.memory_space<hbm>>
      tpu.wait_dma2 semaphore(%run_scoped3A : memref<!tpu.dma_semaphore, #tpu.memory_space<semaphore_mem>>) src(%dma_wait3A_23 : memref<16x128xi32, #tpu.memory_space<hbm>>) dst(%arg9 : memref<16x128xi32, #tpu.memory_space<vmem>>)
      tpu.yield
    }) : () -> ()
    "tpu.region"() ({
      %run_scoped3A = tpu.sem_alloc : memref<!tpu.dma_semaphore, #tpu.memory_space<semaphore_mem>>
      %dma_start3A_17 = arith.constant 0 : i32
      %dma_start3A_18 = tpu.memref_slice %arg4[%mul3A_4, %dma_start3A_17] : memref<2560x128xf32, #tpu.memory_space<hbm>> -> memref<16x128xf32, #tpu.memory_space<hbm>>
      %dma_start3A_19 = arith.constant 0 : i32
      %dma_start3A_20 = tpu.memref_slice %arg4[%mul3A_4, %dma_start3A_19] : memref<2560x128xf32, #tpu.memory_space<hbm>> -> memref<16x128xf32, #tpu.memory_space<hbm>>
      tpu.enqueue_dma source(%dma_start3A_20 : memref<16x128xf32, #tpu.memory_space<hbm>>) target(%arg10 : memref<16x128xf32, #tpu.memory_space<vmem>>) target_semaphore(%run_scoped3A : memref<!tpu.dma_semaphore, #tpu.memory_space<semaphore_mem>>)
      %dma_wait3A = arith.constant 0 : i32
      %dma_wait3A_21 = tpu.memref_slice %arg4[%mul3A_4, %dma_wait3A] : memref<2560x128xf32, #tpu.memory_space<hbm>> -> memref<16x128xf32, #tpu.memory_space<hbm>>
      %dma_wait3A_22 = arith.constant 0 : i32
      %dma_wait3A_23 = tpu.memref_slice %arg4[%mul3A_4, %dma_wait3A_22] : memref<2560x128xf32, #tpu.memory_space<hbm>> -> memref<16x128xf32, #tpu.memory_space<hbm>>
      tpu.wait_dma2 semaphore(%run_scoped3A : memref<!tpu.dma_semaphore, #tpu.memory_space<semaphore_mem>>) src(%dma_wait3A_23 : memref<16x128xf32, #tpu.memory_space<hbm>>) dst(%arg10 : memref<16x128xf32, #tpu.memory_space<vmem>>)
      tpu.yield
    }) : () -> ()
    %dma_start3A = arith.constant 0 : i32
    %dma_start3A_5 = arith.constant 0 : i32
    %dma_start3A_6 = tpu.memref_slice %arg8[%dma_start3A, %dma_start3A_5] : memref<16x128xi32, #tpu.memory_space<vmem>> -> memref<1x128xi32, #tpu.memory_space<vmem>>
    %dma_start3A_7 = tpu.memref_squeeze %dma_start3A_6 : memref<1x128xi32, #tpu.memory_space<vmem>> -> memref<128xi32, #tpu.memory_space<vmem>>
    %dma_start3A_8 = arith.constant 0 : i32
    %dma_start3A_9 = arith.constant 0 : i32
    %dma_start3A_10 = tpu.memref_slice %arg15[%dma_start3A_8, %dma_start3A_9] : memref<10240x64xf32, #tpu.memory_space<vmem_shared>> -> memref<10240x64xf32, #tpu.memory_space<vmem_shared>>
    tpu.enqueue_indirect_dma source(%dma_start3A_10 : memref<10240x64xf32, #tpu.memory_space<vmem_shared>>) target(%arg11 : memref<128x64xf32, #tpu.memory_space<vmem>>) offsets(%dma_start3A_7 : memref<128xi32, #tpu.memory_space<vmem>>) semaphore(%arg17 : memref<!tpu.dma_semaphore, #tpu.memory_space<semaphore_mem>>)
    %scan3A = arith.constant 0 : i32
    %scan3A_11 = arith.constant 0 : i32
    %scan3A_12 = arith.constant 10 : i32
    %scan3A_13 = arith.addi %scan3A_11, %scan3A_12 : i32
    %scan3A_14 = arith.constant 1 : i32
    scf.for %scan3A_17 = %scan3A_11 to %scan3A_13 step %scan3A_14  : i32 {
      %dma_wait3A = arith.constant 0 : i32
      %dma_wait3A_18 = arith.constant 0 : i32
      %dma_wait3A_19 = tpu.memref_slice %arg15[%dma_wait3A, %dma_wait3A_18] : memref<10240x64xf32, #tpu.memory_space<vmem_shared>> -> memref<128x64xf32, #tpu.memory_space<vmem_shared>>
      %dma_wait3A_20 = arith.constant 0 : i32
      %dma_wait3A_21 = arith.constant 0 : i32
      %dma_wait3A_22 = tpu.memref_slice %arg15[%dma_wait3A_20, %dma_wait3A_21] : memref<10240x64xf32, #tpu.memory_space<vmem_shared>> -> memref<128x64xf32, #tpu.memory_space<vmem_shared>>
      tpu.wait_dma2 semaphore(%arg17 : memref<!tpu.dma_semaphore, #tpu.memory_space<semaphore_mem>>) src(%dma_wait3A_22 : memref<128x64xf32, #tpu.memory_space<vmem_shared>>) dst(%arg11 : memref<128x64xf32, #tpu.memory_space<vmem>>)
      %dma_start3A_23 = arith.constant 1 : i32
      %dma_start3A_24 = arith.constant 0 : i32
      %dma_start3A_25 = tpu.memref_slice %arg8[%dma_start3A_23, %dma_start3A_24] : memref<16x128xi32, #tpu.memory_space<vmem>> -> memref<1x128xi32, #tpu.memory_space<vmem>>
      %dma_start3A_26 = tpu.memref_squeeze %dma_start3A_25 : memref<1x128xi32, #tpu.memory_space<vmem>> -> memref<128xi32, #tpu.memory_space<vmem>>
      %dma_start3A_27 = arith.constant 0 : i32
      %dma_start3A_28 = arith.constant 0 : i32
      %dma_start3A_29 = tpu.memref_slice %arg15[%dma_start3A_27, %dma_start3A_28] : memref<10240x64xf32, #tpu.memory_space<vmem_shared>> -> memref<10240x64xf32, #tpu.memory_space<vmem_shared>>
      tpu.enqueue_indirect_dma source(%dma_start3A_29 : memref<10240x64xf32, #tpu.memory_space<vmem_shared>>) target(%arg12 : memref<128x64xf32, #tpu.memory_space<vmem>>) offsets(%dma_start3A_26 : memref<128xi32, #tpu.memory_space<vmem>>) semaphore(%arg18 : memref<!tpu.dma_semaphore, #tpu.memory_space<semaphore_mem>>)
      %dma_start3A_30 = arith.constant 0 : i32
      %dma_start3A_31 = arith.constant 0 : i32
      %dma_start3A_32 = tpu.memref_slice %arg9[%dma_start3A_30, %dma_start3A_31] : memref<16x128xi32, #tpu.memory_space<vmem>> -> memref<1x128xi32, #tpu.memory_space<vmem>>
      %dma_start3A_33 = tpu.memref_squeeze %dma_start3A_32 : memref<1x128xi32, #tpu.memory_space<vmem>> -> memref<128xi32, #tpu.memory_space<vmem>>
      %dma_start3A_34 = arith.constant 0 : i32
      %dma_start3A_35 = arith.constant 0 : i32
      %dma_start3A_36 = tpu.memref_slice %arg16[%dma_start3A_34, %dma_start3A_35] : memref<10240x64xf32, #tpu.memory_space<vmem_shared>> -> memref<10240x64xf32, #tpu.memory_space<vmem_shared>>
      tpu.enqueue_indirect_dma source(%arg11 : memref<128x64xf32, #tpu.memory_space<vmem>>) target(%dma_start3A_36 : memref<10240x64xf32, #tpu.memory_space<vmem_shared>>) offsets(%dma_start3A_33 : memref<128xi32, #tpu.memory_space<vmem>>) semaphore(%arg21 : memref<!tpu.dma_semaphore, #tpu.memory_space<semaphore_mem>>) {add = true}
      %dma_wait3A_37 = arith.constant 0 : i32
      %dma_wait3A_38 = arith.constant 0 : i32
      %dma_wait3A_39 = tpu.memref_slice %arg15[%dma_wait3A_37, %dma_wait3A_38] : memref<10240x64xf32, #tpu.memory_space<vmem_shared>> -> memref<128x64xf32, #tpu.memory_space<vmem_shared>>
      %dma_wait3A_40 = arith.constant 0 : i32
      %dma_wait3A_41 = arith.constant 0 : i32
      %dma_wait3A_42 = tpu.memref_slice %arg15[%dma_wait3A_40, %dma_wait3A_41] : memref<10240x64xf32, #tpu.memory_space<vmem_shared>> -> memref<128x64xf32, #tpu.memory_space<vmem_shared>>
      tpu.wait_dma2 semaphore(%arg18 : memref<!tpu.dma_semaphore, #tpu.memory_space<semaphore_mem>>) src(%dma_wait3A_42 : memref<128x64xf32, #tpu.memory_space<vmem_shared>>) dst(%arg12 : memref<128x64xf32, #tpu.memory_space<vmem>>)
      %dma_start3A_43 = arith.constant 2 : i32
      %dma_start3A_44 = arith.constant 0 : i32
      %dma_start3A_45 = tpu.memref_slice %arg8[%dma_start3A_43, %dma_start3A_44] : memref<16x128xi32, #tpu.memory_space<vmem>> -> memref<1x128xi32, #tpu.memory_space<vmem>>
      %dma_start3A_46 = tpu.memref_squeeze %dma_start3A_45 : memref<1x128xi32, #tpu.memory_space<vmem>> -> memref<128xi32, #tpu.memory_space<vmem>>
      %dma_start3A_47 = arith.constant 0 : i32
      %dma_start3A_48 = arith.constant 0 : i32
      %dma_start3A_49 = tpu.memref_slice %arg15[%dma_start3A_47, %dma_start3A_48] : memref<10240x64xf32, #tpu.memory_space<vmem_shared>> -> memref<10240x64xf32, #tpu.memory_space<vmem_shared>>
      tpu.enqueue_indirect_dma source(%dma_start3A_49 : memref<10240x64xf32, #tpu.memory_space<vmem_shared>>) target(%arg13 : memref<128x64xf32, #tpu.memory_space<vmem>>) offsets(%dma_start3A_46 : memref<128xi32, #tpu.memory_space<vmem>>) semaphore(%arg19 : memref<!tpu.dma_semaphore, #tpu.memory_space<semaphore_mem>>)
      %dma_start3A_50 = arith.constant 1 : i32
      %dma_start3A_51 = arith.constant 0 : i32
      %dma_start3A_52 = tpu.memref_slice %arg9[%dma_start3A_50, %dma_start3A_51] : memref<16x128xi32, #tpu.memory_space<vmem>> -> memref<1x128xi32, #tpu.memory_space<vmem>>
      %dma_start3A_53 = tpu.memref_squeeze %dma_start3A_52 : memref<1x128xi32, #tpu.memory_space<vmem>> -> memref<128xi32, #tpu.memory_space<vmem>>
      %dma_start3A_54 = arith.constant 0 : i32
      %dma_start3A_55 = arith.constant 0 : i32
      %dma_start3A_56 = tpu.memref_slice %arg16[%dma_start3A_54, %dma_start3A_55] : memref<10240x64xf32, #tpu.memory_space<vmem_shared>> -> memref<10240x64xf32, #tpu.memory_space<vmem_shared>>
      tpu.enqueue_indirect_dma source(%arg12 : memref<128x64xf32, #tpu.memory_space<vmem>>) target(%dma_start3A_56 : memref<10240x64xf32, #tpu.memory_space<vmem_shared>>) offsets(%dma_start3A_53 : memref<128xi32, #tpu.memory_space<vmem>>) semaphore(%arg22 : memref<!tpu.dma_semaphore, #tpu.memory_space<semaphore_mem>>) {add = true}
      %dma_wait3A_57 = arith.constant 0 : i32
      %dma_wait3A_58 = arith.constant 0 : i32
      %dma_wait3A_59 = tpu.memref_slice %arg15[%dma_wait3A_57, %dma_wait3A_58] : memref<10240x64xf32, #tpu.memory_space<vmem_shared>> -> memref<128x64xf32, #tpu.memory_space<vmem_shared>>
      %dma_wait3A_60 = arith.constant 0 : i32
      %dma_wait3A_61 = arith.constant 0 : i32
      %dma_wait3A_62 = tpu.memref_slice %arg15[%dma_wait3A_60, %dma_wait3A_61] : memref<10240x64xf32, #tpu.memory_space<vmem_shared>> -> memref<128x64xf32, #tpu.memory_space<vmem_shared>>
      tpu.wait_dma2 semaphore(%arg19 : memref<!tpu.dma_semaphore, #tpu.memory_space<semaphore_mem>>) src(%dma_wait3A_62 : memref<128x64xf32, #tpu.memory_space<vmem_shared>>) dst(%arg13 : memref<128x64xf32, #tpu.memory_space<vmem>>)
      %dma_start3A_63 = arith.constant 3 : i32
      %dma_start3A_64 = arith.constant 0 : i32
      %dma_start3A_65 = tpu.memref_slice %arg8[%dma_start3A_63, %dma_start3A_64] : memref<16x128xi32, #tpu.memory_space<vmem>> -> memref<1x128xi32, #tpu.memory_space<vmem>>
      %dma_start3A_66 = tpu.memref_squeeze %dma_start3A_65 : memref<1x128xi32, #tpu.memory_space<vmem>> -> memref<128xi32, #tpu.memory_space<vmem>>
      %dma_start3A_67 = arith.constant 0 : i32
      %dma_start3A_68 = arith.constant 0 : i32
      %dma_start3A_69 = tpu.memref_slice %arg15[%dma_start3A_67, %dma_start3A_68] : memref<10240x64xf32, #tpu.memory_space<vmem_shared>> -> memref<10240x64xf32, #tpu.memory_space<vmem_shared>>
      tpu.enqueue_indirect_dma source(%dma_start3A_69 : memref<10240x64xf32, #tpu.memory_space<vmem_shared>>) target(%arg14 : memref<128x64xf32, #tpu.memory_space<vmem>>) offsets(%dma_start3A_66 : memref<128xi32, #tpu.memory_space<vmem>>) semaphore(%arg20 : memref<!tpu.dma_semaphore, #tpu.memory_space<semaphore_mem>>)
      %dma_start3A_70 = arith.constant 2 : i32
      %dma_start3A_71 = arith.constant 0 : i32
      %dma_start3A_72 = tpu.memref_slice %arg9[%dma_start3A_70, %dma_start3A_71] : memref<16x128xi32, #tpu.memory_space<vmem>> -> memref<1x128xi32, #tpu.memory_space<vmem>>
      %dma_start3A_73 = tpu.memref_squeeze %dma_start3A_72 : memref<1x128xi32, #tpu.memory_space<vmem>> -> memref<128xi32, #tpu.memory_space<vmem>>
      %dma_start3A_74 = arith.constant 0 : i32
      %dma_start3A_75 = arith.constant 0 : i32
      %dma_start3A_76 = tpu.memref_slice %arg16[%dma_start3A_74, %dma_start3A_75] : memref<10240x64xf32, #tpu.memory_space<vmem_shared>> -> memref<10240x64xf32, #tpu.memory_space<vmem_shared>>
      tpu.enqueue_indirect_dma source(%arg13 : memref<128x64xf32, #tpu.memory_space<vmem>>) target(%dma_start3A_76 : memref<10240x64xf32, #tpu.memory_space<vmem_shared>>) offsets(%dma_start3A_73 : memref<128xi32, #tpu.memory_space<vmem>>) semaphore(%arg23 : memref<!tpu.dma_semaphore, #tpu.memory_space<semaphore_mem>>) {add = true}
      %dma_wait3A_77 = arith.constant 0 : i32
      %dma_wait3A_78 = arith.constant 0 : i32
      %dma_wait3A_79 = tpu.memref_slice %arg15[%dma_wait3A_77, %dma_wait3A_78] : memref<10240x64xf32, #tpu.memory_space<vmem_shared>> -> memref<128x64xf32, #tpu.memory_space<vmem_shared>>
      %dma_wait3A_80 = arith.constant 0 : i32
      %dma_wait3A_81 = arith.constant 0 : i32
      %dma_wait3A_82 = tpu.memref_slice %arg15[%dma_wait3A_80, %dma_wait3A_81] : memref<10240x64xf32, #tpu.memory_space<vmem_shared>> -> memref<128x64xf32, #tpu.memory_space<vmem_shared>>
      tpu.wait_dma2 semaphore(%arg20 : memref<!tpu.dma_semaphore, #tpu.memory_space<semaphore_mem>>) src(%dma_wait3A_82 : memref<128x64xf32, #tpu.memory_space<vmem_shared>>) dst(%arg14 : memref<128x64xf32, #tpu.memory_space<vmem>>)
      %dma_wait3A_83 = arith.constant 0 : i32
      %dma_wait3A_84 = arith.constant 0 : i32
      %dma_wait3A_85 = tpu.memref_slice %arg9[%dma_wait3A_83, %dma_wait3A_84] : memref<16x128xi32, #tpu.memory_space<vmem>> -> memref<1x128xi32, #tpu.memory_space<vmem>>
      %dma_wait3A_86 = tpu.memref_squeeze %dma_wait3A_85 : memref<1x128xi32, #tpu.memory_space<vmem>> -> memref<128xi32, #tpu.memory_space<vmem>>
      %dma_wait3A_87 = arith.constant 0 : i32
      %dma_wait3A_88 = arith.constant 0 : i32
      %dma_wait3A_89 = tpu.memref_slice %arg16[%dma_wait3A_87, %dma_wait3A_88] : memref<10240x64xf32, #tpu.memory_space<vmem_shared>> -> memref<10240x64xf32, #tpu.memory_space<vmem_shared>>
      tpu.wait_indirect_dma semaphore(%arg21 : memref<!tpu.dma_semaphore, #tpu.memory_space<semaphore_mem>>) src(%arg11 : memref<128x64xf32, #tpu.memory_space<vmem>>) dst(%dma_wait3A_89 : memref<10240x64xf32, #tpu.memory_space<vmem_shared>>)
      %dma_start3A_90 = arith.constant 4 : i32
      %dma_start3A_91 = arith.constant 0 : i32
      %dma_start3A_92 = tpu.memref_slice %arg8[%dma_start3A_90, %dma_start3A_91] : memref<16x128xi32, #tpu.memory_space<vmem>> -> memref<1x128xi32, #tpu.memory_space<vmem>>
      %dma_start3A_93 = tpu.memref_squeeze %dma_start3A_92 : memref<1x128xi32, #tpu.memory_space<vmem>> -> memref<128xi32, #tpu.memory_space<vmem>>
      %dma_start3A_94 = arith.constant 0 : i32
      %dma_start3A_95 = arith.constant 0 : i32
      %dma_start3A_96 = tpu.memref_slice %arg15[%dma_start3A_94, %dma_start3A_95] : memref<10240x64xf32, #tpu.memory_space<vmem_shared>> -> memref<10240x64xf32, #tpu.memory_space<vmem_shared>>
      tpu.enqueue_indirect_dma source(%dma_start3A_96 : memref<10240x64xf32, #tpu.memory_space<vmem_shared>>) target(%arg11 : memref<128x64xf32, #tpu.memory_space<vmem>>) offsets(%dma_start3A_93 : memref<128xi32, #tpu.memory_space<vmem>>) semaphore(%arg17 : memref<!tpu.dma_semaphore, #tpu.memory_space<semaphore_mem>>)
      %dma_start3A_97 = arith.constant 3 : i32
      %dma_start3A_98 = arith.constant 0 : i32
      %dma_start3A_99 = tpu.memref_slice %arg9[%dma_start3A_97, %dma_start3A_98] : memref<16x128xi32, #tpu.memory_space<vmem>> -> memref<1x128xi32, #tpu.memory_space<vmem>>
      %dma_start3A_100 = tpu.memref_squeeze %dma_start3A_99 : memref<1x128xi32, #tpu.memory_space<vmem>> -> memref<128xi32, #tpu.memory_space<vmem>>
      %dma_start3A_101 = arith.constant 0 : i32
      %dma_start3A_102 = arith.constant 0 : i32
      %dma_start3A_103 = tpu.memref_slice %arg16[%dma_start3A_101, %dma_start3A_102] : memref<10240x64xf32, #tpu.memory_space<vmem_shared>> -> memref<10240x64xf32, #tpu.memory_space<vmem_shared>>
      tpu.enqueue_indirect_dma source(%arg14 : memref<128x64xf32, #tpu.memory_space<vmem>>) target(%dma_start3A_103 : memref<10240x64xf32, #tpu.memory_space<vmem_shared>>) offsets(%dma_start3A_100 : memref<128xi32, #tpu.memory_space<vmem>>) semaphore(%arg24 : memref<!tpu.dma_semaphore, #tpu.memory_space<semaphore_mem>>) {add = true}
      %dma_wait3A_104 = arith.constant 0 : i32
      %dma_wait3A_105 = arith.constant 0 : i32
      %dma_wait3A_106 = tpu.memref_slice %arg15[%dma_wait3A_104, %dma_wait3A_105] : memref<10240x64xf32, #tpu.memory_space<vmem_shared>> -> memref<128x64xf32, #tpu.memory_space<vmem_shared>>
      %dma_wait3A_107 = arith.constant 0 : i32
      %dma_wait3A_108 = arith.constant 0 : i32
      %dma_wait3A_109 = tpu.memref_slice %arg15[%dma_wait3A_107, %dma_wait3A_108] : memref<10240x64xf32, #tpu.memory_space<vmem_shared>> -> memref<128x64xf32, #tpu.memory_space<vmem_shared>>
      tpu.wait_dma2 semaphore(%arg17 : memref<!tpu.dma_semaphore, #tpu.memory_space<semaphore_mem>>) src(%dma_wait3A_109 : memref<128x64xf32, #tpu.memory_space<vmem_shared>>) dst(%arg11 : memref<128x64xf32, #tpu.memory_space<vmem>>)
      %dma_wait3A_110 = arith.constant 0 : i32
      %dma_wait3A_111 = arith.constant 0 : i32
      %dma_wait3A_112 = tpu.memref_slice %arg9[%dma_wait3A_110, %dma_wait3A_111] : memref<16x128xi32, #tpu.memory_space<vmem>> -> memref<1x128xi32, #tpu.memory_space<vmem>>
      %dma_wait3A_113 = tpu.memref_squeeze %dma_wait3A_112 : memref<1x128xi32, #tpu.memory_space<vmem>> -> memref<128xi32, #tpu.memory_space<vmem>>
      %dma_wait3A_114 = arith.constant 0 : i32
      %dma_wait3A_115 = arith.constant 0 : i32
      %dma_wait3A_116 = tpu.memref_slice %arg16[%dma_wait3A_114, %dma_wait3A_115] : memref<10240x64xf32, #tpu.memory_space<vmem_shared>> -> memref<10240x64xf32, #tpu.memory_space<vmem_shared>>
      tpu.wait_indirect_dma semaphore(%arg22 : memref<!tpu.dma_semaphore, #tpu.memory_space<semaphore_mem>>) src(%arg12 : memref<128x64xf32, #tpu.memory_space<vmem>>) dst(%dma_wait3A_116 : memref<10240x64xf32, #tpu.memory_space<vmem_shared>>)
      %dma_start3A_117 = arith.constant 5 : i32
      %dma_start3A_118 = arith.constant 0 : i32
      %dma_start3A_119 = tpu.memref_slice %arg8[%dma_start3A_117, %dma_start3A_118] : memref<16x128xi32, #tpu.memory_space<vmem>> -> memref<1x128xi32, #tpu.memory_space<vmem>>
      %dma_start3A_120 = tpu.memref_squeeze %dma_start3A_119 : memref<1x128xi32, #tpu.memory_space<vmem>> -> memref<128xi32, #tpu.memory_space<vmem>>
      %dma_start3A_121 = arith.constant 0 : i32
      %dma_start3A_122 = arith.constant 0 : i32
      %dma_start3A_123 = tpu.memref_slice %arg15[%dma_start3A_121, %dma_start3A_122] : memref<10240x64xf32, #tpu.memory_space<vmem_shared>> -> memref<10240x64xf32, #tpu.memory_space<vmem_shared>>
      tpu.enqueue_indirect_dma source(%dma_start3A_123 : memref<10240x64xf32, #tpu.memory_space<vmem_shared>>) target(%arg12 : memref<128x64xf32, #tpu.memory_space<vmem>>) offsets(%dma_start3A_120 : memref<128xi32, #tpu.memory_space<vmem>>) semaphore(%arg18 : memref<!tpu.dma_semaphore, #tpu.memory_space<semaphore_mem>>)
      %dma_start3A_124 = arith.constant 4 : i32
      %dma_start3A_125 = arith.constant 0 : i32
      %dma_start3A_126 = tpu.memref_slice %arg9[%dma_start3A_124, %dma_start3A_125] : memref<16x128xi32, #tpu.memory_space<vmem>> -> memref<1x128xi32, #tpu.memory_space<vmem>>
      %dma_start3A_127 = tpu.memref_squeeze %dma_start3A_126 : memref<1x128xi32, #tpu.memory_space<vmem>> -> memref<128xi32, #tpu.memory_space<vmem>>
      %dma_start3A_128 = arith.constant 0 : i32
      %dma_start3A_129 = arith.constant 0 : i32
      %dma_start3A_130 = tpu.memref_slice %arg16[%dma_start3A_128, %dma_start3A_129] : memref<10240x64xf32, #tpu.memory_space<vmem_shared>> -> memref<10240x64xf32, #tpu.memory_space<vmem_shared>>
      tpu.enqueue_indirect_dma source(%arg11 : memref<128x64xf32, #tpu.memory_space<vmem>>) target(%dma_start3A_130 : memref<10240x64xf32, #tpu.memory_space<vmem_shared>>) offsets(%dma_start3A_127 : memref<128xi32, #tpu.memory_space<vmem>>) semaphore(%arg21 : memref<!tpu.dma_semaphore, #tpu.memory_space<semaphore_mem>>) {add = true}
      %dma_wait3A_131 = arith.constant 0 : i32
      %dma_wait3A_132 = arith.constant 0 : i32
      %dma_wait3A_133 = tpu.memref_slice %arg15[%dma_wait3A_131, %dma_wait3A_132] : memref<10240x64xf32, #tpu.memory_space<vmem_shared>> -> memref<128x64xf32, #tpu.memory_space<vmem_shared>>
      %dma_wait3A_134 = arith.constant 0 : i32
      %dma_wait3A_135 = arith.constant 0 : i32
      %dma_wait3A_136 = tpu.memref_slice %arg15[%dma_wait3A_134, %dma_wait3A_135] : memref<10240x64xf32, #tpu.memory_space<vmem_shared>> -> memref<128x64xf32, #tpu.memory_space<vmem_shared>>
      tpu.wait_dma2 semaphore(%arg18 : memref<!tpu.dma_semaphore, #tpu.memory_space<semaphore_mem>>) src(%dma_wait3A_136 : memref<128x64xf32, #tpu.memory_space<vmem_shared>>) dst(%arg12 : memref<128x64xf32, #tpu.memory_space<vmem>>)
      %dma_wait3A_137 = arith.constant 0 : i32
      %dma_wait3A_138 = arith.constant 0 : i32
      %dma_wait3A_139 = tpu.memref_slice %arg9[%dma_wait3A_137, %dma_wait3A_138] : memref<16x128xi32, #tpu.memory_space<vmem>> -> memref<1x128xi32, #tpu.memory_space<vmem>>
      %dma_wait3A_140 = tpu.memref_squeeze %dma_wait3A_139 : memref<1x128xi32, #tpu.memory_space<vmem>> -> memref<128xi32, #tpu.memory_space<vmem>>
      %dma_wait3A_141 = arith.constant 0 : i32
      %dma_wait3A_142 = arith.constant 0 : i32
      %dma_wait3A_143 = tpu.memref_slice %arg16[%dma_wait3A_141, %dma_wait3A_142] : memref<10240x64xf32, #tpu.memory_space<vmem_shared>> -> memref<10240x64xf32, #tpu.memory_space<vmem_shared>>
      tpu.wait_indirect_dma semaphore(%arg23 : memref<!tpu.dma_semaphore, #tpu.memory_space<semaphore_mem>>) src(%arg13 : memref<128x64xf32, #tpu.memory_space<vmem>>) dst(%dma_wait3A_143 : memref<10240x64xf32, #tpu.memory_space<vmem_shared>>)
      %dma_start3A_144 = arith.constant 6 : i32
      %dma_start3A_145 = arith.constant 0 : i32
      %dma_start3A_146 = tpu.memref_slice %arg8[%dma_start3A_144, %dma_start3A_145] : memref<16x128xi32, #tpu.memory_space<vmem>> -> memref<1x128xi32, #tpu.memory_space<vmem>>
      %dma_start3A_147 = tpu.memref_squeeze %dma_start3A_146 : memref<1x128xi32, #tpu.memory_space<vmem>> -> memref<128xi32, #tpu.memory_space<vmem>>
      %dma_start3A_148 = arith.constant 0 : i32
      %dma_start3A_149 = arith.constant 0 : i32
      %dma_start3A_150 = tpu.memref_slice %arg15[%dma_start3A_148, %dma_start3A_149] : memref<10240x64xf32, #tpu.memory_space<vmem_shared>> -> memref<10240x64xf32, #tpu.memory_space<vmem_shared>>
      tpu.enqueue_indirect_dma source(%dma_start3A_150 : memref<10240x64xf32, #tpu.memory_space<vmem_shared>>) target(%arg13 : memref<128x64xf32, #tpu.memory_space<vmem>>) offsets(%dma_start3A_147 : memref<128xi32, #tpu.memory_space<vmem>>) semaphore(%arg19 : memref<!tpu.dma_semaphore, #tpu.memory_space<semaphore_mem>>)
      %dma_start3A_151 = arith.constant 5 : i32
      %dma_start3A_152 = arith.constant 0 : i32
      %dma_start3A_153 = tpu.memref_slice %arg9[%dma_start3A_151, %dma_start3A_152] : memref<16x128xi32, #tpu.memory_space<vmem>> -> memref<1x128xi32, #tpu.memory_space<vmem>>
      %dma_start3A_154 = tpu.memref_squeeze %dma_start3A_153 : memref<1x128xi32, #tpu.memory_space<vmem>> -> memref<128xi32, #tpu.memory_space<vmem>>
      %dma_start3A_155 = arith.constant 0 : i32
      %dma_start3A_156 = arith.constant 0 : i32
      %dma_start3A_157 = tpu.memref_slice %arg16[%dma_start3A_155, %dma_start3A_156] : memref<10240x64xf32, #tpu.memory_space<vmem_shared>> -> memref<10240x64xf32, #tpu.memory_space<vmem_shared>>
      tpu.enqueue_indirect_dma source(%arg12 : memref<128x64xf32, #tpu.memory_space<vmem>>) target(%dma_start3A_157 : memref<10240x64xf32, #tpu.memory_space<vmem_shared>>) offsets(%dma_start3A_154 : memref<128xi32, #tpu.memory_space<vmem>>) semaphore(%arg22 : memref<!tpu.dma_semaphore, #tpu.memory_space<semaphore_mem>>) {add = true}
      %dma_wait3A_158 = arith.constant 0 : i32
      %dma_wait3A_159 = arith.constant 0 : i32
      %dma_wait3A_160 = tpu.memref_slice %arg15[%dma_wait3A_158, %dma_wait3A_159] : memref<10240x64xf32, #tpu.memory_space<vmem_shared>> -> memref<128x64xf32, #tpu.memory_space<vmem_shared>>
      %dma_wait3A_161 = arith.constant 0 : i32
      %dma_wait3A_162 = arith.constant 0 : i32
      %dma_wait3A_163 = tpu.memref_slice %arg15[%dma_wait3A_161, %dma_wait3A_162] : memref<10240x64xf32, #tpu.memory_space<vmem_shared>> -> memref<128x64xf32, #tpu.memory_space<vmem_shared>>
      tpu.wait_dma2 semaphore(%arg19 : memref<!tpu.dma_semaphore, #tpu.memory_space<semaphore_mem>>) src(%dma_wait3A_163 : memref<128x64xf32, #tpu.memory_space<vmem_shared>>) dst(%arg13 : memref<128x64xf32, #tpu.memory_space<vmem>>)
      %dma_wait3A_164 = arith.constant 0 : i32
      %dma_wait3A_165 = arith.constant 0 : i32
      %dma_wait3A_166 = tpu.memref_slice %arg9[%dma_wait3A_164, %dma_wait3A_165] : memref<16x128xi32, #tpu.memory_space<vmem>> -> memref<1x128xi32, #tpu.memory_space<vmem>>
      %dma_wait3A_167 = tpu.memref_squeeze %dma_wait3A_166 : memref<1x128xi32, #tpu.memory_space<vmem>> -> memref<128xi32, #tpu.memory_space<vmem>>
      %dma_wait3A_168 = arith.constant 0 : i32
      %dma_wait3A_169 = arith.constant 0 : i32
      %dma_wait3A_170 = tpu.memref_slice %arg16[%dma_wait3A_168, %dma_wait3A_169] : memref<10240x64xf32, #tpu.memory_space<vmem_shared>> -> memref<10240x64xf32, #tpu.memory_space<vmem_shared>>
      tpu.wait_indirect_dma semaphore(%arg24 : memref<!tpu.dma_semaphore, #tpu.memory_space<semaphore_mem>>) src(%arg14 : memref<128x64xf32, #tpu.memory_space<vmem>>) dst(%dma_wait3A_170 : memref<10240x64xf32, #tpu.memory_space<vmem_shared>>)
      %dma_start3A_171 = arith.constant 7 : i32
      %dma_start3A_172 = arith.constant 0 : i32
      %dma_start3A_173 = tpu.memref_slice %arg8[%dma_start3A_171, %dma_start3A_172] : memref<16x128xi32, #tpu.memory_space<vmem>> -> memref<1x128xi32, #tpu.memory_space<vmem>>
      %dma_start3A_174 = tpu.memref_squeeze %dma_start3A_173 : memref<1x128xi32, #tpu.memory_space<vmem>> -> memref<128xi32, #tpu.memory_space<vmem>>
      %dma_start3A_175 = arith.constant 0 : i32
      %dma_start3A_176 = arith.constant 0 : i32
      %dma_start3A_177 = tpu.memref_slice %arg15[%dma_start3A_175, %dma_start3A_176] : memref<10240x64xf32, #tpu.memory_space<vmem_shared>> -> memref<10240x64xf32, #tpu.memory_space<vmem_shared>>
      tpu.enqueue_indirect_dma source(%dma_start3A_177 : memref<10240x64xf32, #tpu.memory_space<vmem_shared>>) target(%arg14 : memref<128x64xf32, #tpu.memory_space<vmem>>) offsets(%dma_start3A_174 : memref<128xi32, #tpu.memory_space<vmem>>) semaphore(%arg20 : memref<!tpu.dma_semaphore, #tpu.memory_space<semaphore_mem>>)
      %dma_start3A_178 = arith.constant 6 : i32
      %dma_start3A_179 = arith.constant 0 : i32
      %dma_start3A_180 = tpu.memref_slice %arg9[%dma_start3A_178, %dma_start3A_179] : memref<16x128xi32, #tpu.memory_space<vmem>> -> memref<1x128xi32, #tpu.memory_space<vmem>>
      %dma_start3A_181 = tpu.memref_squeeze %dma_start3A_180 : memref<1x128xi32, #tpu.memory_space<vmem>> -> memref<128xi32, #tpu.memory_space<vmem>>
      %dma_start3A_182 = arith.constant 0 : i32
      %dma_start3A_183 = arith.constant 0 : i32
      %dma_start3A_184 = tpu.memref_slice %arg16[%dma_start3A_182, %dma_start3A_183] : memref<10240x64xf32, #tpu.memory_space<vmem_shared>> -> memref<10240x64xf32, #tpu.memory_space<vmem_shared>>
      tpu.enqueue_indirect_dma source(%arg13 : memref<128x64xf32, #tpu.memory_space<vmem>>) target(%dma_start3A_184 : memref<10240x64xf32, #tpu.memory_space<vmem_shared>>) offsets(%dma_start3A_181 : memref<128xi32, #tpu.memory_space<vmem>>) semaphore(%arg23 : memref<!tpu.dma_semaphore, #tpu.memory_space<semaphore_mem>>) {add = true}
      %dma_wait3A_185 = arith.constant 0 : i32
      %dma_wait3A_186 = arith.constant 0 : i32
      %dma_wait3A_187 = tpu.memref_slice %arg15[%dma_wait3A_185, %dma_wait3A_186] : memref<10240x64xf32, #tpu.memory_space<vmem_shared>> -> memref<128x64xf32, #tpu.memory_space<vmem_shared>>
      %dma_wait3A_188 = arith.constant 0 : i32
      %dma_wait3A_189 = arith.constant 0 : i32
      %dma_wait3A_190 = tpu.memref_slice %arg15[%dma_wait3A_188, %dma_wait3A_189] : memref<10240x64xf32, #tpu.memory_space<vmem_shared>> -> memref<128x64xf32, #tpu.memory_space<vmem_shared>>
      tpu.wait_dma2 semaphore(%arg20 : memref<!tpu.dma_semaphore, #tpu.memory_space<semaphore_mem>>) src(%dma_wait3A_190 : memref<128x64xf32, #tpu.memory_space<vmem_shared>>) dst(%arg14 : memref<128x64xf32, #tpu.memory_space<vmem>>)
      %dma_wait3A_191 = arith.constant 0 : i32
      %dma_wait3A_192 = arith.constant 0 : i32
      %dma_wait3A_193 = tpu.memref_slice %arg9[%dma_wait3A_191, %dma_wait3A_192] : memref<16x128xi32, #tpu.memory_space<vmem>> -> memref<1x128xi32, #tpu.memory_space<vmem>>
      %dma_wait3A_194 = tpu.memref_squeeze %dma_wait3A_193 : memref<1x128xi32, #tpu.memory_space<vmem>> -> memref<128xi32, #tpu.memory_space<vmem>>
      %dma_wait3A_195 = arith.constant 0 : i32
      %dma_wait3A_196 = arith.constant 0 : i32
      %dma_wait3A_197 = tpu.memref_slice %arg16[%dma_wait3A_195, %dma_wait3A_196] : memref<10240x64xf32, #tpu.memory_space<vmem_shared>> -> memref<10240x64xf32, #tpu.memory_space<vmem_shared>>
      tpu.wait_indirect_dma semaphore(%arg21 : memref<!tpu.dma_semaphore, #tpu.memory_space<semaphore_mem>>) src(%arg11 : memref<128x64xf32, #tpu.memory_space<vmem>>) dst(%dma_wait3A_197 : memref<10240x64xf32, #tpu.memory_space<vmem_shared>>)
      %dma_start3A_198 = arith.constant 8 : i32
      %dma_start3A_199 = arith.constant 0 : i32
      %dma_start3A_200 = tpu.memref_slice %arg8[%dma_start3A_198, %dma_start3A_199] : memref<16x128xi32, #tpu.memory_space<vmem>> -> memref<1x128xi32, #tpu.memory_space<vmem>>
      %dma_start3A_201 = tpu.memref_squeeze %dma_start3A_200 : memref<1x128xi32, #tpu.memory_space<vmem>> -> memref<128xi32, #tpu.memory_space<vmem>>
      %dma_start3A_202 = arith.constant 0 : i32
      %dma_start3A_203 = arith.constant 0 : i32
      %dma_start3A_204 = tpu.memref_slice %arg15[%dma_start3A_202, %dma_start3A_203] : memref<10240x64xf32, #tpu.memory_space<vmem_shared>> -> memref<10240x64xf32, #tpu.memory_space<vmem_shared>>
      tpu.enqueue_indirect_dma source(%dma_start3A_204 : memref<10240x64xf32, #tpu.memory_space<vmem_shared>>) target(%arg11 : memref<128x64xf32, #tpu.memory_space<vmem>>) offsets(%dma_start3A_201 : memref<128xi32, #tpu.memory_space<vmem>>) semaphore(%arg17 : memref<!tpu.dma_semaphore, #tpu.memory_space<semaphore_mem>>)
      %dma_start3A_205 = arith.constant 7 : i32
      %dma_start3A_206 = arith.constant 0 : i32
      %dma_start3A_207 = tpu.memref_slice %arg9[%dma_start3A_205, %dma_start3A_206] : memref<16x128xi32, #tpu.memory_space<vmem>> -> memref<1x128xi32, #tpu.memory_space<vmem>>
      %dma_start3A_208 = tpu.memref_squeeze %dma_start3A_207 : memref<1x128xi32, #tpu.memory_space<vmem>> -> memref<128xi32, #tpu.memory_space<vmem>>
      %dma_start3A_209 = arith.constant 0 : i32
      %dma_start3A_210 = arith.constant 0 : i32
      %dma_start3A_211 = tpu.memref_slice %arg16[%dma_start3A_209, %dma_start3A_210] : memref<10240x64xf32, #tpu.memory_space<vmem_shared>> -> memref<10240x64xf32, #tpu.memory_space<vmem_shared>>
      tpu.enqueue_indirect_dma source(%arg14 : memref<128x64xf32, #tpu.memory_space<vmem>>) target(%dma_start3A_211 : memref<10240x64xf32, #tpu.memory_space<vmem_shared>>) offsets(%dma_start3A_208 : memref<128xi32, #tpu.memory_space<vmem>>) semaphore(%arg24 : memref<!tpu.dma_semaphore, #tpu.memory_space<semaphore_mem>>) {add = true}
      %dma_wait3A_212 = arith.constant 0 : i32
      %dma_wait3A_213 = arith.constant 0 : i32
      %dma_wait3A_214 = tpu.memref_slice %arg15[%dma_wait3A_212, %dma_wait3A_213] : memref<10240x64xf32, #tpu.memory_space<vmem_shared>> -> memref<128x64xf32, #tpu.memory_space<vmem_shared>>
      %dma_wait3A_215 = arith.constant 0 : i32
      %dma_wait3A_216 = arith.constant 0 : i32
      %dma_wait3A_217 = tpu.memref_slice %arg15[%dma_wait3A_215, %dma_wait3A_216] : memref<10240x64xf32, #tpu.memory_space<vmem_shared>> -> memref<128x64xf32, #tpu.memory_space<vmem_shared>>
      tpu.wait_dma2 semaphore(%arg17 : memref<!tpu.dma_semaphore, #tpu.memory_space<semaphore_mem>>) src(%dma_wait3A_217 : memref<128x64xf32, #tpu.memory_space<vmem_shared>>) dst(%arg11 : memref<128x64xf32, #tpu.memory_space<vmem>>)
      %dma_wait3A_218 = arith.constant 0 : i32
      %dma_wait3A_219 = arith.constant 0 : i32
      %dma_wait3A_220 = tpu.memref_slice %arg9[%dma_wait3A_218, %dma_wait3A_219] : memref<16x128xi32, #tpu.memory_space<vmem>> -> memref<1x128xi32, #tpu.memory_space<vmem>>
      %dma_wait3A_221 = tpu.memref_squeeze %dma_wait3A_220 : memref<1x128xi32, #tpu.memory_space<vmem>> -> memref<128xi32, #tpu.memory_space<vmem>>
      %dma_wait3A_222 = arith.constant 0 : i32
      %dma_wait3A_223 = arith.constant 0 : i32
      %dma_wait3A_224 = tpu.memref_slice %arg16[%dma_wait3A_222, %dma_wait3A_223] : memref<10240x64xf32, #tpu.memory_space<vmem_shared>> -> memref<10240x64xf32, #tpu.memory_space<vmem_shared>>
      tpu.wait_indirect_dma semaphore(%arg22 : memref<!tpu.dma_semaphore, #tpu.memory_space<semaphore_mem>>) src(%arg12 : memref<128x64xf32, #tpu.memory_space<vmem>>) dst(%dma_wait3A_224 : memref<10240x64xf32, #tpu.memory_space<vmem_shared>>)
      %dma_start3A_225 = arith.constant 9 : i32
      %dma_start3A_226 = arith.constant 0 : i32
      %dma_start3A_227 = tpu.memref_slice %arg8[%dma_start3A_225, %dma_start3A_226] : memref<16x128xi32, #tpu.memory_space<vmem>> -> memref<1x128xi32, #tpu.memory_space<vmem>>
      %dma_start3A_228 = tpu.memref_squeeze %dma_start3A_227 : memref<1x128xi32, #tpu.memory_space<vmem>> -> memref<128xi32, #tpu.memory_space<vmem>>
      %dma_start3A_229 = arith.constant 0 : i32
      %dma_start3A_230 = arith.constant 0 : i32
      %dma_start3A_231 = tpu.memref_slice %arg15[%dma_start3A_229, %dma_start3A_230] : memref<10240x64xf32, #tpu.memory_space<vmem_shared>> -> memref<10240x64xf32, #tpu.memory_space<vmem_shared>>
      tpu.enqueue_indirect_dma source(%dma_start3A_231 : memref<10240x64xf32, #tpu.memory_space<vmem_shared>>) target(%arg12 : memref<128x64xf32, #tpu.memory_space<vmem>>) offsets(%dma_start3A_228 : memref<128xi32, #tpu.memory_space<vmem>>) semaphore(%arg18 : memref<!tpu.dma_semaphore, #tpu.memory_space<semaphore_mem>>)
      %dma_start3A_232 = arith.constant 8 : i32
      %dma_start3A_233 = arith.constant 0 : i32
      %dma_start3A_234 = tpu.memref_slice %arg9[%dma_start3A_232, %dma_start3A_233] : memref<16x128xi32, #tpu.memory_space<vmem>> -> memref<1x128xi32, #tpu.memory_space<vmem>>
      %dma_start3A_235 = tpu.memref_squeeze %dma_start3A_234 : memref<1x128xi32, #tpu.memory_space<vmem>> -> memref<128xi32, #tpu.memory_space<vmem>>
      %dma_start3A_236 = arith.constant 0 : i32
      %dma_start3A_237 = arith.constant 0 : i32
      %dma_start3A_238 = tpu.memref_slice %arg16[%dma_start3A_236, %dma_start3A_237] : memref<10240x64xf32, #tpu.memory_space<vmem_shared>> -> memref<10240x64xf32, #tpu.memory_space<vmem_shared>>
      tpu.enqueue_indirect_dma source(%arg11 : memref<128x64xf32, #tpu.memory_space<vmem>>) target(%dma_start3A_238 : memref<10240x64xf32, #tpu.memory_space<vmem_shared>>) offsets(%dma_start3A_235 : memref<128xi32, #tpu.memory_space<vmem>>) semaphore(%arg21 : memref<!tpu.dma_semaphore, #tpu.memory_space<semaphore_mem>>) {add = true}
      %dma_wait3A_239 = arith.constant 0 : i32
      %dma_wait3A_240 = arith.constant 0 : i32
      %dma_wait3A_241 = tpu.memref_slice %arg15[%dma_wait3A_239, %dma_wait3A_240] : memref<10240x64xf32, #tpu.memory_space<vmem_shared>> -> memref<128x64xf32, #tpu.memory_space<vmem_shared>>
      %dma_wait3A_242 = arith.constant 0 : i32
      %dma_wait3A_243 = arith.constant 0 : i32
      %dma_wait3A_244 = tpu.memref_slice %arg15[%dma_wait3A_242, %dma_wait3A_243] : memref<10240x64xf32, #tpu.memory_space<vmem_shared>> -> memref<128x64xf32, #tpu.memory_space<vmem_shared>>
      tpu.wait_dma2 semaphore(%arg18 : memref<!tpu.dma_semaphore, #tpu.memory_space<semaphore_mem>>) src(%dma_wait3A_244 : memref<128x64xf32, #tpu.memory_space<vmem_shared>>) dst(%arg12 : memref<128x64xf32, #tpu.memory_space<vmem>>)
      %dma_wait3A_245 = arith.constant 0 : i32
      %dma_wait3A_246 = arith.constant 0 : i32
      %dma_wait3A_247 = tpu.memref_slice %arg9[%dma_wait3A_245, %dma_wait3A_246] : memref<16x128xi32, #tpu.memory_space<vmem>> -> memref<1x128xi32, #tpu.memory_space<vmem>>
      %dma_wait3A_248 = tpu.memref_squeeze %dma_wait3A_247 : memref<1x128xi32, #tpu.memory_space<vmem>> -> memref<128xi32, #tpu.memory_space<vmem>>
      %dma_wait3A_249 = arith.constant 0 : i32
      %dma_wait3A_250 = arith.constant 0 : i32
      %dma_wait3A_251 = tpu.memref_slice %arg16[%dma_wait3A_249, %dma_wait3A_250] : memref<10240x64xf32, #tpu.memory_space<vmem_shared>> -> memref<10240x64xf32, #tpu.memory_space<vmem_shared>>
      tpu.wait_indirect_dma semaphore(%arg23 : memref<!tpu.dma_semaphore, #tpu.memory_space<semaphore_mem>>) src(%arg13 : memref<128x64xf32, #tpu.memory_space<vmem>>) dst(%dma_wait3A_251 : memref<10240x64xf32, #tpu.memory_space<vmem_shared>>)
      %dma_start3A_252 = arith.constant 10 : i32
      %dma_start3A_253 = arith.constant 0 : i32
      %dma_start3A_254 = tpu.memref_slice %arg8[%dma_start3A_252, %dma_start3A_253] : memref<16x128xi32, #tpu.memory_space<vmem>> -> memref<1x128xi32, #tpu.memory_space<vmem>>
      %dma_start3A_255 = tpu.memref_squeeze %dma_start3A_254 : memref<1x128xi32, #tpu.memory_space<vmem>> -> memref<128xi32, #tpu.memory_space<vmem>>
      %dma_start3A_256 = arith.constant 0 : i32
      %dma_start3A_257 = arith.constant 0 : i32
      %dma_start3A_258 = tpu.memref_slice %arg15[%dma_start3A_256, %dma_start3A_257] : memref<10240x64xf32, #tpu.memory_space<vmem_shared>> -> memref<10240x64xf32, #tpu.memory_space<vmem_shared>>
      tpu.enqueue_indirect_dma source(%dma_start3A_258 : memref<10240x64xf32, #tpu.memory_space<vmem_shared>>) target(%arg13 : memref<128x64xf32, #tpu.memory_space<vmem>>) offsets(%dma_start3A_255 : memref<128xi32, #tpu.memory_space<vmem>>) semaphore(%arg19 : memref<!tpu.dma_semaphore, #tpu.memory_space<semaphore_mem>>)
      %dma_start3A_259 = arith.constant 9 : i32
      %dma_start3A_260 = arith.constant 0 : i32
      %dma_start3A_261 = tpu.memref_slice %arg9[%dma_start3A_259, %dma_start3A_260] : memref<16x128xi32, #tpu.memory_space<vmem>> -> memref<1x128xi32, #tpu.memory_space<vmem>>
      %dma_start3A_262 = tpu.memref_squeeze %dma_start3A_261 : memref<1x128xi32, #tpu.memory_space<vmem>> -> memref<128xi32, #tpu.memory_space<vmem>>
      %dma_start3A_263 = arith.constant 0 : i32
      %dma_start3A_264 = arith.constant 0 : i32
      %dma_start3A_265 = tpu.memref_slice %arg16[%dma_start3A_263, %dma_start3A_264] : memref<10240x64xf32, #tpu.memory_space<vmem_shared>> -> memref<10240x64xf32, #tpu.memory_space<vmem_shared>>
      tpu.enqueue_indirect_dma source(%arg12 : memref<128x64xf32, #tpu.memory_space<vmem>>) target(%dma_start3A_265 : memref<10240x64xf32, #tpu.memory_space<vmem_shared>>) offsets(%dma_start3A_262 : memref<128xi32, #tpu.memory_space<vmem>>) semaphore(%arg22 : memref<!tpu.dma_semaphore, #tpu.memory_space<semaphore_mem>>) {add = true}
      %dma_wait3A_266 = arith.constant 0 : i32
      %dma_wait3A_267 = arith.constant 0 : i32
      %dma_wait3A_268 = tpu.memref_slice %arg15[%dma_wait3A_266, %dma_wait3A_267] : memref<10240x64xf32, #tpu.memory_space<vmem_shared>> -> memref<128x64xf32, #tpu.memory_space<vmem_shared>>
      %dma_wait3A_269 = arith.constant 0 : i32
      %dma_wait3A_270 = arith.constant 0 : i32
      %dma_wait3A_271 = tpu.memref_slice %arg15[%dma_wait3A_269, %dma_wait3A_270] : memref<10240x64xf32, #tpu.memory_space<vmem_shared>> -> memref<128x64xf32, #tpu.memory_space<vmem_shared>>
      tpu.wait_dma2 semaphore(%arg19 : memref<!tpu.dma_semaphore, #tpu.memory_space<semaphore_mem>>) src(%dma_wait3A_271 : memref<128x64xf32, #tpu.memory_space<vmem_shared>>) dst(%arg13 : memref<128x64xf32, #tpu.memory_space<vmem>>)
      %dma_wait3A_272 = arith.constant 0 : i32
      %dma_wait3A_273 = arith.constant 0 : i32
      %dma_wait3A_274 = tpu.memref_slice %arg9[%dma_wait3A_272, %dma_wait3A_273] : memref<16x128xi32, #tpu.memory_space<vmem>> -> memref<1x128xi32, #tpu.memory_space<vmem>>
      %dma_wait3A_275 = tpu.memref_squeeze %dma_wait3A_274 : memref<1x128xi32, #tpu.memory_space<vmem>> -> memref<128xi32, #tpu.memory_space<vmem>>
      %dma_wait3A_276 = arith.constant 0 : i32
      %dma_wait3A_277 = arith.constant 0 : i32
      %dma_wait3A_278 = tpu.memref_slice %arg16[%dma_wait3A_276, %dma_wait3A_277] : memref<10240x64xf32, #tpu.memory_space<vmem_shared>> -> memref<10240x64xf32, #tpu.memory_space<vmem_shared>>
      tpu.wait_indirect_dma semaphore(%arg24 : memref<!tpu.dma_semaphore, #tpu.memory_space<semaphore_mem>>) src(%arg14 : memref<128x64xf32, #tpu.memory_space<vmem>>) dst(%dma_wait3A_278 : memref<10240x64xf32, #tpu.memory_space<vmem_shared>>)
      %dma_start3A_279 = arith.constant 11 : i32
      %dma_start3A_280 = arith.constant 0 : i32
      %dma_start3A_281 = tpu.memref_slice %arg8[%dma_start3A_279, %dma_start3A_280] : memref<16x128xi32, #tpu.memory_space<vmem>> -> memref<1x128xi32, #tpu.memory_space<vmem>>
      %dma_start3A_282 = tpu.memref_squeeze %dma_start3A_281 : memref<1x128xi32, #tpu.memory_space<vmem>> -> memref<128xi32, #tpu.memory_space<vmem>>
      %dma_start3A_283 = arith.constant 0 : i32
      %dma_start3A_284 = arith.constant 0 : i32
      %dma_start3A_285 = tpu.memref_slice %arg15[%dma_start3A_283, %dma_start3A_284] : memref<10240x64xf32, #tpu.memory_space<vmem_shared>> -> memref<10240x64xf32, #tpu.memory_space<vmem_shared>>
      tpu.enqueue_indirect_dma source(%dma_start3A_285 : memref<10240x64xf32, #tpu.memory_space<vmem_shared>>) target(%arg14 : memref<128x64xf32, #tpu.memory_space<vmem>>) offsets(%dma_start3A_282 : memref<128xi32, #tpu.memory_space<vmem>>) semaphore(%arg20 : memref<!tpu.dma_semaphore, #tpu.memory_space<semaphore_mem>>)
      %dma_start3A_286 = arith.constant 10 : i32
      %dma_start3A_287 = arith.constant 0 : i32
      %dma_start3A_288 = tpu.memref_slice %arg9[%dma_start3A_286, %dma_start3A_287] : memref<16x128xi32, #tpu.memory_space<vmem>> -> memref<1x128xi32, #tpu.memory_space<vmem>>
      %dma_start3A_289 = tpu.memref_squeeze %dma_start3A_288 : memref<1x128xi32, #tpu.memory_space<vmem>> -> memref<128xi32, #tpu.memory_space<vmem>>
      %dma_start3A_290 = arith.constant 0 : i32
      %dma_start3A_291 = arith.constant 0 : i32
      %dma_start3A_292 = tpu.memref_slice %arg16[%dma_start3A_290, %dma_start3A_291] : memref<10240x64xf32, #tpu.memory_space<vmem_shared>> -> memref<10240x64xf32, #tpu.memory_space<vmem_shared>>
      tpu.enqueue_indirect_dma source(%arg13 : memref<128x64xf32, #tpu.memory_space<vmem>>) target(%dma_start3A_292 : memref<10240x64xf32, #tpu.memory_space<vmem_shared>>) offsets(%dma_start3A_289 : memref<128xi32, #tpu.memory_space<vmem>>) semaphore(%arg23 : memref<!tpu.dma_semaphore, #tpu.memory_space<semaphore_mem>>) {add = true}
      %dma_wait3A_293 = arith.constant 0 : i32
      %dma_wait3A_294 = arith.constant 0 : i32
      %dma_wait3A_295 = tpu.memref_slice %arg15[%dma_wait3A_293, %dma_wait3A_294] : memref<10240x64xf32, #tpu.memory_space<vmem_shared>> -> memref<128x64xf32, #tpu.memory_space<vmem_shared>>
      %dma_wait3A_296 = arith.constant 0 : i32
      %dma_wait3A_297 = arith.constant 0 : i32
      %dma_wait3A_298 = tpu.memref_slice %arg15[%dma_wait3A_296, %dma_wait3A_297] : memref<10240x64xf32, #tpu.memory_space<vmem_shared>> -> memref<128x64xf32, #tpu.memory_space<vmem_shared>>
      tpu.wait_dma2 semaphore(%arg20 : memref<!tpu.dma_semaphore, #tpu.memory_space<semaphore_mem>>) src(%dma_wait3A_298 : memref<128x64xf32, #tpu.memory_space<vmem_shared>>) dst(%arg14 : memref<128x64xf32, #tpu.memory_space<vmem>>)
      %dma_wait3A_299 = arith.constant 0 : i32
      %dma_wait3A_300 = arith.constant 0 : i32
      %dma_wait3A_301 = tpu.memref_slice %arg9[%dma_wait3A_299, %dma_wait3A_300] : memref<16x128xi32, #tpu.memory_space<vmem>> -> memref<1x128xi32, #tpu.memory_space<vmem>>
      %dma_wait3A_302 = tpu.memref_squeeze %dma_wait3A_301 : memref<1x128xi32, #tpu.memory_space<vmem>> -> memref<128xi32, #tpu.memory_space<vmem>>
      %dma_wait3A_303 = arith.constant 0 : i32
      %dma_wait3A_304 = arith.constant 0 : i32
      %dma_wait3A_305 = tpu.memref_slice %arg16[%dma_wait3A_303, %dma_wait3A_304] : memref<10240x64xf32, #tpu.memory_space<vmem_shared>> -> memref<10240x64xf32, #tpu.memory_space<vmem_shared>>
      tpu.wait_indirect_dma semaphore(%arg21 : memref<!tpu.dma_semaphore, #tpu.memory_space<semaphore_mem>>) src(%arg11 : memref<128x64xf32, #tpu.memory_space<vmem>>) dst(%dma_wait3A_305 : memref<10240x64xf32, #tpu.memory_space<vmem_shared>>)
      %dma_start3A_306 = arith.constant 12 : i32
      %dma_start3A_307 = arith.constant 0 : i32
      %dma_start3A_308 = tpu.memref_slice %arg8[%dma_start3A_306, %dma_start3A_307] : memref<16x128xi32, #tpu.memory_space<vmem>> -> memref<1x128xi32, #tpu.memory_space<vmem>>
      %dma_start3A_309 = tpu.memref_squeeze %dma_start3A_308 : memref<1x128xi32, #tpu.memory_space<vmem>> -> memref<128xi32, #tpu.memory_space<vmem>>
      %dma_start3A_310 = arith.constant 0 : i32
      %dma_start3A_311 = arith.constant 0 : i32
      %dma_start3A_312 = tpu.memref_slice %arg15[%dma_start3A_310, %dma_start3A_311] : memref<10240x64xf32, #tpu.memory_space<vmem_shared>> -> memref<10240x64xf32, #tpu.memory_space<vmem_shared>>
      tpu.enqueue_indirect_dma source(%dma_start3A_312 : memref<10240x64xf32, #tpu.memory_space<vmem_shared>>) target(%arg11 : memref<128x64xf32, #tpu.memory_space<vmem>>) offsets(%dma_start3A_309 : memref<128xi32, #tpu.memory_space<vmem>>) semaphore(%arg17 : memref<!tpu.dma_semaphore, #tpu.memory_space<semaphore_mem>>)
      %dma_start3A_313 = arith.constant 11 : i32
      %dma_start3A_314 = arith.constant 0 : i32
      %dma_start3A_315 = tpu.memref_slice %arg9[%dma_start3A_313, %dma_start3A_314] : memref<16x128xi32, #tpu.memory_space<vmem>> -> memref<1x128xi32, #tpu.memory_space<vmem>>
      %dma_start3A_316 = tpu.memref_squeeze %dma_start3A_315 : memref<1x128xi32, #tpu.memory_space<vmem>> -> memref<128xi32, #tpu.memory_space<vmem>>
      %dma_start3A_317 = arith.constant 0 : i32
      %dma_start3A_318 = arith.constant 0 : i32
      %dma_start3A_319 = tpu.memref_slice %arg16[%dma_start3A_317, %dma_start3A_318] : memref<10240x64xf32, #tpu.memory_space<vmem_shared>> -> memref<10240x64xf32, #tpu.memory_space<vmem_shared>>
      tpu.enqueue_indirect_dma source(%arg14 : memref<128x64xf32, #tpu.memory_space<vmem>>) target(%dma_start3A_319 : memref<10240x64xf32, #tpu.memory_space<vmem_shared>>) offsets(%dma_start3A_316 : memref<128xi32, #tpu.memory_space<vmem>>) semaphore(%arg24 : memref<!tpu.dma_semaphore, #tpu.memory_space<semaphore_mem>>) {add = true}
      %dma_wait3A_320 = arith.constant 0 : i32
      %dma_wait3A_321 = arith.constant 0 : i32
      %dma_wait3A_322 = tpu.memref_slice %arg15[%dma_wait3A_320, %dma_wait3A_321] : memref<10240x64xf32, #tpu.memory_space<vmem_shared>> -> memref<128x64xf32, #tpu.memory_space<vmem_shared>>
      %dma_wait3A_323 = arith.constant 0 : i32
      %dma_wait3A_324 = arith.constant 0 : i32
      %dma_wait3A_325 = tpu.memref_slice %arg15[%dma_wait3A_323, %dma_wait3A_324] : memref<10240x64xf32, #tpu.memory_space<vmem_shared>> -> memref<128x64xf32, #tpu.memory_space<vmem_shared>>
      tpu.wait_dma2 semaphore(%arg17 : memref<!tpu.dma_semaphore, #tpu.memory_space<semaphore_mem>>) src(%dma_wait3A_325 : memref<128x64xf32, #tpu.memory_space<vmem_shared>>) dst(%arg11 : memref<128x64xf32, #tpu.memory_space<vmem>>)
      %dma_wait3A_326 = arith.constant 0 : i32
      %dma_wait3A_327 = arith.constant 0 : i32
      %dma_wait3A_328 = tpu.memref_slice %arg9[%dma_wait3A_326, %dma_wait3A_327] : memref<16x128xi32, #tpu.memory_space<vmem>> -> memref<1x128xi32, #tpu.memory_space<vmem>>
      %dma_wait3A_329 = tpu.memref_squeeze %dma_wait3A_328 : memref<1x128xi32, #tpu.memory_space<vmem>> -> memref<128xi32, #tpu.memory_space<vmem>>
      %dma_wait3A_330 = arith.constant 0 : i32
      %dma_wait3A_331 = arith.constant 0 : i32
      %dma_wait3A_332 = tpu.memref_slice %arg16[%dma_wait3A_330, %dma_wait3A_331] : memref<10240x64xf32, #tpu.memory_space<vmem_shared>> -> memref<10240x64xf32, #tpu.memory_space<vmem_shared>>
      tpu.wait_indirect_dma semaphore(%arg22 : memref<!tpu.dma_semaphore, #tpu.memory_space<semaphore_mem>>) src(%arg12 : memref<128x64xf32, #tpu.memory_space<vmem>>) dst(%dma_wait3A_332 : memref<10240x64xf32, #tpu.memory_space<vmem_shared>>)
      %dma_start3A_333 = arith.constant 13 : i32
      %dma_start3A_334 = arith.constant 0 : i32
      %dma_start3A_335 = tpu.memref_slice %arg8[%dma_start3A_333, %dma_start3A_334] : memref<16x128xi32, #tpu.memory_space<vmem>> -> memref<1x128xi32, #tpu.memory_space<vmem>>
      %dma_start3A_336 = tpu.memref_squeeze %dma_start3A_335 : memref<1x128xi32, #tpu.memory_space<vmem>> -> memref<128xi32, #tpu.memory_space<vmem>>
      %dma_start3A_337 = arith.constant 0 : i32
      %dma_start3A_338 = arith.constant 0 : i32
      %dma_start3A_339 = tpu.memref_slice %arg15[%dma_start3A_337, %dma_start3A_338] : memref<10240x64xf32, #tpu.memory_space<vmem_shared>> -> memref<10240x64xf32, #tpu.memory_space<vmem_shared>>
      tpu.enqueue_indirect_dma source(%dma_start3A_339 : memref<10240x64xf32, #tpu.memory_space<vmem_shared>>) target(%arg12 : memref<128x64xf32, #tpu.memory_space<vmem>>) offsets(%dma_start3A_336 : memref<128xi32, #tpu.memory_space<vmem>>) semaphore(%arg18 : memref<!tpu.dma_semaphore, #tpu.memory_space<semaphore_mem>>)
      %dma_start3A_340 = arith.constant 12 : i32
      %dma_start3A_341 = arith.constant 0 : i32
      %dma_start3A_342 = tpu.memref_slice %arg9[%dma_start3A_340, %dma_start3A_341] : memref<16x128xi32, #tpu.memory_space<vmem>> -> memref<1x128xi32, #tpu.memory_space<vmem>>
      %dma_start3A_343 = tpu.memref_squeeze %dma_start3A_342 : memref<1x128xi32, #tpu.memory_space<vmem>> -> memref<128xi32, #tpu.memory_space<vmem>>
      %dma_start3A_344 = arith.constant 0 : i32
      %dma_start3A_345 = arith.constant 0 : i32
      %dma_start3A_346 = tpu.memref_slice %arg16[%dma_start3A_344, %dma_start3A_345] : memref<10240x64xf32, #tpu.memory_space<vmem_shared>> -> memref<10240x64xf32, #tpu.memory_space<vmem_shared>>
      tpu.enqueue_indirect_dma source(%arg11 : memref<128x64xf32, #tpu.memory_space<vmem>>) target(%dma_start3A_346 : memref<10240x64xf32, #tpu.memory_space<vmem_shared>>) offsets(%dma_start3A_343 : memref<128xi32, #tpu.memory_space<vmem>>) semaphore(%arg21 : memref<!tpu.dma_semaphore, #tpu.memory_space<semaphore_mem>>) {add = true}
      %dma_wait3A_347 = arith.constant 0 : i32
      %dma_wait3A_348 = arith.constant 0 : i32
      %dma_wait3A_349 = tpu.memref_slice %arg15[%dma_wait3A_347, %dma_wait3A_348] : memref<10240x64xf32, #tpu.memory_space<vmem_shared>> -> memref<128x64xf32, #tpu.memory_space<vmem_shared>>
      %dma_wait3A_350 = arith.constant 0 : i32
      %dma_wait3A_351 = arith.constant 0 : i32
      %dma_wait3A_352 = tpu.memref_slice %arg15[%dma_wait3A_350, %dma_wait3A_351] : memref<10240x64xf32, #tpu.memory_space<vmem_shared>> -> memref<128x64xf32, #tpu.memory_space<vmem_shared>>
      tpu.wait_dma2 semaphore(%arg18 : memref<!tpu.dma_semaphore, #tpu.memory_space<semaphore_mem>>) src(%dma_wait3A_352 : memref<128x64xf32, #tpu.memory_space<vmem_shared>>) dst(%arg12 : memref<128x64xf32, #tpu.memory_space<vmem>>)
      %dma_wait3A_353 = arith.constant 0 : i32
      %dma_wait3A_354 = arith.constant 0 : i32
      %dma_wait3A_355 = tpu.memref_slice %arg9[%dma_wait3A_353, %dma_wait3A_354] : memref<16x128xi32, #tpu.memory_space<vmem>> -> memref<1x128xi32, #tpu.memory_space<vmem>>
      %dma_wait3A_356 = tpu.memref_squeeze %dma_wait3A_355 : memref<1x128xi32, #tpu.memory_space<vmem>> -> memref<128xi32, #tpu.memory_space<vmem>>
      %dma_wait3A_357 = arith.constant 0 : i32
      %dma_wait3A_358 = arith.constant 0 : i32
      %dma_wait3A_359 = tpu.memref_slice %arg16[%dma_wait3A_357, %dma_wait3A_358] : memref<10240x64xf32, #tpu.memory_space<vmem_shared>> -> memref<10240x64xf32, #tpu.memory_space<vmem_shared>>
      tpu.wait_indirect_dma semaphore(%arg23 : memref<!tpu.dma_semaphore, #tpu.memory_space<semaphore_mem>>) src(%arg13 : memref<128x64xf32, #tpu.memory_space<vmem>>) dst(%dma_wait3A_359 : memref<10240x64xf32, #tpu.memory_space<vmem_shared>>)
      %dma_start3A_360 = arith.constant 14 : i32
      %dma_start3A_361 = arith.constant 0 : i32
      %dma_start3A_362 = tpu.memref_slice %arg8[%dma_start3A_360, %dma_start3A_361] : memref<16x128xi32, #tpu.memory_space<vmem>> -> memref<1x128xi32, #tpu.memory_space<vmem>>
      %dma_start3A_363 = tpu.memref_squeeze %dma_start3A_362 : memref<1x128xi32, #tpu.memory_space<vmem>> -> memref<128xi32, #tpu.memory_space<vmem>>
      %dma_start3A_364 = arith.constant 0 : i32
      %dma_start3A_365 = arith.constant 0 : i32
      %dma_start3A_366 = tpu.memref_slice %arg15[%dma_start3A_364, %dma_start3A_365] : memref<10240x64xf32, #tpu.memory_space<vmem_shared>> -> memref<10240x64xf32, #tpu.memory_space<vmem_shared>>
      tpu.enqueue_indirect_dma source(%dma_start3A_366 : memref<10240x64xf32, #tpu.memory_space<vmem_shared>>) target(%arg13 : memref<128x64xf32, #tpu.memory_space<vmem>>) offsets(%dma_start3A_363 : memref<128xi32, #tpu.memory_space<vmem>>) semaphore(%arg19 : memref<!tpu.dma_semaphore, #tpu.memory_space<semaphore_mem>>)
      %dma_start3A_367 = arith.constant 13 : i32
      %dma_start3A_368 = arith.constant 0 : i32
      %dma_start3A_369 = tpu.memref_slice %arg9[%dma_start3A_367, %dma_start3A_368] : memref<16x128xi32, #tpu.memory_space<vmem>> -> memref<1x128xi32, #tpu.memory_space<vmem>>
      %dma_start3A_370 = tpu.memref_squeeze %dma_start3A_369 : memref<1x128xi32, #tpu.memory_space<vmem>> -> memref<128xi32, #tpu.memory_space<vmem>>
      %dma_start3A_371 = arith.constant 0 : i32
      %dma_start3A_372 = arith.constant 0 : i32
      %dma_start3A_373 = tpu.memref_slice %arg16[%dma_start3A_371, %dma_start3A_372] : memref<10240x64xf32, #tpu.memory_space<vmem_shared>> -> memref<10240x64xf32, #tpu.memory_space<vmem_shared>>
      tpu.enqueue_indirect_dma source(%arg12 : memref<128x64xf32, #tpu.memory_space<vmem>>) target(%dma_start3A_373 : memref<10240x64xf32, #tpu.memory_space<vmem_shared>>) offsets(%dma_start3A_370 : memref<128xi32, #tpu.memory_space<vmem>>) semaphore(%arg22 : memref<!tpu.dma_semaphore, #tpu.memory_space<semaphore_mem>>) {add = true}
      %dma_wait3A_374 = arith.constant 0 : i32
      %dma_wait3A_375 = arith.constant 0 : i32
      %dma_wait3A_376 = tpu.memref_slice %arg15[%dma_wait3A_374, %dma_wait3A_375] : memref<10240x64xf32, #tpu.memory_space<vmem_shared>> -> memref<128x64xf32, #tpu.memory_space<vmem_shared>>
      %dma_wait3A_377 = arith.constant 0 : i32
      %dma_wait3A_378 = arith.constant 0 : i32
      %dma_wait3A_379 = tpu.memref_slice %arg15[%dma_wait3A_377, %dma_wait3A_378] : memref<10240x64xf32, #tpu.memory_space<vmem_shared>> -> memref<128x64xf32, #tpu.memory_space<vmem_shared>>
      tpu.wait_dma2 semaphore(%arg19 : memref<!tpu.dma_semaphore, #tpu.memory_space<semaphore_mem>>) src(%dma_wait3A_379 : memref<128x64xf32, #tpu.memory_space<vmem_shared>>) dst(%arg13 : memref<128x64xf32, #tpu.memory_space<vmem>>)
      %dma_wait3A_380 = arith.constant 0 : i32
      %dma_wait3A_381 = arith.constant 0 : i32
      %dma_wait3A_382 = tpu.memref_slice %arg9[%dma_wait3A_380, %dma_wait3A_381] : memref<16x128xi32, #tpu.memory_space<vmem>> -> memref<1x128xi32, #tpu.memory_space<vmem>>
      %dma_wait3A_383 = tpu.memref_squeeze %dma_wait3A_382 : memref<1x128xi32, #tpu.memory_space<vmem>> -> memref<128xi32, #tpu.memory_space<vmem>>
      %dma_wait3A_384 = arith.constant 0 : i32
      %dma_wait3A_385 = arith.constant 0 : i32
      %dma_wait3A_386 = tpu.memref_slice %arg16[%dma_wait3A_384, %dma_wait3A_385] : memref<10240x64xf32, #tpu.memory_space<vmem_shared>> -> memref<10240x64xf32, #tpu.memory_space<vmem_shared>>
      tpu.wait_indirect_dma semaphore(%arg24 : memref<!tpu.dma_semaphore, #tpu.memory_space<semaphore_mem>>) src(%arg14 : memref<128x64xf32, #tpu.memory_space<vmem>>) dst(%dma_wait3A_386 : memref<10240x64xf32, #tpu.memory_space<vmem_shared>>)
      %dma_start3A_387 = arith.constant 15 : i32
      %dma_start3A_388 = arith.constant 0 : i32
      %dma_start3A_389 = tpu.memref_slice %arg8[%dma_start3A_387, %dma_start3A_388] : memref<16x128xi32, #tpu.memory_space<vmem>> -> memref<1x128xi32, #tpu.memory_space<vmem>>
      %dma_start3A_390 = tpu.memref_squeeze %dma_start3A_389 : memref<1x128xi32, #tpu.memory_space<vmem>> -> memref<128xi32, #tpu.memory_space<vmem>>
      %dma_start3A_391 = arith.constant 0 : i32
      %dma_start3A_392 = arith.constant 0 : i32
      %dma_start3A_393 = tpu.memref_slice %arg15[%dma_start3A_391, %dma_start3A_392] : memref<10240x64xf32, #tpu.memory_space<vmem_shared>> -> memref<10240x64xf32, #tpu.memory_space<vmem_shared>>
      tpu.enqueue_indirect_dma source(%dma_start3A_393 : memref<10240x64xf32, #tpu.memory_space<vmem_shared>>) target(%arg14 : memref<128x64xf32, #tpu.memory_space<vmem>>) offsets(%dma_start3A_390 : memref<128xi32, #tpu.memory_space<vmem>>) semaphore(%arg20 : memref<!tpu.dma_semaphore, #tpu.memory_space<semaphore_mem>>)
      %dma_start3A_394 = arith.constant 14 : i32
      %dma_start3A_395 = arith.constant 0 : i32
      %dma_start3A_396 = tpu.memref_slice %arg9[%dma_start3A_394, %dma_start3A_395] : memref<16x128xi32, #tpu.memory_space<vmem>> -> memref<1x128xi32, #tpu.memory_space<vmem>>
      %dma_start3A_397 = tpu.memref_squeeze %dma_start3A_396 : memref<1x128xi32, #tpu.memory_space<vmem>> -> memref<128xi32, #tpu.memory_space<vmem>>
      %dma_start3A_398 = arith.constant 0 : i32
      %dma_start3A_399 = arith.constant 0 : i32
      %dma_start3A_400 = tpu.memref_slice %arg16[%dma_start3A_398, %dma_start3A_399] : memref<10240x64xf32, #tpu.memory_space<vmem_shared>> -> memref<10240x64xf32, #tpu.memory_space<vmem_shared>>
      tpu.enqueue_indirect_dma source(%arg13 : memref<128x64xf32, #tpu.memory_space<vmem>>) target(%dma_start3A_400 : memref<10240x64xf32, #tpu.memory_space<vmem_shared>>) offsets(%dma_start3A_397 : memref<128xi32, #tpu.memory_space<vmem>>) semaphore(%arg23 : memref<!tpu.dma_semaphore, #tpu.memory_space<semaphore_mem>>) {add = true}
      %dma_wait3A_401 = arith.constant 0 : i32
      %dma_wait3A_402 = arith.constant 0 : i32
      %dma_wait3A_403 = tpu.memref_slice %arg15[%dma_wait3A_401, %dma_wait3A_402] : memref<10240x64xf32, #tpu.memory_space<vmem_shared>> -> memref<128x64xf32, #tpu.memory_space<vmem_shared>>
      %dma_wait3A_404 = arith.constant 0 : i32
      %dma_wait3A_405 = arith.constant 0 : i32
      %dma_wait3A_406 = tpu.memref_slice %arg15[%dma_wait3A_404, %dma_wait3A_405] : memref<10240x64xf32, #tpu.memory_space<vmem_shared>> -> memref<128x64xf32, #tpu.memory_space<vmem_shared>>
      tpu.wait_dma2 semaphore(%arg20 : memref<!tpu.dma_semaphore, #tpu.memory_space<semaphore_mem>>) src(%dma_wait3A_406 : memref<128x64xf32, #tpu.memory_space<vmem_shared>>) dst(%arg14 : memref<128x64xf32, #tpu.memory_space<vmem>>)
      %dma_start3A_407 = arith.constant 15 : i32
      %dma_start3A_408 = arith.constant 0 : i32
      %dma_start3A_409 = tpu.memref_slice %arg9[%dma_start3A_407, %dma_start3A_408] : memref<16x128xi32, #tpu.memory_space<vmem>> -> memref<1x128xi32, #tpu.memory_space<vmem>>
      %dma_start3A_410 = tpu.memref_squeeze %dma_start3A_409 : memref<1x128xi32, #tpu.memory_space<vmem>> -> memref<128xi32, #tpu.memory_space<vmem>>
      %dma_start3A_411 = arith.constant 0 : i32
      %dma_start3A_412 = arith.constant 0 : i32
      %dma_start3A_413 = tpu.memref_slice %arg16[%dma_start3A_411, %dma_start3A_412] : memref<10240x64xf32, #tpu.memory_space<vmem_shared>> -> memref<10240x64xf32, #tpu.memory_space<vmem_shared>>
      tpu.enqueue_indirect_dma source(%arg14 : memref<128x64xf32, #tpu.memory_space<vmem>>) target(%dma_start3A_413 : memref<10240x64xf32, #tpu.memory_space<vmem_shared>>) offsets(%dma_start3A_410 : memref<128xi32, #tpu.memory_space<vmem>>) semaphore(%arg24 : memref<!tpu.dma_semaphore, #tpu.memory_space<semaphore_mem>>) {add = true}
      %dma_wait3A_414 = arith.constant 0 : i32
      %dma_wait3A_415 = arith.constant 0 : i32
      %dma_wait3A_416 = tpu.memref_slice %arg9[%dma_wait3A_414, %dma_wait3A_415] : memref<16x128xi32, #tpu.memory_space<vmem>> -> memref<1x128xi32, #tpu.memory_space<vmem>>
      %dma_wait3A_417 = tpu.memref_squeeze %dma_wait3A_416 : memref<1x128xi32, #tpu.memory_space<vmem>> -> memref<128xi32, #tpu.memory_space<vmem>>
      %dma_wait3A_418 = arith.constant 0 : i32
      %dma_wait3A_419 = arith.constant 0 : i32
      %dma_wait3A_420 = tpu.memref_slice %arg16[%dma_wait3A_418, %dma_wait3A_419] : memref<10240x64xf32, #tpu.memory_space<vmem_shared>> -> memref<10240x64xf32, #tpu.memory_space<vmem_shared>>
      tpu.wait_indirect_dma semaphore(%arg21 : memref<!tpu.dma_semaphore, #tpu.memory_space<semaphore_mem>>) src(%arg11 : memref<128x64xf32, #tpu.memory_space<vmem>>) dst(%dma_wait3A_420 : memref<10240x64xf32, #tpu.memory_space<vmem_shared>>)
      %dma_wait3A_421 = arith.constant 0 : i32
      %dma_wait3A_422 = arith.constant 0 : i32
      %dma_wait3A_423 = tpu.memref_slice %arg9[%dma_wait3A_421, %dma_wait3A_422] : memref<16x128xi32, #tpu.memory_space<vmem>> -> memref<1x128xi32, #tpu.memory_space<vmem>>
      %dma_wait3A_424 = tpu.memref_squeeze %dma_wait3A_423 : memref<1x128xi32, #tpu.memory_space<vmem>> -> memref<128xi32, #tpu.memory_space<vmem>>
      %dma_wait3A_425 = arith.constant 0 : i32
      %dma_wait3A_426 = arith.constant 0 : i32
      %dma_wait3A_427 = tpu.memref_slice %arg16[%dma_wait3A_425, %dma_wait3A_426] : memref<10240x64xf32, #tpu.memory_space<vmem_shared>> -> memref<10240x64xf32, #tpu.memory_space<vmem_shared>>
      tpu.wait_indirect_dma semaphore(%arg22 : memref<!tpu.dma_semaphore, #tpu.memory_space<semaphore_mem>>) src(%arg12 : memref<128x64xf32, #tpu.memory_space<vmem>>) dst(%dma_wait3A_427 : memref<10240x64xf32, #tpu.memory_space<vmem_shared>>)
      %dma_wait3A_428 = arith.constant 0 : i32
      %dma_wait3A_429 = arith.constant 0 : i32
      %dma_wait3A_430 = tpu.memref_slice %arg9[%dma_wait3A_428, %dma_wait3A_429] : memref<16x128xi32, #tpu.memory_space<vmem>> -> memref<1x128xi32, #tpu.memory_space<vmem>>
      %dma_wait3A_431 = tpu.memref_squeeze %dma_wait3A_430 : memref<1x128xi32, #tpu.memory_space<vmem>> -> memref<128xi32, #tpu.memory_space<vmem>>
      %dma_wait3A_432 = arith.constant 0 : i32
      %dma_wait3A_433 = arith.constant 0 : i32
      %dma_wait3A_434 = tpu.memref_slice %arg16[%dma_wait3A_432, %dma_wait3A_433] : memref<10240x64xf32, #tpu.memory_space<vmem_shared>> -> memref<10240x64xf32, #tpu.memory_space<vmem_shared>>
      tpu.wait_indirect_dma semaphore(%arg23 : memref<!tpu.dma_semaphore, #tpu.memory_space<semaphore_mem>>) src(%arg13 : memref<128x64xf32, #tpu.memory_space<vmem>>) dst(%dma_wait3A_434 : memref<10240x64xf32, #tpu.memory_space<vmem_shared>>)
      %dma_wait3A_435 = arith.constant 0 : i32
      %dma_wait3A_436 = arith.constant 0 : i32
      %dma_wait3A_437 = tpu.memref_slice %arg9[%dma_wait3A_435, %dma_wait3A_436] : memref<16x128xi32, #tpu.memory_space<vmem>> -> memref<1x128xi32, #tpu.memory_space<vmem>>
      %dma_wait3A_438 = tpu.memref_squeeze %dma_wait3A_437 : memref<1x128xi32, #tpu.memory_space<vmem>> -> memref<128xi32, #tpu.memory_space<vmem>>
      %dma_wait3A_439 = arith.constant 0 : i32
      %dma_wait3A_440 = arith.constant 0 : i32
      %dma_wait3A_441 = tpu.memref_slice %arg16[%dma_wait3A_439, %dma_wait3A_440] : memref<10240x64xf32, #tpu.memory_space<vmem_shared>> -> memref<10240x64xf32, #tpu.memory_space<vmem_shared>>
      tpu.wait_indirect_dma semaphore(%arg24 : memref<!tpu.dma_semaphore, #tpu.memory_space<semaphore_mem>>) src(%arg14 : memref<128x64xf32, #tpu.memory_space<vmem>>) dst(%dma_wait3A_441 : memref<10240x64xf32, #tpu.memory_space<vmem_shared>>)
      %add3A_442 = arith.constant 1 : i32
      %add3A_443 = arith.addi %scan3A_17, %add3A_442 : i32
      %lt3A = arith.constant 10 : i32
      %lt3A_444 = arith.cmpi slt, %add3A_443, %lt3A : i32
      %convert_element_type3A = arith.extui %lt3A_444 : i1 to i32
      %cond3A = arith.constant 0 : i32
      %cond3A_445 = arith.cmpi ne, %convert_element_type3A, %cond3A : i32
      scf.if %cond3A_445 {
        %add3A_446 = arith.constant 1 : i32
        %add3A_447 = arith.addi %scan3A_17, %add3A_446 : i32
        %mul3A_448 = arith.constant 16 : i32
        %mul3A_449 = arith.muli %add3A_447, %mul3A_448 : i32
        %add3A_450 = arith.addi %mul3A_4, %mul3A_449 : i32
        "tpu.region"() ({
          %run_scoped3A = tpu.sem_alloc : memref<!tpu.dma_semaphore, #tpu.memory_space<semaphore_mem>>
          %dma_start3A_458 = arith.constant 0 : i32
          %dma_start3A_459 = tpu.memref_slice %arg3[%add3A_450, %dma_start3A_458] : memref<2560x128xi32, #tpu.memory_space<hbm>> -> memref<16x128xi32, #tpu.memory_space<hbm>>
          %dma_start3A_460 = arith.constant 0 : i32
          %dma_start3A_461 = tpu.memref_slice %arg3[%add3A_450, %dma_start3A_460] : memref<2560x128xi32, #tpu.memory_space<hbm>> -> memref<16x128xi32, #tpu.memory_space<hbm>>
          tpu.enqueue_dma source(%dma_start3A_461 : memref<16x128xi32, #tpu.memory_space<hbm>>) target(%arg8 : memref<16x128xi32, #tpu.memory_space<vmem>>) target_semaphore(%run_scoped3A : memref<!tpu.dma_semaphore, #tpu.memory_space<semaphore_mem>>)
          %dma_wait3A_462 = arith.constant 0 : i32
          %dma_wait3A_463 = tpu.memref_slice %arg3[%add3A_450, %dma_wait3A_462] : memref<2560x128xi32, #tpu.memory_space<hbm>> -> memref<16x128xi32, #tpu.memory_space<hbm>>
          %dma_wait3A_464 = arith.constant 0 : i32
          %dma_wait3A_465 = tpu.memref_slice %arg3[%add3A_450, %dma_wait3A_464] : memref<2560x128xi32, #tpu.memory_space<hbm>> -> memref<16x128xi32, #tpu.memory_space<hbm>>
          tpu.wait_dma2 semaphore(%run_scoped3A : memref<!tpu.dma_semaphore, #tpu.memory_space<semaphore_mem>>) src(%dma_wait3A_465 : memref<16x128xi32, #tpu.memory_space<hbm>>) dst(%arg8 : memref<16x128xi32, #tpu.memory_space<vmem>>)
          tpu.yield
        }) : () -> ()
        "tpu.region"() ({
          %run_scoped3A = tpu.sem_alloc : memref<!tpu.dma_semaphore, #tpu.memory_space<semaphore_mem>>
          %dma_start3A_458 = arith.constant 0 : i32
          %dma_start3A_459 = tpu.memref_slice %arg2[%add3A_450, %dma_start3A_458] : memref<2560x128xi32, #tpu.memory_space<hbm>> -> memref<16x128xi32, #tpu.memory_space<hbm>>
          %dma_start3A_460 = arith.constant 0 : i32
          %dma_start3A_461 = tpu.memref_slice %arg2[%add3A_450, %dma_start3A_460] : memref<2560x128xi32, #tpu.memory_space<hbm>> -> memref<16x128xi32, #tpu.memory_space<hbm>>
          tpu.enqueue_dma source(%dma_start3A_461 : memref<16x128xi32, #tpu.memory_space<hbm>>) target(%arg9 : memref<16x128xi32, #tpu.memory_space<vmem>>) target_semaphore(%run_scoped3A : memref<!tpu.dma_semaphore, #tpu.memory_space<semaphore_mem>>)
          %dma_wait3A_462 = arith.constant 0 : i32
          %dma_wait3A_463 = tpu.memref_slice %arg2[%add3A_450, %dma_wait3A_462] : memref<2560x128xi32, #tpu.memory_space<hbm>> -> memref<16x128xi32, #tpu.memory_space<hbm>>
          %dma_wait3A_464 = arith.constant 0 : i32
          %dma_wait3A_465 = tpu.memref_slice %arg2[%add3A_450, %dma_wait3A_464] : memref<2560x128xi32, #tpu.memory_space<hbm>> -> memref<16x128xi32, #tpu.memory_space<hbm>>
          tpu.wait_dma2 semaphore(%run_scoped3A : memref<!tpu.dma_semaphore, #tpu.memory_space<semaphore_mem>>) src(%dma_wait3A_465 : memref<16x128xi32, #tpu.memory_space<hbm>>) dst(%arg9 : memref<16x128xi32, #tpu.memory_space<vmem>>)
          tpu.yield
        }) : () -> ()
        "tpu.region"() ({
          %run_scoped3A = tpu.sem_alloc : memref<!tpu.dma_semaphore, #tpu.memory_space<semaphore_mem>>
          %dma_start3A_458 = arith.constant 0 : i32
          %dma_start3A_459 = tpu.memref_slice %arg4[%add3A_450, %dma_start3A_458] : memref<2560x128xf32, #tpu.memory_space<hbm>> -> memref<16x128xf32, #tpu.memory_space<hbm>>
          %dma_start3A_460 = arith.constant 0 : i32
          %dma_start3A_461 = tpu.memref_slice %arg4[%add3A_450, %dma_start3A_460] : memref<2560x128xf32, #tpu.memory_space<hbm>> -> memref<16x128xf32, #tpu.memory_space<hbm>>
          tpu.enqueue_dma source(%dma_start3A_461 : memref<16x128xf32, #tpu.memory_space<hbm>>) target(%arg10 : memref<16x128xf32, #tpu.memory_space<vmem>>) target_semaphore(%run_scoped3A : memref<!tpu.dma_semaphore, #tpu.memory_space<semaphore_mem>>)
          %dma_wait3A_462 = arith.constant 0 : i32
          %dma_wait3A_463 = tpu.memref_slice %arg4[%add3A_450, %dma_wait3A_462] : memref<2560x128xf32, #tpu.memory_space<hbm>> -> memref<16x128xf32, #tpu.memory_space<hbm>>
          %dma_wait3A_464 = arith.constant 0 : i32
          %dma_wait3A_465 = tpu.memref_slice %arg4[%add3A_450, %dma_wait3A_464] : memref<2560x128xf32, #tpu.memory_space<hbm>> -> memref<16x128xf32, #tpu.memory_space<hbm>>
          tpu.wait_dma2 semaphore(%run_scoped3A : memref<!tpu.dma_semaphore, #tpu.memory_space<semaphore_mem>>) src(%dma_wait3A_465 : memref<16x128xf32, #tpu.memory_space<hbm>>) dst(%arg10 : memref<16x128xf32, #tpu.memory_space<vmem>>)
          tpu.yield
        }) : () -> ()
        %dma_start3A_451 = arith.constant 0 : i32
        %dma_start3A_452 = arith.constant 0 : i32
        %dma_start3A_453 = tpu.memref_slice %arg8[%dma_start3A_451, %dma_start3A_452] : memref<16x128xi32, #tpu.memory_space<vmem>> -> memref<1x128xi32, #tpu.memory_space<vmem>>
        %dma_start3A_454 = tpu.memref_squeeze %dma_start3A_453 : memref<1x128xi32, #tpu.memory_space<vmem>> -> memref<128xi32, #tpu.memory_space<vmem>>
        %dma_start3A_455 = arith.constant 0 : i32
        %dma_start3A_456 = arith.constant 0 : i32
        %dma_start3A_457 = tpu.memref_slice %arg15[%dma_start3A_455, %dma_start3A_456] : memref<10240x64xf32, #tpu.memory_space<vmem_shared>> -> memref<10240x64xf32, #tpu.memory_space<vmem_shared>>
        tpu.enqueue_indirect_dma source(%dma_start3A_457 : memref<10240x64xf32, #tpu.memory_space<vmem_shared>>) target(%arg11 : memref<128x64xf32, #tpu.memory_space<vmem>>) offsets(%dma_start3A_454 : memref<128xi32, #tpu.memory_space<vmem>>) semaphore(%arg17 : memref<!tpu.dma_semaphore, #tpu.memory_space<semaphore_mem>>)
      } else {
      }
    }
    %scan3A_15 = arith.constant 10 : i32
    %barrier3A_16 = arith.constant 0 : index
    tpu.barrier barrier_id(%barrier3A_16)
    "tpu.region"() ({
      %run_scoped3A = tpu.sem_alloc : memref<!tpu.dma_semaphore, #tpu.memory_space<semaphore_mem>>
      %dma_start3A_17 = arith.constant 0 : i32
      %dma_start3A_18 = tpu.memref_slice %arg7[%arg0, %mul3A_0, %dma_start3A_17] : memref<2x10240x64xf32, #tpu.memory_space<hbm>> -> memref<1x640x64xf32, #tpu.memory_space<hbm>>
      %dma_start3A_19 = tpu.memref_squeeze %dma_start3A_18 : memref<1x640x64xf32, #tpu.memory_space<hbm>> -> memref<640x64xf32, #tpu.memory_space<hbm>>
      %dma_start3A_20 = arith.constant 0 : i32
      %dma_start3A_21 = tpu.memref_slice %arg16[%mul3A_0, %dma_start3A_20] : memref<10240x64xf32, #tpu.memory_space<vmem_shared>> -> memref<640x64xf32, #tpu.memory_space<vmem_shared>>
      tpu.enqueue_dma source(%dma_start3A_21 : memref<640x64xf32, #tpu.memory_space<vmem_shared>>) target(%dma_start3A_19 : memref<640x64xf32, #tpu.memory_space<hbm>>) target_semaphore(%run_scoped3A : memref<!tpu.dma_semaphore, #tpu.memory_space<semaphore_mem>>)
      %dma_wait3A = arith.constant 0 : i32
      %dma_wait3A_22 = tpu.memref_slice %arg7[%arg0, %mul3A_0, %dma_wait3A] : memref<2x10240x64xf32, #tpu.memory_space<hbm>> -> memref<1x640x64xf32, #tpu.memory_space<hbm>>
      %dma_wait3A_23 = tpu.memref_squeeze %dma_wait3A_22 : memref<1x640x64xf32, #tpu.memory_space<hbm>> -> memref<640x64xf32, #tpu.memory_space<hbm>>
      %dma_wait3A_24 = arith.constant 0 : i32
      %dma_wait3A_25 = tpu.memref_slice %arg16[%mul3A_0, %dma_wait3A_24] : memref<10240x64xf32, #tpu.memory_space<vmem_shared>> -> memref<640x64xf32, #tpu.memory_space<vmem_shared>>
      tpu.wait_dma2 semaphore(%run_scoped3A : memref<!tpu.dma_semaphore, #tpu.memory_space<semaphore_mem>>) src(%dma_wait3A_25 : memref<640x64xf32, #tpu.memory_space<vmem_shared>>) dst(%dma_wait3A_23 : memref<640x64xf32, #tpu.memory_space<hbm>>)
      tpu.yield
    }) : () -> ()
    return
  }
}

module attributes {stable_mosaic.version = 14 : i64} {
  func.func @_mm_relu_body(%arg0: i32, %arg1: memref<2x1024x64xf32, #tpu.memory_space<vmem>>, %arg2: memref<128x128xf32, #tpu.memory_space<vmem>>, %arg3: memref<2x1024x64xf32, #tpu.memory_space<vmem>>) attributes {dimension_semantics = [#tpu.dimension_semantics<arbitrary>], iteration_bounds = array<i64: 10>, scalar_prefetch = 0 : i64, scratch_operands = 0 : i64, tpu.core_type = #tpu.core_type<tc>, window_params = [{transform_indices = @transform_0, window_bounds = array<i64: 2, 1024, 64>}, {pipeline_mode = #tpu.pipeline_mode<synchronous>, transform_indices = @transform_1, window_bounds = array<i64: 128, 128>}, {transform_indices = @transform_2, window_bounds = array<i64: 2, 1024, 64>}]} {
    %get3A = arith.constant 0 : index
    %get3A_0 = arith.constant 0 : index
    %get3A_1 = arith.constant 0 : index
    %get3A_2 = vector.load %arg1[%get3A, %get3A_0, %get3A_1] : memref<2x1024x64xf32, #tpu.memory_space<vmem>>, vector<1x1024x64xf32>
    %get3A_3 = vector.shape_cast %get3A_2 : vector<1x1024x64xf32> to vector<1024x64xf32>
    %get3A_4 = arith.constant 1 : index
    %get3A_5 = arith.constant 0 : index
    %get3A_6 = arith.constant 0 : index
    %get3A_7 = vector.load %arg1[%get3A_4, %get3A_5, %get3A_6] : memref<2x1024x64xf32, #tpu.memory_space<vmem>>, vector<1x1024x64xf32>
    %get3A_8 = vector.shape_cast %get3A_7 : vector<1x1024x64xf32> to vector<1024x64xf32>
    %concatenate3A = tpu.concatenate %get3A_3, %get3A_8 in 1 : vector<1024x64xf32>, vector<1024x64xf32> -> vector<1024x128xf32>
    %get3A_9 = arith.constant 0 : index
    %get3A_10 = arith.constant 0 : index
    %get3A_11 = vector.load %arg2[%get3A_9, %get3A_10] : memref<128x128xf32, #tpu.memory_space<vmem>>, vector<128x128xf32>
    %dot_general3A = arith.constant dense<0.000000e+00> : vector<1024x128xf32>
    %dot_general3A_12 = tpu.matmul %concatenate3A, %get3A_11, %dot_general3A {dimension_numbers = #tpu.dot_dimension_numbers<[1], [0], [0], [1], [0, 0, 1, 1], [], []>, transpose_lhs_hint = false} : vector<1024x128xf32>, vector<128x128xf32>, vector<1024x128xf32> -> vector<1024x128xf32>
    %max3A = arith.constant 0.000000e+00 : f32
    %max3A_13 = vector.broadcast %max3A : f32 to vector<1024x128xf32>
    %max3A_14 = arith.maximumf %dot_general3A_12, %max3A_13 : vector<1024x128xf32>
    %slice3A = vector.extract_strided_slice %max3A_14 {offsets = [0, 0], sizes = [1024, 64], strides = [1, 1]} : vector<1024x128xf32> to vector<1024x64xf32>
    %swap3A = arith.constant 0 : index
    %swap3A_15 = arith.constant 0 : index
    %swap3A_16 = arith.constant 0 : index
    %swap3A_17 = vector.load %arg3[%swap3A, %swap3A_15, %swap3A_16] : memref<2x1024x64xf32, #tpu.memory_space<vmem>>, vector<1x1024x64xf32>
    %swap3A_18 = vector.shape_cast %swap3A_17 : vector<1x1024x64xf32> to vector<1024x64xf32>
    %swap3A_19 = vector.shape_cast %slice3A : vector<1024x64xf32> to vector<1x1024x64xf32>
    tpu.vector_store %arg3[%swap3A, %swap3A_15, %swap3A_16], %swap3A_19 {strides = array<i32>} : memref<2x1024x64xf32, #tpu.memory_space<vmem>>, vector<1x1024x64xf32>,
    %slice3A_20 = vector.extract_strided_slice %max3A_14 {offsets = [0, 64], sizes = [1024, 64], strides = [1, 1]} : vector<1024x128xf32> to vector<1024x64xf32>
    %swap3A_21 = arith.constant 1 : index
    %swap3A_22 = arith.constant 0 : index
    %swap3A_23 = arith.constant 0 : index
    %swap3A_24 = vector.load %arg3[%swap3A_21, %swap3A_22, %swap3A_23] : memref<2x1024x64xf32, #tpu.memory_space<vmem>>, vector<1x1024x64xf32>
    %swap3A_25 = vector.shape_cast %swap3A_24 : vector<1x1024x64xf32> to vector<1024x64xf32>
    %swap3A_26 = vector.shape_cast %slice3A_20 : vector<1024x64xf32> to vector<1x1024x64xf32>
    tpu.vector_store %arg3[%swap3A_21, %swap3A_22, %swap3A_23], %swap3A_26 {strides = array<i32>} : memref<2x1024x64xf32, #tpu.memory_space<vmem>>, vector<1x1024x64xf32>,
    return
  }
  func.func @transform_0(%arg0: i32) -> (i32, i32, i32) {
    %c0_i32 = arith.constant 0 : i32
    %c0_i32_0 = arith.constant 0 : i32
    %c0_i32_1 = arith.constant 0 : i32
    return %c0_i32, %arg0, %c0_i32_0 : i32, i32, i32
  }
  func.func @transform_1(%arg0: i32) -> (i32, i32) {
    %c0_i32 = arith.constant 0 : i32
    %c0_i32_0 = arith.constant 0 : i32
    %c0_i32_1 = arith.constant 0 : i32
    return %c0_i32, %c0_i32_0 : i32, i32
  }
  func.func @transform_2(%arg0: i32) -> (i32, i32, i32) {
    %c0_i32 = arith.constant 0 : i32
    %c0_i32_0 = arith.constant 0 : i32
    %c0_i32_1 = arith.constant 0 : i32
    return %c0_i32, %arg0, %c0_i32_0 : i32, i32, i32
  }
}

module attributes {stable_mosaic.version = 14 : i64} {
  func.func @_stage2_body(%arg0: i32, %arg1: memref<2x1024x64xf32, #tpu.memory_space<vmem>>, %arg2: memref<128x128xf32, #tpu.memory_space<vmem>>, %arg3: memref<1024x128xf32, #tpu.memory_space<vmem>>, %arg4: memref<1x128xf32, #tpu.memory_space<vmem>>, %arg5: memref<1x128xf32, #tpu.memory_space<vmem>>, %arg6: memref<2x1024x64xf32, #tpu.memory_space<vmem>>) attributes {dimension_semantics = [#tpu.dimension_semantics<arbitrary>], iteration_bounds = array<i64: 10>, scalar_prefetch = 0 : i64, scratch_operands = 0 : i64, tpu.core_type = #tpu.core_type<tc>, window_params = [{transform_indices = @transform_0, window_bounds = array<i64: 2, 1024, 64>}, {pipeline_mode = #tpu.pipeline_mode<synchronous>, transform_indices = @transform_1, window_bounds = array<i64: 128, 128>}, {transform_indices = @transform_2, window_bounds = array<i64: 1024, 128>}, {pipeline_mode = #tpu.pipeline_mode<synchronous>, transform_indices = @transform_3, window_bounds = array<i64: 1, 128>}, {pipeline_mode = #tpu.pipeline_mode<synchronous>, transform_indices = @transform_4, window_bounds = array<i64: 1, 128>}, {transform_indices = @transform_5, window_bounds = array<i64: 2, 1024, 64>}]} {
    %get3A = arith.constant 0 : index
    %get3A_0 = arith.constant 0 : index
    %get3A_1 = arith.constant 0 : index
    %get3A_2 = vector.load %arg1[%get3A, %get3A_0, %get3A_1] : memref<2x1024x64xf32, #tpu.memory_space<vmem>>, vector<1x1024x64xf32>
    %get3A_3 = vector.shape_cast %get3A_2 : vector<1x1024x64xf32> to vector<1024x64xf32>
    %get3A_4 = arith.constant 1 : index
    %get3A_5 = arith.constant 0 : index
    %get3A_6 = arith.constant 0 : index
    %get3A_7 = vector.load %arg1[%get3A_4, %get3A_5, %get3A_6] : memref<2x1024x64xf32, #tpu.memory_space<vmem>>, vector<1x1024x64xf32>
    %get3A_8 = vector.shape_cast %get3A_7 : vector<1x1024x64xf32> to vector<1024x64xf32>
    %concatenate3A = tpu.concatenate %get3A_3, %get3A_8 in 1 : vector<1024x64xf32>, vector<1024x64xf32> -> vector<1024x128xf32>
    %get3A_9 = arith.constant 0 : index
    %get3A_10 = arith.constant 0 : index
    %get3A_11 = vector.load %arg2[%get3A_9, %get3A_10] : memref<128x128xf32, #tpu.memory_space<vmem>>, vector<128x128xf32>
    %dot_general3A = arith.constant dense<0.000000e+00> : vector<1024x128xf32>
    %dot_general3A_12 = tpu.matmul %concatenate3A, %get3A_11, %dot_general3A {dimension_numbers = #tpu.dot_dimension_numbers<[1], [0], [0], [1], [0, 0, 1, 1], [], []>, transpose_lhs_hint = false} : vector<1024x128xf32>, vector<128x128xf32>, vector<1024x128xf32> -> vector<1024x128xf32>
    %max3A = arith.constant 0.000000e+00 : f32
    %max3A_13 = vector.broadcast %max3A : f32 to vector<1024x128xf32>
    %max3A_14 = arith.maximumf %dot_general3A_12, %max3A_13 : vector<1024x128xf32>
    %get3A_15 = arith.constant 0 : index
    %get3A_16 = arith.constant 0 : index
    %get3A_17 = vector.load %arg3[%get3A_15, %get3A_16] : memref<1024x128xf32, #tpu.memory_space<vmem>>, vector<1024x128xf32>
    %mul3A = arith.constant 3.000000e-01 : f32
    %mul3A_18 = vector.broadcast %mul3A : f32 to vector<1024x128xf32>
    %mul3A_19 = arith.mulf %mul3A_18, %get3A_17 : vector<1024x128xf32>
    %mul3A_20 = arith.constant 0.699999988 : f32
    %mul3A_21 = vector.broadcast %mul3A_20 : f32 to vector<1024x128xf32>
    %mul3A_22 = arith.mulf %mul3A_21, %max3A_14 : vector<1024x128xf32>
    %add3A = arith.addf %mul3A_19, %mul3A_22 : vector<1024x128xf32>
    %reduce_sum3A = arith.constant dense<0.000000e+00> : vector<1024xf32>
    %reduce_sum3A_23 = vector.multi_reduction <add>, %add3A, %reduce_sum3A [1] : vector<1024x128xf32> to vector<1024xf32>
    %broadcast_in_dim3A = vector.shape_cast %reduce_sum3A_23 : vector<1024xf32> to vector<1024x1xf32>
    %div3A = arith.constant 1.280000e+02 : f32
    %div3A_24 = vector.broadcast %div3A : f32 to vector<1024x1xf32>
    %div3A_25 = arith.divf %broadcast_in_dim3A, %div3A_24 : vector<1024x1xf32>
    %sub3A = vector.broadcast %div3A_25 : vector<1024x1xf32> to vector<1024x128xf32>
    %sub3A_26 = arith.subf %add3A, %sub3A : vector<1024x128xf32>
    %mul3A_27 = arith.mulf %sub3A_26, %sub3A_26 : vector<1024x128xf32>
    %reduce_sum3A_28 = arith.constant dense<0.000000e+00> : vector<1024xf32>
    %reduce_sum3A_29 = vector.multi_reduction <add>, %mul3A_27, %reduce_sum3A_28 [1] : vector<1024x128xf32> to vector<1024xf32>
    %broadcast_in_dim3A_30 = vector.shape_cast %reduce_sum3A_29 : vector<1024xf32> to vector<1024x1xf32>
    %div3A_31 = arith.constant 1.280000e+02 : f32
    %div3A_32 = vector.broadcast %div3A_31 : f32 to vector<1024x1xf32>
    %div3A_33 = arith.divf %broadcast_in_dim3A_30, %div3A_32 : vector<1024x1xf32>
    %add3A_34 = arith.constant 9.99999974E-6 : f32
    %add3A_35 = vector.broadcast %add3A_34 : f32 to vector<1024x1xf32>
    %add3A_36 = arith.addf %div3A_33, %add3A_35 : vector<1024x1xf32>
    %rsqrt3A = math.rsqrt %add3A_36 : vector<1024x1xf32>
    %mul3A_37 = vector.broadcast %rsqrt3A : vector<1024x1xf32> to vector<1024x128xf32>
    %mul3A_38 = arith.mulf %sub3A_26, %mul3A_37 : vector<1024x128xf32>
    %get3A_39 = arith.constant 0 : index
    %get3A_40 = arith.constant 0 : index
    %get3A_41 = vector.load %arg4[%get3A_39, %get3A_40] : memref<1x128xf32, #tpu.memory_space<vmem>>, vector<1x128xf32>
    %mul3A_42 = vector.broadcast %get3A_41 : vector<1x128xf32> to vector<1024x128xf32>
    %mul3A_43 = arith.mulf %mul3A_38, %mul3A_42 : vector<1024x128xf32>
    %get3A_44 = arith.constant 0 : index
    %get3A_45 = arith.constant 0 : index
    %get3A_46 = vector.load %arg5[%get3A_44, %get3A_45] : memref<1x128xf32, #tpu.memory_space<vmem>>, vector<1x128xf32>
    %add3A_47 = vector.broadcast %get3A_46 : vector<1x128xf32> to vector<1024x128xf32>
    %add3A_48 = arith.addf %mul3A_43, %add3A_47 : vector<1024x128xf32>
    %add3A_49 = arith.addf %add3A_48, %get3A_17 : vector<1024x128xf32>
    %slice3A = vector.extract_strided_slice %add3A_49 {offsets = [0, 0], sizes = [1024, 64], strides = [1, 1]} : vector<1024x128xf32> to vector<1024x64xf32>
    %swap3A = arith.constant 0 : index
    %swap3A_50 = arith.constant 0 : index
    %swap3A_51 = arith.constant 0 : index
    %swap3A_52 = vector.load %arg6[%swap3A, %swap3A_50, %swap3A_51] : memref<2x1024x64xf32, #tpu.memory_space<vmem>>, vector<1x1024x64xf32>
    %swap3A_53 = vector.shape_cast %swap3A_52 : vector<1x1024x64xf32> to vector<1024x64xf32>
    %swap3A_54 = vector.shape_cast %slice3A : vector<1024x64xf32> to vector<1x1024x64xf32>
    tpu.vector_store %arg6[%swap3A, %swap3A_50, %swap3A_51], %swap3A_54 {strides = array<i32>} : memref<2x1024x64xf32, #tpu.memory_space<vmem>>, vector<1x1024x64xf32>,
    %slice3A_55 = vector.extract_strided_slice %add3A_49 {offsets = [0, 64], sizes = [1024, 64], strides = [1, 1]} : vector<1024x128xf32> to vector<1024x64xf32>
    %swap3A_56 = arith.constant 1 : index
    %swap3A_57 = arith.constant 0 : index
    %swap3A_58 = arith.constant 0 : index
    %swap3A_59 = vector.load %arg6[%swap3A_56, %swap3A_57, %swap3A_58] : memref<2x1024x64xf32, #tpu.memory_space<vmem>>, vector<1x1024x64xf32>
    %swap3A_60 = vector.shape_cast %swap3A_59 : vector<1x1024x64xf32> to vector<1024x64xf32>
    %swap3A_61 = vector.shape_cast %slice3A_55 : vector<1024x64xf32> to vector<1x1024x64xf32>
    tpu.vector_store %arg6[%swap3A_56, %swap3A_57, %swap3A_58], %swap3A_61 {strides = array<i32>} : memref<2x1024x64xf32, #tpu.memory_space<vmem>>, vector<1x1024x64xf32>,
    return
  }
  func.func @transform_0(%arg0: i32) -> (i32, i32, i32) {
    %c0_i32 = arith.constant 0 : i32
    %c0_i32_0 = arith.constant 0 : i32
    %c0_i32_1 = arith.constant 0 : i32
    return %c0_i32, %arg0, %c0_i32_0 : i32, i32, i32
  }
  func.func @transform_1(%arg0: i32) -> (i32, i32) {
    %c0_i32 = arith.constant 0 : i32
    %c0_i32_0 = arith.constant 0 : i32
    %c0_i32_1 = arith.constant 0 : i32
    return %c0_i32, %c0_i32_0 : i32, i32
  }
  func.func @transform_2(%arg0: i32) -> (i32, i32) {
    %c0_i32 = arith.constant 0 : i32
    %c0_i32_0 = arith.constant 0 : i32
    return %arg0, %c0_i32 : i32, i32
  }
  func.func @transform_3(%arg0: i32) -> (i32, i32) {
    %c0_i32 = arith.constant 0 : i32
    %c0_i32_0 = arith.constant 0 : i32
    %c0_i32_1 = arith.constant 0 : i32
    return %c0_i32, %c0_i32_0 : i32, i32
  }
  func.func @transform_4(%arg0: i32) -> (i32, i32) {
    %c0_i32 = arith.constant 0 : i32
    %c0_i32_0 = arith.constant 0 : i32
    %c0_i32_1 = arith.constant 0 : i32
    return %c0_i32, %c0_i32_0 : i32, i32
  }
  func.func @transform_5(%arg0: i32) -> (i32, i32, i32) {
    %c0_i32 = arith.constant 0 : i32
    %c0_i32_0 = arith.constant 0 : i32
    %c0_i32_1 = arith.constant 0 : i32
    return %c0_i32, %arg0, %c0_i32_0 : i32, i32, i32
  }
}

module attributes {stable_mosaic.version = 14 : i64} {
  func.func @_stage3_body(%arg0: i32, %arg1: memref<2x1024x64xf32, #tpu.memory_space<vmem>>, %arg2: memref<128x128xf32, #tpu.memory_space<vmem>>, %arg3: memref<1x128xf32, #tpu.memory_space<vmem>>, %arg4: memref<128x128xf32, #tpu.memory_space<vmem>>, %arg5: memref<1x128xf32, #tpu.memory_space<vmem>>, %arg6: memref<1024x128xf32, #tpu.memory_space<vmem>>) attributes {dimension_semantics = [#tpu.dimension_semantics<arbitrary>], iteration_bounds = array<i64: 10>, scalar_prefetch = 0 : i64, scratch_operands = 0 : i64, tpu.core_type = #tpu.core_type<tc>, window_params = [{transform_indices = @transform_0, window_bounds = array<i64: 2, 1024, 64>}, {pipeline_mode = #tpu.pipeline_mode<synchronous>, transform_indices = @transform_1, window_bounds = array<i64: 128, 128>}, {pipeline_mode = #tpu.pipeline_mode<synchronous>, transform_indices = @transform_2, window_bounds = array<i64: 1, 128>}, {pipeline_mode = #tpu.pipeline_mode<synchronous>, transform_indices = @transform_3, window_bounds = array<i64: 128, 128>}, {pipeline_mode = #tpu.pipeline_mode<synchronous>, transform_indices = @transform_4, window_bounds = array<i64: 1, 128>}, {transform_indices = @transform_5, window_bounds = array<i64: 1024, 128>}]} {
    %get3A = arith.constant 0 : index
    %get3A_0 = arith.constant 0 : index
    %get3A_1 = arith.constant 0 : index
    %get3A_2 = vector.load %arg1[%get3A, %get3A_0, %get3A_1] : memref<2x1024x64xf32, #tpu.memory_space<vmem>>, vector<1x1024x64xf32>
    %get3A_3 = vector.shape_cast %get3A_2 : vector<1x1024x64xf32> to vector<1024x64xf32>
    %get3A_4 = arith.constant 1 : index
    %get3A_5 = arith.constant 0 : index
    %get3A_6 = arith.constant 0 : index
    %get3A_7 = vector.load %arg1[%get3A_4, %get3A_5, %get3A_6] : memref<2x1024x64xf32, #tpu.memory_space<vmem>>, vector<1x1024x64xf32>
    %get3A_8 = vector.shape_cast %get3A_7 : vector<1x1024x64xf32> to vector<1024x64xf32>
    %concatenate3A = tpu.concatenate %get3A_3, %get3A_8 in 1 : vector<1024x64xf32>, vector<1024x64xf32> -> vector<1024x128xf32>
    %get3A_9 = arith.constant 0 : index
    %get3A_10 = arith.constant 0 : index
    %get3A_11 = vector.load %arg2[%get3A_9, %get3A_10] : memref<128x128xf32, #tpu.memory_space<vmem>>, vector<128x128xf32>
    %dot_general3A = arith.constant dense<0.000000e+00> : vector<1024x128xf32>
    %dot_general3A_12 = tpu.matmul %concatenate3A, %get3A_11, %dot_general3A {dimension_numbers = #tpu.dot_dimension_numbers<[1], [0], [0], [1], [0, 0, 1, 1], [], []>, transpose_lhs_hint = false} : vector<1024x128xf32>, vector<128x128xf32>, vector<1024x128xf32> -> vector<1024x128xf32>
    %get3A_13 = arith.constant 0 : index
    %get3A_14 = arith.constant 0 : index
    %get3A_15 = vector.load %arg3[%get3A_13, %get3A_14] : memref<1x128xf32, #tpu.memory_space<vmem>>, vector<1x128xf32>
    %add3A = vector.broadcast %get3A_15 : vector<1x128xf32> to vector<1024x128xf32>
    %add3A_16 = arith.addf %dot_general3A_12, %add3A : vector<1024x128xf32>
    %max3A = arith.constant 0.000000e+00 : f32
    %max3A_17 = vector.broadcast %max3A : f32 to vector<1024x128xf32>
    %max3A_18 = arith.maximumf %add3A_16, %max3A_17 : vector<1024x128xf32>
    %get3A_19 = arith.constant 0 : index
    %get3A_20 = arith.constant 0 : index
    %get3A_21 = vector.load %arg4[%get3A_19, %get3A_20] : memref<128x128xf32, #tpu.memory_space<vmem>>, vector<128x128xf32>
    %dot_general3A_22 = arith.constant dense<0.000000e+00> : vector<1024x128xf32>
    %dot_general3A_23 = tpu.matmul %max3A_18, %get3A_21, %dot_general3A_22 {dimension_numbers = #tpu.dot_dimension_numbers<[1], [0], [0], [1], [0, 0, 1, 1], [], []>, transpose_lhs_hint = false} : vector<1024x128xf32>, vector<128x128xf32>, vector<1024x128xf32> -> vector<1024x128xf32>
    %get3A_24 = arith.constant 0 : index
    %get3A_25 = arith.constant 0 : index
    %get3A_26 = vector.load %arg5[%get3A_24, %get3A_25] : memref<1x128xf32, #tpu.memory_space<vmem>>, vector<1x128xf32>
    %add3A_27 = vector.broadcast %get3A_26 : vector<1x128xf32> to vector<1024x128xf32>
    %add3A_28 = arith.addf %dot_general3A_23, %add3A_27 : vector<1024x128xf32>
    %swap3A = arith.constant 0 : index
    %swap3A_29 = arith.constant 0 : index
    %swap3A_30 = vector.load %arg6[%swap3A, %swap3A_29] : memref<1024x128xf32, #tpu.memory_space<vmem>>, vector<1024x128xf32>
    tpu.vector_store %arg6[%swap3A, %swap3A_29], %add3A_28 {strides = array<i32>} : memref<1024x128xf32, #tpu.memory_space<vmem>>, vector<1024x128xf32>,
    return
  }
  func.func @transform_0(%arg0: i32) -> (i32, i32, i32) {
    %c0_i32 = arith.constant 0 : i32
    %c0_i32_0 = arith.constant 0 : i32
    %c0_i32_1 = arith.constant 0 : i32
    return %c0_i32, %arg0, %c0_i32_0 : i32, i32, i32
  }
  func.func @transform_1(%arg0: i32) -> (i32, i32) {
    %c0_i32 = arith.constant 0 : i32
    %c0_i32_0 = arith.constant 0 : i32
    %c0_i32_1 = arith.constant 0 : i32
    return %c0_i32, %c0_i32_0 : i32, i32
  }
  func.func @transform_2(%arg0: i32) -> (i32, i32) {
    %c0_i32 = arith.constant 0 : i32
    %c0_i32_0 = arith.constant 0 : i32
    %c0_i32_1 = arith.constant 0 : i32
    return %c0_i32, %c0_i32_0 : i32, i32
  }
  func.func @transform_3(%arg0: i32) -> (i32, i32) {
    %c0_i32 = arith.constant 0 : i32
    %c0_i32_0 = arith.constant 0 : i32
    %c0_i32_1 = arith.constant 0 : i32
    return %c0_i32, %c0_i32_0 : i32, i32
  }
  func.func @transform_4(%arg0: i32) -> (i32, i32) {
    %c0_i32 = arith.constant 0 : i32
    %c0_i32_0 = arith.constant 0 : i32
    %c0_i32_1 = arith.constant 0 : i32
    return %c0_i32, %c0_i32_0 : i32, i32
  }
  func.func @transform_5(%arg0: i32) -> (i32, i32) {
    %c0_i32 = arith.constant 0 : i32
    %c0_i32_0 = arith.constant 0 : i32
    return %arg0, %c0_i32 : i32, i32
  }
}

</mosaic_0001>

<sc_bundles>
// kernel: kernel.11.cloned.1.call-start
scs
__scs_entry_jumppad:
0x0: {  	(pc) =	sbr.rel $0x88, $3  }
0x1: {  	(tag) =	ssettag $0x0;
	lr =	simm.s32 $0x1  }
0x2: {  	[smem:$0x3F94] =	sst lr;
	_ =	strace $0xD0000000  }
0x3: {  	_ = 	snop  }
0x4: {  	_ = 	snop  }
0x5: {  	_ = 	snop  }
0x6: {  	_ = 	snop  }
0x7: {  	_ = 	snop  }
__scs_overlays_trampoline_lowered:
0x8: {  	[smem:$0x3FA3] =	sst s0  }
0x9: {  	[smem:$0x3FA4] =	sst s1  }
0xa: {  	[smem:$0x3FA5] =	sst s2  }
0xb: {  	[smem:$0x3FA6] =	sst s3  }
0xc: {  	[smem:$0x3FA7] =	sst s4  }
0xd: {  	[smem:$0x3FA8] =	sst s5  }
0xe: {  	[smem:$0x3FA9] =	sst s6  }
0xf: {  	[smem:$0x3FAA] =	sst s7  }
0x10: {  	[smem:$0x3FAB] =	sst s8  }
0x11: {  	[smem:$0x3FAC] =	sst s9;
	s0 =	simm.s32 @!p0 $0x0  }
0x12: {  	s1 =	sld [smem:$0x3F92];
	s0 =	simm.s32 @p0 $0x1  }
0x13: {  	[smem:$0x3FAD] =	sst s0;
	s0 =	simm.s32 @!p1 $0x0  }
0x14: {  	s2 =	sld [smem:$0x3F91];
	s0 =	simm.s32 @p1 $0x1  }
0x15: {  	[smem:$0x3FAE] =	sst s0;
	s0 =	simm.s32 @!p2 $0x0  }
0x16: {  	s3 =	sld [smem:$0x3FDB];
	s0 =	simm.s32 @p2 $0x1  }
0x17: {  	s4 =	simm.s32 $0x1BF5;
	[smem:$0x3FB0] =	sst s0  }
0x18: {  	s0 =	sld [smem:$0x3F93];
	_ =	swait.ge [sflag:s4], $0x0  }
0x19: {  	s7 =	sld [smem:$0x3F94]  }
0x1a: {  	s8 =	sadd.s32 $0xFFFFE003, lr  }
0x1b: {  	s9 =	sadd.s32 $0xFFFFFEF7, lr;
	s5 =	simm.s32 $0xFFFFFFFF;
	p2 =	slt.u32 s8, $0xFFFFF086  }
0x1c: {  	p1 =	slt.u32 s9, $0xF7A;
	s5 =	simm.s32 @!p2 $0x0  }
0x1d: {  	s5 =	simm.s32 @p1 $0x1;
	p0 =	seq.s32 s7, s2  }
0x1e: {  	s7 =	smul.u32 @!p0 $0xF7A, s2;
	p2 =	seq.s32 @!p0 s5, $0x0  }
0x1f: {  	s9 =	smul.u32 $0xF7A, s1;
	s8 =	simm.s32 @!p0 $0x1BF5;
	p2 =	por !p2, p0  }
0x20: {  	[sflag:s8] =	ssyncset.s32 @!p0 $0xFFFFF086;
	s6 =	sadd.s32 @!p0 s3, s7;
	s7 =	simm.s32 @!p0 $0x108  }
0x21: {  	s3 =	sadd.s32 s3, s9;
	s6 =	sadd.s32 @!p0 $0x88, s6;
	s7 =	simm.s32 @p2 $0x1082  }
0x22: {  	[simem:s7], [sflag:s8] =	dma.local @!p0 [hbm:s6], $0xF7A  }
0x23: {  	s9 =	sor.u32 $0xD0000000, s2;
	s6 =	simm.s32 $0x108;
	_ =	swait.ge @!p0 [sflag:s8], $0x0  }
0x24: {  	s3 =	sadd.s32 $0x88, s3;
	s6 =	simm.s32 @!p1 $0x1082;
	[sflag:s4] =	ssyncset.s32 $0xFFFFF086  }
0x25: {  	[simem:s6], [sflag:s4] =	dma.local [hbm:s3], $0xF7A  }
0x26: {  	[smem:$0x3F94] =	sst s1;
	(tag) =	ssettag s2;
	_ =	strace s9  }
0x27: {  	s1 =	sld [smem:$0x3FA4]  }
0x28: {  	s2 =	sld [smem:$0x3FA5]  }
0x29: {  	s4 =	sld [smem:$0x3FA7]  }
0x2a: {  	p0 =	seq.s32 s5, $0x0;
	s5 =	sld [smem:$0x3FA8]  }
0x2b: {  	s6 =	sld [smem:$0x3FA9]  }
0x2c: {  	s7 =	sld [smem:$0x3FAA]  }
0x2d: {  	s3 =	simm.s32 $0x108;
	s8 =	sld [smem:$0x3FAB]  }
0x2e: {  	s3 =	simm.s32 @!p0 $0x1082;
	s9 =	sld [smem:$0x3FAC]  }
0x2f: {  	lr =	sadd.s32 s0, s3;
	s0 =	sld [smem:$0x3FA3]  }
0x30: {  	s3 =	sld [smem:$0x3FA6]  }
0x31: {  	[smem:$0x3FAF] =	sst s10  }
0x32: {  	s10 =	sld [smem:$0x3FAD];
	_ =	sdelay $0x3  }
0x33: {  	p0 =	seq.s32 s10, $0x1;
	s10 =	sld [smem:$0x3FAF];
	_ =	sdelay $0x3  }
0x34: {  	[smem:$0x3FAF] =	sst s10  }
0x35: {  	s10 =	sld [smem:$0x3FAE];
	_ =	sdelay $0x3  }
0x36: {  	p1 =	seq.s32 s10, $0x1;
	s10 =	sld [smem:$0x3FAF];
	_ =	sdelay $0x3  }
0x37: {  	[smem:$0x3FAF] =	sst s10  }
0x38: {  	s10 =	sld [smem:$0x3FB0]  }
0x39: {  	_ = 	snop;
	(pc) =	sbr.ind lr, $3  }
0x3a: {  	_ = 	snop  }
0x3b: {  	_ = 	snop  }
0x3c: {  	p2 =	seq.s32 s10, $0x1;
	s10 =	sld [smem:$0x3FAF]  }
0x3d: {  	_ =	shalt  }
0x3e: {  	_ =	shalt  }
0x3f: {  	_ =	shalt  }
0x40: {  	_ =	shalt  }
0x41: {  	_ =	shalt  }
0x42: {  	_ =	shalt  }
0x43: {  	_ =	shalt  }
0x44: {  	_ =	shalt  }
0x45: {  	_ =	shalt  }
0x46: {  	_ =	shalt  }
0x47: {  	_ =	shalt  }
0x48: {  	_ =	shalt  }
0x49: {  	_ =	shalt  }
0x4a: {  	_ =	shalt  }
0x4b: {  	_ =	shalt  }
0x4c: {  	_ =	shalt  }
0x4d: {  	_ =	shalt  }
0x4e: {  	_ =	shalt  }
0x4f: {  	_ =	shalt  }
0x50: {  	_ =	shalt  }
0x51: {  	_ =	shalt  }
0x52: {  	_ =	shalt  }
0x53: {  	_ =	shalt  }
0x54: {  	_ =	shalt  }
0x55: {  	_ =	shalt  }
0x56: {  	_ =	shalt  }
0x57: {  	_ =	shalt  }
0x58: {  	_ =	shalt  }
0x59: {  	_ =	shalt  }
0x5a: {  	_ =	shalt  }
0x5b: {  	_ =	shalt  }
0x5c: {  	_ =	shalt  }
0x5d: {  	_ =	shalt  }
0x5e: {  	_ =	shalt  }
0x5f: {  	_ =	shalt  }
0x60: {  	_ =	shalt  }
0x61: {  	_ =	shalt  }
0x62: {  	_ =	shalt  }
0x63: {  	_ =	shalt  }
0x64: {  	_ =	shalt  }
0x65: {  	_ =	shalt  }
0x66: {  	_ =	shalt  }
0x67: {  	_ =	shalt  }
0x68: {  	_ =	shalt  }
0x69: {  	_ =	shalt  }
0x6a: {  	_ =	shalt  }
0x6b: {  	_ =	shalt  }
0x6c: {  	_ =	shalt  }
0x6d: {  	_ =	shalt  }
0x6e: {  	_ =	shalt  }
0x6f: {  	_ =	shalt  }
0x70: {  	_ =	shalt  }
0x71: {  	_ =	shalt  }
0x72: {  	_ =	shalt  }
0x73: {  	_ =	shalt  }
0x74: {  	_ =	shalt  }
0x75: {  	_ =	shalt  }
0x76: {  	_ =	shalt  }
0x77: {  	_ =	shalt  }
0x78: {  	_ =	shalt  }
0x79: {  	_ =	shalt  }
0x7a: {  	_ =	shalt  }
0x7b: {  	_ =	shalt  }
0x7c: {  	_ =	shalt  }
0x7d: {  	_ =	shalt  }
0x7e: {  	_ =	shalt  }
0x7f: {  	_ =	shalt  }
0x80: {  	_ =	shalt  }
0x81: {  	_ =	shalt  }
0x82: {  	_ =	shalt  }
0x83: {  	_ =	shalt  }
0x84: {  	_ =	shalt  }
0x85: {  	_ =	shalt  }
0x86: {  	_ =	shalt  }
0x87: {  	_ =	shalt  }
.Lfunc_end0:
.L_simem_size_0:
called_computation.1_lowered:
.L_overlay_start_0:
0x88: {  	s2 =	sld [smem:$0x3FD9]  }
0x89: {  	s3 =	sld [smem:$0x3FFE];
	_ =	sdelay $0x1  }
0x8a: {  	s1 =	srdreg.scid  }
0x8b: {  	s0 =	sand.u32 $0x1, s1  }
0x8c: {  	s16 =	sshll.u32 s0, $0xA;
	s2 =	sadd.s32 s3, s2  }
0x8d: {  	s2 =	sadd.s32 s2, s16  }
0x8e: {  	[smem:$0x3FBB] =	sst s2  }
0x8f: {  	_ = 	snop  }
0x90: {  	(tm) =	ssettm $0x1  }
0x91: {  	s17 =	sld [smem:$0x3FFB];
	_ =	sdelay $0x3  }
0x92: {  	_ =	strace s17  }
0x93: {  	s2 =	sld [smem:$0x3FFC];
	_ =	sdelay $0x3  }
0x94: {  	_ =	strace s2  }
0x95: {  	s2 =	sld [smem:$0x3FFD];
	_ =	sdelay $0x3  }
0x96: {  	_ =	strace s2  }
0x97: {  	_ =	strace $0x8FFFFFFF  }
0x98: {  	s18 =	sld [smem:$0x3FDB];
	_ =	sdelay $0x1  }
0x99: {  	s19 =	simm.s32 $_scs_section_size  }
0x9a: {  	s4 =	simm.s32 $_size__tile_overlayer_lowered;
	s5 =	simm.s32 $_tile_overlayer_lowered  }
0x9b: {  	s22 =	simm.s32 $0x1BFF;
	s21 =	sshll.u32 s5, $0x1;
	s2 =	sadd.s32 s19, s18  }
0x9c: {  	s6 =	simm.s32 $0x0;
	s20 =	sshll.u32 s4, $0x1;
	s4 =	sadd.s32 s21, s2  }
0x9d: {  	[timem:s6], [sflag:s22] =	dma.local [hbm:s4], s20  }
0x9e: {  	_ =	swait.ge [sflag:s22], s20  }
0x9f: {  	s3 =	ssub.s32 $0x0, s20;
	[sflag:s22] =	ssyncset.done $0x0  }
0xa0: {  	[sflag:s22] =	ssyncadd.s32 s3;
	_ =	sdelay $0x1  }
0xa1: {  	s23 =	simm.s32 $0x1B8B  }
0xa2: {  	_ =	swait.ge [sflag:s23], $0x1  }
0xa3: {  	[sflag:s23] =	ssyncset.done $0x0  }
0xa4: {  	s25 =	simm.s32 $0x1B8E;
	s24 =	sld [smem:$0x3FFE];
	[sflag:s23] =	ssyncadd.s32 $0xFFFFFFFF  }
0xa5: {  	s26 =	simm.s32 $execute0_lowered;
	[smem:$0x3FD2] =	sst s25  }
0xa6: {  	s4 =	sshll.u32 s26, $0x1;
	_ =	strace $0x80000049;
	[dreg:$0x1] =	wrdreg $0xFFFFFFFF  }
0xa7: {  	s28 =	simm.s32 $_size_execute0_lowered;
	s2 =	sadd.s32 s2, s4;
	[dreg:$0x0] =	wrdreg $0x0  }
0xa8: {  	s4 =	sshll.u32 s28, $0x1;
	[dreg:$0x2] =	wrdreg s2  }
0xa9: {  	[dreg:$0x3] =	wrdreg s4  }
0xaa: {  	[dreg:$0x4] =	wrdreg $0xC0  }
0xab: {  	_ =	task [dreg:s6], $0x5FFFF  }
0xac: {  	[dreg:$0x1] =	wrdreg $0xFFFFFFFF  }
0xad: {  	[dreg:$0x0] =	wrdreg $0x60  }
0xae: {  	[dreg:$0x2] =	wrdreg s24  }
0xaf: {  	[dreg:$0x3] =	wrdreg $0x138000  }
0xb0: {  	[dreg:$0x4] =	wrdreg $0x98000  }
0xb1: {  	[dreg:$0x5] =	wrdreg $0x9  }
0xb2: {  	_ =	task.clear_ibuf [dreg:s6], $0x6FFFF;
	_ =	strace $0x90000049  }
0xb3: {  	s29 =	simm.s32 $0x9;
	_ =	strace $0x8000004B  }
0xb4: {  	_ =	swait.ge [sflag:s29], $0x1  }
0xb5: {  	[sflag:s29] =	ssyncadd.s32 $0xFFFFFFFF  }
0xb6: {  	_ =	strace $0x9000004B  }
0xb7: {  	_ =	sfence  }
0xb8: {  	s30 =	sld [smem:$0x0];
	_ =	sdelay $0x2  }
0xb9: {  	s31 =	sshll.u32 s1, $0xD;
	s1 =	sshrl.u32 s1, $0x2  }
0xba: {  	s3 =	sand.u32 $0x4000, s31;
	s1 =	sadd.s32 s1, s30  }
0xbb: {  	s0 =	sor.u32 s3, s0;
	s1 =	sshll.u32 s1, $0x11  }
0xbc: {  	s0 =	sor.u32 s1, s0  }
0xbd: {  	s0 =	sadd.s32 $0x8F2B, s0  }
0xbe: {  	[sflag:s0] =	ssyncadd.remote.s32 $0x1  }
0xbf: {  	_ =	sfence.sel $0xFFFF  }
0xc0: {  	[dreg:$0x0] =	wrdreg $0xFFFFFFFF;
	(pc) =	sbr.abs _section_cstart, $3  }
0xc1: {  	[dreg:$0x1] =	wrdreg $0xFFFFFFFF  }
0xc2: {  	_ =	task.clear_ibuf [dreg:s6], $0x2FFFF;
	_ =	strace $0x9FFFFFFF  }
0xc3: {  	(tm) =	ssettm $0x7FFFFFFF  }
tec
execute0_lowered:
.L_overlay_start_1:
0x0: {  	(tag) =	ssettag $0x1  }
0x1: {  	s9 =	stileid.u32;
	s1 =	rddreg [dreg:$0x0]  }
0x2: {  	s0 =	srdreg.scid;
	s2 =	rddreg [dreg:$0x1]  }
0x3: {  	s3 =	rddreg [dreg:$0x2];
	s8 =	simm.s32 $0x0;
	s11 =	simm.s32 $0x9  }
0x4: {  	s28 =	simm.s32 $0x5800;
	s30 =	simm.s32 $0x3;
	s4 =	smul.u32 $0xA00, s9  }
0x5: {  	s12 =	simm.s32 $0x7;
	s16 =	simm.s32 $0x8;
	s6 =	smul.u32 $0x1400, s9  }
0x6: {  	s29 =	simm.s32 $0xD80;
	s0 =	sand.u32 $0x1, s0;
	s7 =	smul.u32 $0xA000, s9  }
0x7: {  	s31 =	simm.s32 $0x680;
	s17 =	simm.s32 $0x780;
	s5 =	smul.u32 $0x14000, s0  }
0x8: {  	[smem:$0x7FF] =	sst s8;
	s9 =	sshll.u32 s9, $0x6;
	s18 =	smul.u32 $0xA0000, s0  }
0x9: {  	_ =	strace $0x8000004A;
	s0 =	ssub.s32 $0x2, s0;
	s4 =	sadd.s32 s4, s1  }
0xa: {  	s20 =	sshrl.u32 s7, $0x3;
	s21 =	sshrl.u32 s0, $0x1;
	s22 =	sadd.s32 s7, s2  }
0xb: {  	s5 =	sadd.s32 s6, s5;
	s19 =	sadd.s32 s7, s18;
	s8 =	sadd.s32 s20, s1  }
0xc: {  	s0 =	ssub.s32 s0, s21;
	s7 =	sadd.s32 s7, s3;
	s23 =	sadd.s32 $0x29600, s4  }
0xd: {  	s24 =	sadd.s32 $0x33600, s4;
	s25 =	sadd.s32 $0x3D600, s4;
	s13 =	sadd.s32 $0x3D700, s4  }
0xe: {  	s14 =	sadd.s32 $0x33700, s4;
	s15 =	sadd.s32 $0x29700, s4;
	s10 =	sshrl.u32 s22, $0x3  }
0xf: {  	s21 =	simm.s32 $0x80;
	s22 =	simm.s32 $0x1800;
	s20 =	simm.s32 $0x4  }
0x10: {  	s4 =	simm.s32 $0x0;
	s18 =	simm.s32 $0xE00;
	[dreg:$0x7] =	wrdreg s23  }
0x11: {  	s5 =	sadd.s32 s5, s1;
	s6 =	sshrl.u32 s19, $0x3;
	[dreg:$0x8] =	wrdreg s24  }
0x12: {  	s8 =	sadd.s32 $0x47600, s8;
	[dreg:$0x9] =	wrdreg s25;
	s0 =	smax.u32 s0, $0x1  }
0x13: {  	s26 =	sshrl.u32 s7, $0x3;
	s23 =	simm.s32 $0x1;
	[dreg:$0xc] =	wrdreg s10  }
0x14: {  	s24 =	simm.s32 $0x3800;
	s25 =	simm.s32 $0x2;
	[dreg:$0x4] =	wrdreg s8  }
0x15: {  	s19 =	simm.s32 $0xF80;
	s1 =	sadd.s32 s6, s1;
	[dreg:$0xb] =	wrdreg s0  }
0x16: {  	s8 =	sor.u32 $0x1C09, s9;
	s5 =	sadd.s32 $0x1600, s5;
	[dreg:$0xd] =	wrdreg s26  }
0x17: {  	s9 =	simm.s32 $0x6;
	s6 =	simm.s32 $0xE80;
	[dreg:$0x6] =	wrdreg s5  }
0x18: {  	s26 =	simm.s32 $0xF00;
	s1 =	sadd.s32 $0x5B600, s1;
	[dreg:$0x5] =	wrdreg s8  }
0x19: {  	s5 =	simm.s32 $0x5;
	[dreg:$0xa] =	wrdreg s1;
	s1 =	simm.s32 $0x7800  }
.LBB2_1:
0x1a: {  	[dreg:$0xe] =	wrdreg s4  }
0x1b: {  	s0 =	rddreg [dreg:$0x4]  }
0x1c: {  	[spmem:s10], [sflag:s8] =	dma.local [hbm:s0], $0x1400  }
0x1d: {  	_ =	swait.ge [sflag:s11], $0x1400  }
0x1e: {  	[sflag:s11] =	ssyncset.done $0x0;
	s10 =	rddreg [dreg:$0x6]  }
0x1f: {  	s7 =	rddreg [dreg:$0xd];
	[sflag:s11] =	ssyncadd.s32 $0xFFFFEC00  }
0x20: {  	[spmem:s7], [sflag:s8] =	dma.local [hbm:s10], $0x1400  }
0x21: {  	_ =	swait.ge [sflag:s11], $0x1400  }
0x22: {  	[sflag:s11] =	ssyncset.done $0x0  }
0x23: {  	[sflag:s11] =	ssyncadd.s32 $0xFFFFEC00  }
0x24: {  	[bflag:$0x0] =	sbarrier.arrive $0xFFFF  }
0x25: {  	s0 =	simm.s32 $0x0;
	s4 =	rddreg [dreg:$0x7]  }
0x26: {  	[tilespmem:s0], [sflag:$0x9] =	stream.linear.gather [hbm4b:s4+s0], $0x800, $0x38;
	[tilespmem:$0x1D800] =	vst v63  }
0x27: {  	_ =	swait.ge [sflag:s11], $0x800  }
0x28: {  	[sflag:s11] =	ssyncset.done $0x0  }
0x29: {  	s10 =	simm.s32 $0x800;
	s8 =	rddreg [dreg:$0x8];
	[sflag:s11] =	ssyncadd.s32 $0xFFFFF800  }
0x2a: {  	[tilespmem:s10], [sflag:$0x9] =	stream.linear.gather [hbm4b:s8+s0], $0x800, $0x38;
	[tilespmem:$0x1D800] =	vst v63  }
0x2b: {  	_ =	swait.ge [sflag:s11], $0x800  }
0x2c: {  	[sflag:s11] =	ssyncset.done $0x0  }
0x2d: {  	s10 =	simm.s32 $0x1000;
	s8 =	rddreg [dreg:$0x9];
	[sflag:s11] =	ssyncadd.s32 $0xFFFFF800  }
0x2e: {  	[tilespmem:s10], [sflag:$0x9] =	stream.linear.gather [hbm4b:s8+s0], $0x800, $0x38;
	[tilespmem:$0x1D800] =	vst v63  }
0x2f: {  	_ =	swait.ge [sflag:s11], $0x800  }
0x30: {  	[sflag:s11] =	ssyncset.done $0x0  }
0x31: {  	[sflag:s11] =	ssyncadd.s32 $0xFFFFF800  }
0x32: {  	[tilespmem:s22], [sflag:$0x1] =	stream.indirect.gather [spmem:s3], $0x40, s0, s21, $0xb8;
	[tilespmem:$0x1D800] =	vst v63  }
0x33: {  	s4 =	simm.s32 $0x700;
	s0 =	simm.s32 $0x0  }
.LBB2_2:
0x34: {  	_ =	swait.ge [sflag:s23], $0x2000  }
0x35: {  	[sflag:s23] =	ssyncset.done $0x0  }
0x36: {  	[sflag:s23] =	ssyncadd.s32 $0xFFFFE000  }
0x37: {  	[tilespmem:s24], [sflag:$0x2] =	stream.indirect.gather [spmem:s3], $0x40, s21, s21, $0xb8;
	[tilespmem:$0x1D800] =	vst v63  }
0x38: {  	s7 =	simm.s32 $0x800  }
0x39: {  	[spmem:s2] =	stream.indirect.scatter.add.f32 [tilespmem:s22], [sflag:$0x5], $0x40, s7, s21, $0xb8;
	[tilespmem:$0x1D800] =	vst v63  }
0x3a: {  	_ =	swait.ge [sflag:s25], $0x2000  }
0x3b: {  	[sflag:s25] =	ssyncset.done $0x0  }
0x3c: {  	s8 =	simm.s32 $0x100;
	[sflag:s25] =	ssyncadd.s32 $0xFFFFE000  }
0x3d: {  	[tilespmem:s28], [sflag:$0x3] =	stream.indirect.gather [spmem:s3], $0x40, s8, s21, $0xb8;
	[tilespmem:$0x1D800] =	vst v63  }
0x3e: {  	s10 =	simm.s32 $0x880  }
0x3f: {  	[spmem:s2] =	stream.indirect.scatter.add.f32 [tilespmem:s24], [sflag:$0x6], $0x40, s10, s21, $0xb8;
	[tilespmem:$0x1D800] =	vst v63  }
0x40: {  	_ =	swait.ge [sflag:s30], $0x2000  }
0x41: {  	[sflag:s30] =	ssyncset.done $0x0  }
0x42: {  	s11 =	simm.s32 $0x180;
	[sflag:s30] =	ssyncadd.s32 $0xFFFFE000  }
0x43: {  	[tilespmem:s1], [sflag:$0x4] =	stream.indirect.gather [spmem:s3], $0x40, s11, s21, $0xb8;
	[tilespmem:$0x1D800] =	vst v63  }
0x44: {  	s8 =	simm.s32 $0x900  }
0x45: {  	[spmem:s2] =	stream.indirect.scatter.add.f32 [tilespmem:s28], [sflag:$0x7], $0x40, s8, s21, $0xb8;
	[tilespmem:$0x1D800] =	vst v63  }
0x46: {  	_ =	swait.ge [sflag:s20], $0x2000  }
0x47: {  	[sflag:s20] =	ssyncset.done $0x0  }
0x48: {  	[sflag:s20] =	ssyncadd.s32 $0xFFFFE000  }
0x49: {  	_ =	swait.ge [sflag:s5], $0x2000  }
0x4a: {  	[sflag:s5] =	ssyncset.done $0x0  }
0x4b: {  	s10 =	simm.s32 $0x200;
	[sflag:s5] =	ssyncadd.s32 $0xFFFFE000  }
0x4c: {  	[tilespmem:s22], [sflag:$0x1] =	stream.indirect.gather [spmem:s3], $0x40, s10, s21, $0xb8;
	[tilespmem:$0x1D800] =	vst v63  }
0x4d: {  	s11 =	simm.s32 $0x980  }
0x4e: {  	[spmem:s2] =	stream.indirect.scatter.add.f32 [tilespmem:s1], [sflag:$0x8], $0x40, s11, s21, $0xb8;
	[tilespmem:$0x1D800] =	vst v63  }
0x4f: {  	_ =	swait.ge [sflag:s23], $0x2000  }
0x50: {  	[sflag:s23] =	ssyncset.done $0x0  }
0x51: {  	[sflag:s23] =	ssyncadd.s32 $0xFFFFE000  }
0x52: {  	_ =	swait.ge [sflag:s9], $0x2000  }
0x53: {  	[sflag:s9] =	ssyncset.done $0x0  }
0x54: {  	s8 =	simm.s32 $0x280;
	[sflag:s9] =	ssyncadd.s32 $0xFFFFE000  }
0x55: {  	[tilespmem:s24], [sflag:$0x2] =	stream.indirect.gather [spmem:s3], $0x40, s8, s21, $0xb8;
	[tilespmem:$0x1D800] =	vst v63  }
0x56: {  	s10 =	simm.s32 $0xA00  }
0x57: {  	[spmem:s2] =	stream.indirect.scatter.add.f32 [tilespmem:s22], [sflag:$0x5], $0x40, s10, s21, $0xb8;
	[tilespmem:$0x1D800] =	vst v63  }
0x58: {  	_ =	swait.ge [sflag:s25], $0x2000  }
0x59: {  	[sflag:s25] =	ssyncset.done $0x0  }
0x5a: {  	[sflag:s25] =	ssyncadd.s32 $0xFFFFE000  }
0x5b: {  	_ =	swait.ge [sflag:s12], $0x2000  }
0x5c: {  	[sflag:s12] =	ssyncset.done $0x0  }
0x5d: {  	s11 =	simm.s32 $0x300;
	[sflag:s12] =	ssyncadd.s32 $0xFFFFE000  }
0x5e: {  	[tilespmem:s28], [sflag:$0x3] =	stream.indirect.gather [spmem:s3], $0x40, s11, s21, $0xb8;
	[tilespmem:$0x1D800] =	vst v63  }
0x5f: {  	s8 =	simm.s32 $0xA80  }
0x60: {  	[spmem:s2] =	stream.indirect.scatter.add.f32 [tilespmem:s24], [sflag:$0x6], $0x40, s8, s21, $0xb8;
	[tilespmem:$0x1D800] =	vst v63  }
0x61: {  	_ =	swait.ge [sflag:s30], $0x2000  }
0x62: {  	[sflag:s30] =	ssyncset.done $0x0  }
0x63: {  	[sflag:s30] =	ssyncadd.s32 $0xFFFFE000  }
0x64: {  	_ =	swait.ge [sflag:s16], $0x2000  }
0x65: {  	[sflag:s16] =	ssyncset.done $0x0  }
0x66: {  	s10 =	simm.s32 $0x380;
	[sflag:s16] =	ssyncadd.s32 $0xFFFFE000  }
0x67: {  	[tilespmem:s1], [sflag:$0x4] =	stream.indirect.gather [spmem:s3], $0x40, s10, s21, $0xb8;
	[tilespmem:$0x1D800] =	vst v63  }
0x68: {  	s11 =	simm.s32 $0xB00  }
0x69: {  	[spmem:s2] =	stream.indirect.scatter.add.f32 [tilespmem:s28], [sflag:$0x7], $0x40, s11, s21, $0xb8;
	[tilespmem:$0x1D800] =	vst v63  }
0x6a: {  	_ =	swait.ge [sflag:s20], $0x2000  }
0x6b: {  	[sflag:s20] =	ssyncset.done $0x0  }
0x6c: {  	[sflag:s20] =	ssyncadd.s32 $0xFFFFE000  }
0x6d: {  	_ =	swait.ge [sflag:s5], $0x2000  }
0x6e: {  	[sflag:s5] =	ssyncset.done $0x0  }
0x6f: {  	s8 =	simm.s32 $0x400;
	[sflag:s5] =	ssyncadd.s32 $0xFFFFE000  }
0x70: {  	[tilespmem:s22], [sflag:$0x1] =	stream.indirect.gather [spmem:s3], $0x40, s8, s21, $0xb8;
	[tilespmem:$0x1D800] =	vst v63  }
0x71: {  	s10 =	simm.s32 $0xB80  }
0x72: {  	[spmem:s2] =	stream.indirect.scatter.add.f32 [tilespmem:s1], [sflag:$0x8], $0x40, s10, s21, $0xb8;
	[tilespmem:$0x1D800] =	vst v63  }
0x73: {  	_ =	swait.ge [sflag:s23], $0x2000  }
0x74: {  	[sflag:s23] =	ssyncset.done $0x0  }
0x75: {  	[sflag:s23] =	ssyncadd.s32 $0xFFFFE000  }
0x76: {  	_ =	swait.ge [sflag:s9], $0x2000  }
0x77: {  	[sflag:s9] =	ssyncset.done $0x0  }
0x78: {  	s11 =	simm.s32 $0x480;
	[sflag:s9] =	ssyncadd.s32 $0xFFFFE000  }
0x79: {  	[tilespmem:s24], [sflag:$0x2] =	stream.indirect.gather [spmem:s3], $0x40, s11, s21, $0xb8;
	[tilespmem:$0x1D800] =	vst v63  }
0x7a: {  	s8 =	simm.s32 $0xC00  }
0x7b: {  	[spmem:s2] =	stream.indirect.scatter.add.f32 [tilespmem:s22], [sflag:$0x5], $0x40, s8, s21, $0xb8;
	[tilespmem:$0x1D800] =	vst v63  }
0x7c: {  	_ =	swait.ge [sflag:s25], $0x2000  }
0x7d: {  	[sflag:s25] =	ssyncset.done $0x0  }
0x7e: {  	[sflag:s25] =	ssyncadd.s32 $0xFFFFE000  }
0x7f: {  	_ =	swait.ge [sflag:s12], $0x2000  }
0x80: {  	[sflag:s12] =	ssyncset.done $0x0  }
0x81: {  	s10 =	simm.s32 $0x500;
	[sflag:s12] =	ssyncadd.s32 $0xFFFFE000  }
0x82: {  	[tilespmem:s28], [sflag:$0x3] =	stream.indirect.gather [spmem:s3], $0x40, s10, s21, $0xb8;
	[tilespmem:$0x1D800] =	vst v63  }
0x83: {  	s11 =	simm.s32 $0xC80  }
0x84: {  	[spmem:s2] =	stream.indirect.scatter.add.f32 [tilespmem:s24], [sflag:$0x6], $0x40, s11, s21, $0xb8;
	[tilespmem:$0x1D800] =	vst v63  }
0x85: {  	_ =	swait.ge [sflag:s30], $0x2000  }
0x86: {  	[sflag:s30] =	ssyncset.done $0x0  }
0x87: {  	[sflag:s30] =	ssyncadd.s32 $0xFFFFE000  }
0x88: {  	_ =	swait.ge [sflag:s16], $0x2000  }
0x89: {  	[sflag:s16] =	ssyncset.done $0x0  }
0x8a: {  	s8 =	simm.s32 $0x580;
	[sflag:s16] =	ssyncadd.s32 $0xFFFFE000  }
0x8b: {  	[tilespmem:s1], [sflag:$0x4] =	stream.indirect.gather [spmem:s3], $0x40, s8, s21, $0xb8;
	[tilespmem:$0x1D800] =	vst v63  }
0x8c: {  	s10 =	simm.s32 $0xD00  }
0x8d: {  	[spmem:s2] =	stream.indirect.scatter.add.f32 [tilespmem:s28], [sflag:$0x7], $0x40, s10, s21, $0xb8;
	[tilespmem:$0x1D800] =	vst v63  }
0x8e: {  	_ =	swait.ge [sflag:s20], $0x2000  }
0x8f: {  	[sflag:s20] =	ssyncset.done $0x0  }
0x90: {  	[sflag:s20] =	ssyncadd.s32 $0xFFFFE000  }
0x91: {  	_ =	swait.ge [sflag:s5], $0x2000  }
0x92: {  	[sflag:s5] =	ssyncset.done $0x0  }
0x93: {  	s11 =	simm.s32 $0x600;
	[sflag:s5] =	ssyncadd.s32 $0xFFFFE000  }
0x94: {  	[tilespmem:s22], [sflag:$0x1] =	stream.indirect.gather [spmem:s3], $0x40, s11, s21, $0xb8;
	[tilespmem:$0x1D800] =	vst v63  }
0x95: {  	_ = 	snop  }
0x96: {  	[spmem:s2] =	stream.indirect.scatter.add.f32 [tilespmem:s1], [sflag:$0x8], $0x40, s29, s21, $0xb8;
	[tilespmem:$0x1D800] =	vst v63  }
0x97: {  	_ =	swait.ge [sflag:s23], $0x2000  }
0x98: {  	[sflag:s23] =	ssyncset.done $0x0  }
0x99: {  	[sflag:s23] =	ssyncadd.s32 $0xFFFFE000  }
0x9a: {  	_ =	swait.ge [sflag:s9], $0x2000  }
0x9b: {  	[sflag:s9] =	ssyncset.done $0x0  }
0x9c: {  	[sflag:s9] =	ssyncadd.s32 $0xFFFFE000  }
0x9d: {  	[tilespmem:s24], [sflag:$0x2] =	stream.indirect.gather [spmem:s3], $0x40, s31, s21, $0xb8;
	[tilespmem:$0x1D800] =	vst v63  }
0x9e: {  	_ = 	snop  }
0x9f: {  	[spmem:s2] =	stream.indirect.scatter.add.f32 [tilespmem:s22], [sflag:$0x5], $0x40, s18, s21, $0xb8;
	[tilespmem:$0x1D800] =	vst v63  }
0xa0: {  	_ =	swait.ge [sflag:s25], $0x2000  }
0xa1: {  	[sflag:s25] =	ssyncset.done $0x0  }
0xa2: {  	[sflag:s25] =	ssyncadd.s32 $0xFFFFE000  }
0xa3: {  	_ =	swait.ge [sflag:s12], $0x2000  }
0xa4: {  	[sflag:s12] =	ssyncset.done $0x0  }
0xa5: {  	[sflag:s12] =	ssyncadd.s32 $0xFFFFE000  }
0xa6: {  	[tilespmem:s28], [sflag:$0x3] =	stream.indirect.gather [spmem:s3], $0x40, s4, s21, $0xb8;
	[tilespmem:$0x1D800] =	vst v63  }
0xa7: {  	_ = 	snop  }
0xa8: {  	[spmem:s2] =	stream.indirect.scatter.add.f32 [tilespmem:s24], [sflag:$0x6], $0x40, s6, s21, $0xb8;
	[tilespmem:$0x1D800] =	vst v63  }
0xa9: {  	_ =	swait.ge [sflag:s30], $0x2000  }
0xaa: {  	[sflag:s30] =	ssyncset.done $0x0  }
0xab: {  	[sflag:s30] =	ssyncadd.s32 $0xFFFFE000  }
0xac: {  	_ =	swait.ge [sflag:s16], $0x2000  }
0xad: {  	[sflag:s16] =	ssyncset.done $0x0  }
0xae: {  	[sflag:s16] =	ssyncadd.s32 $0xFFFFE000  }
0xaf: {  	[tilespmem:s1], [sflag:$0x4] =	stream.indirect.gather [spmem:s3], $0x40, s17, s21, $0xb8;
	[tilespmem:$0x1D800] =	vst v63  }
0xb0: {  	_ = 	snop  }
0xb1: {  	[spmem:s2] =	stream.indirect.scatter.add.f32 [tilespmem:s28], [sflag:$0x7], $0x40, s26, s21, $0xb8;
	[tilespmem:$0x1D800] =	vst v63  }
0xb2: {  	_ =	swait.ge [sflag:s20], $0x2000  }
0xb3: {  	[sflag:s20] =	ssyncset.done $0x0  }
0xb4: {  	[sflag:s20] =	ssyncadd.s32 $0xFFFFE000  }
0xb5: {  	[spmem:s2] =	stream.indirect.scatter.add.f32 [tilespmem:s1], [sflag:$0x8], $0x40, s19, s21, $0xb8;
	[tilespmem:$0x1D800] =	vst v63  }
0xb6: {  	_ =	swait.ge [sflag:s5], $0x2000  }
0xb7: {  	[sflag:s5] =	ssyncset.done $0x0  }
0xb8: {  	[sflag:s5] =	ssyncadd.s32 $0xFFFFE000  }
0xb9: {  	_ =	swait.ge [sflag:s9], $0x2000  }
0xba: {  	[sflag:s9] =	ssyncset.done $0x0  }
0xbb: {  	[sflag:s9] =	ssyncadd.s32 $0xFFFFE000  }
0xbc: {  	_ =	swait.ge [sflag:s12], $0x2000  }
0xbd: {  	[sflag:s12] =	ssyncset.done $0x0  }
0xbe: {  	[sflag:s12] =	ssyncadd.s32 $0xFFFFE000  }
0xbf: {  	_ =	swait.ge [sflag:s16], $0x2000  }
0xc0: {  	p0 =	seq.s32 s0, $0x900;
	[sflag:s16] =	ssyncset.done $0x0  }
0xc1: {  	s7 =	sadd.s32 @!p0 s0, s15;
	s8 =	simm.s32 @!p0 $0x0;
	[sflag:s16] =	ssyncadd.s32 $0xFFFFE000  }
0xc2: {  	[tilespmem:s8], [sflag:$0x9] =	stream.linear.gather @!p0 [hbm4b:s7+s8], $0x800, $0x38;
	[tilespmem:$0x1D800] =	vst v63  }
0xc3: {  	s7 =	simm.s32 @!p0 $0x9  }
0xc4: {  	_ =	swait.ge @!p0 [sflag:s7], $0x800  }
0xc5: {  	[sflag:s7] =	ssyncset.done @!p0 $0x0  }
0xc6: {  	s10 =	sadd.s32 @!p0 s0, s14;
	s11 =	simm.s32 @!p0 $0x800;
	[sflag:s7] =	ssyncadd.s32 @!p0 $0xFFFFF800  }
0xc7: {  	[tilespmem:s11], [sflag:$0x9] =	stream.linear.gather @!p0 [hbm4b:s10+s8], $0x800, $0x38;
	[tilespmem:$0x1D800] =	vst v63  }
0xc8: {  	_ =	swait.ge @!p0 [sflag:s7], $0x800  }
0xc9: {  	[sflag:s7] =	ssyncset.done @!p0 $0x0  }
0xca: {  	s10 =	sadd.s32 @!p0 s0, s13;
	s11 =	simm.s32 @!p0 $0x1000;
	[sflag:s7] =	ssyncadd.s32 @!p0 $0xFFFFF800  }
0xcb: {  	[tilespmem:s11], [sflag:$0x9] =	stream.linear.gather @!p0 [hbm4b:s10+s8], $0x800, $0x38;
	[tilespmem:$0x1D800] =	vst v63  }
0xcc: {  	s0 =	sadd.s32 @!p0 $0x100, s0;
	_ =	swait.ge @!p0 [sflag:s7], $0x800  }
0xcd: {  	p1 =	sne.s32 @!p0 s0, $0xA00;
	[sflag:s7] =	ssyncset.done @!p0 $0x0  }
0xce: {  	s10 =	simm.s32 @!p0 $0x1800;
	[sflag:s7] =	ssyncadd.s32 @!p0 $0xFFFFF800;
	s7 =	simm.s32 @!p0 $0x80  }
0xcf: {  	[tilespmem:s10], [sflag:$0x1] =	stream.indirect.gather @!p0 [spmem:s3], $0x40, s8, s7, $0xb8;
	[tilespmem:$0x1D800] =	vst v63  }
0xd0: {  	p0 =	por p0, !p1  }
.Ltmp0:
0xd1: {  	_ = 	snop;
	(pc) =	sbr.rel @!p0 .LBB2_2-.Ltmp0, $1  }
0xd2: {  	_ =	sdelay $0x3  }
0xd3: {  	[bflag:$0x0] =	sbarrier.arrive $0xFFFF  }
0xd4: {  	s8 =	rddreg [dreg:$0x5]  }
0xd5: {  	s0 =	rddreg [dreg:$0xa]  }
0xd6: {  	s11 =	simm.s32 $0x9;
	s10 =	rddreg [dreg:$0xc]  }
0xd7: {  	[hbm:s0], [sflag:s8] =	dma.local [spmem:s10], $0x1400  }
0xd8: {  	_ =	swait.ge [sflag:s11], $0x1400  }
0xd9: {  	s4 =	rddreg [dreg:$0xe]  }
0xda: {  	s7 =	rddreg [dreg:$0xb];
	s4 =	sadd.s32 $0x1, s4  }
0xdb: {  	p0 =	sne.s32 s4, s7  }
.Ltmp1:
0xdc: {  	_ = 	snop;
	(pc) =	sbr.rel @p0 .LBB2_1-.Ltmp1, $3  }
0xdd: {  	_ =	sdelay $0x1  }
0xde: {  	[sflag:s11] =	ssyncset.done $0x0  }
0xdf: {  	[sflag:s11] =	ssyncadd.s32 $0xFFFFEC00  }
0xe0: {  	_ =	sfence.sel $0x180000  }
0xe1: {  	[bflag:$0x0] =	sbarrier.arrive $0xFFFF  }
0xe2: {  	_ =	strace $0x9000004A  }
0xe3: {  	s0 =	stileid.u32;
	[bflag:$0x2] =	sbarrier.arrive $0xFFFF  }
0xe4: {  	p0 =	sne.s32 s0, $0x0;
	s0 =	rddreg [dreg:$0x3]  }
0xe5: {  	s0 =	sadd.s32 @!p0 $0x100000, s0  }
0xe6: {  	[sflag:s0] =	ssyncadd.tile.s32 @!p0 $0x1;
	_ =	shalt  }
.Lfunc_end2:
_tile_overlayer_lowered:
.L_overlay_start_2:
0xe7: {  	(tag) =	ssettag $0x2  }
0xe8: {  	s0 =	rddreg [dreg:$0x0];
	s2 =	stileid.u32  }
0xe9: {  	s1 =	rddreg [dreg:$0x1];
	p0 =	sne.s32 s2, $0x0  }
0xea: {  	s3 =	rddreg [dreg:$0x2];
	[bflag:$0x3] =	sbarrier.arrive $0xFFFF;
	s2 =	simm.s32 @!p0 $0x1C09  }
0xeb: {  	[timem:s3], [sflag:s2] =	dma.local @!p0 [hbm:s0], s1  }
0xec: {  	s0 =	simm.s32 @!p0 $0x9  }
0xed: {  	_ =	swait.ge @!p0 [sflag:s0], s1  }
0xee: {  	s1 =	ssub.s32 @!p0 $0x0, s1;
	[sflag:s0] =	ssyncset.done @!p0 $0x0  }
0xef: {  	[sflag:s0] =	ssyncadd.s32 @!p0 s1  }
0xf0: {  	[bflag:$0x3] =	sbarrier.arrive $0xFFFF  }
0xf1: {  	_ =	shalt  }

// kernel: kernel.14.cloned.1.call-start
scs
__scs_entry_jumppad:
0x0: {  	(pc) =	sbr.rel $0x88, $3  }
0x1: {  	(tag) =	ssettag $0x0;
	lr =	simm.s32 $0x1  }
0x2: {  	[smem:$0x3F94] =	sst lr;
	_ =	strace $0xD0000000  }
0x3: {  	_ = 	snop  }
0x4: {  	_ = 	snop  }
0x5: {  	_ = 	snop  }
0x6: {  	_ = 	snop  }
0x7: {  	_ = 	snop  }
__scs_overlays_trampoline_lowered:
0x8: {  	[smem:$0x3FA3] =	sst s0  }
0x9: {  	[smem:$0x3FA4] =	sst s1  }
0xa: {  	[smem:$0x3FA5] =	sst s2  }
0xb: {  	[smem:$0x3FA6] =	sst s3  }
0xc: {  	[smem:$0x3FA7] =	sst s4  }
0xd: {  	[smem:$0x3FA8] =	sst s5  }
0xe: {  	[smem:$0x3FA9] =	sst s6  }
0xf: {  	[smem:$0x3FAA] =	sst s7  }
0x10: {  	[smem:$0x3FAB] =	sst s8  }
0x11: {  	[smem:$0x3FAC] =	sst s9;
	s0 =	simm.s32 @!p0 $0x0  }
0x12: {  	s1 =	sld [smem:$0x3F92];
	s0 =	simm.s32 @p0 $0x1  }
0x13: {  	[smem:$0x3FAD] =	sst s0;
	s0 =	simm.s32 @!p1 $0x0  }
0x14: {  	s2 =	sld [smem:$0x3F91];
	s0 =	simm.s32 @p1 $0x1  }
0x15: {  	[smem:$0x3FAE] =	sst s0;
	s0 =	simm.s32 @!p2 $0x0  }
0x16: {  	s3 =	sld [smem:$0x3FDB];
	s0 =	simm.s32 @p2 $0x1  }
0x17: {  	s4 =	simm.s32 $0x1BF5;
	[smem:$0x3FB0] =	sst s0  }
0x18: {  	s0 =	sld [smem:$0x3F93];
	_ =	swait.ge [sflag:s4], $0x0  }
0x19: {  	s7 =	sld [smem:$0x3F94]  }
0x1a: {  	s8 =	sadd.s32 $0xFFFFE003, lr  }
0x1b: {  	s9 =	sadd.s32 $0xFFFFFEF7, lr;
	s5 =	simm.s32 $0xFFFFFFFF;
	p2 =	slt.u32 s8, $0xFFFFF086  }
0x1c: {  	p1 =	slt.u32 s9, $0xF7A;
	s5 =	simm.s32 @!p2 $0x0  }
0x1d: {  	s5 =	simm.s32 @p1 $0x1;
	p0 =	seq.s32 s7, s2  }
0x1e: {  	s7 =	smul.u32 @!p0 $0xF7A, s2;
	p2 =	seq.s32 @!p0 s5, $0x0  }
0x1f: {  	s9 =	smul.u32 $0xF7A, s1;
	s8 =	simm.s32 @!p0 $0x1BF5;
	p2 =	por !p2, p0  }
0x20: {  	[sflag:s8] =	ssyncset.s32 @!p0 $0xFFFFF086;
	s6 =	sadd.s32 @!p0 s3, s7;
	s7 =	simm.s32 @!p0 $0x108  }
0x21: {  	s3 =	sadd.s32 s3, s9;
	s6 =	sadd.s32 @!p0 $0x88, s6;
	s7 =	simm.s32 @p2 $0x1082  }
0x22: {  	[simem:s7], [sflag:s8] =	dma.local @!p0 [hbm:s6], $0xF7A  }
0x23: {  	s9 =	sor.u32 $0xD0000000, s2;
	s6 =	simm.s32 $0x108;
	_ =	swait.ge @!p0 [sflag:s8], $0x0  }
0x24: {  	s3 =	sadd.s32 $0x88, s3;
	s6 =	simm.s32 @!p1 $0x1082;
	[sflag:s4] =	ssyncset.s32 $0xFFFFF086  }
0x25: {  	[simem:s6], [sflag:s4] =	dma.local [hbm:s3], $0xF7A  }
0x26: {  	[smem:$0x3F94] =	sst s1;
	(tag) =	ssettag s2;
	_ =	strace s9  }
0x27: {  	s1 =	sld [smem:$0x3FA4]  }
0x28: {  	s2 =	sld [smem:$0x3FA5]  }
0x29: {  	s4 =	sld [smem:$0x3FA7]  }
0x2a: {  	p0 =	seq.s32 s5, $0x0;
	s5 =	sld [smem:$0x3FA8]  }
0x2b: {  	s6 =	sld [smem:$0x3FA9]  }
0x2c: {  	s7 =	sld [smem:$0x3FAA]  }
0x2d: {  	s3 =	simm.s32 $0x108;
	s8 =	sld [smem:$0x3FAB]  }
0x2e: {  	s3 =	simm.s32 @!p0 $0x1082;
	s9 =	sld [smem:$0x3FAC]  }
0x2f: {  	lr =	sadd.s32 s0, s3;
	s0 =	sld [smem:$0x3FA3]  }
0x30: {  	s3 =	sld [smem:$0x3FA6]  }
0x31: {  	[smem:$0x3FAF] =	sst s10  }
0x32: {  	s10 =	sld [smem:$0x3FAD];
	_ =	sdelay $0x3  }
0x33: {  	p0 =	seq.s32 s10, $0x1;
	s10 =	sld [smem:$0x3FAF];
	_ =	sdelay $0x3  }
0x34: {  	[smem:$0x3FAF] =	sst s10  }
0x35: {  	s10 =	sld [smem:$0x3FAE];
	_ =	sdelay $0x3  }
0x36: {  	p1 =	seq.s32 s10, $0x1;
	s10 =	sld [smem:$0x3FAF];
	_ =	sdelay $0x3  }
0x37: {  	[smem:$0x3FAF] =	sst s10  }
0x38: {  	s10 =	sld [smem:$0x3FB0]  }
0x39: {  	_ = 	snop;
	(pc) =	sbr.ind lr, $3  }
0x3a: {  	_ = 	snop  }
0x3b: {  	_ = 	snop  }
0x3c: {  	p2 =	seq.s32 s10, $0x1;
	s10 =	sld [smem:$0x3FAF]  }
0x3d: {  	_ =	shalt  }
0x3e: {  	_ =	shalt  }
0x3f: {  	_ =	shalt  }
0x40: {  	_ =	shalt  }
0x41: {  	_ =	shalt  }
0x42: {  	_ =	shalt  }
0x43: {  	_ =	shalt  }
0x44: {  	_ =	shalt  }
0x45: {  	_ =	shalt  }
0x46: {  	_ =	shalt  }
0x47: {  	_ =	shalt  }
0x48: {  	_ =	shalt  }
0x49: {  	_ =	shalt  }
0x4a: {  	_ =	shalt  }
0x4b: {  	_ =	shalt  }
0x4c: {  	_ =	shalt  }
0x4d: {  	_ =	shalt  }
0x4e: {  	_ =	shalt  }
0x4f: {  	_ =	shalt  }
0x50: {  	_ =	shalt  }
0x51: {  	_ =	shalt  }
0x52: {  	_ =	shalt  }
0x53: {  	_ =	shalt  }
0x54: {  	_ =	shalt  }
0x55: {  	_ =	shalt  }
0x56: {  	_ =	shalt  }
0x57: {  	_ =	shalt  }
0x58: {  	_ =	shalt  }
0x59: {  	_ =	shalt  }
0x5a: {  	_ =	shalt  }
0x5b: {  	_ =	shalt  }
0x5c: {  	_ =	shalt  }
0x5d: {  	_ =	shalt  }
0x5e: {  	_ =	shalt  }
0x5f: {  	_ =	shalt  }
0x60: {  	_ =	shalt  }
0x61: {  	_ =	shalt  }
0x62: {  	_ =	shalt  }
0x63: {  	_ =	shalt  }
0x64: {  	_ =	shalt  }
0x65: {  	_ =	shalt  }
0x66: {  	_ =	shalt  }
0x67: {  	_ =	shalt  }
0x68: {  	_ =	shalt  }
0x69: {  	_ =	shalt  }
0x6a: {  	_ =	shalt  }
0x6b: {  	_ =	shalt  }
0x6c: {  	_ =	shalt  }
0x6d: {  	_ =	shalt  }
0x6e: {  	_ =	shalt  }
0x6f: {  	_ =	shalt  }
0x70: {  	_ =	shalt  }
0x71: {  	_ =	shalt  }
0x72: {  	_ =	shalt  }
0x73: {  	_ =	shalt  }
0x74: {  	_ =	shalt  }
0x75: {  	_ =	shalt  }
0x76: {  	_ =	shalt  }
0x77: {  	_ =	shalt  }
0x78: {  	_ =	shalt  }
0x79: {  	_ =	shalt  }
0x7a: {  	_ =	shalt  }
0x7b: {  	_ =	shalt  }
0x7c: {  	_ =	shalt  }
0x7d: {  	_ =	shalt  }
0x7e: {  	_ =	shalt  }
0x7f: {  	_ =	shalt  }
0x80: {  	_ =	shalt  }
0x81: {  	_ =	shalt  }
0x82: {  	_ =	shalt  }
0x83: {  	_ =	shalt  }
0x84: {  	_ =	shalt  }
0x85: {  	_ =	shalt  }
0x86: {  	_ =	shalt  }
0x87: {  	_ =	shalt  }
.Lfunc_end0:
.L_simem_size_0:
called_computation.2_lowered:
.L_overlay_start_0:
0x88: {  	s2 =	sld [smem:$0x3FD9]  }
0x89: {  	s3 =	sld [smem:$0x3FFE];
	_ =	sdelay $0x1  }
0x8a: {  	s1 =	srdreg.scid  }
0x8b: {  	s0 =	sand.u32 $0x1, s1  }
0x8c: {  	s16 =	sshll.u32 s0, $0xA;
	s2 =	sadd.s32 s3, s2  }
0x8d: {  	s2 =	sadd.s32 s2, s16  }
0x8e: {  	[smem:$0x3FBB] =	sst s2  }
0x8f: {  	_ = 	snop  }
0x90: {  	(tm) =	ssettm $0x1  }
0x91: {  	s17 =	sld [smem:$0x3FFB];
	_ =	sdelay $0x3  }
0x92: {  	_ =	strace s17  }
0x93: {  	s2 =	sld [smem:$0x3FFC];
	_ =	sdelay $0x3  }
0x94: {  	_ =	strace s2  }
0x95: {  	s2 =	sld [smem:$0x3FFD];
	_ =	sdelay $0x3  }
0x96: {  	_ =	strace s2  }
0x97: {  	_ =	strace $0x8FFFFFFF  }
0x98: {  	s18 =	sld [smem:$0x3FDB];
	_ =	sdelay $0x1  }
0x99: {  	s19 =	simm.s32 $_scs_section_size  }
0x9a: {  	s4 =	simm.s32 $_size__tile_overlayer_lowered;
	s5 =	simm.s32 $_tile_overlayer_lowered  }
0x9b: {  	s22 =	simm.s32 $0x1BFF;
	s21 =	sshll.u32 s5, $0x1;
	s2 =	sadd.s32 s19, s18  }
0x9c: {  	s6 =	simm.s32 $0x0;
	s20 =	sshll.u32 s4, $0x1;
	s4 =	sadd.s32 s21, s2  }
0x9d: {  	[timem:s6], [sflag:s22] =	dma.local [hbm:s4], s20  }
0x9e: {  	_ =	swait.ge [sflag:s22], s20  }
0x9f: {  	s3 =	ssub.s32 $0x0, s20;
	[sflag:s22] =	ssyncset.done $0x0  }
0xa0: {  	[sflag:s22] =	ssyncadd.s32 s3;
	_ =	sdelay $0x1  }
0xa1: {  	s23 =	simm.s32 $0x1B8B  }
0xa2: {  	_ =	swait.ge [sflag:s23], $0x1  }
0xa3: {  	[sflag:s23] =	ssyncset.done $0x0  }
0xa4: {  	s25 =	simm.s32 $0x1B8E;
	s24 =	sld [smem:$0x3FFE];
	[sflag:s23] =	ssyncadd.s32 $0xFFFFFFFF  }
0xa5: {  	s26 =	simm.s32 $execute0_lowered;
	[smem:$0x3FD2] =	sst s25  }
0xa6: {  	s4 =	sshll.u32 s26, $0x1;
	_ =	strace $0x8000004C;
	[dreg:$0x1] =	wrdreg $0xFFFFFFFF  }
0xa7: {  	s28 =	simm.s32 $_size_execute0_lowered;
	s2 =	sadd.s32 s2, s4;
	[dreg:$0x0] =	wrdreg $0x0  }
0xa8: {  	s4 =	sshll.u32 s28, $0x1;
	[dreg:$0x2] =	wrdreg s2  }
0xa9: {  	[dreg:$0x3] =	wrdreg s4  }
0xaa: {  	[dreg:$0x4] =	wrdreg $0xC0  }
0xab: {  	_ =	task [dreg:s6], $0x5FFFF  }
0xac: {  	[dreg:$0x1] =	wrdreg $0xFFFFFFFF  }
0xad: {  	[dreg:$0x0] =	wrdreg $0x60  }
0xae: {  	[dreg:$0x2] =	wrdreg s24  }
0xaf: {  	[dreg:$0x3] =	wrdreg $0x138000  }
0xb0: {  	[dreg:$0x4] =	wrdreg $0x98000  }
0xb1: {  	[dreg:$0x5] =	wrdreg $0x9  }
0xb2: {  	_ =	task.clear_ibuf [dreg:s6], $0x6FFFF;
	_ =	strace $0x9000004C  }
0xb3: {  	s29 =	simm.s32 $0x9;
	_ =	strace $0x8000004E  }
0xb4: {  	_ =	swait.ge [sflag:s29], $0x1  }
0xb5: {  	[sflag:s29] =	ssyncadd.s32 $0xFFFFFFFF  }
0xb6: {  	_ =	strace $0x9000004E  }
0xb7: {  	_ =	sfence  }
0xb8: {  	s30 =	sld [smem:$0x0];
	_ =	sdelay $0x2  }
0xb9: {  	s31 =	sshll.u32 s1, $0xD;
	s1 =	sshrl.u32 s1, $0x2  }
0xba: {  	s3 =	sand.u32 $0x4000, s31;
	s1 =	sadd.s32 s1, s30  }
0xbb: {  	s0 =	sor.u32 s3, s0;
	s1 =	sshll.u32 s1, $0x11  }
0xbc: {  	s0 =	sor.u32 s1, s0  }
0xbd: {  	s0 =	sadd.s32 $0x8F2B, s0  }
0xbe: {  	[sflag:s0] =	ssyncadd.remote.s32 $0x1  }
0xbf: {  	_ =	sfence.sel $0xFFFF  }
0xc0: {  	[dreg:$0x0] =	wrdreg $0xFFFFFFFF;
	(pc) =	sbr.abs _section_cstart, $3  }
0xc1: {  	[dreg:$0x1] =	wrdreg $0xFFFFFFFF  }
0xc2: {  	_ =	task.clear_ibuf [dreg:s6], $0x2FFFF;
	_ =	strace $0x9FFFFFFF  }
0xc3: {  	(tm) =	ssettm $0x7FFFFFFF  }
tec
execute0_lowered:
.L_overlay_start_1:
0x0: {  	(tag) =	ssettag $0x1  }
0x1: {  	s0 =	rddreg [dreg:$0x0]  }
0x2: {  	s1 =	srdreg.scid;
	s2 =	rddreg [dreg:$0x1]  }
0x3: {  	s9 =	stileid.u32;
	s3 =	rddreg [dreg:$0x2]  }
0x4: {  	s7 =	simm.s32 $0x0;
	s10 =	simm.s32 $0x9;
	s11 =	simm.s32 $0x800  }
0x5: {  	s28 =	simm.s32 $0x5800;
	s30 =	simm.s32 $0x3;
	s12 =	simm.s32 $0x7  }
0x6: {  	s16 =	simm.s32 $0x8;
	s29 =	simm.s32 $0x680;
	s5 =	smul.u32 $0x1400, s9  }
0x7: {  	s31 =	simm.s32 $0xE00;
	s1 =	sand.u32 $0x1, s1;
	s6 =	smul.u32 $0xA000, s9  }
0x8: {  	[smem:$0x7FF] =	sst s7;
	s8 =	sshll.u32 s9, $0xC;
	s4 =	smul.u32 $0x14000, s1  }
0x9: {  	s9 =	sshll.u32 s9, $0x6;
	s17 =	smul.u32 $0xA0000, s1;
	_ =	strace $0x8000004D  }
0xa: {  	s18 =	sadd.s32 s8, s0;
	s1 =	ssub.s32 $0x2, s1;
	s19 =	sshrl.u32 s6, $0x3  }
0xb: {  	s20 =	sshrl.u32 s1, $0x1;
	s21 =	sadd.s32 s6, s2;
	s22 =	sadd.s32 $0x83600, s18  }
0xc: {  	s23 =	sadd.s32 $0x93600, s18;
	s24 =	sadd.s32 $0xA3600, s18;
	s13 =	sadd.s32 $0x83700, s18  }
0xd: {  	s14 =	sadd.s32 $0x93700, s18;
	s15 =	sadd.s32 $0xA3700, s18;
	s18 =	simm.s32 $0x700  }
0xe: {  	s4 =	sadd.s32 s5, s4;
	s7 =	sadd.s32 s6, s17;
	[dreg:$0x7] =	wrdreg s22  }
0xf: {  	s8 =	sadd.s32 s19, s0;
	s1 =	ssub.s32 s1, s20;
	[dreg:$0x8] =	wrdreg s23  }
0x10: {  	s6 =	sadd.s32 s6, s3;
	[dreg:$0x9] =	wrdreg s24;
	s22 =	simm.s32 $0x1800  }
0x11: {  	s23 =	simm.s32 $0x1;
	s24 =	simm.s32 $0x3800;
	s20 =	simm.s32 $0x4  }
0x12: {  	s5 =	simm.s32 $0x5;
	s19 =	simm.s32 $0xD80;
	s17 =	simm.s32 $0xF00  }
0x13: {  	s4 =	sadd.s32 s4, s0;
	s7 =	sshrl.u32 s7, $0x3;
	s8 =	sadd.s32 $0x47600, s8  }
0x14: {  	s25 =	smax.u32 s1, $0x1;
	s26 =	sshrl.u32 s6, $0x3;
	[dreg:$0x4] =	wrdreg s8  }
0x15: {  	s1 =	simm.s32 $0x7800;
	s6 =	simm.s32 $0x780;
	[dreg:$0xb] =	wrdreg s25  }
0x16: {  	s0 =	sadd.s32 s7, s0;
	s4 =	sadd.s32 $0x5B600, s4;
	[dreg:$0xd] =	wrdreg s26  }
0x17: {  	s8 =	sor.u32 $0x1C09, s9;
	s7 =	sshrl.u32 s21, $0x3;
	[dreg:$0x6] =	wrdreg s4  }
0x18: {  	s21 =	simm.s32 $0x80;
	s25 =	simm.s32 $0x2;
	[dreg:$0x5] =	wrdreg s8  }
0x19: {  	s9 =	simm.s32 $0x6;
	s0 =	sadd.s32 $0x1600, s0;
	[dreg:$0xc] =	wrdreg s7  }
0x1a: {  	s26 =	simm.s32 $0xF80;
	s4 =	simm.s32 $0x0;
	[dreg:$0xa] =	wrdreg s0  }
.LBB2_1:
0x1b: {  	[dreg:$0xe] =	wrdreg s4  }
0x1c: {  	s0 =	rddreg [dreg:$0x4]  }
0x1d: {  	[spmem:s7], [sflag:s8] =	dma.local [hbm:s0], $0x1400  }
0x1e: {  	_ =	swait.ge [sflag:s10], $0x1400  }
0x1f: {  	[sflag:s10] =	ssyncset.done $0x0;
	s7 =	rddreg [dreg:$0x6]  }
0x20: {  	s4 =	rddreg [dreg:$0xd];
	[sflag:s10] =	ssyncadd.s32 $0xFFFFEC00  }
0x21: {  	[spmem:s4], [sflag:s8] =	dma.local [hbm:s7], $0x1400  }
0x22: {  	_ =	swait.ge [sflag:s10], $0x1400  }
0x23: {  	[sflag:s10] =	ssyncset.done $0x0  }
0x24: {  	[sflag:s10] =	ssyncadd.s32 $0xFFFFEC00  }
0x25: {  	[bflag:$0x0] =	sbarrier.arrive $0xFFFF  }
0x26: {  	s0 =	simm.s32 $0x0;
	s8 =	rddreg [dreg:$0x7]  }
0x27: {  	[tilespmem:s0], [sflag:$0x9] =	stream.linear.gather [hbm4b:s8+s0], $0x800, $0x38;
	[tilespmem:$0x1D800] =	vst v63  }
0x28: {  	_ =	swait.ge [sflag:s10], $0x800  }
0x29: {  	[sflag:s10] =	ssyncset.done $0x0  }
0x2a: {  	s4 =	rddreg [dreg:$0x8];
	[sflag:s10] =	ssyncadd.s32 $0xFFFFF800  }
0x2b: {  	[tilespmem:s11], [sflag:$0x9] =	stream.linear.gather [hbm4b:s4+s0], $0x800, $0x38;
	[tilespmem:$0x1D800] =	vst v63  }
0x2c: {  	_ =	swait.ge [sflag:s10], $0x800  }
0x2d: {  	[sflag:s10] =	ssyncset.done $0x0  }
0x2e: {  	s4 =	simm.s32 $0x1000;
	s8 =	rddreg [dreg:$0x9];
	[sflag:s10] =	ssyncadd.s32 $0xFFFFF800  }
0x2f: {  	[tilespmem:s4], [sflag:$0x9] =	stream.linear.gather [hbm4b:s8+s0], $0x800, $0x38;
	[tilespmem:$0x1D800] =	vst v63  }
0x30: {  	_ =	swait.ge [sflag:s10], $0x800  }
0x31: {  	[sflag:s10] =	ssyncset.done $0x0  }
0x32: {  	[sflag:s10] =	ssyncadd.s32 $0xFFFFF800  }
0x33: {  	[tilespmem:s22], [sflag:$0x1] =	stream.indirect.gather [spmem:s3], $0x40, s0, s21, $0xb8;
	[tilespmem:$0x1D800] =	vst v63  }
0x34: {  	s4 =	simm.s32 $0xE80;
	s0 =	simm.s32 $0x0  }
.LBB2_2:
0x35: {  	_ =	swait.ge [sflag:s23], $0x2000  }
0x36: {  	[sflag:s23] =	ssyncset.done $0x0  }
0x37: {  	[sflag:s23] =	ssyncadd.s32 $0xFFFFE000  }
0x38: {  	[tilespmem:s24], [sflag:$0x2] =	stream.indirect.gather [spmem:s3], $0x40, s21, s21, $0xb8;
	[tilespmem:$0x1D800] =	vst v63  }
0x39: {  	_ = 	snop  }
0x3a: {  	[spmem:s2] =	stream.indirect.scatter.add.f32 [tilespmem:s22], [sflag:$0x5], $0x40, s11, s21, $0xb8;
	[tilespmem:$0x1D800] =	vst v63  }
0x3b: {  	_ =	swait.ge [sflag:s25], $0x2000  }
0x3c: {  	[sflag:s25] =	ssyncset.done $0x0  }
0x3d: {  	s7 =	simm.s32 $0x100;
	[sflag:s25] =	ssyncadd.s32 $0xFFFFE000  }
0x3e: {  	[tilespmem:s28], [sflag:$0x3] =	stream.indirect.gather [spmem:s3], $0x40, s7, s21, $0xb8;
	[tilespmem:$0x1D800] =	vst v63  }
0x3f: {  	s10 =	simm.s32 $0x880  }
0x40: {  	[spmem:s2] =	stream.indirect.scatter.add.f32 [tilespmem:s24], [sflag:$0x6], $0x40, s10, s21, $0xb8;
	[tilespmem:$0x1D800] =	vst v63  }
0x41: {  	_ =	swait.ge [sflag:s30], $0x2000  }
0x42: {  	[sflag:s30] =	ssyncset.done $0x0  }
0x43: {  	s11 =	simm.s32 $0x180;
	[sflag:s30] =	ssyncadd.s32 $0xFFFFE000  }
0x44: {  	[tilespmem:s1], [sflag:$0x4] =	stream.indirect.gather [spmem:s3], $0x40, s11, s21, $0xb8;
	[tilespmem:$0x1D800] =	vst v63  }
0x45: {  	s8 =	simm.s32 $0x900  }
0x46: {  	[spmem:s2] =	stream.indirect.scatter.add.f32 [tilespmem:s28], [sflag:$0x7], $0x40, s8, s21, $0xb8;
	[tilespmem:$0x1D800] =	vst v63  }
0x47: {  	_ =	swait.ge [sflag:s20], $0x2000  }
0x48: {  	[sflag:s20] =	ssyncset.done $0x0  }
0x49: {  	[sflag:s20] =	ssyncadd.s32 $0xFFFFE000  }
0x4a: {  	_ =	swait.ge [sflag:s5], $0x2000  }
0x4b: {  	[sflag:s5] =	ssyncset.done $0x0  }
0x4c: {  	s10 =	simm.s32 $0x200;
	[sflag:s5] =	ssyncadd.s32 $0xFFFFE000  }
0x4d: {  	[tilespmem:s22], [sflag:$0x1] =	stream.indirect.gather [spmem:s3], $0x40, s10, s21, $0xb8;
	[tilespmem:$0x1D800] =	vst v63  }
0x4e: {  	s11 =	simm.s32 $0x980  }
0x4f: {  	[spmem:s2] =	stream.indirect.scatter.add.f32 [tilespmem:s1], [sflag:$0x8], $0x40, s11, s21, $0xb8;
	[tilespmem:$0x1D800] =	vst v63  }
0x50: {  	_ =	swait.ge [sflag:s23], $0x2000  }
0x51: {  	[sflag:s23] =	ssyncset.done $0x0  }
0x52: {  	[sflag:s23] =	ssyncadd.s32 $0xFFFFE000  }
0x53: {  	_ =	swait.ge [sflag:s9], $0x2000  }
0x54: {  	[sflag:s9] =	ssyncset.done $0x0  }
0x55: {  	s8 =	simm.s32 $0x280;
	[sflag:s9] =	ssyncadd.s32 $0xFFFFE000  }
0x56: {  	[tilespmem:s24], [sflag:$0x2] =	stream.indirect.gather [spmem:s3], $0x40, s8, s21, $0xb8;
	[tilespmem:$0x1D800] =	vst v63  }
0x57: {  	s10 =	simm.s32 $0xA00  }
0x58: {  	[spmem:s2] =	stream.indirect.scatter.add.f32 [tilespmem:s22], [sflag:$0x5], $0x40, s10, s21, $0xb8;
	[tilespmem:$0x1D800] =	vst v63  }
0x59: {  	_ =	swait.ge [sflag:s25], $0x2000  }
0x5a: {  	[sflag:s25] =	ssyncset.done $0x0  }
0x5b: {  	[sflag:s25] =	ssyncadd.s32 $0xFFFFE000  }
0x5c: {  	_ =	swait.ge [sflag:s12], $0x2000  }
0x5d: {  	[sflag:s12] =	ssyncset.done $0x0  }
0x5e: {  	s11 =	simm.s32 $0x300;
	[sflag:s12] =	ssyncadd.s32 $0xFFFFE000  }
0x5f: {  	[tilespmem:s28], [sflag:$0x3] =	stream.indirect.gather [spmem:s3], $0x40, s11, s21, $0xb8;
	[tilespmem:$0x1D800] =	vst v63  }
0x60: {  	s8 =	simm.s32 $0xA80  }
0x61: {  	[spmem:s2] =	stream.indirect.scatter.add.f32 [tilespmem:s24], [sflag:$0x6], $0x40, s8, s21, $0xb8;
	[tilespmem:$0x1D800] =	vst v63  }
0x62: {  	_ =	swait.ge [sflag:s30], $0x2000  }
0x63: {  	[sflag:s30] =	ssyncset.done $0x0  }
0x64: {  	[sflag:s30] =	ssyncadd.s32 $0xFFFFE000  }
0x65: {  	_ =	swait.ge [sflag:s16], $0x2000  }
0x66: {  	[sflag:s16] =	ssyncset.done $0x0  }
0x67: {  	s10 =	simm.s32 $0x380;
	[sflag:s16] =	ssyncadd.s32 $0xFFFFE000  }
0x68: {  	[tilespmem:s1], [sflag:$0x4] =	stream.indirect.gather [spmem:s3], $0x40, s10, s21, $0xb8;
	[tilespmem:$0x1D800] =	vst v63  }
0x69: {  	s11 =	simm.s32 $0xB00  }
0x6a: {  	[spmem:s2] =	stream.indirect.scatter.add.f32 [tilespmem:s28], [sflag:$0x7], $0x40, s11, s21, $0xb8;
	[tilespmem:$0x1D800] =	vst v63  }
0x6b: {  	_ =	swait.ge [sflag:s20], $0x2000  }
0x6c: {  	[sflag:s20] =	ssyncset.done $0x0  }
0x6d: {  	[sflag:s20] =	ssyncadd.s32 $0xFFFFE000  }
0x6e: {  	_ =	swait.ge [sflag:s5], $0x2000  }
0x6f: {  	[sflag:s5] =	ssyncset.done $0x0  }
0x70: {  	s8 =	simm.s32 $0x400;
	[sflag:s5] =	ssyncadd.s32 $0xFFFFE000  }
0x71: {  	[tilespmem:s22], [sflag:$0x1] =	stream.indirect.gather [spmem:s3], $0x40, s8, s21, $0xb8;
	[tilespmem:$0x1D800] =	vst v63  }
0x72: {  	s10 =	simm.s32 $0xB80  }
0x73: {  	[spmem:s2] =	stream.indirect.scatter.add.f32 [tilespmem:s1], [sflag:$0x8], $0x40, s10, s21, $0xb8;
	[tilespmem:$0x1D800] =	vst v63  }
0x74: {  	_ =	swait.ge [sflag:s23], $0x2000  }
0x75: {  	[sflag:s23] =	ssyncset.done $0x0  }
0x76: {  	[sflag:s23] =	ssyncadd.s32 $0xFFFFE000  }
0x77: {  	_ =	swait.ge [sflag:s9], $0x2000  }
0x78: {  	[sflag:s9] =	ssyncset.done $0x0  }
0x79: {  	s11 =	simm.s32 $0x480;
	[sflag:s9] =	ssyncadd.s32 $0xFFFFE000  }
0x7a: {  	[tilespmem:s24], [sflag:$0x2] =	stream.indirect.gather [spmem:s3], $0x40, s11, s21, $0xb8;
	[tilespmem:$0x1D800] =	vst v63  }
0x7b: {  	s8 =	simm.s32 $0xC00  }
0x7c: {  	[spmem:s2] =	stream.indirect.scatter.add.f32 [tilespmem:s22], [sflag:$0x5], $0x40, s8, s21, $0xb8;
	[tilespmem:$0x1D800] =	vst v63  }
0x7d: {  	_ =	swait.ge [sflag:s25], $0x2000  }
0x7e: {  	[sflag:s25] =	ssyncset.done $0x0  }
0x7f: {  	[sflag:s25] =	ssyncadd.s32 $0xFFFFE000  }
0x80: {  	_ =	swait.ge [sflag:s12], $0x2000  }
0x81: {  	[sflag:s12] =	ssyncset.done $0x0  }
0x82: {  	s10 =	simm.s32 $0x500;
	[sflag:s12] =	ssyncadd.s32 $0xFFFFE000  }
0x83: {  	[tilespmem:s28], [sflag:$0x3] =	stream.indirect.gather [spmem:s3], $0x40, s10, s21, $0xb8;
	[tilespmem:$0x1D800] =	vst v63  }
0x84: {  	s11 =	simm.s32 $0xC80  }
0x85: {  	[spmem:s2] =	stream.indirect.scatter.add.f32 [tilespmem:s24], [sflag:$0x6], $0x40, s11, s21, $0xb8;
	[tilespmem:$0x1D800] =	vst v63  }
0x86: {  	_ =	swait.ge [sflag:s30], $0x2000  }
0x87: {  	[sflag:s30] =	ssyncset.done $0x0  }
0x88: {  	[sflag:s30] =	ssyncadd.s32 $0xFFFFE000  }
0x89: {  	_ =	swait.ge [sflag:s16], $0x2000  }
0x8a: {  	[sflag:s16] =	ssyncset.done $0x0  }
0x8b: {  	s8 =	simm.s32 $0x580;
	[sflag:s16] =	ssyncadd.s32 $0xFFFFE000  }
0x8c: {  	[tilespmem:s1], [sflag:$0x4] =	stream.indirect.gather [spmem:s3], $0x40, s8, s21, $0xb8;
	[tilespmem:$0x1D800] =	vst v63  }
0x8d: {  	s10 =	simm.s32 $0xD00  }
0x8e: {  	[spmem:s2] =	stream.indirect.scatter.add.f32 [tilespmem:s28], [sflag:$0x7], $0x40, s10, s21, $0xb8;
	[tilespmem:$0x1D800] =	vst v63  }
0x8f: {  	_ =	swait.ge [sflag:s20], $0x2000  }
0x90: {  	[sflag:s20] =	ssyncset.done $0x0  }
0x91: {  	[sflag:s20] =	ssyncadd.s32 $0xFFFFE000  }
0x92: {  	_ =	swait.ge [sflag:s5], $0x2000  }
0x93: {  	[sflag:s5] =	ssyncset.done $0x0  }
0x94: {  	s11 =	simm.s32 $0x600;
	[sflag:s5] =	ssyncadd.s32 $0xFFFFE000  }
0x95: {  	[tilespmem:s22], [sflag:$0x1] =	stream.indirect.gather [spmem:s3], $0x40, s11, s21, $0xb8;
	[tilespmem:$0x1D800] =	vst v63  }
0x96: {  	_ = 	snop  }
0x97: {  	[spmem:s2] =	stream.indirect.scatter.add.f32 [tilespmem:s1], [sflag:$0x8], $0x40, s19, s21, $0xb8;
	[tilespmem:$0x1D800] =	vst v63  }
0x98: {  	_ =	swait.ge [sflag:s23], $0x2000  }
0x99: {  	[sflag:s23] =	ssyncset.done $0x0  }
0x9a: {  	[sflag:s23] =	ssyncadd.s32 $0xFFFFE000  }
0x9b: {  	_ =	swait.ge [sflag:s9], $0x2000  }
0x9c: {  	[sflag:s9] =	ssyncset.done $0x0  }
0x9d: {  	[sflag:s9] =	ssyncadd.s32 $0xFFFFE000  }
0x9e: {  	[tilespmem:s24], [sflag:$0x2] =	stream.indirect.gather [spmem:s3], $0x40, s29, s21, $0xb8;
	[tilespmem:$0x1D800] =	vst v63  }
0x9f: {  	_ = 	snop  }
0xa0: {  	[spmem:s2] =	stream.indirect.scatter.add.f32 [tilespmem:s22], [sflag:$0x5], $0x40, s31, s21, $0xb8;
	[tilespmem:$0x1D800] =	vst v63  }
0xa1: {  	_ =	swait.ge [sflag:s25], $0x2000  }
0xa2: {  	[sflag:s25] =	ssyncset.done $0x0  }
0xa3: {  	[sflag:s25] =	ssyncadd.s32 $0xFFFFE000  }
0xa4: {  	_ =	swait.ge [sflag:s12], $0x2000  }
0xa5: {  	[sflag:s12] =	ssyncset.done $0x0  }
0xa6: {  	[sflag:s12] =	ssyncadd.s32 $0xFFFFE000  }
0xa7: {  	[tilespmem:s28], [sflag:$0x3] =	stream.indirect.gather [spmem:s3], $0x40, s18, s21, $0xb8;
	[tilespmem:$0x1D800] =	vst v63  }
0xa8: {  	_ = 	snop  }
0xa9: {  	[spmem:s2] =	stream.indirect.scatter.add.f32 [tilespmem:s24], [sflag:$0x6], $0x40, s4, s21, $0xb8;
	[tilespmem:$0x1D800] =	vst v63  }
0xaa: {  	_ =	swait.ge [sflag:s30], $0x2000  }
0xab: {  	[sflag:s30] =	ssyncset.done $0x0  }
0xac: {  	[sflag:s30] =	ssyncadd.s32 $0xFFFFE000  }
0xad: {  	_ =	swait.ge [sflag:s16], $0x2000  }
0xae: {  	[sflag:s16] =	ssyncset.done $0x0  }
0xaf: {  	[sflag:s16] =	ssyncadd.s32 $0xFFFFE000  }
0xb0: {  	[tilespmem:s1], [sflag:$0x4] =	stream.indirect.gather [spmem:s3], $0x40, s6, s21, $0xb8;
	[tilespmem:$0x1D800] =	vst v63  }
0xb1: {  	_ = 	snop  }
0xb2: {  	[spmem:s2] =	stream.indirect.scatter.add.f32 [tilespmem:s28], [sflag:$0x7], $0x40, s17, s21, $0xb8;
	[tilespmem:$0x1D800] =	vst v63  }
0xb3: {  	_ =	swait.ge [sflag:s20], $0x2000  }
0xb4: {  	[sflag:s20] =	ssyncset.done $0x0  }
0xb5: {  	[sflag:s20] =	ssyncadd.s32 $0xFFFFE000  }
0xb6: {  	[spmem:s2] =	stream.indirect.scatter.add.f32 [tilespmem:s1], [sflag:$0x8], $0x40, s26, s21, $0xb8;
	[tilespmem:$0x1D800] =	vst v63  }
0xb7: {  	_ =	swait.ge [sflag:s5], $0x2000  }
0xb8: {  	[sflag:s5] =	ssyncset.done $0x0  }
0xb9: {  	[sflag:s5] =	ssyncadd.s32 $0xFFFFE000  }
0xba: {  	_ =	swait.ge [sflag:s9], $0x2000  }
0xbb: {  	[sflag:s9] =	ssyncset.done $0x0  }
0xbc: {  	[sflag:s9] =	ssyncadd.s32 $0xFFFFE000  }
0xbd: {  	_ =	swait.ge [sflag:s12], $0x2000  }
0xbe: {  	[sflag:s12] =	ssyncset.done $0x0  }
0xbf: {  	[sflag:s12] =	ssyncadd.s32 $0xFFFFE000  }
0xc0: {  	_ =	swait.ge [sflag:s16], $0x2000  }
0xc1: {  	p0 =	seq.s32 s0, $0xF00;
	[sflag:s16] =	ssyncset.done $0x0  }
0xc2: {  	s7 =	sadd.s32 @!p0 s0, s13;
	s8 =	simm.s32 @!p0 $0x0;
	[sflag:s16] =	ssyncadd.s32 $0xFFFFE000  }
0xc3: {  	[tilespmem:s8], [sflag:$0x9] =	stream.linear.gather @!p0 [hbm4b:s7+s8], $0x800, $0x38;
	[tilespmem:$0x1D800] =	vst v63  }
0xc4: {  	s7 =	simm.s32 @!p0 $0x9  }
0xc5: {  	_ =	swait.ge @!p0 [sflag:s7], $0x800  }
0xc6: {  	[sflag:s7] =	ssyncset.done @!p0 $0x0  }
0xc7: {  	s10 =	sadd.s32 @!p0 s0, s14;
	s11 =	simm.s32 @!p0 $0x800;
	[sflag:s7] =	ssyncadd.s32 @!p0 $0xFFFFF800  }
0xc8: {  	[tilespmem:s11], [sflag:$0x9] =	stream.linear.gather @!p0 [hbm4b:s10+s8], $0x800, $0x38;
	[tilespmem:$0x1D800] =	vst v63  }
0xc9: {  	_ =	swait.ge @!p0 [sflag:s7], $0x800  }
0xca: {  	[sflag:s7] =	ssyncset.done @!p0 $0x0  }
0xcb: {  	s10 =	sadd.s32 @!p0 s0, s15;
	s11 =	simm.s32 @!p0 $0x1000;
	[sflag:s7] =	ssyncadd.s32 @!p0 $0xFFFFF800  }
0xcc: {  	[tilespmem:s11], [sflag:$0x9] =	stream.linear.gather @!p0 [hbm4b:s10+s8], $0x800, $0x38;
	[tilespmem:$0x1D800] =	vst v63  }
0xcd: {  	s0 =	sadd.s32 @!p0 $0x100, s0;
	_ =	swait.ge @!p0 [sflag:s7], $0x800  }
0xce: {  	p1 =	sne.s32 @!p0 s0, $0x1000;
	[sflag:s7] =	ssyncset.done @!p0 $0x0  }
0xcf: {  	s10 =	simm.s32 @!p0 $0x1800;
	[sflag:s7] =	ssyncadd.s32 @!p0 $0xFFFFF800;
	s7 =	simm.s32 @!p0 $0x80  }
0xd0: {  	[tilespmem:s10], [sflag:$0x1] =	stream.indirect.gather @!p0 [spmem:s3], $0x40, s8, s7, $0xb8;
	[tilespmem:$0x1D800] =	vst v63  }
0xd1: {  	p0 =	por p0, !p1  }
.Ltmp0:
0xd2: {  	_ = 	snop;
	(pc) =	sbr.rel @!p0 .LBB2_2-.Ltmp0, $2  }
0xd3: {  	_ =	sdelay $0x2  }
0xd4: {  	s11 =	simm.s32 $0x800  }
0xd5: {  	[bflag:$0x0] =	sbarrier.arrive $0xFFFF  }
0xd6: {  	s8 =	rddreg [dreg:$0x5]  }
0xd7: {  	s0 =	rddreg [dreg:$0xa]  }
0xd8: {  	s10 =	simm.s32 $0x9;
	s7 =	rddreg [dreg:$0xc]  }
0xd9: {  	[hbm:s0], [sflag:s8] =	dma.local [spmem:s7], $0x1400  }
0xda: {  	_ =	swait.ge [sflag:s10], $0x1400  }
0xdb: {  	s4 =	rddreg [dreg:$0xe]  }
0xdc: {  	s0 =	rddreg [dreg:$0xb];
	s4 =	sadd.s32 $0x1, s4  }
0xdd: {  	p0 =	sne.s32 s4, s0  }
.Ltmp1:
0xde: {  	_ = 	snop;
	(pc) =	sbr.rel @p0 .LBB2_1-.Ltmp1, $3  }
0xdf: {  	_ =	sdelay $0x1  }
0xe0: {  	[sflag:s10] =	ssyncset.done $0x0  }
0xe1: {  	[sflag:s10] =	ssyncadd.s32 $0xFFFFEC00  }
0xe2: {  	_ =	sfence.sel $0x180000  }
0xe3: {  	[bflag:$0x0] =	sbarrier.arrive $0xFFFF  }
0xe4: {  	_ =	strace $0x9000004D  }
0xe5: {  	s0 =	stileid.u32;
	[bflag:$0x2] =	sbarrier.arrive $0xFFFF  }
0xe6: {  	p0 =	sne.s32 s0, $0x0;
	s0 =	rddreg [dreg:$0x3]  }
0xe7: {  	s0 =	sadd.s32 @!p0 $0x100000, s0  }
0xe8: {  	[sflag:s0] =	ssyncadd.tile.s32 @!p0 $0x1;
	_ =	shalt  }
.Lfunc_end2:
_tile_overlayer_lowered:
.L_overlay_start_2:
0xe9: {  	(tag) =	ssettag $0x2  }
0xea: {  	s0 =	rddreg [dreg:$0x0];
	s2 =	stileid.u32  }
0xeb: {  	s1 =	rddreg [dreg:$0x1];
	p0 =	sne.s32 s2, $0x0  }
0xec: {  	s3 =	rddreg [dreg:$0x2];
	[bflag:$0x3] =	sbarrier.arrive $0xFFFF;
	s2 =	simm.s32 @!p0 $0x1C09  }
0xed: {  	[timem:s3], [sflag:s2] =	dma.local @!p0 [hbm:s0], s1  }
0xee: {  	s0 =	simm.s32 @!p0 $0x9  }
0xef: {  	_ =	swait.ge @!p0 [sflag:s0], s1  }
0xf0: {  	s1 =	ssub.s32 @!p0 $0x0, s1;
	[sflag:s0] =	ssyncset.done @!p0 $0x0  }
0xf1: {  	[sflag:s0] =	ssyncadd.s32 @!p0 s1  }
0xf2: {  	[bflag:$0x3] =	sbarrier.arrive $0xFFFF  }
0xf3: {  	_ =	shalt  }

// kernel: kernel.8.cloned.1.call-start
scs
__scs_entry_jumppad:
0x0: {  	(pc) =	sbr.rel $0x88, $3  }
0x1: {  	(tag) =	ssettag $0x0;
	lr =	simm.s32 $0x1  }
0x2: {  	[smem:$0x3F94] =	sst lr;
	_ =	strace $0xD0000000  }
0x3: {  	_ = 	snop  }
0x4: {  	_ = 	snop  }
0x5: {  	_ = 	snop  }
0x6: {  	_ = 	snop  }
0x7: {  	_ = 	snop  }
__scs_overlays_trampoline_lowered:
0x8: {  	[smem:$0x3FA3] =	sst s0  }
0x9: {  	[smem:$0x3FA4] =	sst s1  }
0xa: {  	[smem:$0x3FA5] =	sst s2  }
0xb: {  	[smem:$0x3FA6] =	sst s3  }
0xc: {  	[smem:$0x3FA7] =	sst s4  }
0xd: {  	[smem:$0x3FA8] =	sst s5  }
0xe: {  	[smem:$0x3FA9] =	sst s6  }
0xf: {  	[smem:$0x3FAA] =	sst s7  }
0x10: {  	[smem:$0x3FAB] =	sst s8  }
0x11: {  	[smem:$0x3FAC] =	sst s9;
	s0 =	simm.s32 @!p0 $0x0  }
0x12: {  	s1 =	sld [smem:$0x3F92];
	s0 =	simm.s32 @p0 $0x1  }
0x13: {  	[smem:$0x3FAD] =	sst s0;
	s0 =	simm.s32 @!p1 $0x0  }
0x14: {  	s2 =	sld [smem:$0x3F91];
	s0 =	simm.s32 @p1 $0x1  }
0x15: {  	[smem:$0x3FAE] =	sst s0;
	s0 =	simm.s32 @!p2 $0x0  }
0x16: {  	s3 =	sld [smem:$0x3FDB];
	s0 =	simm.s32 @p2 $0x1  }
0x17: {  	s4 =	simm.s32 $0x1BF5;
	[smem:$0x3FB0] =	sst s0  }
0x18: {  	s0 =	sld [smem:$0x3F93];
	_ =	swait.ge [sflag:s4], $0x0  }
0x19: {  	s7 =	sld [smem:$0x3F94]  }
0x1a: {  	s8 =	sadd.s32 $0xFFFFE003, lr  }
0x1b: {  	s9 =	sadd.s32 $0xFFFFFEF7, lr;
	s5 =	simm.s32 $0xFFFFFFFF;
	p2 =	slt.u32 s8, $0xFFFFF086  }
0x1c: {  	p1 =	slt.u32 s9, $0xF7A;
	s5 =	simm.s32 @!p2 $0x0  }
0x1d: {  	s5 =	simm.s32 @p1 $0x1;
	p0 =	seq.s32 s7, s2  }
0x1e: {  	s7 =	smul.u32 @!p0 $0xF7A, s2;
	p2 =	seq.s32 @!p0 s5, $0x0  }
0x1f: {  	s9 =	smul.u32 $0xF7A, s1;
	s8 =	simm.s32 @!p0 $0x1BF5;
	p2 =	por !p2, p0  }
0x20: {  	[sflag:s8] =	ssyncset.s32 @!p0 $0xFFFFF086;
	s6 =	sadd.s32 @!p0 s3, s7;
	s7 =	simm.s32 @!p0 $0x108  }
0x21: {  	s3 =	sadd.s32 s3, s9;
	s6 =	sadd.s32 @!p0 $0x88, s6;
	s7 =	simm.s32 @p2 $0x1082  }
0x22: {  	[simem:s7], [sflag:s8] =	dma.local @!p0 [hbm:s6], $0xF7A  }
0x23: {  	s9 =	sor.u32 $0xD0000000, s2;
	s6 =	simm.s32 $0x108;
	_ =	swait.ge @!p0 [sflag:s8], $0x0  }
0x24: {  	s3 =	sadd.s32 $0x88, s3;
	s6 =	simm.s32 @!p1 $0x1082;
	[sflag:s4] =	ssyncset.s32 $0xFFFFF086  }
0x25: {  	[simem:s6], [sflag:s4] =	dma.local [hbm:s3], $0xF7A  }
0x26: {  	[smem:$0x3F94] =	sst s1;
	(tag) =	ssettag s2;
	_ =	strace s9  }
0x27: {  	s1 =	sld [smem:$0x3FA4]  }
0x28: {  	s2 =	sld [smem:$0x3FA5]  }
0x29: {  	s4 =	sld [smem:$0x3FA7]  }
0x2a: {  	p0 =	seq.s32 s5, $0x0;
	s5 =	sld [smem:$0x3FA8]  }
0x2b: {  	s6 =	sld [smem:$0x3FA9]  }
0x2c: {  	s7 =	sld [smem:$0x3FAA]  }
0x2d: {  	s3 =	simm.s32 $0x108;
	s8 =	sld [smem:$0x3FAB]  }
0x2e: {  	s3 =	simm.s32 @!p0 $0x1082;
	s9 =	sld [smem:$0x3FAC]  }
0x2f: {  	lr =	sadd.s32 s0, s3;
	s0 =	sld [smem:$0x3FA3]  }
0x30: {  	s3 =	sld [smem:$0x3FA6]  }
0x31: {  	[smem:$0x3FAF] =	sst s10  }
0x32: {  	s10 =	sld [smem:$0x3FAD];
	_ =	sdelay $0x3  }
0x33: {  	p0 =	seq.s32 s10, $0x1;
	s10 =	sld [smem:$0x3FAF];
	_ =	sdelay $0x3  }
0x34: {  	[smem:$0x3FAF] =	sst s10  }
0x35: {  	s10 =	sld [smem:$0x3FAE];
	_ =	sdelay $0x3  }
0x36: {  	p1 =	seq.s32 s10, $0x1;
	s10 =	sld [smem:$0x3FAF];
	_ =	sdelay $0x3  }
0x37: {  	[smem:$0x3FAF] =	sst s10  }
0x38: {  	s10 =	sld [smem:$0x3FB0]  }
0x39: {  	_ = 	snop;
	(pc) =	sbr.ind lr, $3  }
0x3a: {  	_ = 	snop  }
0x3b: {  	_ = 	snop  }
0x3c: {  	p2 =	seq.s32 s10, $0x1;
	s10 =	sld [smem:$0x3FAF]  }
0x3d: {  	_ =	shalt  }
0x3e: {  	_ =	shalt  }
0x3f: {  	_ =	shalt  }
0x40: {  	_ =	shalt  }
0x41: {  	_ =	shalt  }
0x42: {  	_ =	shalt  }
0x43: {  	_ =	shalt  }
0x44: {  	_ =	shalt  }
0x45: {  	_ =	shalt  }
0x46: {  	_ =	shalt  }
0x47: {  	_ =	shalt  }
0x48: {  	_ =	shalt  }
0x49: {  	_ =	shalt  }
0x4a: {  	_ =	shalt  }
0x4b: {  	_ =	shalt  }
0x4c: {  	_ =	shalt  }
0x4d: {  	_ =	shalt  }
0x4e: {  	_ =	shalt  }
0x4f: {  	_ =	shalt  }
0x50: {  	_ =	shalt  }
0x51: {  	_ =	shalt  }
0x52: {  	_ =	shalt  }
0x53: {  	_ =	shalt  }
0x54: {  	_ =	shalt  }
0x55: {  	_ =	shalt  }
0x56: {  	_ =	shalt  }
0x57: {  	_ =	shalt  }
0x58: {  	_ =	shalt  }
0x59: {  	_ =	shalt  }
0x5a: {  	_ =	shalt  }
0x5b: {  	_ =	shalt  }
0x5c: {  	_ =	shalt  }
0x5d: {  	_ =	shalt  }
0x5e: {  	_ =	shalt  }
0x5f: {  	_ =	shalt  }
0x60: {  	_ =	shalt  }
0x61: {  	_ =	shalt  }
0x62: {  	_ =	shalt  }
0x63: {  	_ =	shalt  }
0x64: {  	_ =	shalt  }
0x65: {  	_ =	shalt  }
0x66: {  	_ =	shalt  }
0x67: {  	_ =	shalt  }
0x68: {  	_ =	shalt  }
0x69: {  	_ =	shalt  }
0x6a: {  	_ =	shalt  }
0x6b: {  	_ =	shalt  }
0x6c: {  	_ =	shalt  }
0x6d: {  	_ =	shalt  }
0x6e: {  	_ =	shalt  }
0x6f: {  	_ =	shalt  }
0x70: {  	_ =	shalt  }
0x71: {  	_ =	shalt  }
0x72: {  	_ =	shalt  }
0x73: {  	_ =	shalt  }
0x74: {  	_ =	shalt  }
0x75: {  	_ =	shalt  }
0x76: {  	_ =	shalt  }
0x77: {  	_ =	shalt  }
0x78: {  	_ =	shalt  }
0x79: {  	_ =	shalt  }
0x7a: {  	_ =	shalt  }
0x7b: {  	_ =	shalt  }
0x7c: {  	_ =	shalt  }
0x7d: {  	_ =	shalt  }
0x7e: {  	_ =	shalt  }
0x7f: {  	_ =	shalt  }
0x80: {  	_ =	shalt  }
0x81: {  	_ =	shalt  }
0x82: {  	_ =	shalt  }
0x83: {  	_ =	shalt  }
0x84: {  	_ =	shalt  }
0x85: {  	_ =	shalt  }
0x86: {  	_ =	shalt  }
0x87: {  	_ =	shalt  }
.Lfunc_end0:
.L_simem_size_0:
called_computation_lowered:
.L_overlay_start_0:
0x88: {  	s2 =	sld [smem:$0x3FD9]  }
0x89: {  	s3 =	sld [smem:$0x3FFE];
	_ =	sdelay $0x1  }
0x8a: {  	s1 =	srdreg.scid  }
0x8b: {  	s0 =	sand.u32 $0x1, s1  }
0x8c: {  	s16 =	sshll.u32 s0, $0xA;
	s2 =	sadd.s32 s3, s2  }
0x8d: {  	s2 =	sadd.s32 s2, s16  }
0x8e: {  	[smem:$0x3FBB] =	sst s2  }
0x8f: {  	_ = 	snop  }
0x90: {  	(tm) =	ssettm $0x1  }
0x91: {  	s17 =	sld [smem:$0x3FFB];
	_ =	sdelay $0x3  }
0x92: {  	_ =	strace s17  }
0x93: {  	s2 =	sld [smem:$0x3FFC];
	_ =	sdelay $0x3  }
0x94: {  	_ =	strace s2  }
0x95: {  	s2 =	sld [smem:$0x3FFD];
	_ =	sdelay $0x3  }
0x96: {  	_ =	strace s2  }
0x97: {  	_ =	strace $0x8FFFFFFF  }
0x98: {  	s18 =	sld [smem:$0x3FDB];
	_ =	sdelay $0x1  }
0x99: {  	s19 =	simm.s32 $_scs_section_size  }
0x9a: {  	s4 =	simm.s32 $_size__tile_overlayer_lowered;
	s5 =	simm.s32 $_tile_overlayer_lowered  }
0x9b: {  	s22 =	simm.s32 $0x1BFF;
	s21 =	sshll.u32 s5, $0x1;
	s2 =	sadd.s32 s19, s18  }
0x9c: {  	s6 =	simm.s32 $0x0;
	s20 =	sshll.u32 s4, $0x1;
	s4 =	sadd.s32 s21, s2  }
0x9d: {  	[timem:s6], [sflag:s22] =	dma.local [hbm:s4], s20  }
0x9e: {  	_ =	swait.ge [sflag:s22], s20  }
0x9f: {  	s3 =	ssub.s32 $0x0, s20;
	[sflag:s22] =	ssyncset.done $0x0  }
0xa0: {  	[sflag:s22] =	ssyncadd.s32 s3;
	_ =	sdelay $0x1  }
0xa1: {  	s23 =	simm.s32 $0x1B8B  }
0xa2: {  	_ =	swait.ge [sflag:s23], $0x1  }
0xa3: {  	[sflag:s23] =	ssyncset.done $0x0  }
0xa4: {  	s25 =	simm.s32 $0x1B8E;
	s24 =	sld [smem:$0x3FFE];
	[sflag:s23] =	ssyncadd.s32 $0xFFFFFFFF  }
0xa5: {  	s26 =	simm.s32 $execute0_lowered;
	[smem:$0x3FD2] =	sst s25  }
0xa6: {  	s4 =	sshll.u32 s26, $0x1;
	_ =	strace $0x80000046;
	[dreg:$0x1] =	wrdreg $0xFFFFFFFF  }
0xa7: {  	s28 =	simm.s32 $_size_execute0_lowered;
	s2 =	sadd.s32 s2, s4;
	[dreg:$0x0] =	wrdreg $0x0  }
0xa8: {  	s4 =	sshll.u32 s28, $0x1;
	[dreg:$0x2] =	wrdreg s2  }
0xa9: {  	[dreg:$0x3] =	wrdreg s4  }
0xaa: {  	[dreg:$0x4] =	wrdreg $0xC0  }
0xab: {  	_ =	task [dreg:s6], $0x5FFFF  }
0xac: {  	[dreg:$0x1] =	wrdreg $0xFFFFFFFF  }
0xad: {  	[dreg:$0x0] =	wrdreg $0x60  }
0xae: {  	[dreg:$0x2] =	wrdreg s24  }
0xaf: {  	[dreg:$0x3] =	wrdreg $0x138000  }
0xb0: {  	[dreg:$0x4] =	wrdreg $0x98000  }
0xb1: {  	[dreg:$0x5] =	wrdreg $0x9  }
0xb2: {  	_ =	task.clear_ibuf [dreg:s6], $0x6FFFF;
	_ =	strace $0x90000046  }
0xb3: {  	s29 =	simm.s32 $0x9;
	_ =	strace $0x80000048  }
0xb4: {  	_ =	swait.ge [sflag:s29], $0x1  }
0xb5: {  	[sflag:s29] =	ssyncadd.s32 $0xFFFFFFFF  }
0xb6: {  	_ =	strace $0x90000048  }
0xb7: {  	_ =	sfence  }
0xb8: {  	s30 =	sld [smem:$0x0];
	_ =	sdelay $0x2  }
0xb9: {  	s31 =	sshll.u32 s1, $0xD;
	s1 =	sshrl.u32 s1, $0x2  }
0xba: {  	s3 =	sand.u32 $0x4000, s31;
	s1 =	sadd.s32 s1, s30  }
0xbb: {  	s0 =	sor.u32 s3, s0;
	s1 =	sshll.u32 s1, $0x11  }
0xbc: {  	s0 =	sor.u32 s1, s0  }
0xbd: {  	s0 =	sadd.s32 $0x8F2B, s0  }
0xbe: {  	[sflag:s0] =	ssyncadd.remote.s32 $0x1  }
0xbf: {  	_ =	sfence.sel $0xFFFF  }
0xc0: {  	[dreg:$0x0] =	wrdreg $0xFFFFFFFF;
	(pc) =	sbr.abs _section_cstart, $3  }
0xc1: {  	[dreg:$0x1] =	wrdreg $0xFFFFFFFF  }
0xc2: {  	_ =	task.clear_ibuf [dreg:s6], $0x2FFFF;
	_ =	strace $0x9FFFFFFF  }
0xc3: {  	(tm) =	ssettm $0x7FFFFFFF  }
tec
execute0_lowered:
.L_overlay_start_1:
0x0: {  	(tag) =	ssettag $0x1  }
0x1: {  	s9 =	stileid.u32;
	s1 =	rddreg [dreg:$0x0]  }
0x2: {  	s0 =	srdreg.scid;
	s2 =	rddreg [dreg:$0x1]  }
0x3: {  	s3 =	rddreg [dreg:$0x2];
	s8 =	simm.s32 $0x0;
	s11 =	simm.s32 $0x9  }
0x4: {  	s28 =	simm.s32 $0x5800;
	s30 =	simm.s32 $0x3;
	s4 =	smul.u32 $0xA00, s9  }
0x5: {  	s12 =	simm.s32 $0x7;
	s16 =	simm.s32 $0x8;
	s6 =	smul.u32 $0x1400, s9  }
0x6: {  	s29 =	simm.s32 $0xD80;
	s0 =	sand.u32 $0x1, s0;
	s7 =	smul.u32 $0xA000, s9  }
0x7: {  	s31 =	simm.s32 $0x680;
	s17 =	simm.s32 $0x780;
	s5 =	smul.u32 $0x14000, s0  }
0x8: {  	[smem:$0x7FF] =	sst s8;
	s9 =	sshll.u32 s9, $0x6;
	s18 =	smul.u32 $0xA0000, s0  }
0x9: {  	_ =	strace $0x80000047;
	s0 =	ssub.s32 $0x2, s0;
	s4 =	sadd.s32 s4, s1  }
0xa: {  	s20 =	sshrl.u32 s7, $0x3;
	s21 =	sshrl.u32 s0, $0x1;
	s22 =	sadd.s32 s7, s2  }
0xb: {  	s5 =	sadd.s32 s6, s5;
	s19 =	sadd.s32 s7, s18;
	s8 =	sadd.s32 s20, s1  }
0xc: {  	s0 =	ssub.s32 s0, s21;
	s7 =	sadd.s32 s7, s3;
	s23 =	sadd.s32 $0x29600, s4  }
0xd: {  	s24 =	sadd.s32 $0x33600, s4;
	s25 =	sadd.s32 $0x3D600, s4;
	s13 =	sadd.s32 $0x3D700, s4  }
0xe: {  	s14 =	sadd.s32 $0x33700, s4;
	s15 =	sadd.s32 $0x29700, s4;
	s10 =	sshrl.u32 s22, $0x3  }
0xf: {  	s21 =	simm.s32 $0x80;
	s22 =	simm.s32 $0x1800;
	s20 =	simm.s32 $0x4  }
0x10: {  	s4 =	simm.s32 $0x0;
	s18 =	simm.s32 $0xE00;
	[dreg:$0x7] =	wrdreg s23  }
0x11: {  	s5 =	sadd.s32 s5, s1;
	s6 =	sshrl.u32 s19, $0x3;
	[dreg:$0x8] =	wrdreg s24  }
0x12: {  	s8 =	sadd.s32 $0x47600, s8;
	[dreg:$0x9] =	wrdreg s25;
	s0 =	smax.u32 s0, $0x1  }
0x13: {  	s26 =	sshrl.u32 s7, $0x3;
	s23 =	simm.s32 $0x1;
	[dreg:$0xc] =	wrdreg s10  }
0x14: {  	s24 =	simm.s32 $0x3800;
	s25 =	simm.s32 $0x2;
	[dreg:$0x4] =	wrdreg s8  }
0x15: {  	s19 =	simm.s32 $0xF80;
	s1 =	sadd.s32 s6, s1;
	[dreg:$0xb] =	wrdreg s0  }
0x16: {  	s8 =	sor.u32 $0x1C09, s9;
	s5 =	sadd.s32 $0x1600, s5;
	[dreg:$0xd] =	wrdreg s26  }
0x17: {  	s9 =	simm.s32 $0x6;
	s6 =	simm.s32 $0xE80;
	[dreg:$0x6] =	wrdreg s5  }
0x18: {  	s26 =	simm.s32 $0xF00;
	s1 =	sadd.s32 $0x5B600, s1;
	[dreg:$0x5] =	wrdreg s8  }
0x19: {  	s5 =	simm.s32 $0x5;
	[dreg:$0xa] =	wrdreg s1;
	s1 =	simm.s32 $0x7800  }
.LBB2_1:
0x1a: {  	[dreg:$0xe] =	wrdreg s4  }
0x1b: {  	s0 =	rddreg [dreg:$0x4]  }
0x1c: {  	[spmem:s10], [sflag:s8] =	dma.local [hbm:s0], $0x1400  }
0x1d: {  	_ =	swait.ge [sflag:s11], $0x1400  }
0x1e: {  	[sflag:s11] =	ssyncset.done $0x0;
	s10 =	rddreg [dreg:$0x6]  }
0x1f: {  	s7 =	rddreg [dreg:$0xd];
	[sflag:s11] =	ssyncadd.s32 $0xFFFFEC00  }
0x20: {  	[spmem:s7], [sflag:s8] =	dma.local [hbm:s10], $0x1400  }
0x21: {  	_ =	swait.ge [sflag:s11], $0x1400  }
0x22: {  	[sflag:s11] =	ssyncset.done $0x0  }
0x23: {  	[sflag:s11] =	ssyncadd.s32 $0xFFFFEC00  }
0x24: {  	[bflag:$0x0] =	sbarrier.arrive $0xFFFF  }
0x25: {  	s0 =	simm.s32 $0x0;
	s4 =	rddreg [dreg:$0x7]  }
0x26: {  	[tilespmem:s0], [sflag:$0x9] =	stream.linear.gather [hbm4b:s4+s0], $0x800, $0x38;
	[tilespmem:$0x1D800] =	vst v63  }
0x27: {  	_ =	swait.ge [sflag:s11], $0x800  }
0x28: {  	[sflag:s11] =	ssyncset.done $0x0  }
0x29: {  	s10 =	simm.s32 $0x800;
	s8 =	rddreg [dreg:$0x8];
	[sflag:s11] =	ssyncadd.s32 $0xFFFFF800  }
0x2a: {  	[tilespmem:s10], [sflag:$0x9] =	stream.linear.gather [hbm4b:s8+s0], $0x800, $0x38;
	[tilespmem:$0x1D800] =	vst v63  }
0x2b: {  	_ =	swait.ge [sflag:s11], $0x800  }
0x2c: {  	[sflag:s11] =	ssyncset.done $0x0  }
0x2d: {  	s10 =	simm.s32 $0x1000;
	s8 =	rddreg [dreg:$0x9];
	[sflag:s11] =	ssyncadd.s32 $0xFFFFF800  }
0x2e: {  	[tilespmem:s10], [sflag:$0x9] =	stream.linear.gather [hbm4b:s8+s0], $0x800, $0x38;
	[tilespmem:$0x1D800] =	vst v63  }
0x2f: {  	_ =	swait.ge [sflag:s11], $0x800  }
0x30: {  	[sflag:s11] =	ssyncset.done $0x0  }
0x31: {  	[sflag:s11] =	ssyncadd.s32 $0xFFFFF800  }
0x32: {  	[tilespmem:s22], [sflag:$0x1] =	stream.indirect.gather [spmem:s3], $0x40, s0, s21, $0xb8;
	[tilespmem:$0x1D800] =	vst v63  }
0x33: {  	s4 =	simm.s32 $0x700;
	s0 =	simm.s32 $0x0  }
.LBB2_2:
0x34: {  	_ =	swait.ge [sflag:s23], $0x2000  }
0x35: {  	[sflag:s23] =	ssyncset.done $0x0  }
0x36: {  	[sflag:s23] =	ssyncadd.s32 $0xFFFFE000  }
0x37: {  	[tilespmem:s24], [sflag:$0x2] =	stream.indirect.gather [spmem:s3], $0x40, s21, s21, $0xb8;
	[tilespmem:$0x1D800] =	vst v63  }
0x38: {  	s7 =	simm.s32 $0x800  }
0x39: {  	[spmem:s2] =	stream.indirect.scatter.add.f32 [tilespmem:s22], [sflag:$0x5], $0x40, s7, s21, $0xb8;
	[tilespmem:$0x1D800] =	vst v63  }
0x3a: {  	_ =	swait.ge [sflag:s25], $0x2000  }
0x3b: {  	[sflag:s25] =	ssyncset.done $0x0  }
0x3c: {  	s8 =	simm.s32 $0x100;
	[sflag:s25] =	ssyncadd.s32 $0xFFFFE000  }
0x3d: {  	[tilespmem:s28], [sflag:$0x3] =	stream.indirect.gather [spmem:s3], $0x40, s8, s21, $0xb8;
	[tilespmem:$0x1D800] =	vst v63  }
0x3e: {  	s10 =	simm.s32 $0x880  }
0x3f: {  	[spmem:s2] =	stream.indirect.scatter.add.f32 [tilespmem:s24], [sflag:$0x6], $0x40, s10, s21, $0xb8;
	[tilespmem:$0x1D800] =	vst v63  }
0x40: {  	_ =	swait.ge [sflag:s30], $0x2000  }
0x41: {  	[sflag:s30] =	ssyncset.done $0x0  }
0x42: {  	s11 =	simm.s32 $0x180;
	[sflag:s30] =	ssyncadd.s32 $0xFFFFE000  }
0x43: {  	[tilespmem:s1], [sflag:$0x4] =	stream.indirect.gather [spmem:s3], $0x40, s11, s21, $0xb8;
	[tilespmem:$0x1D800] =	vst v63  }
0x44: {  	s8 =	simm.s32 $0x900  }
0x45: {  	[spmem:s2] =	stream.indirect.scatter.add.f32 [tilespmem:s28], [sflag:$0x7], $0x40, s8, s21, $0xb8;
	[tilespmem:$0x1D800] =	vst v63  }
0x46: {  	_ =	swait.ge [sflag:s20], $0x2000  }
0x47: {  	[sflag:s20] =	ssyncset.done $0x0  }
0x48: {  	[sflag:s20] =	ssyncadd.s32 $0xFFFFE000  }
0x49: {  	_ =	swait.ge [sflag:s5], $0x2000  }
0x4a: {  	[sflag:s5] =	ssyncset.done $0x0  }
0x4b: {  	s10 =	simm.s32 $0x200;
	[sflag:s5] =	ssyncadd.s32 $0xFFFFE000  }
0x4c: {  	[tilespmem:s22], [sflag:$0x1] =	stream.indirect.gather [spmem:s3], $0x40, s10, s21, $0xb8;
	[tilespmem:$0x1D800] =	vst v63  }
0x4d: {  	s11 =	simm.s32 $0x980  }
0x4e: {  	[spmem:s2] =	stream.indirect.scatter.add.f32 [tilespmem:s1], [sflag:$0x8], $0x40, s11, s21, $0xb8;
	[tilespmem:$0x1D800] =	vst v63  }
0x4f: {  	_ =	swait.ge [sflag:s23], $0x2000  }
0x50: {  	[sflag:s23] =	ssyncset.done $0x0  }
0x51: {  	[sflag:s23] =	ssyncadd.s32 $0xFFFFE000  }
0x52: {  	_ =	swait.ge [sflag:s9], $0x2000  }
0x53: {  	[sflag:s9] =	ssyncset.done $0x0  }
0x54: {  	s8 =	simm.s32 $0x280;
	[sflag:s9] =	ssyncadd.s32 $0xFFFFE000  }
0x55: {  	[tilespmem:s24], [sflag:$0x2] =	stream.indirect.gather [spmem:s3], $0x40, s8, s21, $0xb8;
	[tilespmem:$0x1D800] =	vst v63  }
0x56: {  	s10 =	simm.s32 $0xA00  }
0x57: {  	[spmem:s2] =	stream.indirect.scatter.add.f32 [tilespmem:s22], [sflag:$0x5], $0x40, s10, s21, $0xb8;
	[tilespmem:$0x1D800] =	vst v63  }
0x58: {  	_ =	swait.ge [sflag:s25], $0x2000  }
0x59: {  	[sflag:s25] =	ssyncset.done $0x0  }
0x5a: {  	[sflag:s25] =	ssyncadd.s32 $0xFFFFE000  }
0x5b: {  	_ =	swait.ge [sflag:s12], $0x2000  }
0x5c: {  	[sflag:s12] =	ssyncset.done $0x0  }
0x5d: {  	s11 =	simm.s32 $0x300;
	[sflag:s12] =	ssyncadd.s32 $0xFFFFE000  }
0x5e: {  	[tilespmem:s28], [sflag:$0x3] =	stream.indirect.gather [spmem:s3], $0x40, s11, s21, $0xb8;
	[tilespmem:$0x1D800] =	vst v63  }
0x5f: {  	s8 =	simm.s32 $0xA80  }
0x60: {  	[spmem:s2] =	stream.indirect.scatter.add.f32 [tilespmem:s24], [sflag:$0x6], $0x40, s8, s21, $0xb8;
	[tilespmem:$0x1D800] =	vst v63  }
0x61: {  	_ =	swait.ge [sflag:s30], $0x2000  }
0x62: {  	[sflag:s30] =	ssyncset.done $0x0  }
0x63: {  	[sflag:s30] =	ssyncadd.s32 $0xFFFFE000  }
0x64: {  	_ =	swait.ge [sflag:s16], $0x2000  }
0x65: {  	[sflag:s16] =	ssyncset.done $0x0  }
0x66: {  	s10 =	simm.s32 $0x380;
	[sflag:s16] =	ssyncadd.s32 $0xFFFFE000  }
0x67: {  	[tilespmem:s1], [sflag:$0x4] =	stream.indirect.gather [spmem:s3], $0x40, s10, s21, $0xb8;
	[tilespmem:$0x1D800] =	vst v63  }
0x68: {  	s11 =	simm.s32 $0xB00  }
0x69: {  	[spmem:s2] =	stream.indirect.scatter.add.f32 [tilespmem:s28], [sflag:$0x7], $0x40, s11, s21, $0xb8;
	[tilespmem:$0x1D800] =	vst v63  }
0x6a: {  	_ =	swait.ge [sflag:s20], $0x2000  }
0x6b: {  	[sflag:s20] =	ssyncset.done $0x0  }
0x6c: {  	[sflag:s20] =	ssyncadd.s32 $0xFFFFE000  }
0x6d: {  	_ =	swait.ge [sflag:s5], $0x2000  }
0x6e: {  	[sflag:s5] =	ssyncset.done $0x0  }
0x6f: {  	s8 =	simm.s32 $0x400;
	[sflag:s5] =	ssyncadd.s32 $0xFFFFE000  }
0x70: {  	[tilespmem:s22], [sflag:$0x1] =	stream.indirect.gather [spmem:s3], $0x40, s8, s21, $0xb8;
	[tilespmem:$0x1D800] =	vst v63  }
0x71: {  	s10 =	simm.s32 $0xB80  }
0x72: {  	[spmem:s2] =	stream.indirect.scatter.add.f32 [tilespmem:s1], [sflag:$0x8], $0x40, s10, s21, $0xb8;
	[tilespmem:$0x1D800] =	vst v63  }
0x73: {  	_ =	swait.ge [sflag:s23], $0x2000  }
0x74: {  	[sflag:s23] =	ssyncset.done $0x0  }
0x75: {  	[sflag:s23] =	ssyncadd.s32 $0xFFFFE000  }
0x76: {  	_ =	swait.ge [sflag:s9], $0x2000  }
0x77: {  	[sflag:s9] =	ssyncset.done $0x0  }
0x78: {  	s11 =	simm.s32 $0x480;
	[sflag:s9] =	ssyncadd.s32 $0xFFFFE000  }
0x79: {  	[tilespmem:s24], [sflag:$0x2] =	stream.indirect.gather [spmem:s3], $0x40, s11, s21, $0xb8;
	[tilespmem:$0x1D800] =	vst v63  }
0x7a: {  	s8 =	simm.s32 $0xC00  }
0x7b: {  	[spmem:s2] =	stream.indirect.scatter.add.f32 [tilespmem:s22], [sflag:$0x5], $0x40, s8, s21, $0xb8;
	[tilespmem:$0x1D800] =	vst v63  }
0x7c: {  	_ =	swait.ge [sflag:s25], $0x2000  }
0x7d: {  	[sflag:s25] =	ssyncset.done $0x0  }
0x7e: {  	[sflag:s25] =	ssyncadd.s32 $0xFFFFE000  }
0x7f: {  	_ =	swait.ge [sflag:s12], $0x2000  }
0x80: {  	[sflag:s12] =	ssyncset.done $0x0  }
0x81: {  	s10 =	simm.s32 $0x500;
	[sflag:s12] =	ssyncadd.s32 $0xFFFFE000  }
0x82: {  	[tilespmem:s28], [sflag:$0x3] =	stream.indirect.gather [spmem:s3], $0x40, s10, s21, $0xb8;
	[tilespmem:$0x1D800] =	vst v63  }
0x83: {  	s11 =	simm.s32 $0xC80  }
0x84: {  	[spmem:s2] =	stream.indirect.scatter.add.f32 [tilespmem:s24], [sflag:$0x6], $0x40, s11, s21, $0xb8;
	[tilespmem:$0x1D800] =	vst v63  }
0x85: {  	_ =	swait.ge [sflag:s30], $0x2000  }
0x86: {  	[sflag:s30] =	ssyncset.done $0x0  }
0x87: {  	[sflag:s30] =	ssyncadd.s32 $0xFFFFE000  }
0x88: {  	_ =	swait.ge [sflag:s16], $0x2000  }
0x89: {  	[sflag:s16] =	ssyncset.done $0x0  }
0x8a: {  	s8 =	simm.s32 $0x580;
	[sflag:s16] =	ssyncadd.s32 $0xFFFFE000  }
0x8b: {  	[tilespmem:s1], [sflag:$0x4] =	stream.indirect.gather [spmem:s3], $0x40, s8, s21, $0xb8;
	[tilespmem:$0x1D800] =	vst v63  }
0x8c: {  	s10 =	simm.s32 $0xD00  }
0x8d: {  	[spmem:s2] =	stream.indirect.scatter.add.f32 [tilespmem:s28], [sflag:$0x7], $0x40, s10, s21, $0xb8;
	[tilespmem:$0x1D800] =	vst v63  }
0x8e: {  	_ =	swait.ge [sflag:s20], $0x2000  }
0x8f: {  	[sflag:s20] =	ssyncset.done $0x0  }
0x90: {  	[sflag:s20] =	ssyncadd.s32 $0xFFFFE000  }
0x91: {  	_ =	swait.ge [sflag:s5], $0x2000  }
0x92: {  	[sflag:s5] =	ssyncset.done $0x0  }
0x93: {  	s11 =	simm.s32 $0x600;
	[sflag:s5] =	ssyncadd.s32 $0xFFFFE000  }
0x94: {  	[tilespmem:s22], [sflag:$0x1] =	stream.indirect.gather [spmem:s3], $0x40, s11, s21, $0xb8;
	[tilespmem:$0x1D800] =	vst v63  }
0x95: {  	_ = 	snop  }
0x96: {  	[spmem:s2] =	stream.indirect.scatter.add.f32 [tilespmem:s1], [sflag:$0x8], $0x40, s29, s21, $0xb8;
	[tilespmem:$0x1D800] =	vst v63  }
0x97: {  	_ =	swait.ge [sflag:s23], $0x2000  }
0x98: {  	[sflag:s23] =	ssyncset.done $0x0  }
0x99: {  	[sflag:s23] =	ssyncadd.s32 $0xFFFFE000  }
0x9a: {  	_ =	swait.ge [sflag:s9], $0x2000  }
0x9b: {  	[sflag:s9] =	ssyncset.done $0x0  }
0x9c: {  	[sflag:s9] =	ssyncadd.s32 $0xFFFFE000  }
0x9d: {  	[tilespmem:s24], [sflag:$0x2] =	stream.indirect.gather [spmem:s3], $0x40, s31, s21, $0xb8;
	[tilespmem:$0x1D800] =	vst v63  }
0x9e: {  	_ = 	snop  }
0x9f: {  	[spmem:s2] =	stream.indirect.scatter.add.f32 [tilespmem:s22], [sflag:$0x5], $0x40, s18, s21, $0xb8;
	[tilespmem:$0x1D800] =	vst v63  }
0xa0: {  	_ =	swait.ge [sflag:s25], $0x2000  }
0xa1: {  	[sflag:s25] =	ssyncset.done $0x0  }
0xa2: {  	[sflag:s25] =	ssyncadd.s32 $0xFFFFE000  }
0xa3: {  	_ =	swait.ge [sflag:s12], $0x2000  }
0xa4: {  	[sflag:s12] =	ssyncset.done $0x0  }
0xa5: {  	[sflag:s12] =	ssyncadd.s32 $0xFFFFE000  }
0xa6: {  	[tilespmem:s28], [sflag:$0x3] =	stream.indirect.gather [spmem:s3], $0x40, s4, s21, $0xb8;
	[tilespmem:$0x1D800] =	vst v63  }
0xa7: {  	_ = 	snop  }
0xa8: {  	[spmem:s2] =	stream.indirect.scatter.add.f32 [tilespmem:s24], [sflag:$0x6], $0x40, s6, s21, $0xb8;
	[tilespmem:$0x1D800] =	vst v63  }
0xa9: {  	_ =	swait.ge [sflag:s30], $0x2000  }
0xaa: {  	[sflag:s30] =	ssyncset.done $0x0  }
0xab: {  	[sflag:s30] =	ssyncadd.s32 $0xFFFFE000  }
0xac: {  	_ =	swait.ge [sflag:s16], $0x2000  }
0xad: {  	[sflag:s16] =	ssyncset.done $0x0  }
0xae: {  	[sflag:s16] =	ssyncadd.s32 $0xFFFFE000  }
0xaf: {  	[tilespmem:s1], [sflag:$0x4] =	stream.indirect.gather [spmem:s3], $0x40, s17, s21, $0xb8;
	[tilespmem:$0x1D800] =	vst v63  }
0xb0: {  	_ = 	snop  }
0xb1: {  	[spmem:s2] =	stream.indirect.scatter.add.f32 [tilespmem:s28], [sflag:$0x7], $0x40, s26, s21, $0xb8;
	[tilespmem:$0x1D800] =	vst v63  }
0xb2: {  	_ =	swait.ge [sflag:s20], $0x2000  }
0xb3: {  	[sflag:s20] =	ssyncset.done $0x0  }
0xb4: {  	[sflag:s20] =	ssyncadd.s32 $0xFFFFE000  }
0xb5: {  	[spmem:s2] =	stream.indirect.scatter.add.f32 [tilespmem:s1], [sflag:$0x8], $0x40, s19, s21, $0xb8;
	[tilespmem:$0x1D800] =	vst v63  }
0xb6: {  	_ =	swait.ge [sflag:s5], $0x2000  }
0xb7: {  	[sflag:s5] =	ssyncset.done $0x0  }
0xb8: {  	[sflag:s5] =	ssyncadd.s32 $0xFFFFE000  }
0xb9: {  	_ =	swait.ge [sflag:s9], $0x2000  }
0xba: {  	[sflag:s9] =	ssyncset.done $0x0  }
0xbb: {  	[sflag:s9] =	ssyncadd.s32 $0xFFFFE000  }
0xbc: {  	_ =	swait.ge [sflag:s12], $0x2000  }
0xbd: {  	[sflag:s12] =	ssyncset.done $0x0  }
0xbe: {  	[sflag:s12] =	ssyncadd.s32 $0xFFFFE000  }
0xbf: {  	_ =	swait.ge [sflag:s16], $0x2000  }
0xc0: {  	p0 =	seq.s32 s0, $0x900;
	[sflag:s16] =	ssyncset.done $0x0  }
0xc1: {  	s7 =	sadd.s32 @!p0 s0, s15;
	s8 =	simm.s32 @!p0 $0x0;
	[sflag:s16] =	ssyncadd.s32 $0xFFFFE000  }
0xc2: {  	[tilespmem:s8], [sflag:$0x9] =	stream.linear.gather @!p0 [hbm4b:s7+s8], $0x800, $0x38;
	[tilespmem:$0x1D800] =	vst v63  }
0xc3: {  	s7 =	simm.s32 @!p0 $0x9  }
0xc4: {  	_ =	swait.ge @!p0 [sflag:s7], $0x800  }
0xc5: {  	[sflag:s7] =	ssyncset.done @!p0 $0x0  }
0xc6: {  	s10 =	sadd.s32 @!p0 s0, s14;
	s11 =	simm.s32 @!p0 $0x800;
	[sflag:s7] =	ssyncadd.s32 @!p0 $0xFFFFF800  }
0xc7: {  	[tilespmem:s11], [sflag:$0x9] =	stream.linear.gather @!p0 [hbm4b:s10+s8], $0x800, $0x38;
	[tilespmem:$0x1D800] =	vst v63  }
0xc8: {  	_ =	swait.ge @!p0 [sflag:s7], $0x800  }
0xc9: {  	[sflag:s7] =	ssyncset.done @!p0 $0x0  }
0xca: {  	s10 =	sadd.s32 @!p0 s0, s13;
	s11 =	simm.s32 @!p0 $0x1000;
	[sflag:s7] =	ssyncadd.s32 @!p0 $0xFFFFF800  }
0xcb: {  	[tilespmem:s11], [sflag:$0x9] =	stream.linear.gather @!p0 [hbm4b:s10+s8], $0x800, $0x38;
	[tilespmem:$0x1D800] =	vst v63  }
0xcc: {  	s0 =	sadd.s32 @!p0 $0x100, s0;
	_ =	swait.ge @!p0 [sflag:s7], $0x800  }
0xcd: {  	p1 =	sne.s32 @!p0 s0, $0xA00;
	[sflag:s7] =	ssyncset.done @!p0 $0x0  }
0xce: {  	s10 =	simm.s32 @!p0 $0x1800;
	[sflag:s7] =	ssyncadd.s32 @!p0 $0xFFFFF800;
	s7 =	simm.s32 @!p0 $0x80  }
0xcf: {  	[tilespmem:s10], [sflag:$0x1] =	stream.indirect.gather @!p0 [spmem:s3], $0x40, s8, s7, $0xb8;
	[tilespmem:$0x1D800] =	vst v63  }
0xd0: {  	p0 =	por p0, !p1  }
.Ltmp0:
0xd1: {  	_ = 	snop;
	(pc) =	sbr.rel @!p0 .LBB2_2-.Ltmp0, $1  }
0xd2: {  	_ =	sdelay $0x3  }
0xd3: {  	[bflag:$0x0] =	sbarrier.arrive $0xFFFF  }
0xd4: {  	s8 =	rddreg [dreg:$0x5]  }
0xd5: {  	s0 =	rddreg [dreg:$0xa]  }
0xd6: {  	s11 =	simm.s32 $0x9;
	s10 =	rddreg [dreg:$0xc]  }
0xd7: {  	[hbm:s0], [sflag:s8] =	dma.local [spmem:s10], $0x1400  }
0xd8: {  	_ =	swait.ge [sflag:s11], $0x1400  }
0xd9: {  	s4 =	rddreg [dreg:$0xe]  }
0xda: {  	s7 =	rddreg [dreg:$0xb];
	s4 =	sadd.s32 $0x1, s4  }
0xdb: {  	p0 =	sne.s32 s4, s7  }
.Ltmp1:
0xdc: {  	_ = 	snop;
	(pc) =	sbr.rel @p0 .LBB2_1-.Ltmp1, $3  }
0xdd: {  	_ =	sdelay $0x1  }
0xde: {  	[sflag:s11] =	ssyncset.done $0x0  }
0xdf: {  	[sflag:s11] =	ssyncadd.s32 $0xFFFFEC00  }
0xe0: {  	_ =	sfence.sel $0x180000  }
0xe1: {  	[bflag:$0x0] =	sbarrier.arrive $0xFFFF  }
0xe2: {  	_ =	strace $0x90000047  }
0xe3: {  	s0 =	stileid.u32;
	[bflag:$0x2] =	sbarrier.arrive $0xFFFF  }
0xe4: {  	p0 =	sne.s32 s0, $0x0;
	s0 =	rddreg [dreg:$0x3]  }
0xe5: {  	s0 =	sadd.s32 @!p0 $0x100000, s0  }
0xe6: {  	[sflag:s0] =	ssyncadd.tile.s32 @!p0 $0x1;
	_ =	shalt  }
.Lfunc_end2:
_tile_overlayer_lowered:
.L_overlay_start_2:
0xe7: {  	(tag) =	ssettag $0x2  }
0xe8: {  	s0 =	rddreg [dreg:$0x0];
	s2 =	stileid.u32  }
0xe9: {  	s1 =	rddreg [dreg:$0x1];
	p0 =	sne.s32 s2, $0x0  }
0xea: {  	s3 =	rddreg [dreg:$0x2];
	[bflag:$0x3] =	sbarrier.arrive $0xFFFF;
	s2 =	simm.s32 @!p0 $0x1C09  }
0xeb: {  	[timem:s3], [sflag:s2] =	dma.local @!p0 [hbm:s0], s1  }
0xec: {  	s0 =	simm.s32 @!p0 $0x9  }
0xed: {  	_ =	swait.ge @!p0 [sflag:s0], s1  }
0xee: {  	s1 =	ssub.s32 @!p0 $0x0, s1;
	[sflag:s0] =	ssyncset.done @!p0 $0x0  }
0xef: {  	[sflag:s0] =	ssyncadd.s32 @!p0 s1  }
0xf0: {  	[bflag:$0x3] =	sbarrier.arrive $0xFFFF  }
0xf1: {  	_ =	shalt  }

</sc_bundles>
